<compile_context>
chip_gen: v7x
topology: tpu7x:2x2x1
jax: 0.10.2.dev20260603
libtpu: 0.0.44.dev20260713+nightly
codegen_flags: <defaults>
</compile_context>

<pallas_src>
import functools

import jax
import jax.numpy as jnp
import numpy as np
from jax import lax
from jax.experimental import pallas as pl
from jax.experimental.pallas import tpu as pltpu
from jax.experimental.pallas import tpu_sc as plsc

VOCAB = 1_000_000
NPAIR = VOCAB // 2
VP = 1 << 20
EMBED_DIM = 64
NC, NS = 2, 16
NW = NC * NS
CHUNK = 128

_ROT = ((13, 15, 26, 6), (17, 29, 16, 24))


def _np_threefry2x32(k0, k1, x0, x1):
    x0 = np.asarray(x0, np.uint32).copy()
    x1 = np.asarray(x1, np.uint32).copy()
    ks = [np.uint32(k0), np.uint32(k1),
          np.uint32(np.uint32(k0) ^ np.uint32(k1) ^ np.uint32(0x1BD11BDA))]

    def rotl(x, d):
        return ((x << np.uint32(d)) | (x >> np.uint32(32 - d))).astype(np.uint32)

    x0 = (x0 + ks[0]).astype(np.uint32)
    x1 = (x1 + ks[1]).astype(np.uint32)
    for i in range(5):
        for r in _ROT[i % 2]:
            x0 = (x0 + x1).astype(np.uint32)
            x1 = rotl(x1, r)
            x1 = (x0 ^ x1).astype(np.uint32)
        x0 = (x0 + ks[(i + 1) % 3]).astype(np.uint32)
        x1 = (x1 + ks[(i + 2) % 3] + np.uint32(i + 1)).astype(np.uint32)
    return x0, x1


_K0, _K1 = (int(v[0]) for v in _np_threefry2x32(0, 42, [0], [1]))

_SEL = np.zeros((2, 128), np.float32)
_SEL[0, :64] = 1.0
_SEL[1, 64:] = 1.0


def _p1_presence(idx3):
    mesh = plsc.VectorSubcoreMesh(core_axis_name="c", subcore_axis_name="s")
    nch = idx3.shape[1]
    words_per_tile = VP // NS

    @functools.partial(
        pl.kernel,
        out_type=jax.ShapeDtypeStruct((NC * VP,), jnp.int32),
        mesh=mesh,
        scratch_types=[
            pltpu.VMEM((16384,), jnp.int32),
            pltpu.VMEM((CHUNK,), jnp.int32),
            pltpu.VMEM((nch, CHUNK), jnp.int32),
            pltpu.VMEM_SHARED((VP,), jnp.int32),
        ],
    )
    def k(idx_hbm, out_hbm, zeros_v, ones_v, idx_v, pres_sh):
        c = lax.axis_index("c")
        s = lax.axis_index("s")
        w = c * NS + s

        def fill_zero(i, _):
            zeros_v[pl.ds(i * 16, 16)] = jnp.zeros((16,), jnp.int32)
            return 0

        lax.fori_loop(0, 16384 // 16, fill_zero, 0)

        def fill_one(i, _):
            ones_v[pl.ds(i * 16, 16)] = jnp.ones((16,), jnp.int32)
            return 0

        lax.fori_loop(0, CHUNK // 16, fill_one, 0)

        pltpu.sync_copy(idx_hbm.at[w], idx_v)

        def zero_spmem(j, _):
            pltpu.sync_copy(
                zeros_v, pres_sh.at[pl.ds(s * words_per_tile + j * 16384, 16384)]
            )
            return 0

        lax.fori_loop(0, words_per_tile // 16384, zero_spmem, 0)
        plsc.subcore_barrier()

        def scatter(kk, _):
            pltpu.sync_copy(ones_v, pres_sh.at[idx_v.at[kk]], add=True)
            return 0

        lax.fori_loop(0, nch, scatter, 0)
        plsc.subcore_barrier()

        pltpu.sync_copy(
            pres_sh.at[pl.ds(s * words_per_tile, words_per_tile)],
            out_hbm.at[pl.ds(c * VP + s * words_per_tile, words_per_tile)],
        )

    return k(idx3)


def _p2_mask(pres4):
    ROWS, LANES = 8192, 128

    def body(pres_ref, mask_ref):
        p = ((pres_ref[0] + pres_ref[1]) > 0).astype(jnp.int32)

        x = p
        d = 1
        while d < LANES:
            x = x + jnp.concatenate(
                [jnp.zeros((ROWS, d), jnp.int32), x[:, : LANES - d]], axis=1
            )
            d *= 2
        rowsum = x[:, LANES - 1 : LANES]
        y = rowsum
        d = 1
        while d < ROWS:
            y = y + jnp.concatenate(
                [jnp.zeros((d, 1), jnp.int32), y[: ROWS - d]], axis=0
            )
            d *= 2
        incl = x + (y - rowsum)
        rank = (incl - 1).astype(jnp.uint32)

        ks0 = jnp.uint32(_K0)
        ks1 = jnp.uint32(_K1)
        ks2 = jnp.uint32(_K0 ^ _K1 ^ 0x1BD11BDA)
        ks = (ks0, ks1, ks2)
        x0 = jnp.full_like(rank, ks0)
        x1 = rank + ks1
        for i in range(5):
            for r in _ROT[i % 2]:
                x0 = x0 + x1
                x1 = (x1 << jnp.uint32(r)) | (x1 >> jnp.uint32(32 - r))
                x1 = x0 ^ x1
            x0 = x0 + ks[(i + 1) % 3]
            x1 = x1 + ks[(i + 2) % 3] + jnp.uint32(i + 1)
        keep = ((x0 ^ x1) >> jnp.uint32(31)) == jnp.uint32(0)

        mask_ref[...] = jnp.where(
            (p > 0) & keep, jnp.float32(2.0), jnp.float32(0.0)
        )

    return pl.pallas_call(
        body,
        out_shape=jax.ShapeDtypeStruct((ROWS, LANES), jnp.float32),
    )(pres4)


def _p3_scale(emb2):
    R = 4096
    grid = (NPAIR + R - 1) // R

    def body(sel_ref, emb2_ref, out_ref):
        x = emb2_ref[...]
        nz = (x != 0.0).astype(jnp.float32)
        l0 = lax.dot_general(
            sel_ref[...], nz,
            dimension_numbers=(((1,), (1,)), ((), ())),
            preferred_element_type=jnp.float32,
        )
        out_ref[...] = jnp.where(
            l0 > 2.0, jnp.float32(2.0) / (l0 + jnp.float32(1e-7)),
            jnp.float32(1.0),
        )

    return pl.pallas_call(
        body,
        grid=(grid,),
        in_specs=[
            pl.BlockSpec((2, 128), lambda i: (0, 0)),
            pl.BlockSpec((R, 128), lambda i: (i, 0)),
        ],
        out_specs=pl.BlockSpec((2, R), lambda i: (0, i)),
        out_shape=jax.ShapeDtypeStruct((2, NPAIR), jnp.float32),
    )(jnp.asarray(_SEL), emb2)


def _p4_lookup(emb2, idx3, g, sc):
    mesh = plsc.VectorSubcoreMesh(core_axis_name="c", subcore_axis_name="s")
    nch = idx3.shape[1]
    rows_per_w = nch * CHUNK
    n = NW * rows_per_w

    @functools.partial(
        pl.kernel,
        out_type=jax.ShapeDtypeStruct((n, EMBED_DIM), jnp.float32),
        mesh=mesh,
        scratch_types=[
            pltpu.VMEM((nch, CHUNK), jnp.int32),
            [pltpu.VMEM((CHUNK,), jnp.int32) for _ in range(2)],
            [pltpu.VMEM((CHUNK,), jnp.int32) for _ in range(2)],
            [pltpu.VMEM((CHUNK, 2 * EMBED_DIM), jnp.float32) for _ in range(2)],
            [pltpu.VMEM((CHUNK, EMBED_DIM), jnp.float32) for _ in range(2)],
            [pltpu.VMEM((CHUNK,), jnp.float32) for _ in range(2)],
            [pltpu.VMEM((CHUNK,), jnp.float32) for _ in range(2)],
            [pltpu.SemaphoreType.DMA for _ in range(2)],
            [pltpu.SemaphoreType.DMA for _ in range(2)],
            [pltpu.SemaphoreType.DMA for _ in range(2)],
            [pltpu.SemaphoreType.DMA for _ in range(2)],
        ],
    )
    def k(emb2_hbm, idx_hbm, g_hbm, sc_hbm, out_hbm, idx_v, pidx_v, sidx_v,
          pairs_v, out_v, g_v, s_v, semp, semg, sems, semo):
        c = lax.axis_index("c")
        s = lax.axis_index("s")
        w = c * NS + s
        base = w * rows_per_w

        pltpu.sync_copy(idx_hbm.at[w], idx_v)

        def mkidx(kk, b):
            def step(j, _):
                v = idx_v[kk, pl.ds(j * 16, 16)]
                pidx_v[b][pl.ds(j * 16, 16)] = v >> 1
                sidx_v[b][pl.ds(j * 16, 16)] = (v & 1) * NPAIR + (v >> 1)
                return 0

            lax.fori_loop(0, CHUNK // 16, step, 0)

        def issue(kk, b):
            pltpu.async_copy(emb2_hbm.at[pidx_v[b]], pairs_v[b], semp[b])
            pltpu.async_copy(g_hbm.at[idx_v.at[kk]], g_v[b], semg[b])
            pltpu.async_copy(sc_hbm.at[sidx_v[b]], s_v[b], sems[b])

        def wait_gathers(b):
            pltpu.make_async_copy(emb2_hbm.at[pidx_v[b]], pairs_v[b],
                                  semp[b]).wait()
            pltpu.make_async_copy(g_hbm.at[idx_v.at[0]], g_v[b], semg[b]).wait()
            pltpu.make_async_copy(sc_hbm.at[sidx_v[b]], s_v[b], sems[b]).wait()

        def compute(kk, b):
            def group(t, _):
                ivec = idx_v[kk, pl.ds(t * 16, 16)]
                mvec = g_v[b][pl.ds(t * 16, 16)]
                svec = s_v[b][pl.ds(t * 16, 16)]
                for r in range(16):
                    i = t * 16 + r
                    off = (ivec[r] & 1) * EMBED_DIM
                    mult = mvec[r] * svec[r]
                    for q in range(EMBED_DIM // 16):
                        aq = pairs_v[b][i, pl.ds(off + q * 16, 16)]
                        out_v[b][i, pl.ds(q * 16, 16)] = aq * mult
                return 0

            lax.fori_loop(0, CHUNK // 16, group, 0)

        def store(kk, b):
            pltpu.async_copy(
                out_v[b], out_hbm.at[pl.ds(base + kk * CHUNK, CHUNK)], semo[b]
            )

        def wait_store(kk, b):
            pltpu.make_async_copy(
                out_v[b], out_hbm.at[pl.ds(base + kk * CHUNK, CHUNK)], semo[b]
            ).wait()

        mkidx(0, 0)
        issue(0, 0)

        def body(j, _):
            k0 = j * 2
            mkidx(k0 + 1, 1)
            issue(k0 + 1, 1)

            @pl.when(j >= 1)
            def _():
                wait_store(k0, 0)

            wait_gathers(0)
            compute(k0, 0)
            store(k0, 0)

            @pl.when(k0 + 2 < nch)
            def _():
                mkidx(k0 + 2, 0)
                issue(k0 + 2, 0)

            @pl.when(j >= 1)
            def _():
                wait_store(k0 + 1, 1)

            wait_gathers(1)
            compute(k0 + 1, 1)
            store(k0 + 1, 1)
            return 0

        lax.fori_loop(0, nch // 2, body, 0)
        wait_store(nch - 2, 0)
        wait_store(nch - 1, 1)

    return k(emb2, idx3, g, sc)


@jax.jit
def kernel(emb_weight, input_values):
    n = input_values.shape[0] * input_values.shape[1]
    idx3 = input_values.reshape(NW, n // (NW * CHUNK), CHUNK)
    emb2 = emb_weight.reshape(NPAIR, 2 * EMBED_DIM)
    pres = _p1_presence(idx3)
    mask = _p2_mask(pres.reshape(NC, 8192, 128))
    g = mask.reshape(VP)
    sc = _p3_scale(emb2).reshape(VOCAB)
    out = _p4_lookup(emb2, idx3, g, sc)
    return out.reshape(input_values.shape + (EMBED_DIM,))

# --- scband reference (transcript-rebuilt; emitter-appended) ---
"""Pipeline reference for scband-embedding-dropout-23691039605271 (READ-ONLY COPY).

The authoritative reference and input builder live on the scoring server;
editing this copy changes nothing except your own understanding.
"""

import jax, jax.numpy as jnp
import numpy as np

DROPOUT = 0.5
VOCAB = 1000000
EMBED_DIM = 64
BATCH = 4096
HIST = 200


def setup_inputs(seed: int = 0) -> dict:
    key = jax.random.key(seed)
    k1, k2 = jax.random.split(key)
    emb_weight = jax.random.normal(k1, (VOCAB, EMBED_DIM), dtype=jnp.float32)
    input_values = jax.random.randint(k2, (BATCH, HIST), 0, VOCAB, dtype=jnp.int32)
    return {"emb_weight": emb_weight, "input_values": input_values}


def reference(emb_weight, input_values):
    # torch: unique_values = torch.unique(input_values)
    # Fixed-size unique: at most input_values.size distinct entries; pad with the
    # (out-of-bounds) vocab size so padded entries are dropped by the scatter below.
    max_unique = input_values.shape[0] * input_values.shape[1]
    vocab = emb_weight.shape[0]
    unique_values = jnp.unique(input_values, size=max_unique, fill_value=vocab)
    num_unique = jnp.sum((unique_values != vocab).astype(jnp.int32))

    # torch: bernoulli(1 - dropout) mask over unique values (fixed key for determinism)
    def _unique_bernoulli_mask(n):
        n = int(n)
        mkey = jax.random.fold_in(jax.random.key(42), 1)
        m = jax.random.bernoulli(mkey, 1.0 - DROPOUT, (n, 1)).astype(jnp.float32)
        out = np.zeros((max_unique, 1), dtype=np.float32)
        out[:n] = np.asarray(m)
        return out

    unique_mask = jax.pure_callback(
        _unique_bernoulli_mask,
        jax.ShapeDtypeStruct((max_unique, 1), jnp.float32),
        num_unique,
    )
    # emb_mask = zeros([V,1]); emb_mask[unique_values] = unique_mask
    # (padded indices equal vocab -> out of bounds -> dropped by scatter)
    emb_mask = jnp.zeros((vocab, 1), dtype=jnp.float32).at[unique_values].set(unique_mask)
    masked_emb_matrix = emb_weight * emb_mask
    # F.embedding(input, masked, padding_idx=0, max_norm=2, norm_type=False(=0.0)):
    # rows with p=0 norm (nonzero count) > max_norm are rescaled by max_norm / (norm + 1e-7).
    # Renorm is applied under no_grad in torch -> stop_gradient here. Only looked-up rows
    # are renormed in torch, but gathering only reads looked-up rows, so applying the
    # scale to all rows before the gather is equivalent for the output.
    l0 = jnp.sum((masked_emb_matrix != 0).astype(jnp.float32), axis=1, keepdims=True)
    scale = jax.lax.stop_gradient(jnp.where(l0 > 2.0, 2.0 / (l0 + 1e-7), 1.0))
    renormed = masked_emb_matrix * scale
    input_embs = jnp.take(renormed, input_values, axis=0) / (1.0 - DROPOUT)
    return input_embs

if __name__ == "__main__":
    import jax
    _d = setup_inputs()
    print(jax.jit(kernel)(*tuple(_d.values())))

</pallas_src>

<mosaic_0001>
#map = affine_map<(d0, d1) -> (0, 0, 0)>
#map1 = affine_map<(d0, d1) -> (0)>
module attributes {stable_mosaic.version = 14 : i64} {
  func.func @k(%arg0: i32, %arg1: i32, %arg2: memref<32x200x128xi32, #tpu.memory_space<hbm>>, %arg3: memref<2097152xi32, #tpu.memory_space<hbm>>, %arg4: memref<16384xi32, #tpu.memory_space<vmem>>, %arg5: memref<128xi32, #tpu.memory_space<vmem>>, %arg6: memref<200x128xi32, #tpu.memory_space<vmem>>, %arg7: memref<1048576xi32, #tpu.memory_space<vmem_shared>>) attributes {dimension_semantics = [#tpu.dimension_semantics<core_parallel>, #tpu.dimension_semantics<subcore_parallel>], iteration_bounds = array<i64: 2, 16>, scalar_prefetch = 0 : i64, scratch_operands = 4 : i64, tpu.core_type = #tpu.core_type<sc_vector_subcore>, window_params = [{transform_indices = #map}, {transform_indices = #map1}]} {
    %mul3A = arith.constant 16 : i32
    %mul3A_0 = arith.muli %arg0, %mul3A : i32
    %add3A = arith.addi %mul3A_0, %arg1 : i32
    %scan3A = arith.constant 0 : i32
    %scan3A_1 = arith.constant 0 : i32
    %scan3A_2 = arith.constant 1024 : i32
    %scan3A_3 = arith.addi %scan3A_1, %scan3A_2 : i32
    %scan3A_4 = arith.constant 1 : i32
    %scan3A_5 = scf.for %scan3A_36 = %scan3A_1 to %scan3A_3 step %scan3A_4 iter_args(%scan3A_37 = %scan3A) -> (i32)  : i32 {
      %broadcast_in_dim3A = arith.constant 0 : i32
      %broadcast_in_dim3A_38 = vector.broadcast %broadcast_in_dim3A : i32 to vector<16xi32>
      %mul3A_39 = arith.constant 16 : i32
      %mul3A_40 = arith.muli %scan3A_36, %mul3A_39 : i32
      %swap3A = arith.index_cast %mul3A_40 : i32 to index
      %swap3A_41 = tpu.vector_load %arg4[%swap3A] {strides = array<i32>} : memref<16384xi32, #tpu.memory_space<vmem>>, vector<16xi32>,
      %swap3A_42 = vector.shape_cast %swap3A_41 : vector<16xi32> to vector<16xi32>
      %swap3A_43 = vector.shape_cast %broadcast_in_dim3A_38 : vector<16xi32> to vector<16xi32>
      tpu.vector_store %arg4[%swap3A], %swap3A_43 {strides = array<i32>} : memref<16384xi32, #tpu.memory_space<vmem>>, vector<16xi32>,
      %scan3A_44 = arith.constant 0 : i32
      scf.yield %scan3A_44 : i32
    }
    %scan3A_6 = arith.constant 1024 : i32
    %scan3A_7 = arith.constant 0 : i32
    %scan3A_8 = arith.constant 0 : i32
    %scan3A_9 = arith.constant 8 : i32
    %scan3A_10 = arith.addi %scan3A_8, %scan3A_9 : i32
    %scan3A_11 = arith.constant 1 : i32
    %scan3A_12 = scf.for %scan3A_36 = %scan3A_8 to %scan3A_10 step %scan3A_11 iter_args(%scan3A_37 = %scan3A_7) -> (i32)  : i32 {
      %broadcast_in_dim3A = arith.constant 1 : i32
      %broadcast_in_dim3A_38 = vector.broadcast %broadcast_in_dim3A : i32 to vector<16xi32>
      %mul3A_39 = arith.constant 16 : i32
      %mul3A_40 = arith.muli %scan3A_36, %mul3A_39 : i32
      %swap3A = arith.index_cast %mul3A_40 : i32 to index
      %swap3A_41 = tpu.vector_load %arg5[%swap3A] {strides = array<i32>} : memref<128xi32, #tpu.memory_space<vmem>>, vector<16xi32>,
      %swap3A_42 = vector.shape_cast %swap3A_41 : vector<16xi32> to vector<16xi32>
      %swap3A_43 = vector.shape_cast %broadcast_in_dim3A_38 : vector<16xi32> to vector<16xi32>
      tpu.vector_store %arg5[%swap3A], %swap3A_43 {strides = array<i32>} : memref<128xi32, #tpu.memory_space<vmem>>, vector<16xi32>,
      %scan3A_44 = arith.constant 0 : i32
      scf.yield %scan3A_44 : i32
    }
    %scan3A_13 = arith.constant 8 : i32
    "tpu.region"() ({
      %run_scoped3A = tpu.sem_alloc : memref<!tpu.dma_semaphore, #tpu.memory_space<semaphore_mem>>
      %dma_start3A = arith.constant 0 : i32
      %dma_start3A_36 = arith.constant 0 : i32
      %dma_start3A_37 = tpu.memref_slice %arg2[%add3A, %dma_start3A, %dma_start3A_36] : memref<32x200x128xi32, #tpu.memory_space<hbm>> -> memref<1x200x128xi32, #tpu.memory_space<hbm>>
      %dma_start3A_38 = tpu.memref_squeeze %dma_start3A_37 : memref<1x200x128xi32, #tpu.memory_space<hbm>> -> memref<200x128xi32, #tpu.memory_space<hbm>>
      %dma_start3A_39 = arith.constant 0 : i32
      %dma_start3A_40 = arith.constant 0 : i32
      %dma_start3A_41 = tpu.memref_slice %arg2[%add3A, %dma_start3A_39, %dma_start3A_40] : memref<32x200x128xi32, #tpu.memory_space<hbm>> -> memref<1x200x128xi32, #tpu.memory_space<hbm>>
      %dma_start3A_42 = tpu.memref_squeeze %dma_start3A_41 : memref<1x200x128xi32, #tpu.memory_space<hbm>> -> memref<200x128xi32, #tpu.memory_space<hbm>>
      tpu.enqueue_dma source(%dma_start3A_42 : memref<200x128xi32, #tpu.memory_space<hbm>>) target(%arg6 : memref<200x128xi32, #tpu.memory_space<vmem>>) target_semaphore(%run_scoped3A : memref<!tpu.dma_semaphore, #tpu.memory_space<semaphore_mem>>)
      %dma_wait3A = arith.constant 0 : i32
      %dma_wait3A_43 = arith.constant 0 : i32
      %dma_wait3A_44 = tpu.memref_slice %arg2[%add3A, %dma_wait3A, %dma_wait3A_43] : memref<32x200x128xi32, #tpu.memory_space<hbm>> -> memref<1x200x128xi32, #tpu.memory_space<hbm>>
      %dma_wait3A_45 = tpu.memref_squeeze %dma_wait3A_44 : memref<1x200x128xi32, #tpu.memory_space<hbm>> -> memref<200x128xi32, #tpu.memory_space<hbm>>
      %dma_wait3A_46 = arith.constant 0 : i32
      %dma_wait3A_47 = arith.constant 0 : i32
      %dma_wait3A_48 = tpu.memref_slice %arg2[%add3A, %dma_wait3A_46, %dma_wait3A_47] : memref<32x200x128xi32, #tpu.memory_space<hbm>> -> memref<1x200x128xi32, #tpu.memory_space<hbm>>
      %dma_wait3A_49 = tpu.memref_squeeze %dma_wait3A_48 : memref<1x200x128xi32, #tpu.memory_space<hbm>> -> memref<200x128xi32, #tpu.memory_space<hbm>>
      tpu.wait_dma2 semaphore(%run_scoped3A : memref<!tpu.dma_semaphore, #tpu.memory_space<semaphore_mem>>) src(%dma_wait3A_49 : memref<200x128xi32, #tpu.memory_space<hbm>>) dst(%arg6 : memref<200x128xi32, #tpu.memory_space<vmem>>)
      tpu.yield
    }) : () -> ()
    %scan3A_14 = arith.constant 0 : i32
    %scan3A_15 = arith.constant 0 : i32
    %scan3A_16 = arith.constant 4 : i32
    %scan3A_17 = arith.addi %scan3A_15, %scan3A_16 : i32
    %scan3A_18 = arith.constant 1 : i32
    %scan3A_19 = scf.for %scan3A_36 = %scan3A_15 to %scan3A_17 step %scan3A_18 iter_args(%scan3A_37 = %scan3A_14) -> (i32)  : i32 {
      %mul3A_38 = arith.constant 65536 : i32
      %mul3A_39 = arith.muli %arg1, %mul3A_38 : i32
      %mul3A_40 = arith.constant 16384 : i32
      %mul3A_41 = arith.muli %scan3A_36, %mul3A_40 : i32
      %add3A_42 = arith.addi %mul3A_39, %mul3A_41 : i32
      "tpu.region"() ({
        %run_scoped3A = tpu.sem_alloc : memref<!tpu.dma_semaphore, #tpu.memory_space<semaphore_mem>>
        %dma_start3A = tpu.memref_slice %arg7[%add3A_42] : memref<1048576xi32, #tpu.memory_space<vmem_shared>> -> memref<16384xi32, #tpu.memory_space<vmem_shared>>
        %dma_start3A_44 = tpu.memref_slice %arg7[%add3A_42] : memref<1048576xi32, #tpu.memory_space<vmem_shared>> -> memref<16384xi32, #tpu.memory_space<vmem_shared>>
        tpu.enqueue_dma source(%arg4 : memref<16384xi32, #tpu.memory_space<vmem>>) target(%dma_start3A_44 : memref<16384xi32, #tpu.memory_space<vmem_shared>>) target_semaphore(%run_scoped3A : memref<!tpu.dma_semaphore, #tpu.memory_space<semaphore_mem>>)
        %dma_wait3A = tpu.memref_slice %arg7[%add3A_42] : memref<1048576xi32, #tpu.memory_space<vmem_shared>> -> memref<16384xi32, #tpu.memory_space<vmem_shared>>
        %dma_wait3A_45 = tpu.memref_slice %arg7[%add3A_42] : memref<1048576xi32, #tpu.memory_space<vmem_shared>> -> memref<16384xi32, #tpu.memory_space<vmem_shared>>
        tpu.wait_dma2 semaphore(%run_scoped3A : memref<!tpu.dma_semaphore, #tpu.memory_space<semaphore_mem>>) src(%arg4 : memref<16384xi32, #tpu.memory_space<vmem>>) dst(%dma_wait3A_45 : memref<16384xi32, #tpu.memory_space<vmem_shared>>)
        tpu.yield
      }) : () -> ()
      %scan3A_43 = arith.constant 0 : i32
      scf.yield %scan3A_43 : i32
    }
    %scan3A_20 = arith.constant 4 : i32
    %barrier3A = arith.constant 0 : index
    tpu.barrier barrier_id(%barrier3A)
    %scan3A_21 = arith.constant 0 : i32
    %scan3A_22 = arith.constant 0 : i32
    %scan3A_23 = arith.constant 200 : i32
    %scan3A_24 = arith.addi %scan3A_22, %scan3A_23 : i32
    %scan3A_25 = arith.constant 1 : i32
    %scan3A_26 = scf.for %scan3A_36 = %scan3A_22 to %scan3A_24 step %scan3A_25 iter_args(%scan3A_37 = %scan3A_21) -> (i32)  : i32 {
      "tpu.region"() ({
        %run_scoped3A = tpu.sem_alloc : memref<!tpu.dma_semaphore, #tpu.memory_space<semaphore_mem>>
        %dma_start3A = arith.constant 0 : i32
        %dma_start3A_39 = tpu.memref_slice %arg6[%scan3A_36, %dma_start3A] : memref<200x128xi32, #tpu.memory_space<vmem>> -> memref<1x128xi32, #tpu.memory_space<vmem>>
        %dma_start3A_40 = tpu.memref_squeeze %dma_start3A_39 : memref<1x128xi32, #tpu.memory_space<vmem>> -> memref<128xi32, #tpu.memory_space<vmem>>
        %dma_start3A_41 = arith.constant 0 : i32
        %dma_start3A_42 = tpu.memref_slice %arg7[%dma_start3A_41] : memref<1048576xi32, #tpu.memory_space<vmem_shared>> -> memref<1048576xi32, #tpu.memory_space<vmem_shared>>
        tpu.enqueue_indirect_dma source(%arg5 : memref<128xi32, #tpu.memory_space<vmem>>) target(%dma_start3A_42 : memref<1048576xi32, #tpu.memory_space<vmem_shared>>) offsets(%dma_start3A_40 : memref<128xi32, #tpu.memory_space<vmem>>) semaphore(%run_scoped3A : memref<!tpu.dma_semaphore, #tpu.memory_space<semaphore_mem>>) {add = true}
        %dma_wait3A = arith.constant 0 : i32
        %dma_wait3A_43 = tpu.memref_slice %arg6[%scan3A_36, %dma_wait3A] : memref<200x128xi32, #tpu.memory_space<vmem>> -> memref<1x128xi32, #tpu.memory_space<vmem>>
        %dma_wait3A_44 = tpu.memref_squeeze %dma_wait3A_43 : memref<1x128xi32, #tpu.memory_space<vmem>> -> memref<128xi32, #tpu.memory_space<vmem>>
        %dma_wait3A_45 = arith.constant 0 : i32
        %dma_wait3A_46 = tpu.memref_slice %arg7[%dma_wait3A_45] : memref<1048576xi32, #tpu.memory_space<vmem_shared>> -> memref<1048576xi32, #tpu.memory_space<vmem_shared>>
        tpu.wait_indirect_dma semaphore(%run_scoped3A : memref<!tpu.dma_semaphore, #tpu.memory_space<semaphore_mem>>) src(%arg5 : memref<128xi32, #tpu.memory_space<vmem>>) dst(%dma_wait3A_46 : memref<1048576xi32, #tpu.memory_space<vmem_shared>>)
        tpu.yield
      }) : () -> ()
      %scan3A_38 = arith.constant 0 : i32
      scf.yield %scan3A_38 : i32
    }
    %scan3A_27 = arith.constant 200 : i32
    %barrier3A_28 = arith.constant 0 : index
    tpu.barrier barrier_id(%barrier3A_28)
    %mul3A_29 = arith.constant 65536 : i32
    %mul3A_30 = arith.muli %arg1, %mul3A_29 : i32
    %mul3A_31 = arith.constant 1048576 : i32
    %mul3A_32 = arith.muli %arg0, %mul3A_31 : i32
    %mul3A_33 = arith.constant 65536 : i32
    %mul3A_34 = arith.muli %arg1, %mul3A_33 : i32
    %add3A_35 = arith.addi %mul3A_32, %mul3A_34 : i32
    "tpu.region"() ({
      %run_scoped3A = tpu.sem_alloc : memref<!tpu.dma_semaphore, #tpu.memory_space<semaphore_mem>>
      %dma_start3A = tpu.memref_slice %arg3[%add3A_35] : memref<2097152xi32, #tpu.memory_space<hbm>> -> memref<65536xi32, #tpu.memory_space<hbm>>
      %dma_start3A_36 = tpu.memref_slice %arg7[%mul3A_30] : memref<1048576xi32, #tpu.memory_space<vmem_shared>> -> memref<65536xi32, #tpu.memory_space<vmem_shared>>
      tpu.enqueue_dma source(%dma_start3A_36 : memref<65536xi32, #tpu.memory_space<vmem_shared>>) target(%dma_start3A : memref<65536xi32, #tpu.memory_space<hbm>>) target_semaphore(%run_scoped3A : memref<!tpu.dma_semaphore, #tpu.memory_space<semaphore_mem>>)
      %dma_wait3A = tpu.memref_slice %arg3[%add3A_35] : memref<2097152xi32, #tpu.memory_space<hbm>> -> memref<65536xi32, #tpu.memory_space<hbm>>
      %dma_wait3A_37 = tpu.memref_slice %arg7[%mul3A_30] : memref<1048576xi32, #tpu.memory_space<vmem_shared>> -> memref<65536xi32, #tpu.memory_space<vmem_shared>>
      tpu.wait_dma2 semaphore(%run_scoped3A : memref<!tpu.dma_semaphore, #tpu.memory_space<semaphore_mem>>) src(%dma_wait3A_37 : memref<65536xi32, #tpu.memory_space<vmem_shared>>) dst(%dma_wait3A : memref<65536xi32, #tpu.memory_space<hbm>>)
      tpu.yield
    }) : () -> ()
    return
  }
}

#map = affine_map<(d0, d1) -> (0, 0)>
#map1 = affine_map<(d0, d1) -> (0, 0, 0)>
#map2 = affine_map<(d0, d1) -> (0)>
module attributes {stable_mosaic.version = 14 : i64} {
  func.func @k(%arg0: i32, %arg1: i32, %arg2: memref<500000x128xf32, #tpu.memory_space<hbm>>, %arg3: memref<32x200x128xi32, #tpu.memory_space<hbm>>, %arg4: memref<1048576xf32, #tpu.memory_space<hbm>>, %arg5: memref<1000000xf32, #tpu.memory_space<hbm>>, %arg6: memref<819200x64xf32, #tpu.memory_space<hbm>>, %arg7: memref<200x128xi32, #tpu.memory_space<vmem>>, %arg8: memref<128xi32, #tpu.memory_space<vmem>>, %arg9: memref<128xi32, #tpu.memory_space<vmem>>, %arg10: memref<128xi32, #tpu.memory_space<vmem>>, %arg11: memref<128xi32, #tpu.memory_space<vmem>>, %arg12: memref<128x128xf32, #tpu.memory_space<vmem>>, %arg13: memref<128x128xf32, #tpu.memory_space<vmem>>, %arg14: memref<128x64xf32, #tpu.memory_space<vmem>>, %arg15: memref<128x64xf32, #tpu.memory_space<vmem>>, %arg16: memref<128xf32, #tpu.memory_space<vmem>>, %arg17: memref<128xf32, #tpu.memory_space<vmem>>, %arg18: memref<128xf32, #tpu.memory_space<vmem>>, %arg19: memref<128xf32, #tpu.memory_space<vmem>>, %arg20: memref<!tpu.dma_semaphore, #tpu.memory_space<semaphore_mem>>, %arg21: memref<!tpu.dma_semaphore, #tpu.memory_space<semaphore_mem>>, %arg22: memref<!tpu.dma_semaphore, #tpu.memory_space<semaphore_mem>>, %arg23: memref<!tpu.dma_semaphore, #tpu.memory_space<semaphore_mem>>, %arg24: memref<!tpu.dma_semaphore, #tpu.memory_space<semaphore_mem>>, %arg25: memref<!tpu.dma_semaphore, #tpu.memory_space<semaphore_mem>>, %arg26: memref<!tpu.dma_semaphore, #tpu.memory_space<semaphore_mem>>, %arg27: memref<!tpu.dma_semaphore, #tpu.memory_space<semaphore_mem>>) attributes {dimension_semantics = [#tpu.dimension_semantics<core_parallel>, #tpu.dimension_semantics<subcore_parallel>], iteration_bounds = array<i64: 2, 16>, scalar_prefetch = 0 : i64, scratch_operands = 21 : i64, tpu.core_type = #tpu.core_type<sc_vector_subcore>, window_params = [{transform_indices = #map}, {transform_indices = #map1}, {transform_indices = #map2}, {transform_indices = #map2}, {transform_indices = #map}]} {
    %mul3A = arith.constant 16 : i32
    %mul3A_0 = arith.muli %arg0, %mul3A : i32
    %add3A = arith.addi %mul3A_0, %arg1 : i32
    %mul3A_1 = arith.constant 25600 : i32
    %mul3A_2 = arith.muli %add3A, %mul3A_1 : i32
    "tpu.region"() ({
      %run_scoped3A = tpu.sem_alloc : memref<!tpu.dma_semaphore, #tpu.memory_space<semaphore_mem>>
      %dma_start3A_37 = arith.constant 0 : i32
      %dma_start3A_38 = arith.constant 0 : i32
      %dma_start3A_39 = tpu.memref_slice %arg3[%add3A, %dma_start3A_37, %dma_start3A_38] : memref<32x200x128xi32, #tpu.memory_space<hbm>> -> memref<1x200x128xi32, #tpu.memory_space<hbm>>
      %dma_start3A_40 = tpu.memref_squeeze %dma_start3A_39 : memref<1x200x128xi32, #tpu.memory_space<hbm>> -> memref<200x128xi32, #tpu.memory_space<hbm>>
      %dma_start3A_41 = arith.constant 0 : i32
      %dma_start3A_42 = arith.constant 0 : i32
      %dma_start3A_43 = tpu.memref_slice %arg3[%add3A, %dma_start3A_41, %dma_start3A_42] : memref<32x200x128xi32, #tpu.memory_space<hbm>> -> memref<1x200x128xi32, #tpu.memory_space<hbm>>
      %dma_start3A_44 = tpu.memref_squeeze %dma_start3A_43 : memref<1x200x128xi32, #tpu.memory_space<hbm>> -> memref<200x128xi32, #tpu.memory_space<hbm>>
      tpu.enqueue_dma source(%dma_start3A_44 : memref<200x128xi32, #tpu.memory_space<hbm>>) target(%arg7 : memref<200x128xi32, #tpu.memory_space<vmem>>) target_semaphore(%run_scoped3A : memref<!tpu.dma_semaphore, #tpu.memory_space<semaphore_mem>>)
      %dma_wait3A_45 = arith.constant 0 : i32
      %dma_wait3A_46 = arith.constant 0 : i32
      %dma_wait3A_47 = tpu.memref_slice %arg3[%add3A, %dma_wait3A_45, %dma_wait3A_46] : memref<32x200x128xi32, #tpu.memory_space<hbm>> -> memref<1x200x128xi32, #tpu.memory_space<hbm>>
      %dma_wait3A_48 = tpu.memref_squeeze %dma_wait3A_47 : memref<1x200x128xi32, #tpu.memory_space<hbm>> -> memref<200x128xi32, #tpu.memory_space<hbm>>
      %dma_wait3A_49 = arith.constant 0 : i32
      %dma_wait3A_50 = arith.constant 0 : i32
      %dma_wait3A_51 = tpu.memref_slice %arg3[%add3A, %dma_wait3A_49, %dma_wait3A_50] : memref<32x200x128xi32, #tpu.memory_space<hbm>> -> memref<1x200x128xi32, #tpu.memory_space<hbm>>
      %dma_wait3A_52 = tpu.memref_squeeze %dma_wait3A_51 : memref<1x200x128xi32, #tpu.memory_space<hbm>> -> memref<200x128xi32, #tpu.memory_space<hbm>>
      tpu.wait_dma2 semaphore(%run_scoped3A : memref<!tpu.dma_semaphore, #tpu.memory_space<semaphore_mem>>) src(%dma_wait3A_52 : memref<200x128xi32, #tpu.memory_space<hbm>>) dst(%arg7 : memref<200x128xi32, #tpu.memory_space<vmem>>)
      tpu.yield
    }) : () -> ()
    %scan3A = arith.constant 0 : i32
    %scan3A_3 = arith.constant 0 : i32
    %scan3A_4 = arith.constant 8 : i32
    %scan3A_5 = arith.addi %scan3A_3, %scan3A_4 : i32
    %scan3A_6 = arith.constant 1 : i32
    %scan3A_7 = scf.for %scan3A_37 = %scan3A_3 to %scan3A_5 step %scan3A_6 iter_args(%scan3A_38 = %scan3A) -> (i32)  : i32 {
      %mul3A_39 = arith.constant 16 : i32
      %mul3A_40 = arith.muli %scan3A_37, %mul3A_39 : i32
      %get3A = arith.constant 0 : i32
      %get3A_41 = arith.index_cast %get3A : i32 to index
      %get3A_42 = arith.index_cast %mul3A_40 : i32 to index
      %get3A_43 = tpu.vector_load %arg7[%get3A_41, %get3A_42] {strides = array<i32>} : memref<200x128xi32, #tpu.memory_space<vmem>>, vector<1x16xi32>,
      %get3A_44 = vector.shape_cast %get3A_43 : vector<1x16xi32> to vector<16xi32>
      %shift_right_arithmetic3A = arith.constant 1 : i32
      %shift_right_arithmetic3A_45 = vector.broadcast %shift_right_arithmetic3A : i32 to vector<16xi32>
      %shift_right_arithmetic3A_46 = arith.shrsi %get3A_44, %shift_right_arithmetic3A_45 : vector<16xi32>
      %mul3A_47 = arith.constant 16 : i32
      %mul3A_48 = arith.muli %scan3A_37, %mul3A_47 : i32
      %swap3A = arith.index_cast %mul3A_48 : i32 to index
      %swap3A_49 = tpu.vector_load %arg8[%swap3A] {strides = array<i32>} : memref<128xi32, #tpu.memory_space<vmem>>, vector<16xi32>,
      %swap3A_50 = vector.shape_cast %swap3A_49 : vector<16xi32> to vector<16xi32>
      %swap3A_51 = vector.shape_cast %shift_right_arithmetic3A_46 : vector<16xi32> to vector<16xi32>
      tpu.vector_store %arg8[%swap3A], %swap3A_51 {strides = array<i32>} : memref<128xi32, #tpu.memory_space<vmem>>, vector<16xi32>,
      %and3A = arith.constant 1 : i32
      %and3A_52 = vector.broadcast %and3A : i32 to vector<16xi32>
      %and3A_53 = arith.andi %get3A_44, %and3A_52 : vector<16xi32>
      %mul3A_54 = arith.constant 500000 : i32
      %mul3A_55 = vector.broadcast %mul3A_54 : i32 to vector<16xi32>
      %mul3A_56 = arith.muli %and3A_53, %mul3A_55 : vector<16xi32>
      %shift_right_arithmetic3A_57 = arith.constant 1 : i32
      %shift_right_arithmetic3A_58 = vector.broadcast %shift_right_arithmetic3A_57 : i32 to vector<16xi32>
      %shift_right_arithmetic3A_59 = arith.shrsi %get3A_44, %shift_right_arithmetic3A_58 : vector<16xi32>
      %add3A_60 = arith.addi %mul3A_56, %shift_right_arithmetic3A_59 : vector<16xi32>
      %mul3A_61 = arith.constant 16 : i32
      %mul3A_62 = arith.muli %scan3A_37, %mul3A_61 : i32
      %swap3A_63 = arith.index_cast %mul3A_62 : i32 to index
      %swap3A_64 = tpu.vector_load %arg10[%swap3A_63] {strides = array<i32>} : memref<128xi32, #tpu.memory_space<vmem>>, vector<16xi32>,
      %swap3A_65 = vector.shape_cast %swap3A_64 : vector<16xi32> to vector<16xi32>
      %swap3A_66 = vector.shape_cast %add3A_60 : vector<16xi32> to vector<16xi32>
      tpu.vector_store %arg10[%swap3A_63], %swap3A_66 {strides = array<i32>} : memref<128xi32, #tpu.memory_space<vmem>>, vector<16xi32>,
      %scan3A_67 = arith.constant 0 : i32
      scf.yield %scan3A_67 : i32
    }
    %scan3A_8 = arith.constant 8 : i32
    %dma_start3A = arith.constant 0 : i32
    %dma_start3A_9 = arith.constant 0 : i32
    %dma_start3A_10 = tpu.memref_slice %arg2[%dma_start3A, %dma_start3A_9] : memref<500000x128xf32, #tpu.memory_space<hbm>> -> memref<500000x128xf32, #tpu.memory_space<hbm>>
    tpu.enqueue_indirect_dma source(%dma_start3A_10 : memref<500000x128xf32, #tpu.memory_space<hbm>>) target(%arg12 : memref<128x128xf32, #tpu.memory_space<vmem>>) offsets(%arg8 : memref<128xi32, #tpu.memory_space<vmem>>) semaphore(%arg20 : memref<!tpu.dma_semaphore, #tpu.memory_space<semaphore_mem>>)
    %dma_start3A_11 = arith.constant 0 : i32
    %dma_start3A_12 = arith.constant 0 : i32
    %dma_start3A_13 = tpu.memref_slice %arg7[%dma_start3A_11, %dma_start3A_12] : memref<200x128xi32, #tpu.memory_space<vmem>> -> memref<1x128xi32, #tpu.memory_space<vmem>>
    %dma_start3A_14 = tpu.memref_squeeze %dma_start3A_13 : memref<1x128xi32, #tpu.memory_space<vmem>> -> memref<128xi32, #tpu.memory_space<vmem>>
    %dma_start3A_15 = arith.constant 0 : i32
    %dma_start3A_16 = tpu.memref_slice %arg4[%dma_start3A_15] : memref<1048576xf32, #tpu.memory_space<hbm>> -> memref<1048576xf32, #tpu.memory_space<hbm>>
    tpu.enqueue_indirect_dma source(%dma_start3A_16 : memref<1048576xf32, #tpu.memory_space<hbm>>) target(%arg16 : memref<128xf32, #tpu.memory_space<vmem>>) offsets(%dma_start3A_14 : memref<128xi32, #tpu.memory_space<vmem>>) semaphore(%arg22 : memref<!tpu.dma_semaphore, #tpu.memory_space<semaphore_mem>>)
    %dma_start3A_17 = arith.constant 0 : i32
    %dma_start3A_18 = tpu.memref_slice %arg5[%dma_start3A_17] : memref<1000000xf32, #tpu.memory_space<hbm>> -> memref<1000000xf32, #tpu.memory_space<hbm>>
    tpu.enqueue_indirect_dma source(%dma_start3A_18 : memref<1000000xf32, #tpu.memory_space<hbm>>) target(%arg18 : memref<128xf32, #tpu.memory_space<vmem>>) offsets(%arg10 : memref<128xi32, #tpu.memory_space<vmem>>) semaphore(%arg24 : memref<!tpu.dma_semaphore, #tpu.memory_space<semaphore_mem>>)
    %scan3A_19 = arith.constant 0 : i32
    %scan3A_20 = arith.constant 0 : i32
    %scan3A_21 = arith.constant 100 : i32
    %scan3A_22 = arith.addi %scan3A_20, %scan3A_21 : i32
    %scan3A_23 = arith.constant 1 : i32
    %scan3A_24 = scf.for %scan3A_37 = %scan3A_20 to %scan3A_22 step %scan3A_23 iter_args(%scan3A_38 = %scan3A_19) -> (i32)  : i32 {
      %mul3A_39 = arith.constant 2 : i32
      %mul3A_40 = arith.muli %scan3A_37, %mul3A_39 : i32
      %add3A_41 = arith.constant 1 : i32
      %add3A_42 = arith.addi %mul3A_40, %add3A_41 : i32
      %scan3A_43 = arith.constant 0 : i32
      %scan3A_44 = arith.constant 0 : i32
      %scan3A_45 = arith.constant 8 : i32
      %scan3A_46 = arith.addi %scan3A_44, %scan3A_45 : i32
      %scan3A_47 = arith.constant 1 : i32
      %scan3A_48 = scf.for %scan3A_130 = %scan3A_44 to %scan3A_46 step %scan3A_47 iter_args(%scan3A_131 = %scan3A_43) -> (i32)  : i32 {
        %mul3A_132 = arith.constant 16 : i32
        %mul3A_133 = arith.muli %scan3A_130, %mul3A_132 : i32
        %get3A = arith.index_cast %add3A_42 : i32 to index
        %get3A_134 = arith.index_cast %mul3A_133 : i32 to index
        %get3A_135 = tpu.vector_load %arg7[%get3A, %get3A_134] {strides = array<i32>} : memref<200x128xi32, #tpu.memory_space<vmem>>, vector<1x16xi32>,
        %get3A_136 = vector.shape_cast %get3A_135 : vector<1x16xi32> to vector<16xi32>
        %shift_right_arithmetic3A = arith.constant 1 : i32
        %shift_right_arithmetic3A_137 = vector.broadcast %shift_right_arithmetic3A : i32 to vector<16xi32>
        %shift_right_arithmetic3A_138 = arith.shrsi %get3A_136, %shift_right_arithmetic3A_137 : vector<16xi32>
        %mul3A_139 = arith.constant 16 : i32
        %mul3A_140 = arith.muli %scan3A_130, %mul3A_139 : i32
        %swap3A = arith.index_cast %mul3A_140 : i32 to index
        %swap3A_141 = tpu.vector_load %arg9[%swap3A] {strides = array<i32>} : memref<128xi32, #tpu.memory_space<vmem>>, vector<16xi32>,
        %swap3A_142 = vector.shape_cast %swap3A_141 : vector<16xi32> to vector<16xi32>
        %swap3A_143 = vector.shape_cast %shift_right_arithmetic3A_138 : vector<16xi32> to vector<16xi32>
        tpu.vector_store %arg9[%swap3A], %swap3A_143 {strides = array<i32>} : memref<128xi32, #tpu.memory_space<vmem>>, vector<16xi32>,
        %and3A = arith.constant 1 : i32
        %and3A_144 = vector.broadcast %and3A : i32 to vector<16xi32>
        %and3A_145 = arith.andi %get3A_136, %and3A_144 : vector<16xi32>
        %mul3A_146 = arith.constant 500000 : i32
        %mul3A_147 = vector.broadcast %mul3A_146 : i32 to vector<16xi32>
        %mul3A_148 = arith.muli %and3A_145, %mul3A_147 : vector<16xi32>
        %shift_right_arithmetic3A_149 = arith.constant 1 : i32
        %shift_right_arithmetic3A_150 = vector.broadcast %shift_right_arithmetic3A_149 : i32 to vector<16xi32>
        %shift_right_arithmetic3A_151 = arith.shrsi %get3A_136, %shift_right_arithmetic3A_150 : vector<16xi32>
        %add3A_152 = arith.addi %mul3A_148, %shift_right_arithmetic3A_151 : vector<16xi32>
        %mul3A_153 = arith.constant 16 : i32
        %mul3A_154 = arith.muli %scan3A_130, %mul3A_153 : i32
        %swap3A_155 = arith.index_cast %mul3A_154 : i32 to index
        %swap3A_156 = tpu.vector_load %arg11[%swap3A_155] {strides = array<i32>} : memref<128xi32, #tpu.memory_space<vmem>>, vector<16xi32>,
        %swap3A_157 = vector.shape_cast %swap3A_156 : vector<16xi32> to vector<16xi32>
        %swap3A_158 = vector.shape_cast %add3A_152 : vector<16xi32> to vector<16xi32>
        tpu.vector_store %arg11[%swap3A_155], %swap3A_158 {strides = array<i32>} : memref<128xi32, #tpu.memory_space<vmem>>, vector<16xi32>,
        %scan3A_159 = arith.constant 0 : i32
        scf.yield %scan3A_159 : i32
      }
      %scan3A_49 = arith.constant 8 : i32
      %add3A_50 = arith.constant 1 : i32
      %add3A_51 = arith.addi %mul3A_40, %add3A_50 : i32
      %dma_start3A_52 = arith.constant 0 : i32
      %dma_start3A_53 = arith.constant 0 : i32
      %dma_start3A_54 = tpu.memref_slice %arg2[%dma_start3A_52, %dma_start3A_53] : memref<500000x128xf32, #tpu.memory_space<hbm>> -> memref<500000x128xf32, #tpu.memory_space<hbm>>
      tpu.enqueue_indirect_dma source(%dma_start3A_54 : memref<500000x128xf32, #tpu.memory_space<hbm>>) target(%arg13 : memref<128x128xf32, #tpu.memory_space<vmem>>) offsets(%arg9 : memref<128xi32, #tpu.memory_space<vmem>>) semaphore(%arg21 : memref<!tpu.dma_semaphore, #tpu.memory_space<semaphore_mem>>)
      %dma_start3A_55 = arith.constant 0 : i32
      %dma_start3A_56 = tpu.memref_slice %arg7[%add3A_51, %dma_start3A_55] : memref<200x128xi32, #tpu.memory_space<vmem>> -> memref<1x128xi32, #tpu.memory_space<vmem>>
      %dma_start3A_57 = tpu.memref_squeeze %dma_start3A_56 : memref<1x128xi32, #tpu.memory_space<vmem>> -> memref<128xi32, #tpu.memory_space<vmem>>
      %dma_start3A_58 = arith.constant 0 : i32
      %dma_start3A_59 = tpu.memref_slice %arg4[%dma_start3A_58] : memref<1048576xf32, #tpu.memory_space<hbm>> -> memref<1048576xf32, #tpu.memory_space<hbm>>
      tpu.enqueue_indirect_dma source(%dma_start3A_59 : memref<1048576xf32, #tpu.memory_space<hbm>>) target(%arg17 : memref<128xf32, #tpu.memory_space<vmem>>) offsets(%dma_start3A_57 : memref<128xi32, #tpu.memory_space<vmem>>) semaphore(%arg23 : memref<!tpu.dma_semaphore, #tpu.memory_space<semaphore_mem>>)
      %dma_start3A_60 = arith.constant 0 : i32
      %dma_start3A_61 = tpu.memref_slice %arg5[%dma_start3A_60] : memref<1000000xf32, #tpu.memory_space<hbm>> -> memref<1000000xf32, #tpu.memory_space<hbm>>
      tpu.enqueue_indirect_dma source(%dma_start3A_61 : memref<1000000xf32, #tpu.memory_space<hbm>>) target(%arg19 : memref<128xf32, #tpu.memory_space<vmem>>) offsets(%arg11 : memref<128xi32, #tpu.memory_space<vmem>>) semaphore(%arg25 : memref<!tpu.dma_semaphore, #tpu.memory_space<semaphore_mem>>)
      %ge3A = arith.constant 1 : i32
      %ge3A_62 = arith.cmpi sge, %scan3A_37, %ge3A : i32
      %convert_element_type3A = arith.extui %ge3A_62 : i1 to i32
      %cond3A = arith.constant 0 : i32
      %cond3A_63 = arith.cmpi ne, %convert_element_type3A, %cond3A : i32
      scf.if %cond3A_63 {
        %mul3A_130 = arith.constant 128 : i32
        %mul3A_131 = arith.muli %mul3A_40, %mul3A_130 : i32
        %add3A_132 = arith.addi %mul3A_2, %mul3A_131 : i32
        %dma_wait3A_133 = arith.constant 0 : i32
        %dma_wait3A_134 = tpu.memref_slice %arg6[%add3A_132, %dma_wait3A_133] : memref<819200x64xf32, #tpu.memory_space<hbm>> -> memref<128x64xf32, #tpu.memory_space<hbm>>
        %dma_wait3A_135 = arith.constant 0 : i32
        %dma_wait3A_136 = tpu.memref_slice %arg6[%add3A_132, %dma_wait3A_135] : memref<819200x64xf32, #tpu.memory_space<hbm>> -> memref<128x64xf32, #tpu.memory_space<hbm>>
        tpu.wait_dma2 semaphore(%arg26 : memref<!tpu.dma_semaphore, #tpu.memory_space<semaphore_mem>>) src(%arg14 : memref<128x64xf32, #tpu.memory_space<vmem>>) dst(%dma_wait3A_136 : memref<128x64xf32, #tpu.memory_space<hbm>>)
      } else {
      }
      %dma_wait3A_64 = arith.constant 0 : i32
      %dma_wait3A_65 = arith.constant 0 : i32
      %dma_wait3A_66 = tpu.memref_slice %arg2[%dma_wait3A_64, %dma_wait3A_65] : memref<500000x128xf32, #tpu.memory_space<hbm>> -> memref<500000x128xf32, #tpu.memory_space<hbm>>
      tpu.wait_indirect_dma semaphore(%arg20 : memref<!tpu.dma_semaphore, #tpu.memory_space<semaphore_mem>>) src(%dma_wait3A_66 : memref<500000x128xf32, #tpu.memory_space<hbm>>) dst(%arg12 : memref<128x128xf32, #tpu.memory_space<vmem>>)
      %dma_wait3A_67 = arith.constant 0 : i32
      %dma_wait3A_68 = arith.constant 0 : i32
      %dma_wait3A_69 = tpu.memref_slice %arg7[%dma_wait3A_67, %dma_wait3A_68] : memref<200x128xi32, #tpu.memory_space<vmem>> -> memref<1x128xi32, #tpu.memory_space<vmem>>
      %dma_wait3A_70 = tpu.memref_squeeze %dma_wait3A_69 : memref<1x128xi32, #tpu.memory_space<vmem>> -> memref<128xi32, #tpu.memory_space<vmem>>
      %dma_wait3A_71 = arith.constant 0 : i32
      %dma_wait3A_72 = tpu.memref_slice %arg4[%dma_wait3A_71] : memref<1048576xf32, #tpu.memory_space<hbm>> -> memref<1048576xf32, #tpu.memory_space<hbm>>
      tpu.wait_indirect_dma semaphore(%arg22 : memref<!tpu.dma_semaphore, #tpu.memory_space<semaphore_mem>>) src(%dma_wait3A_72 : memref<1048576xf32, #tpu.memory_space<hbm>>) dst(%arg16 : memref<128xf32, #tpu.memory_space<vmem>>)
      %dma_wait3A_73 = arith.constant 0 : i32
      %dma_wait3A_74 = tpu.memref_slice %arg5[%dma_wait3A_73] : memref<1000000xf32, #tpu.memory_space<hbm>> -> memref<1000000xf32, #tpu.memory_space<hbm>>
      tpu.wait_indirect_dma semaphore(%arg24 : memref<!tpu.dma_semaphore, #tpu.memory_space<semaphore_mem>>) src(%dma_wait3A_74 : memref<1000000xf32, #tpu.memory_space<hbm>>) dst(%arg18 : memref<128xf32, #tpu.memory_space<vmem>>)
      %scan3A_75 = arith.constant 0 : i32
      %scan3A_76 = arith.constant 0 : i32
      %scan3A_77 = arith.constant 8 : i32
      %scan3A_78 = arith.addi %scan3A_76, %scan3A_77 : i32
      %scan3A_79 = arith.constant 1 : i32
      %scan3A_80 = scf.for %scan3A_130 = %scan3A_76 to %scan3A_78 step %scan3A_79 iter_args(%scan3A_131 = %scan3A_75) -> (i32)  : i32 {
        %mul3A_132 = arith.constant 16 : i32
        %mul3A_133 = arith.muli %scan3A_130, %mul3A_132 : i32
        %get3A = arith.index_cast %mul3A_40 : i32 to index
        %get3A_134 = arith.index_cast %mul3A_133 : i32 to index
        %get3A_135 = tpu.vector_load %arg7[%get3A, %get3A_134] {strides = array<i32>} : memref<200x128xi32, #tpu.memory_space<vmem>>, vector<1x16xi32>,
        %get3A_136 = vector.shape_cast %get3A_135 : vector<1x16xi32> to vector<16xi32>
        %mul3A_137 = arith.constant 16 : i32
        %mul3A_138 = arith.muli %scan3A_130, %mul3A_137 : i32
        %get3A_139 = arith.index_cast %mul3A_138 : i32 to index
        %get3A_140 = tpu.vector_load %arg16[%get3A_139] {strides = array<i32>} : memref<128xf32, #tpu.memory_space<vmem>>, vector<16xf32>,
        %get3A_141 = vector.shape_cast %get3A_140 : vector<16xf32> to vector<16xf32>
        %mul3A_142 = arith.constant 16 : i32
        %mul3A_143 = arith.muli %scan3A_130, %mul3A_142 : i32
        %get3A_144 = arith.index_cast %mul3A_143 : i32 to index
        %get3A_145 = tpu.vector_load %arg18[%get3A_144] {strides = array<i32>} : memref<128xf32, #tpu.memory_space<vmem>>, vector<16xf32>,
        %get3A_146 = vector.shape_cast %get3A_145 : vector<16xf32> to vector<16xf32>
        %mul3A_147 = arith.constant 16 : i32
        %mul3A_148 = arith.muli %scan3A_130, %mul3A_147 : i32
        %add3A_149 = arith.constant 0 : i32
        %add3A_150 = arith.addi %mul3A_148, %add3A_149 : i32
        %slice3A = vector.extract_strided_slice %get3A_136 {offsets = [0], sizes = [1], strides = [1]} : vector<16xi32> to vector<1xi32>
        %squeeze3A = vector.extract %slice3A[0] : i32 from vector<1xi32>
        %and3A = arith.constant 1 : i32
        %and3A_151 = arith.andi %squeeze3A, %and3A : i32
        %mul3A_152 = arith.constant 64 : i32
        %mul3A_153 = arith.muli %and3A_151, %mul3A_152 : i32
        %slice3A_154 = vector.extract_strided_slice %get3A_141 {offsets = [0], sizes = [1], strides = [1]} : vector<16xf32> to vector<1xf32>
        %squeeze3A_155 = vector.extract %slice3A_154[0] : f32 from vector<1xf32>
        %slice3A_156 = vector.extract_strided_slice %get3A_146 {offsets = [0], sizes = [1], strides = [1]} : vector<16xf32> to vector<1xf32>
        %squeeze3A_157 = vector.extract %slice3A_156[0] : f32 from vector<1xf32>
        %mul3A_158 = arith.mulf %squeeze3A_155, %squeeze3A_157 : f32
        %add3A_159 = arith.constant 0 : i32
        %add3A_160 = arith.addi %mul3A_153, %add3A_159 : i32
        %get3A_161 = arith.index_cast %add3A_150 : i32 to index
        %get3A_162 = arith.index_cast %add3A_160 : i32 to index
        %get3A_163 = tpu.vector_load %arg12[%get3A_161, %get3A_162] {strides = array<i32>} : memref<128x128xf32, #tpu.memory_space<vmem>>, vector<1x16xf32>,
        %get3A_164 = vector.shape_cast %get3A_163 : vector<1x16xf32> to vector<16xf32>
        %mul3A_165 = vector.broadcast %mul3A_158 : f32 to vector<16xf32>
        %mul3A_166 = arith.mulf %get3A_164, %mul3A_165 : vector<16xf32>
        %swap3A = arith.index_cast %add3A_150 : i32 to index
        %swap3A_167 = arith.constant 0 : index
        %swap3A_168 = tpu.vector_load %arg14[%swap3A, %swap3A_167] {strides = array<i32>} : memref<128x64xf32, #tpu.memory_space<vmem>>, vector<1x16xf32>,
        %swap3A_169 = vector.shape_cast %swap3A_168 : vector<1x16xf32> to vector<16xf32>
        %swap3A_170 = vector.shape_cast %mul3A_166 : vector<16xf32> to vector<1x16xf32>
        tpu.vector_store %arg14[%swap3A, %swap3A_167], %swap3A_170 {strides = array<i32>} : memref<128x64xf32, #tpu.memory_space<vmem>>, vector<1x16xf32>,
        %add3A_171 = arith.constant 16 : i32
        %add3A_172 = arith.addi %mul3A_153, %add3A_171 : i32
        %get3A_173 = arith.index_cast %add3A_150 : i32 to index
        %get3A_174 = arith.index_cast %add3A_172 : i32 to index
        %get3A_175 = tpu.vector_load %arg12[%get3A_173, %get3A_174] {strides = array<i32>} : memref<128x128xf32, #tpu.memory_space<vmem>>, vector<1x16xf32>,
        %get3A_176 = vector.shape_cast %get3A_175 : vector<1x16xf32> to vector<16xf32>
        %mul3A_177 = vector.broadcast %mul3A_158 : f32 to vector<16xf32>
        %mul3A_178 = arith.mulf %get3A_176, %mul3A_177 : vector<16xf32>
        %swap3A_179 = arith.index_cast %add3A_150 : i32 to index
        %swap3A_180 = arith.constant 16 : index
        %swap3A_181 = tpu.vector_load %arg14[%swap3A_179, %swap3A_180] {strides = array<i32>} : memref<128x64xf32, #tpu.memory_space<vmem>>, vector<1x16xf32>,
        %swap3A_182 = vector.shape_cast %swap3A_181 : vector<1x16xf32> to vector<16xf32>
        %swap3A_183 = vector.shape_cast %mul3A_178 : vector<16xf32> to vector<1x16xf32>
        tpu.vector_store %arg14[%swap3A_179, %swap3A_180], %swap3A_183 {strides = array<i32>} : memref<128x64xf32, #tpu.memory_space<vmem>>, vector<1x16xf32>,
        %add3A_184 = arith.constant 32 : i32
        %add3A_185 = arith.addi %mul3A_153, %add3A_184 : i32
        %get3A_186 = arith.index_cast %add3A_150 : i32 to index
        %get3A_187 = arith.index_cast %add3A_185 : i32 to index
        %get3A_188 = tpu.vector_load %arg12[%get3A_186, %get3A_187] {strides = array<i32>} : memref<128x128xf32, #tpu.memory_space<vmem>>, vector<1x16xf32>,
        %get3A_189 = vector.shape_cast %get3A_188 : vector<1x16xf32> to vector<16xf32>
        %mul3A_190 = vector.broadcast %mul3A_158 : f32 to vector<16xf32>
        %mul3A_191 = arith.mulf %get3A_189, %mul3A_190 : vector<16xf32>
        %swap3A_192 = arith.index_cast %add3A_150 : i32 to index
        %swap3A_193 = arith.constant 32 : index
        %swap3A_194 = tpu.vector_load %arg14[%swap3A_192, %swap3A_193] {strides = array<i32>} : memref<128x64xf32, #tpu.memory_space<vmem>>, vector<1x16xf32>,
        %swap3A_195 = vector.shape_cast %swap3A_194 : vector<1x16xf32> to vector<16xf32>
        %swap3A_196 = vector.shape_cast %mul3A_191 : vector<16xf32> to vector<1x16xf32>
        tpu.vector_store %arg14[%swap3A_192, %swap3A_193], %swap3A_196 {strides = array<i32>} : memref<128x64xf32, #tpu.memory_space<vmem>>, vector<1x16xf32>,
        %add3A_197 = arith.constant 48 : i32
        %add3A_198 = arith.addi %mul3A_153, %add3A_197 : i32
        %get3A_199 = arith.index_cast %add3A_150 : i32 to index
        %get3A_200 = arith.index_cast %add3A_198 : i32 to index
        %get3A_201 = tpu.vector_load %arg12[%get3A_199, %get3A_200] {strides = array<i32>} : memref<128x128xf32, #tpu.memory_space<vmem>>, vector<1x16xf32>,
        %get3A_202 = vector.shape_cast %get3A_201 : vector<1x16xf32> to vector<16xf32>
        %mul3A_203 = vector.broadcast %mul3A_158 : f32 to vector<16xf32>
        %mul3A_204 = arith.mulf %get3A_202, %mul3A_203 : vector<16xf32>
        %swap3A_205 = arith.index_cast %add3A_150 : i32 to index
        %swap3A_206 = arith.constant 48 : index
        %swap3A_207 = tpu.vector_load %arg14[%swap3A_205, %swap3A_206] {strides = array<i32>} : memref<128x64xf32, #tpu.memory_space<vmem>>, vector<1x16xf32>,
        %swap3A_208 = vector.shape_cast %swap3A_207 : vector<1x16xf32> to vector<16xf32>
        %swap3A_209 = vector.shape_cast %mul3A_204 : vector<16xf32> to vector<1x16xf32>
        tpu.vector_store %arg14[%swap3A_205, %swap3A_206], %swap3A_209 {strides = array<i32>} : memref<128x64xf32, #tpu.memory_space<vmem>>, vector<1x16xf32>,
        %mul3A_210 = arith.constant 16 : i32
        %mul3A_211 = arith.muli %scan3A_130, %mul3A_210 : i32
        %add3A_212 = arith.constant 1 : i32
        %add3A_213 = arith.addi %mul3A_211, %add3A_212 : i32
        %slice3A_214 = vector.extract_strided_slice %get3A_136 {offsets = [1], sizes = [1], strides = [1]} : vector<16xi32> to vector<1xi32>
        %squeeze3A_215 = vector.extract %slice3A_214[0] : i32 from vector<1xi32>
        %and3A_216 = arith.constant 1 : i32
        %and3A_217 = arith.andi %squeeze3A_215, %and3A_216 : i32
        %mul3A_218 = arith.constant 64 : i32
        %mul3A_219 = arith.muli %and3A_217, %mul3A_218 : i32
        %slice3A_220 = vector.extract_strided_slice %get3A_141 {offsets = [1], sizes = [1], strides = [1]} : vector<16xf32> to vector<1xf32>
        %squeeze3A_221 = vector.extract %slice3A_220[0] : f32 from vector<1xf32>
        %slice3A_222 = vector.extract_strided_slice %get3A_146 {offsets = [1], sizes = [1], strides = [1]} : vector<16xf32> to vector<1xf32>
        %squeeze3A_223 = vector.extract %slice3A_222[0] : f32 from vector<1xf32>
        %mul3A_224 = arith.mulf %squeeze3A_221, %squeeze3A_223 : f32
        %add3A_225 = arith.constant 0 : i32
        %add3A_226 = arith.addi %mul3A_219, %add3A_225 : i32
        %get3A_227 = arith.index_cast %add3A_213 : i32 to index
        %get3A_228 = arith.index_cast %add3A_226 : i32 to index
        %get3A_229 = tpu.vector_load %arg12[%get3A_227, %get3A_228] {strides = array<i32>} : memref<128x128xf32, #tpu.memory_space<vmem>>, vector<1x16xf32>,
        %get3A_230 = vector.shape_cast %get3A_229 : vector<1x16xf32> to vector<16xf32>
        %mul3A_231 = vector.broadcast %mul3A_224 : f32 to vector<16xf32>
        %mul3A_232 = arith.mulf %get3A_230, %mul3A_231 : vector<16xf32>
        %swap3A_233 = arith.index_cast %add3A_213 : i32 to index
        %swap3A_234 = arith.constant 0 : index
        %swap3A_235 = tpu.vector_load %arg14[%swap3A_233, %swap3A_234] {strides = array<i32>} : memref<128x64xf32, #tpu.memory_space<vmem>>, vector<1x16xf32>,
        %swap3A_236 = vector.shape_cast %swap3A_235 : vector<1x16xf32> to vector<16xf32>
        %swap3A_237 = vector.shape_cast %mul3A_232 : vector<16xf32> to vector<1x16xf32>
        tpu.vector_store %arg14[%swap3A_233, %swap3A_234], %swap3A_237 {strides = array<i32>} : memref<128x64xf32, #tpu.memory_space<vmem>>, vector<1x16xf32>,
        %add3A_238 = arith.constant 16 : i32
        %add3A_239 = arith.addi %mul3A_219, %add3A_238 : i32
        %get3A_240 = arith.index_cast %add3A_213 : i32 to index
        %get3A_241 = arith.index_cast %add3A_239 : i32 to index
        %get3A_242 = tpu.vector_load %arg12[%get3A_240, %get3A_241] {strides = array<i32>} : memref<128x128xf32, #tpu.memory_space<vmem>>, vector<1x16xf32>,
        %get3A_243 = vector.shape_cast %get3A_242 : vector<1x16xf32> to vector<16xf32>
        %mul3A_244 = vector.broadcast %mul3A_224 : f32 to vector<16xf32>
        %mul3A_245 = arith.mulf %get3A_243, %mul3A_244 : vector<16xf32>
        %swap3A_246 = arith.index_cast %add3A_213 : i32 to index
        %swap3A_247 = arith.constant 16 : index
        %swap3A_248 = tpu.vector_load %arg14[%swap3A_246, %swap3A_247] {strides = array<i32>} : memref<128x64xf32, #tpu.memory_space<vmem>>, vector<1x16xf32>,
        %swap3A_249 = vector.shape_cast %swap3A_248 : vector<1x16xf32> to vector<16xf32>
        %swap3A_250 = vector.shape_cast %mul3A_245 : vector<16xf32> to vector<1x16xf32>
        tpu.vector_store %arg14[%swap3A_246, %swap3A_247], %swap3A_250 {strides = array<i32>} : memref<128x64xf32, #tpu.memory_space<vmem>>, vector<1x16xf32>,
        %add3A_251 = arith.constant 32 : i32
        %add3A_252 = arith.addi %mul3A_219, %add3A_251 : i32
        %get3A_253 = arith.index_cast %add3A_213 : i32 to index
        %get3A_254 = arith.index_cast %add3A_252 : i32 to index
        %get3A_255 = tpu.vector_load %arg12[%get3A_253, %get3A_254] {strides = array<i32>} : memref<128x128xf32, #tpu.memory_space<vmem>>, vector<1x16xf32>,
        %get3A_256 = vector.shape_cast %get3A_255 : vector<1x16xf32> to vector<16xf32>
        %mul3A_257 = vector.broadcast %mul3A_224 : f32 to vector<16xf32>
        %mul3A_258 = arith.mulf %get3A_256, %mul3A_257 : vector<16xf32>
        %swap3A_259 = arith.index_cast %add3A_213 : i32 to index
        %swap3A_260 = arith.constant 32 : index
        %swap3A_261 = tpu.vector_load %arg14[%swap3A_259, %swap3A_260] {strides = array<i32>} : memref<128x64xf32, #tpu.memory_space<vmem>>, vector<1x16xf32>,
        %swap3A_262 = vector.shape_cast %swap3A_261 : vector<1x16xf32> to vector<16xf32>
        %swap3A_263 = vector.shape_cast %mul3A_258 : vector<16xf32> to vector<1x16xf32>
        tpu.vector_store %arg14[%swap3A_259, %swap3A_260], %swap3A_263 {strides = array<i32>} : memref<128x64xf32, #tpu.memory_space<vmem>>, vector<1x16xf32>,
        %add3A_264 = arith.constant 48 : i32
        %add3A_265 = arith.addi %mul3A_219, %add3A_264 : i32
        %get3A_266 = arith.index_cast %add3A_213 : i32 to index
        %get3A_267 = arith.index_cast %add3A_265 : i32 to index
        %get3A_268 = tpu.vector_load %arg12[%get3A_266, %get3A_267] {strides = array<i32>} : memref<128x128xf32, #tpu.memory_space<vmem>>, vector<1x16xf32>,
        %get3A_269 = vector.shape_cast %get3A_268 : vector<1x16xf32> to vector<16xf32>
        %mul3A_270 = vector.broadcast %mul3A_224 : f32 to vector<16xf32>
        %mul3A_271 = arith.mulf %get3A_269, %mul3A_270 : vector<16xf32>
        %swap3A_272 = arith.index_cast %add3A_213 : i32 to index
        %swap3A_273 = arith.constant 48 : index
        %swap3A_274 = tpu.vector_load %arg14[%swap3A_272, %swap3A_273] {strides = array<i32>} : memref<128x64xf32, #tpu.memory_space<vmem>>, vector<1x16xf32>,
        %swap3A_275 = vector.shape_cast %swap3A_274 : vector<1x16xf32> to vector<16xf32>
        %swap3A_276 = vector.shape_cast %mul3A_271 : vector<16xf32> to vector<1x16xf32>
        tpu.vector_store %arg14[%swap3A_272, %swap3A_273], %swap3A_276 {strides = array<i32>} : memref<128x64xf32, #tpu.memory_space<vmem>>, vector<1x16xf32>,
        %mul3A_277 = arith.constant 16 : i32
        %mul3A_278 = arith.muli %scan3A_130, %mul3A_277 : i32
        %add3A_279 = arith.constant 2 : i32
        %add3A_280 = arith.addi %mul3A_278, %add3A_279 : i32
        %slice3A_281 = vector.extract_strided_slice %get3A_136 {offsets = [2], sizes = [1], strides = [1]} : vector<16xi32> to vector<1xi32>
        %squeeze3A_282 = vector.extract %slice3A_281[0] : i32 from vector<1xi32>
        %and3A_283 = arith.constant 1 : i32
        %and3A_284 = arith.andi %squeeze3A_282, %and3A_283 : i32
        %mul3A_285 = arith.constant 64 : i32
        %mul3A_286 = arith.muli %and3A_284, %mul3A_285 : i32
        %slice3A_287 = vector.extract_strided_slice %get3A_141 {offsets = [2], sizes = [1], strides = [1]} : vector<16xf32> to vector<1xf32>
        %squeeze3A_288 = vector.extract %slice3A_287[0] : f32 from vector<1xf32>
        %slice3A_289 = vector.extract_strided_slice %get3A_146 {offsets = [2], sizes = [1], strides = [1]} : vector<16xf32> to vector<1xf32>
        %squeeze3A_290 = vector.extract %slice3A_289[0] : f32 from vector<1xf32>
        %mul3A_291 = arith.mulf %squeeze3A_288, %squeeze3A_290 : f32
        %add3A_292 = arith.constant 0 : i32
        %add3A_293 = arith.addi %mul3A_286, %add3A_292 : i32
        %get3A_294 = arith.index_cast %add3A_280 : i32 to index
        %get3A_295 = arith.index_cast %add3A_293 : i32 to index
        %get3A_296 = tpu.vector_load %arg12[%get3A_294, %get3A_295] {strides = array<i32>} : memref<128x128xf32, #tpu.memory_space<vmem>>, vector<1x16xf32>,
        %get3A_297 = vector.shape_cast %get3A_296 : vector<1x16xf32> to vector<16xf32>
        %mul3A_298 = vector.broadcast %mul3A_291 : f32 to vector<16xf32>
        %mul3A_299 = arith.mulf %get3A_297, %mul3A_298 : vector<16xf32>
        %swap3A_300 = arith.index_cast %add3A_280 : i32 to index
        %swap3A_301 = arith.constant 0 : index
        %swap3A_302 = tpu.vector_load %arg14[%swap3A_300, %swap3A_301] {strides = array<i32>} : memref<128x64xf32, #tpu.memory_space<vmem>>, vector<1x16xf32>,
        %swap3A_303 = vector.shape_cast %swap3A_302 : vector<1x16xf32> to vector<16xf32>
        %swap3A_304 = vector.shape_cast %mul3A_299 : vector<16xf32> to vector<1x16xf32>
        tpu.vector_store %arg14[%swap3A_300, %swap3A_301], %swap3A_304 {strides = array<i32>} : memref<128x64xf32, #tpu.memory_space<vmem>>, vector<1x16xf32>,
        %add3A_305 = arith.constant 16 : i32
        %add3A_306 = arith.addi %mul3A_286, %add3A_305 : i32
        %get3A_307 = arith.index_cast %add3A_280 : i32 to index
        %get3A_308 = arith.index_cast %add3A_306 : i32 to index
        %get3A_309 = tpu.vector_load %arg12[%get3A_307, %get3A_308] {strides = array<i32>} : memref<128x128xf32, #tpu.memory_space<vmem>>, vector<1x16xf32>,
        %get3A_310 = vector.shape_cast %get3A_309 : vector<1x16xf32> to vector<16xf32>
        %mul3A_311 = vector.broadcast %mul3A_291 : f32 to vector<16xf32>
        %mul3A_312 = arith.mulf %get3A_310, %mul3A_311 : vector<16xf32>
        %swap3A_313 = arith.index_cast %add3A_280 : i32 to index
        %swap3A_314 = arith.constant 16 : index
        %swap3A_315 = tpu.vector_load %arg14[%swap3A_313, %swap3A_314] {strides = array<i32>} : memref<128x64xf32, #tpu.memory_space<vmem>>, vector<1x16xf32>,
        %swap3A_316 = vector.shape_cast %swap3A_315 : vector<1x16xf32> to vector<16xf32>
        %swap3A_317 = vector.shape_cast %mul3A_312 : vector<16xf32> to vector<1x16xf32>
        tpu.vector_store %arg14[%swap3A_313, %swap3A_314], %swap3A_317 {strides = array<i32>} : memref<128x64xf32, #tpu.memory_space<vmem>>, vector<1x16xf32>,
        %add3A_318 = arith.constant 32 : i32
        %add3A_319 = arith.addi %mul3A_286, %add3A_318 : i32
        %get3A_320 = arith.index_cast %add3A_280 : i32 to index
        %get3A_321 = arith.index_cast %add3A_319 : i32 to index
        %get3A_322 = tpu.vector_load %arg12[%get3A_320, %get3A_321] {strides = array<i32>} : memref<128x128xf32, #tpu.memory_space<vmem>>, vector<1x16xf32>,
        %get3A_323 = vector.shape_cast %get3A_322 : vector<1x16xf32> to vector<16xf32>
        %mul3A_324 = vector.broadcast %mul3A_291 : f32 to vector<16xf32>
        %mul3A_325 = arith.mulf %get3A_323, %mul3A_324 : vector<16xf32>
        %swap3A_326 = arith.index_cast %add3A_280 : i32 to index
        %swap3A_327 = arith.constant 32 : index
        %swap3A_328 = tpu.vector_load %arg14[%swap3A_326, %swap3A_327] {strides = array<i32>} : memref<128x64xf32, #tpu.memory_space<vmem>>, vector<1x16xf32>,
        %swap3A_329 = vector.shape_cast %swap3A_328 : vector<1x16xf32> to vector<16xf32>
        %swap3A_330 = vector.shape_cast %mul3A_325 : vector<16xf32> to vector<1x16xf32>
        tpu.vector_store %arg14[%swap3A_326, %swap3A_327], %swap3A_330 {strides = array<i32>} : memref<128x64xf32, #tpu.memory_space<vmem>>, vector<1x16xf32>,
        %add3A_331 = arith.constant 48 : i32
        %add3A_332 = arith.addi %mul3A_286, %add3A_331 : i32
        %get3A_333 = arith.index_cast %add3A_280 : i32 to index
        %get3A_334 = arith.index_cast %add3A_332 : i32 to index
        %get3A_335 = tpu.vector_load %arg12[%get3A_333, %get3A_334] {strides = array<i32>} : memref<128x128xf32, #tpu.memory_space<vmem>>, vector<1x16xf32>,
        %get3A_336 = vector.shape_cast %get3A_335 : vector<1x16xf32> to vector<16xf32>
        %mul3A_337 = vector.broadcast %mul3A_291 : f32 to vector<16xf32>
        %mul3A_338 = arith.mulf %get3A_336, %mul3A_337 : vector<16xf32>
        %swap3A_339 = arith.index_cast %add3A_280 : i32 to index
        %swap3A_340 = arith.constant 48 : index
        %swap3A_341 = tpu.vector_load %arg14[%swap3A_339, %swap3A_340] {strides = array<i32>} : memref<128x64xf32, #tpu.memory_space<vmem>>, vector<1x16xf32>,
        %swap3A_342 = vector.shape_cast %swap3A_341 : vector<1x16xf32> to vector<16xf32>
        %swap3A_343 = vector.shape_cast %mul3A_338 : vector<16xf32> to vector<1x16xf32>
        tpu.vector_store %arg14[%swap3A_339, %swap3A_340], %swap3A_343 {strides = array<i32>} : memref<128x64xf32, #tpu.memory_space<vmem>>, vector<1x16xf32>,
        %mul3A_344 = arith.constant 16 : i32
        %mul3A_345 = arith.muli %scan3A_130, %mul3A_344 : i32
        %add3A_346 = arith.constant 3 : i32
        %add3A_347 = arith.addi %mul3A_345, %add3A_346 : i32
        %slice3A_348 = vector.extract_strided_slice %get3A_136 {offsets = [3], sizes = [1], strides = [1]} : vector<16xi32> to vector<1xi32>
        %squeeze3A_349 = vector.extract %slice3A_348[0] : i32 from vector<1xi32>
        %and3A_350 = arith.constant 1 : i32
        %and3A_351 = arith.andi %squeeze3A_349, %and3A_350 : i32
        %mul3A_352 = arith.constant 64 : i32
        %mul3A_353 = arith.muli %and3A_351, %mul3A_352 : i32
        %slice3A_354 = vector.extract_strided_slice %get3A_141 {offsets = [3], sizes = [1], strides = [1]} : vector<16xf32> to vector<1xf32>
        %squeeze3A_355 = vector.extract %slice3A_354[0] : f32 from vector<1xf32>
        %slice3A_356 = vector.extract_strided_slice %get3A_146 {offsets = [3], sizes = [1], strides = [1]} : vector<16xf32> to vector<1xf32>
        %squeeze3A_357 = vector.extract %slice3A_356[0] : f32 from vector<1xf32>
        %mul3A_358 = arith.mulf %squeeze3A_355, %squeeze3A_357 : f32
        %add3A_359 = arith.constant 0 : i32
        %add3A_360 = arith.addi %mul3A_353, %add3A_359 : i32
        %get3A_361 = arith.index_cast %add3A_347 : i32 to index
        %get3A_362 = arith.index_cast %add3A_360 : i32 to index
        %get3A_363 = tpu.vector_load %arg12[%get3A_361, %get3A_362] {strides = array<i32>} : memref<128x128xf32, #tpu.memory_space<vmem>>, vector<1x16xf32>,
        %get3A_364 = vector.shape_cast %get3A_363 : vector<1x16xf32> to vector<16xf32>
        %mul3A_365 = vector.broadcast %mul3A_358 : f32 to vector<16xf32>
        %mul3A_366 = arith.mulf %get3A_364, %mul3A_365 : vector<16xf32>
        %swap3A_367 = arith.index_cast %add3A_347 : i32 to index
        %swap3A_368 = arith.constant 0 : index
        %swap3A_369 = tpu.vector_load %arg14[%swap3A_367, %swap3A_368] {strides = array<i32>} : memref<128x64xf32, #tpu.memory_space<vmem>>, vector<1x16xf32>,
        %swap3A_370 = vector.shape_cast %swap3A_369 : vector<1x16xf32> to vector<16xf32>
        %swap3A_371 = vector.shape_cast %mul3A_366 : vector<16xf32> to vector<1x16xf32>
        tpu.vector_store %arg14[%swap3A_367, %swap3A_368], %swap3A_371 {strides = array<i32>} : memref<128x64xf32, #tpu.memory_space<vmem>>, vector<1x16xf32>,
        %add3A_372 = arith.constant 16 : i32
        %add3A_373 = arith.addi %mul3A_353, %add3A_372 : i32
        %get3A_374 = arith.index_cast %add3A_347 : i32 to index
        %get3A_375 = arith.index_cast %add3A_373 : i32 to index
        %get3A_376 = tpu.vector_load %arg12[%get3A_374, %get3A_375] {strides = array<i32>} : memref<128x128xf32, #tpu.memory_space<vmem>>, vector<1x16xf32>,
        %get3A_377 = vector.shape_cast %get3A_376 : vector<1x16xf32> to vector<16xf32>
        %mul3A_378 = vector.broadcast %mul3A_358 : f32 to vector<16xf32>
        %mul3A_379 = arith.mulf %get3A_377, %mul3A_378 : vector<16xf32>
        %swap3A_380 = arith.index_cast %add3A_347 : i32 to index
        %swap3A_381 = arith.constant 16 : index
        %swap3A_382 = tpu.vector_load %arg14[%swap3A_380, %swap3A_381] {strides = array<i32>} : memref<128x64xf32, #tpu.memory_space<vmem>>, vector<1x16xf32>,
        %swap3A_383 = vector.shape_cast %swap3A_382 : vector<1x16xf32> to vector<16xf32>
        %swap3A_384 = vector.shape_cast %mul3A_379 : vector<16xf32> to vector<1x16xf32>
        tpu.vector_store %arg14[%swap3A_380, %swap3A_381], %swap3A_384 {strides = array<i32>} : memref<128x64xf32, #tpu.memory_space<vmem>>, vector<1x16xf32>,
        %add3A_385 = arith.constant 32 : i32
        %add3A_386 = arith.addi %mul3A_353, %add3A_385 : i32
        %get3A_387 = arith.index_cast %add3A_347 : i32 to index
        %get3A_388 = arith.index_cast %add3A_386 : i32 to index
        %get3A_389 = tpu.vector_load %arg12[%get3A_387, %get3A_388] {strides = array<i32>} : memref<128x128xf32, #tpu.memory_space<vmem>>, vector<1x16xf32>,
        %get3A_390 = vector.shape_cast %get3A_389 : vector<1x16xf32> to vector<16xf32>
        %mul3A_391 = vector.broadcast %mul3A_358 : f32 to vector<16xf32>
        %mul3A_392 = arith.mulf %get3A_390, %mul3A_391 : vector<16xf32>
        %swap3A_393 = arith.index_cast %add3A_347 : i32 to index
        %swap3A_394 = arith.constant 32 : index
        %swap3A_395 = tpu.vector_load %arg14[%swap3A_393, %swap3A_394] {strides = array<i32>} : memref<128x64xf32, #tpu.memory_space<vmem>>, vector<1x16xf32>,
        %swap3A_396 = vector.shape_cast %swap3A_395 : vector<1x16xf32> to vector<16xf32>
        %swap3A_397 = vector.shape_cast %mul3A_392 : vector<16xf32> to vector<1x16xf32>
        tpu.vector_store %arg14[%swap3A_393, %swap3A_394], %swap3A_397 {strides = array<i32>} : memref<128x64xf32, #tpu.memory_space<vmem>>, vector<1x16xf32>,
        %add3A_398 = arith.constant 48 : i32
        %add3A_399 = arith.addi %mul3A_353, %add3A_398 : i32
        %get3A_400 = arith.index_cast %add3A_347 : i32 to index
        %get3A_401 = arith.index_cast %add3A_399 : i32 to index
        %get3A_402 = tpu.vector_load %arg12[%get3A_400, %get3A_401] {strides = array<i32>} : memref<128x128xf32, #tpu.memory_space<vmem>>, vector<1x16xf32>,
        %get3A_403 = vector.shape_cast %get3A_402 : vector<1x16xf32> to vector<16xf32>
        %mul3A_404 = vector.broadcast %mul3A_358 : f32 to vector<16xf32>
        %mul3A_405 = arith.mulf %get3A_403, %mul3A_404 : vector<16xf32>
        %swap3A_406 = arith.index_cast %add3A_347 : i32 to index
        %swap3A_407 = arith.constant 48 : index
        %swap3A_408 = tpu.vector_load %arg14[%swap3A_406, %swap3A_407] {strides = array<i32>} : memref<128x64xf32, #tpu.memory_space<vmem>>, vector<1x16xf32>,
        %swap3A_409 = vector.shape_cast %swap3A_408 : vector<1x16xf32> to vector<16xf32>
        %swap3A_410 = vector.shape_cast %mul3A_405 : vector<16xf32> to vector<1x16xf32>
        tpu.vector_store %arg14[%swap3A_406, %swap3A_407], %swap3A_410 {strides = array<i32>} : memref<128x64xf32, #tpu.memory_space<vmem>>, vector<1x16xf32>,
        %mul3A_411 = arith.constant 16 : i32
        %mul3A_412 = arith.muli %scan3A_130, %mul3A_411 : i32
        %add3A_413 = arith.constant 4 : i32
        %add3A_414 = arith.addi %mul3A_412, %add3A_413 : i32
        %slice3A_415 = vector.extract_strided_slice %get3A_136 {offsets = [4], sizes = [1], strides = [1]} : vector<16xi32> to vector<1xi32>
        %squeeze3A_416 = vector.extract %slice3A_415[0] : i32 from vector<1xi32>
        %and3A_417 = arith.constant 1 : i32
        %and3A_418 = arith.andi %squeeze3A_416, %and3A_417 : i32
        %mul3A_419 = arith.constant 64 : i32
        %mul3A_420 = arith.muli %and3A_418, %mul3A_419 : i32
        %slice3A_421 = vector.extract_strided_slice %get3A_141 {offsets = [4], sizes = [1], strides = [1]} : vector<16xf32> to vector<1xf32>
        %squeeze3A_422 = vector.extract %slice3A_421[0] : f32 from vector<1xf32>
        %slice3A_423 = vector.extract_strided_slice %get3A_146 {offsets = [4], sizes = [1], strides = [1]} : vector<16xf32> to vector<1xf32>
        %squeeze3A_424 = vector.extract %slice3A_423[0] : f32 from vector<1xf32>
        %mul3A_425 = arith.mulf %squeeze3A_422, %squeeze3A_424 : f32
        %add3A_426 = arith.constant 0 : i32
        %add3A_427 = arith.addi %mul3A_420, %add3A_426 : i32
        %get3A_428 = arith.index_cast %add3A_414 : i32 to index
        %get3A_429 = arith.index_cast %add3A_427 : i32 to index
        %get3A_430 = tpu.vector_load %arg12[%get3A_428, %get3A_429] {strides = array<i32>} : memref<128x128xf32, #tpu.memory_space<vmem>>, vector<1x16xf32>,
        %get3A_431 = vector.shape_cast %get3A_430 : vector<1x16xf32> to vector<16xf32>
        %mul3A_432 = vector.broadcast %mul3A_425 : f32 to vector<16xf32>
        %mul3A_433 = arith.mulf %get3A_431, %mul3A_432 : vector<16xf32>
        %swap3A_434 = arith.index_cast %add3A_414 : i32 to index
        %swap3A_435 = arith.constant 0 : index
        %swap3A_436 = tpu.vector_load %arg14[%swap3A_434, %swap3A_435] {strides = array<i32>} : memref<128x64xf32, #tpu.memory_space<vmem>>, vector<1x16xf32>,
        %swap3A_437 = vector.shape_cast %swap3A_436 : vector<1x16xf32> to vector<16xf32>
        %swap3A_438 = vector.shape_cast %mul3A_433 : vector<16xf32> to vector<1x16xf32>
        tpu.vector_store %arg14[%swap3A_434, %swap3A_435], %swap3A_438 {strides = array<i32>} : memref<128x64xf32, #tpu.memory_space<vmem>>, vector<1x16xf32>,
        %add3A_439 = arith.constant 16 : i32
        %add3A_440 = arith.addi %mul3A_420, %add3A_439 : i32
        %get3A_441 = arith.index_cast %add3A_414 : i32 to index
        %get3A_442 = arith.index_cast %add3A_440 : i32 to index
        %get3A_443 = tpu.vector_load %arg12[%get3A_441, %get3A_442] {strides = array<i32>} : memref<128x128xf32, #tpu.memory_space<vmem>>, vector<1x16xf32>,
        %get3A_444 = vector.shape_cast %get3A_443 : vector<1x16xf32> to vector<16xf32>
        %mul3A_445 = vector.broadcast %mul3A_425 : f32 to vector<16xf32>
        %mul3A_446 = arith.mulf %get3A_444, %mul3A_445 : vector<16xf32>
        %swap3A_447 = arith.index_cast %add3A_414 : i32 to index
        %swap3A_448 = arith.constant 16 : index
        %swap3A_449 = tpu.vector_load %arg14[%swap3A_447, %swap3A_448] {strides = array<i32>} : memref<128x64xf32, #tpu.memory_space<vmem>>, vector<1x16xf32>,
        %swap3A_450 = vector.shape_cast %swap3A_449 : vector<1x16xf32> to vector<16xf32>
        %swap3A_451 = vector.shape_cast %mul3A_446 : vector<16xf32> to vector<1x16xf32>
        tpu.vector_store %arg14[%swap3A_447, %swap3A_448], %swap3A_451 {strides = array<i32>} : memref<128x64xf32, #tpu.memory_space<vmem>>, vector<1x16xf32>,
        %add3A_452 = arith.constant 32 : i32
        %add3A_453 = arith.addi %mul3A_420, %add3A_452 : i32
        %get3A_454 = arith.index_cast %add3A_414 : i32 to index
        %get3A_455 = arith.index_cast %add3A_453 : i32 to index
        %get3A_456 = tpu.vector_load %arg12[%get3A_454, %get3A_455] {strides = array<i32>} : memref<128x128xf32, #tpu.memory_space<vmem>>, vector<1x16xf32>,
        %get3A_457 = vector.shape_cast %get3A_456 : vector<1x16xf32> to vector<16xf32>
        %mul3A_458 = vector.broadcast %mul3A_425 : f32 to vector<16xf32>
        %mul3A_459 = arith.mulf %get3A_457, %mul3A_458 : vector<16xf32>
        %swap3A_460 = arith.index_cast %add3A_414 : i32 to index
        %swap3A_461 = arith.constant 32 : index
        %swap3A_462 = tpu.vector_load %arg14[%swap3A_460, %swap3A_461] {strides = array<i32>} : memref<128x64xf32, #tpu.memory_space<vmem>>, vector<1x16xf32>,
        %swap3A_463 = vector.shape_cast %swap3A_462 : vector<1x16xf32> to vector<16xf32>
        %swap3A_464 = vector.shape_cast %mul3A_459 : vector<16xf32> to vector<1x16xf32>
        tpu.vector_store %arg14[%swap3A_460, %swap3A_461], %swap3A_464 {strides = array<i32>} : memref<128x64xf32, #tpu.memory_space<vmem>>, vector<1x16xf32>,
        %add3A_465 = arith.constant 48 : i32
        %add3A_466 = arith.addi %mul3A_420, %add3A_465 : i32
        %get3A_467 = arith.index_cast %add3A_414 : i32 to index
        %get3A_468 = arith.index_cast %add3A_466 : i32 to index
        %get3A_469 = tpu.vector_load %arg12[%get3A_467, %get3A_468] {strides = array<i32>} : memref<128x128xf32, #tpu.memory_space<vmem>>, vector<1x16xf32>,
        %get3A_470 = vector.shape_cast %get3A_469 : vector<1x16xf32> to vector<16xf32>
        %mul3A_471 = vector.broadcast %mul3A_425 : f32 to vector<16xf32>
        %mul3A_472 = arith.mulf %get3A_470, %mul3A_471 : vector<16xf32>
        %swap3A_473 = arith.index_cast %add3A_414 : i32 to index
        %swap3A_474 = arith.constant 48 : index
        %swap3A_475 = tpu.vector_load %arg14[%swap3A_473, %swap3A_474] {strides = array<i32>} : memref<128x64xf32, #tpu.memory_space<vmem>>, vector<1x16xf32>,
        %swap3A_476 = vector.shape_cast %swap3A_475 : vector<1x16xf32> to vector<16xf32>
        %swap3A_477 = vector.shape_cast %mul3A_472 : vector<16xf32> to vector<1x16xf32>
        tpu.vector_store %arg14[%swap3A_473, %swap3A_474], %swap3A_477 {strides = array<i32>} : memref<128x64xf32, #tpu.memory_space<vmem>>, vector<1x16xf32>,
        %mul3A_478 = arith.constant 16 : i32
        %mul3A_479 = arith.muli %scan3A_130, %mul3A_478 : i32
        %add3A_480 = arith.constant 5 : i32
        %add3A_481 = arith.addi %mul3A_479, %add3A_480 : i32
        %slice3A_482 = vector.extract_strided_slice %get3A_136 {offsets = [5], sizes = [1], strides = [1]} : vector<16xi32> to vector<1xi32>
        %squeeze3A_483 = vector.extract %slice3A_482[0] : i32 from vector<1xi32>
        %and3A_484 = arith.constant 1 : i32
        %and3A_485 = arith.andi %squeeze3A_483, %and3A_484 : i32
        %mul3A_486 = arith.constant 64 : i32
        %mul3A_487 = arith.muli %and3A_485, %mul3A_486 : i32
        %slice3A_488 = vector.extract_strided_slice %get3A_141 {offsets = [5], sizes = [1], strides = [1]} : vector<16xf32> to vector<1xf32>
        %squeeze3A_489 = vector.extract %slice3A_488[0] : f32 from vector<1xf32>
        %slice3A_490 = vector.extract_strided_slice %get3A_146 {offsets = [5], sizes = [1], strides = [1]} : vector<16xf32> to vector<1xf32>
        %squeeze3A_491 = vector.extract %slice3A_490[0] : f32 from vector<1xf32>
        %mul3A_492 = arith.mulf %squeeze3A_489, %squeeze3A_491 : f32
        %add3A_493 = arith.constant 0 : i32
        %add3A_494 = arith.addi %mul3A_487, %add3A_493 : i32
        %get3A_495 = arith.index_cast %add3A_481 : i32 to index
        %get3A_496 = arith.index_cast %add3A_494 : i32 to index
        %get3A_497 = tpu.vector_load %arg12[%get3A_495, %get3A_496] {strides = array<i32>} : memref<128x128xf32, #tpu.memory_space<vmem>>, vector<1x16xf32>,
        %get3A_498 = vector.shape_cast %get3A_497 : vector<1x16xf32> to vector<16xf32>
        %mul3A_499 = vector.broadcast %mul3A_492 : f32 to vector<16xf32>
        %mul3A_500 = arith.mulf %get3A_498, %mul3A_499 : vector<16xf32>
        %swap3A_501 = arith.index_cast %add3A_481 : i32 to index
        %swap3A_502 = arith.constant 0 : index
        %swap3A_503 = tpu.vector_load %arg14[%swap3A_501, %swap3A_502] {strides = array<i32>} : memref<128x64xf32, #tpu.memory_space<vmem>>, vector<1x16xf32>,
        %swap3A_504 = vector.shape_cast %swap3A_503 : vector<1x16xf32> to vector<16xf32>
        %swap3A_505 = vector.shape_cast %mul3A_500 : vector<16xf32> to vector<1x16xf32>
        tpu.vector_store %arg14[%swap3A_501, %swap3A_502], %swap3A_505 {strides = array<i32>} : memref<128x64xf32, #tpu.memory_space<vmem>>, vector<1x16xf32>,
        %add3A_506 = arith.constant 16 : i32
        %add3A_507 = arith.addi %mul3A_487, %add3A_506 : i32
        %get3A_508 = arith.index_cast %add3A_481 : i32 to index
        %get3A_509 = arith.index_cast %add3A_507 : i32 to index
        %get3A_510 = tpu.vector_load %arg12[%get3A_508, %get3A_509] {strides = array<i32>} : memref<128x128xf32, #tpu.memory_space<vmem>>, vector<1x16xf32>,
        %get3A_511 = vector.shape_cast %get3A_510 : vector<1x16xf32> to vector<16xf32>
        %mul3A_512 = vector.broadcast %mul3A_492 : f32 to vector<16xf32>
        %mul3A_513 = arith.mulf %get3A_511, %mul3A_512 : vector<16xf32>
        %swap3A_514 = arith.index_cast %add3A_481 : i32 to index
        %swap3A_515 = arith.constant 16 : index
        %swap3A_516 = tpu.vector_load %arg14[%swap3A_514, %swap3A_515] {strides = array<i32>} : memref<128x64xf32, #tpu.memory_space<vmem>>, vector<1x16xf32>,
        %swap3A_517 = vector.shape_cast %swap3A_516 : vector<1x16xf32> to vector<16xf32>
        %swap3A_518 = vector.shape_cast %mul3A_513 : vector<16xf32> to vector<1x16xf32>
        tpu.vector_store %arg14[%swap3A_514, %swap3A_515], %swap3A_518 {strides = array<i32>} : memref<128x64xf32, #tpu.memory_space<vmem>>, vector<1x16xf32>,
        %add3A_519 = arith.constant 32 : i32
        %add3A_520 = arith.addi %mul3A_487, %add3A_519 : i32
        %get3A_521 = arith.index_cast %add3A_481 : i32 to index
        %get3A_522 = arith.index_cast %add3A_520 : i32 to index
        %get3A_523 = tpu.vector_load %arg12[%get3A_521, %get3A_522] {strides = array<i32>} : memref<128x128xf32, #tpu.memory_space<vmem>>, vector<1x16xf32>,
        %get3A_524 = vector.shape_cast %get3A_523 : vector<1x16xf32> to vector<16xf32>
        %mul3A_525 = vector.broadcast %mul3A_492 : f32 to vector<16xf32>
        %mul3A_526 = arith.mulf %get3A_524, %mul3A_525 : vector<16xf32>
        %swap3A_527 = arith.index_cast %add3A_481 : i32 to index
        %swap3A_528 = arith.constant 32 : index
        %swap3A_529 = tpu.vector_load %arg14[%swap3A_527, %swap3A_528] {strides = array<i32>} : memref<128x64xf32, #tpu.memory_space<vmem>>, vector<1x16xf32>,
        %swap3A_530 = vector.shape_cast %swap3A_529 : vector<1x16xf32> to vector<16xf32>
        %swap3A_531 = vector.shape_cast %mul3A_526 : vector<16xf32> to vector<1x16xf32>
        tpu.vector_store %arg14[%swap3A_527, %swap3A_528], %swap3A_531 {strides = array<i32>} : memref<128x64xf32, #tpu.memory_space<vmem>>, vector<1x16xf32>,
        %add3A_532 = arith.constant 48 : i32
        %add3A_533 = arith.addi %mul3A_487, %add3A_532 : i32
        %get3A_534 = arith.index_cast %add3A_481 : i32 to index
        %get3A_535 = arith.index_cast %add3A_533 : i32 to index
        %get3A_536 = tpu.vector_load %arg12[%get3A_534, %get3A_535] {strides = array<i32>} : memref<128x128xf32, #tpu.memory_space<vmem>>, vector<1x16xf32>,
        %get3A_537 = vector.shape_cast %get3A_536 : vector<1x16xf32> to vector<16xf32>
        %mul3A_538 = vector.broadcast %mul3A_492 : f32 to vector<16xf32>
        %mul3A_539 = arith.mulf %get3A_537, %mul3A_538 : vector<16xf32>
        %swap3A_540 = arith.index_cast %add3A_481 : i32 to index
        %swap3A_541 = arith.constant 48 : index
        %swap3A_542 = tpu.vector_load %arg14[%swap3A_540, %swap3A_541] {strides = array<i32>} : memref<128x64xf32, #tpu.memory_space<vmem>>, vector<1x16xf32>,
        %swap3A_543 = vector.shape_cast %swap3A_542 : vector<1x16xf32> to vector<16xf32>
        %swap3A_544 = vector.shape_cast %mul3A_539 : vector<16xf32> to vector<1x16xf32>
        tpu.vector_store %arg14[%swap3A_540, %swap3A_541], %swap3A_544 {strides = array<i32>} : memref<128x64xf32, #tpu.memory_space<vmem>>, vector<1x16xf32>,
        %mul3A_545 = arith.constant 16 : i32
        %mul3A_546 = arith.muli %scan3A_130, %mul3A_545 : i32
        %add3A_547 = arith.constant 6 : i32
        %add3A_548 = arith.addi %mul3A_546, %add3A_547 : i32
        %slice3A_549 = vector.extract_strided_slice %get3A_136 {offsets = [6], sizes = [1], strides = [1]} : vector<16xi32> to vector<1xi32>
        %squeeze3A_550 = vector.extract %slice3A_549[0] : i32 from vector<1xi32>
        %and3A_551 = arith.constant 1 : i32
        %and3A_552 = arith.andi %squeeze3A_550, %and3A_551 : i32
        %mul3A_553 = arith.constant 64 : i32
        %mul3A_554 = arith.muli %and3A_552, %mul3A_553 : i32
        %slice3A_555 = vector.extract_strided_slice %get3A_141 {offsets = [6], sizes = [1], strides = [1]} : vector<16xf32> to vector<1xf32>
        %squeeze3A_556 = vector.extract %slice3A_555[0] : f32 from vector<1xf32>
        %slice3A_557 = vector.extract_strided_slice %get3A_146 {offsets = [6], sizes = [1], strides = [1]} : vector<16xf32> to vector<1xf32>
        %squeeze3A_558 = vector.extract %slice3A_557[0] : f32 from vector<1xf32>
        %mul3A_559 = arith.mulf %squeeze3A_556, %squeeze3A_558 : f32
        %add3A_560 = arith.constant 0 : i32
        %add3A_561 = arith.addi %mul3A_554, %add3A_560 : i32
        %get3A_562 = arith.index_cast %add3A_548 : i32 to index
        %get3A_563 = arith.index_cast %add3A_561 : i32 to index
        %get3A_564 = tpu.vector_load %arg12[%get3A_562, %get3A_563] {strides = array<i32>} : memref<128x128xf32, #tpu.memory_space<vmem>>, vector<1x16xf32>,
        %get3A_565 = vector.shape_cast %get3A_564 : vector<1x16xf32> to vector<16xf32>
        %mul3A_566 = vector.broadcast %mul3A_559 : f32 to vector<16xf32>
        %mul3A_567 = arith.mulf %get3A_565, %mul3A_566 : vector<16xf32>
        %swap3A_568 = arith.index_cast %add3A_548 : i32 to index
        %swap3A_569 = arith.constant 0 : index
        %swap3A_570 = tpu.vector_load %arg14[%swap3A_568, %swap3A_569] {strides = array<i32>} : memref<128x64xf32, #tpu.memory_space<vmem>>, vector<1x16xf32>,
        %swap3A_571 = vector.shape_cast %swap3A_570 : vector<1x16xf32> to vector<16xf32>
        %swap3A_572 = vector.shape_cast %mul3A_567 : vector<16xf32> to vector<1x16xf32>
        tpu.vector_store %arg14[%swap3A_568, %swap3A_569], %swap3A_572 {strides = array<i32>} : memref<128x64xf32, #tpu.memory_space<vmem>>, vector<1x16xf32>,
        %add3A_573 = arith.constant 16 : i32
        %add3A_574 = arith.addi %mul3A_554, %add3A_573 : i32
        %get3A_575 = arith.index_cast %add3A_548 : i32 to index
        %get3A_576 = arith.index_cast %add3A_574 : i32 to index
        %get3A_577 = tpu.vector_load %arg12[%get3A_575, %get3A_576] {strides = array<i32>} : memref<128x128xf32, #tpu.memory_space<vmem>>, vector<1x16xf32>,
        %get3A_578 = vector.shape_cast %get3A_577 : vector<1x16xf32> to vector<16xf32>
        %mul3A_579 = vector.broadcast %mul3A_559 : f32 to vector<16xf32>
        %mul3A_580 = arith.mulf %get3A_578, %mul3A_579 : vector<16xf32>
        %swap3A_581 = arith.index_cast %add3A_548 : i32 to index
        %swap3A_582 = arith.constant 16 : index
        %swap3A_583 = tpu.vector_load %arg14[%swap3A_581, %swap3A_582] {strides = array<i32>} : memref<128x64xf32, #tpu.memory_space<vmem>>, vector<1x16xf32>,
        %swap3A_584 = vector.shape_cast %swap3A_583 : vector<1x16xf32> to vector<16xf32>
        %swap3A_585 = vector.shape_cast %mul3A_580 : vector<16xf32> to vector<1x16xf32>
        tpu.vector_store %arg14[%swap3A_581, %swap3A_582], %swap3A_585 {strides = array<i32>} : memref<128x64xf32, #tpu.memory_space<vmem>>, vector<1x16xf32>,
        %add3A_586 = arith.constant 32 : i32
        %add3A_587 = arith.addi %mul3A_554, %add3A_586 : i32
        %get3A_588 = arith.index_cast %add3A_548 : i32 to index
        %get3A_589 = arith.index_cast %add3A_587 : i32 to index
        %get3A_590 = tpu.vector_load %arg12[%get3A_588, %get3A_589] {strides = array<i32>} : memref<128x128xf32, #tpu.memory_space<vmem>>, vector<1x16xf32>,
        %get3A_591 = vector.shape_cast %get3A_590 : vector<1x16xf32> to vector<16xf32>
        %mul3A_592 = vector.broadcast %mul3A_559 : f32 to vector<16xf32>
        %mul3A_593 = arith.mulf %get3A_591, %mul3A_592 : vector<16xf32>
        %swap3A_594 = arith.index_cast %add3A_548 : i32 to index
        %swap3A_595 = arith.constant 32 : index
        %swap3A_596 = tpu.vector_load %arg14[%swap3A_594, %swap3A_595] {strides = array<i32>} : memref<128x64xf32, #tpu.memory_space<vmem>>, vector<1x16xf32>,
        %swap3A_597 = vector.shape_cast %swap3A_596 : vector<1x16xf32> to vector<16xf32>
        %swap3A_598 = vector.shape_cast %mul3A_593 : vector<16xf32> to vector<1x16xf32>
        tpu.vector_store %arg14[%swap3A_594, %swap3A_595], %swap3A_598 {strides = array<i32>} : memref<128x64xf32, #tpu.memory_space<vmem>>, vector<1x16xf32>,
        %add3A_599 = arith.constant 48 : i32
        %add3A_600 = arith.addi %mul3A_554, %add3A_599 : i32
        %get3A_601 = arith.index_cast %add3A_548 : i32 to index
        %get3A_602 = arith.index_cast %add3A_600 : i32 to index
        %get3A_603 = tpu.vector_load %arg12[%get3A_601, %get3A_602] {strides = array<i32>} : memref<128x128xf32, #tpu.memory_space<vmem>>, vector<1x16xf32>,
        %get3A_604 = vector.shape_cast %get3A_603 : vector<1x16xf32> to vector<16xf32>
        %mul3A_605 = vector.broadcast %mul3A_559 : f32 to vector<16xf32>
        %mul3A_606 = arith.mulf %get3A_604, %mul3A_605 : vector<16xf32>
        %swap3A_607 = arith.index_cast %add3A_548 : i32 to index
        %swap3A_608 = arith.constant 48 : index
        %swap3A_609 = tpu.vector_load %arg14[%swap3A_607, %swap3A_608] {strides = array<i32>} : memref<128x64xf32, #tpu.memory_space<vmem>>, vector<1x16xf32>,
        %swap3A_610 = vector.shape_cast %swap3A_609 : vector<1x16xf32> to vector<16xf32>
        %swap3A_611 = vector.shape_cast %mul3A_606 : vector<16xf32> to vector<1x16xf32>
        tpu.vector_store %arg14[%swap3A_607, %swap3A_608], %swap3A_611 {strides = array<i32>} : memref<128x64xf32, #tpu.memory_space<vmem>>, vector<1x16xf32>,
        %mul3A_612 = arith.constant 16 : i32
        %mul3A_613 = arith.muli %scan3A_130, %mul3A_612 : i32
        %add3A_614 = arith.constant 7 : i32
        %add3A_615 = arith.addi %mul3A_613, %add3A_614 : i32
        %slice3A_616 = vector.extract_strided_slice %get3A_136 {offsets = [7], sizes = [1], strides = [1]} : vector<16xi32> to vector<1xi32>
        %squeeze3A_617 = vector.extract %slice3A_616[0] : i32 from vector<1xi32>
        %and3A_618 = arith.constant 1 : i32
        %and3A_619 = arith.andi %squeeze3A_617, %and3A_618 : i32
        %mul3A_620 = arith.constant 64 : i32
        %mul3A_621 = arith.muli %and3A_619, %mul3A_620 : i32
        %slice3A_622 = vector.extract_strided_slice %get3A_141 {offsets = [7], sizes = [1], strides = [1]} : vector<16xf32> to vector<1xf32>
        %squeeze3A_623 = vector.extract %slice3A_622[0] : f32 from vector<1xf32>
        %slice3A_624 = vector.extract_strided_slice %get3A_146 {offsets = [7], sizes = [1], strides = [1]} : vector<16xf32> to vector<1xf32>
        %squeeze3A_625 = vector.extract %slice3A_624[0] : f32 from vector<1xf32>
        %mul3A_626 = arith.mulf %squeeze3A_623, %squeeze3A_625 : f32
        %add3A_627 = arith.constant 0 : i32
        %add3A_628 = arith.addi %mul3A_621, %add3A_627 : i32
        %get3A_629 = arith.index_cast %add3A_615 : i32 to index
        %get3A_630 = arith.index_cast %add3A_628 : i32 to index
        %get3A_631 = tpu.vector_load %arg12[%get3A_629, %get3A_630] {strides = array<i32>} : memref<128x128xf32, #tpu.memory_space<vmem>>, vector<1x16xf32>,
        %get3A_632 = vector.shape_cast %get3A_631 : vector<1x16xf32> to vector<16xf32>
        %mul3A_633 = vector.broadcast %mul3A_626 : f32 to vector<16xf32>
        %mul3A_634 = arith.mulf %get3A_632, %mul3A_633 : vector<16xf32>
        %swap3A_635 = arith.index_cast %add3A_615 : i32 to index
        %swap3A_636 = arith.constant 0 : index
        %swap3A_637 = tpu.vector_load %arg14[%swap3A_635, %swap3A_636] {strides = array<i32>} : memref<128x64xf32, #tpu.memory_space<vmem>>, vector<1x16xf32>,
        %swap3A_638 = vector.shape_cast %swap3A_637 : vector<1x16xf32> to vector<16xf32>
        %swap3A_639 = vector.shape_cast %mul3A_634 : vector<16xf32> to vector<1x16xf32>
        tpu.vector_store %arg14[%swap3A_635, %swap3A_636], %swap3A_639 {strides = array<i32>} : memref<128x64xf32, #tpu.memory_space<vmem>>, vector<1x16xf32>,
        %add3A_640 = arith.constant 16 : i32
        %add3A_641 = arith.addi %mul3A_621, %add3A_640 : i32
        %get3A_642 = arith.index_cast %add3A_615 : i32 to index
        %get3A_643 = arith.index_cast %add3A_641 : i32 to index
        %get3A_644 = tpu.vector_load %arg12[%get3A_642, %get3A_643] {strides = array<i32>} : memref<128x128xf32, #tpu.memory_space<vmem>>, vector<1x16xf32>,
        %get3A_645 = vector.shape_cast %get3A_644 : vector<1x16xf32> to vector<16xf32>
        %mul3A_646 = vector.broadcast %mul3A_626 : f32 to vector<16xf32>
        %mul3A_647 = arith.mulf %get3A_645, %mul3A_646 : vector<16xf32>
        %swap3A_648 = arith.index_cast %add3A_615 : i32 to index
        %swap3A_649 = arith.constant 16 : index
        %swap3A_650 = tpu.vector_load %arg14[%swap3A_648, %swap3A_649] {strides = array<i32>} : memref<128x64xf32, #tpu.memory_space<vmem>>, vector<1x16xf32>,
        %swap3A_651 = vector.shape_cast %swap3A_650 : vector<1x16xf32> to vector<16xf32>
        %swap3A_652 = vector.shape_cast %mul3A_647 : vector<16xf32> to vector<1x16xf32>
        tpu.vector_store %arg14[%swap3A_648, %swap3A_649], %swap3A_652 {strides = array<i32>} : memref<128x64xf32, #tpu.memory_space<vmem>>, vector<1x16xf32>,
        %add3A_653 = arith.constant 32 : i32
        %add3A_654 = arith.addi %mul3A_621, %add3A_653 : i32
        %get3A_655 = arith.index_cast %add3A_615 : i32 to index
        %get3A_656 = arith.index_cast %add3A_654 : i32 to index
        %get3A_657 = tpu.vector_load %arg12[%get3A_655, %get3A_656] {strides = array<i32>} : memref<128x128xf32, #tpu.memory_space<vmem>>, vector<1x16xf32>,
        %get3A_658 = vector.shape_cast %get3A_657 : vector<1x16xf32> to vector<16xf32>
        %mul3A_659 = vector.broadcast %mul3A_626 : f32 to vector<16xf32>
        %mul3A_660 = arith.mulf %get3A_658, %mul3A_659 : vector<16xf32>
        %swap3A_661 = arith.index_cast %add3A_615 : i32 to index
        %swap3A_662 = arith.constant 32 : index
        %swap3A_663 = tpu.vector_load %arg14[%swap3A_661, %swap3A_662] {strides = array<i32>} : memref<128x64xf32, #tpu.memory_space<vmem>>, vector<1x16xf32>,
        %swap3A_664 = vector.shape_cast %swap3A_663 : vector<1x16xf32> to vector<16xf32>
        %swap3A_665 = vector.shape_cast %mul3A_660 : vector<16xf32> to vector<1x16xf32>
        tpu.vector_store %arg14[%swap3A_661, %swap3A_662], %swap3A_665 {strides = array<i32>} : memref<128x64xf32, #tpu.memory_space<vmem>>, vector<1x16xf32>,
        %add3A_666 = arith.constant 48 : i32
        %add3A_667 = arith.addi %mul3A_621, %add3A_666 : i32
        %get3A_668 = arith.index_cast %add3A_615 : i32 to index
        %get3A_669 = arith.index_cast %add3A_667 : i32 to index
        %get3A_670 = tpu.vector_load %arg12[%get3A_668, %get3A_669] {strides = array<i32>} : memref<128x128xf32, #tpu.memory_space<vmem>>, vector<1x16xf32>,
        %get3A_671 = vector.shape_cast %get3A_670 : vector<1x16xf32> to vector<16xf32>
        %mul3A_672 = vector.broadcast %mul3A_626 : f32 to vector<16xf32>
        %mul3A_673 = arith.mulf %get3A_671, %mul3A_672 : vector<16xf32>
        %swap3A_674 = arith.index_cast %add3A_615 : i32 to index
        %swap3A_675 = arith.constant 48 : index
        %swap3A_676 = tpu.vector_load %arg14[%swap3A_674, %swap3A_675] {strides = array<i32>} : memref<128x64xf32, #tpu.memory_space<vmem>>, vector<1x16xf32>,
        %swap3A_677 = vector.shape_cast %swap3A_676 : vector<1x16xf32> to vector<16xf32>
        %swap3A_678 = vector.shape_cast %mul3A_673 : vector<16xf32> to vector<1x16xf32>
        tpu.vector_store %arg14[%swap3A_674, %swap3A_675], %swap3A_678 {strides = array<i32>} : memref<128x64xf32, #tpu.memory_space<vmem>>, vector<1x16xf32>,
        %mul3A_679 = arith.constant 16 : i32
        %mul3A_680 = arith.muli %scan3A_130, %mul3A_679 : i32
        %add3A_681 = arith.constant 8 : i32
        %add3A_682 = arith.addi %mul3A_680, %add3A_681 : i32
        %slice3A_683 = vector.extract_strided_slice %get3A_136 {offsets = [8], sizes = [1], strides = [1]} : vector<16xi32> to vector<1xi32>
        %squeeze3A_684 = vector.extract %slice3A_683[0] : i32 from vector<1xi32>
        %and3A_685 = arith.constant 1 : i32
        %and3A_686 = arith.andi %squeeze3A_684, %and3A_685 : i32
        %mul3A_687 = arith.constant 64 : i32
        %mul3A_688 = arith.muli %and3A_686, %mul3A_687 : i32
        %slice3A_689 = vector.extract_strided_slice %get3A_141 {offsets = [8], sizes = [1], strides = [1]} : vector<16xf32> to vector<1xf32>
        %squeeze3A_690 = vector.extract %slice3A_689[0] : f32 from vector<1xf32>
        %slice3A_691 = vector.extract_strided_slice %get3A_146 {offsets = [8], sizes = [1], strides = [1]} : vector<16xf32> to vector<1xf32>
        %squeeze3A_692 = vector.extract %slice3A_691[0] : f32 from vector<1xf32>
        %mul3A_693 = arith.mulf %squeeze3A_690, %squeeze3A_692 : f32
        %add3A_694 = arith.constant 0 : i32
        %add3A_695 = arith.addi %mul3A_688, %add3A_694 : i32
        %get3A_696 = arith.index_cast %add3A_682 : i32 to index
        %get3A_697 = arith.index_cast %add3A_695 : i32 to index
        %get3A_698 = tpu.vector_load %arg12[%get3A_696, %get3A_697] {strides = array<i32>} : memref<128x128xf32, #tpu.memory_space<vmem>>, vector<1x16xf32>,
        %get3A_699 = vector.shape_cast %get3A_698 : vector<1x16xf32> to vector<16xf32>
        %mul3A_700 = vector.broadcast %mul3A_693 : f32 to vector<16xf32>
        %mul3A_701 = arith.mulf %get3A_699, %mul3A_700 : vector<16xf32>
        %swap3A_702 = arith.index_cast %add3A_682 : i32 to index
        %swap3A_703 = arith.constant 0 : index
        %swap3A_704 = tpu.vector_load %arg14[%swap3A_702, %swap3A_703] {strides = array<i32>} : memref<128x64xf32, #tpu.memory_space<vmem>>, vector<1x16xf32>,
        %swap3A_705 = vector.shape_cast %swap3A_704 : vector<1x16xf32> to vector<16xf32>
        %swap3A_706 = vector.shape_cast %mul3A_701 : vector<16xf32> to vector<1x16xf32>
        tpu.vector_store %arg14[%swap3A_702, %swap3A_703], %swap3A_706 {strides = array<i32>} : memref<128x64xf32, #tpu.memory_space<vmem>>, vector<1x16xf32>,
        %add3A_707 = arith.constant 16 : i32
        %add3A_708 = arith.addi %mul3A_688, %add3A_707 : i32
        %get3A_709 = arith.index_cast %add3A_682 : i32 to index
        %get3A_710 = arith.index_cast %add3A_708 : i32 to index
        %get3A_711 = tpu.vector_load %arg12[%get3A_709, %get3A_710] {strides = array<i32>} : memref<128x128xf32, #tpu.memory_space<vmem>>, vector<1x16xf32>,
        %get3A_712 = vector.shape_cast %get3A_711 : vector<1x16xf32> to vector<16xf32>
        %mul3A_713 = vector.broadcast %mul3A_693 : f32 to vector<16xf32>
        %mul3A_714 = arith.mulf %get3A_712, %mul3A_713 : vector<16xf32>
        %swap3A_715 = arith.index_cast %add3A_682 : i32 to index
        %swap3A_716 = arith.constant 16 : index
        %swap3A_717 = tpu.vector_load %arg14[%swap3A_715, %swap3A_716] {strides = array<i32>} : memref<128x64xf32, #tpu.memory_space<vmem>>, vector<1x16xf32>,
        %swap3A_718 = vector.shape_cast %swap3A_717 : vector<1x16xf32> to vector<16xf32>
        %swap3A_719 = vector.shape_cast %mul3A_714 : vector<16xf32> to vector<1x16xf32>
        tpu.vector_store %arg14[%swap3A_715, %swap3A_716], %swap3A_719 {strides = array<i32>} : memref<128x64xf32, #tpu.memory_space<vmem>>, vector<1x16xf32>,
        %add3A_720 = arith.constant 32 : i32
        %add3A_721 = arith.addi %mul3A_688, %add3A_720 : i32
        %get3A_722 = arith.index_cast %add3A_682 : i32 to index
        %get3A_723 = arith.index_cast %add3A_721 : i32 to index
        %get3A_724 = tpu.vector_load %arg12[%get3A_722, %get3A_723] {strides = array<i32>} : memref<128x128xf32, #tpu.memory_space<vmem>>, vector<1x16xf32>,
        %get3A_725 = vector.shape_cast %get3A_724 : vector<1x16xf32> to vector<16xf32>
        %mul3A_726 = vector.broadcast %mul3A_693 : f32 to vector<16xf32>
        %mul3A_727 = arith.mulf %get3A_725, %mul3A_726 : vector<16xf32>
        %swap3A_728 = arith.index_cast %add3A_682 : i32 to index
        %swap3A_729 = arith.constant 32 : index
        %swap3A_730 = tpu.vector_load %arg14[%swap3A_728, %swap3A_729] {strides = array<i32>} : memref<128x64xf32, #tpu.memory_space<vmem>>, vector<1x16xf32>,
        %swap3A_731 = vector.shape_cast %swap3A_730 : vector<1x16xf32> to vector<16xf32>
        %swap3A_732 = vector.shape_cast %mul3A_727 : vector<16xf32> to vector<1x16xf32>
        tpu.vector_store %arg14[%swap3A_728, %swap3A_729], %swap3A_732 {strides = array<i32>} : memref<128x64xf32, #tpu.memory_space<vmem>>, vector<1x16xf32>,
        %add3A_733 = arith.constant 48 : i32
        %add3A_734 = arith.addi %mul3A_688, %add3A_733 : i32
        %get3A_735 = arith.index_cast %add3A_682 : i32 to index
        %get3A_736 = arith.index_cast %add3A_734 : i32 to index
        %get3A_737 = tpu.vector_load %arg12[%get3A_735, %get3A_736] {strides = array<i32>} : memref<128x128xf32, #tpu.memory_space<vmem>>, vector<1x16xf32>,
        %get3A_738 = vector.shape_cast %get3A_737 : vector<1x16xf32> to vector<16xf32>
        %mul3A_739 = vector.broadcast %mul3A_693 : f32 to vector<16xf32>
        %mul3A_740 = arith.mulf %get3A_738, %mul3A_739 : vector<16xf32>
        %swap3A_741 = arith.index_cast %add3A_682 : i32 to index
        %swap3A_742 = arith.constant 48 : index
        %swap3A_743 = tpu.vector_load %arg14[%swap3A_741, %swap3A_742] {strides = array<i32>} : memref<128x64xf32, #tpu.memory_space<vmem>>, vector<1x16xf32>,
        %swap3A_744 = vector.shape_cast %swap3A_743 : vector<1x16xf32> to vector<16xf32>
        %swap3A_745 = vector.shape_cast %mul3A_740 : vector<16xf32> to vector<1x16xf32>
        tpu.vector_store %arg14[%swap3A_741, %swap3A_742], %swap3A_745 {strides = array<i32>} : memref<128x64xf32, #tpu.memory_space<vmem>>, vector<1x16xf32>,
        %mul3A_746 = arith.constant 16 : i32
        %mul3A_747 = arith.muli %scan3A_130, %mul3A_746 : i32
        %add3A_748 = arith.constant 9 : i32
        %add3A_749 = arith.addi %mul3A_747, %add3A_748 : i32
        %slice3A_750 = vector.extract_strided_slice %get3A_136 {offsets = [9], sizes = [1], strides = [1]} : vector<16xi32> to vector<1xi32>
        %squeeze3A_751 = vector.extract %slice3A_750[0] : i32 from vector<1xi32>
        %and3A_752 = arith.constant 1 : i32
        %and3A_753 = arith.andi %squeeze3A_751, %and3A_752 : i32
        %mul3A_754 = arith.constant 64 : i32
        %mul3A_755 = arith.muli %and3A_753, %mul3A_754 : i32
        %slice3A_756 = vector.extract_strided_slice %get3A_141 {offsets = [9], sizes = [1], strides = [1]} : vector<16xf32> to vector<1xf32>
        %squeeze3A_757 = vector.extract %slice3A_756[0] : f32 from vector<1xf32>
        %slice3A_758 = vector.extract_strided_slice %get3A_146 {offsets = [9], sizes = [1], strides = [1]} : vector<16xf32> to vector<1xf32>
        %squeeze3A_759 = vector.extract %slice3A_758[0] : f32 from vector<1xf32>
        %mul3A_760 = arith.mulf %squeeze3A_757, %squeeze3A_759 : f32
        %add3A_761 = arith.constant 0 : i32
        %add3A_762 = arith.addi %mul3A_755, %add3A_761 : i32
        %get3A_763 = arith.index_cast %add3A_749 : i32 to index
        %get3A_764 = arith.index_cast %add3A_762 : i32 to index
        %get3A_765 = tpu.vector_load %arg12[%get3A_763, %get3A_764] {strides = array<i32>} : memref<128x128xf32, #tpu.memory_space<vmem>>, vector<1x16xf32>,
        %get3A_766 = vector.shape_cast %get3A_765 : vector<1x16xf32> to vector<16xf32>
        %mul3A_767 = vector.broadcast %mul3A_760 : f32 to vector<16xf32>
        %mul3A_768 = arith.mulf %get3A_766, %mul3A_767 : vector<16xf32>
        %swap3A_769 = arith.index_cast %add3A_749 : i32 to index
        %swap3A_770 = arith.constant 0 : index
        %swap3A_771 = tpu.vector_load %arg14[%swap3A_769, %swap3A_770] {strides = array<i32>} : memref<128x64xf32, #tpu.memory_space<vmem>>, vector<1x16xf32>,
        %swap3A_772 = vector.shape_cast %swap3A_771 : vector<1x16xf32> to vector<16xf32>
        %swap3A_773 = vector.shape_cast %mul3A_768 : vector<16xf32> to vector<1x16xf32>
        tpu.vector_store %arg14[%swap3A_769, %swap3A_770], %swap3A_773 {strides = array<i32>} : memref<128x64xf32, #tpu.memory_space<vmem>>, vector<1x16xf32>,
        %add3A_774 = arith.constant 16 : i32
        %add3A_775 = arith.addi %mul3A_755, %add3A_774 : i32
        %get3A_776 = arith.index_cast %add3A_749 : i32 to index
        %get3A_777 = arith.index_cast %add3A_775 : i32 to index
        %get3A_778 = tpu.vector_load %arg12[%get3A_776, %get3A_777] {strides = array<i32>} : memref<128x128xf32, #tpu.memory_space<vmem>>, vector<1x16xf32>,
        %get3A_779 = vector.shape_cast %get3A_778 : vector<1x16xf32> to vector<16xf32>
        %mul3A_780 = vector.broadcast %mul3A_760 : f32 to vector<16xf32>
        %mul3A_781 = arith.mulf %get3A_779, %mul3A_780 : vector<16xf32>
        %swap3A_782 = arith.index_cast %add3A_749 : i32 to index
        %swap3A_783 = arith.constant 16 : index
        %swap3A_784 = tpu.vector_load %arg14[%swap3A_782, %swap3A_783] {strides = array<i32>} : memref<128x64xf32, #tpu.memory_space<vmem>>, vector<1x16xf32>,
        %swap3A_785 = vector.shape_cast %swap3A_784 : vector<1x16xf32> to vector<16xf32>
        %swap3A_786 = vector.shape_cast %mul3A_781 : vector<16xf32> to vector<1x16xf32>
        tpu.vector_store %arg14[%swap3A_782, %swap3A_783], %swap3A_786 {strides = array<i32>} : memref<128x64xf32, #tpu.memory_space<vmem>>, vector<1x16xf32>,
        %add3A_787 = arith.constant 32 : i32
        %add3A_788 = arith.addi %mul3A_755, %add3A_787 : i32
        %get3A_789 = arith.index_cast %add3A_749 : i32 to index
        %get3A_790 = arith.index_cast %add3A_788 : i32 to index
        %get3A_791 = tpu.vector_load %arg12[%get3A_789, %get3A_790] {strides = array<i32>} : memref<128x128xf32, #tpu.memory_space<vmem>>, vector<1x16xf32>,
        %get3A_792 = vector.shape_cast %get3A_791 : vector<1x16xf32> to vector<16xf32>
        %mul3A_793 = vector.broadcast %mul3A_760 : f32 to vector<16xf32>
        %mul3A_794 = arith.mulf %get3A_792, %mul3A_793 : vector<16xf32>
        %swap3A_795 = arith.index_cast %add3A_749 : i32 to index
        %swap3A_796 = arith.constant 32 : index
        %swap3A_797 = tpu.vector_load %arg14[%swap3A_795, %swap3A_796] {strides = array<i32>} : memref<128x64xf32, #tpu.memory_space<vmem>>, vector<1x16xf32>,
        %swap3A_798 = vector.shape_cast %swap3A_797 : vector<1x16xf32> to vector<16xf32>
        %swap3A_799 = vector.shape_cast %mul3A_794 : vector<16xf32> to vector<1x16xf32>
        tpu.vector_store %arg14[%swap3A_795, %swap3A_796], %swap3A_799 {strides = array<i32>} : memref<128x64xf32, #tpu.memory_space<vmem>>, vector<1x16xf32>,
        %add3A_800 = arith.constant 48 : i32
        %add3A_801 = arith.addi %mul3A_755, %add3A_800 : i32
        %get3A_802 = arith.index_cast %add3A_749 : i32 to index
        %get3A_803 = arith.index_cast %add3A_801 : i32 to index
        %get3A_804 = tpu.vector_load %arg12[%get3A_802, %get3A_803] {strides = array<i32>} : memref<128x128xf32, #tpu.memory_space<vmem>>, vector<1x16xf32>,
        %get3A_805 = vector.shape_cast %get3A_804 : vector<1x16xf32> to vector<16xf32>
        %mul3A_806 = vector.broadcast %mul3A_760 : f32 to vector<16xf32>
        %mul3A_807 = arith.mulf %get3A_805, %mul3A_806 : vector<16xf32>
        %swap3A_808 = arith.index_cast %add3A_749 : i32 to index
        %swap3A_809 = arith.constant 48 : index
        %swap3A_810 = tpu.vector_load %arg14[%swap3A_808, %swap3A_809] {strides = array<i32>} : memref<128x64xf32, #tpu.memory_space<vmem>>, vector<1x16xf32>,
        %swap3A_811 = vector.shape_cast %swap3A_810 : vector<1x16xf32> to vector<16xf32>
        %swap3A_812 = vector.shape_cast %mul3A_807 : vector<16xf32> to vector<1x16xf32>
        tpu.vector_store %arg14[%swap3A_808, %swap3A_809], %swap3A_812 {strides = array<i32>} : memref<128x64xf32, #tpu.memory_space<vmem>>, vector<1x16xf32>,
        %mul3A_813 = arith.constant 16 : i32
        %mul3A_814 = arith.muli %scan3A_130, %mul3A_813 : i32
        %add3A_815 = arith.constant 10 : i32
        %add3A_816 = arith.addi %mul3A_814, %add3A_815 : i32
        %slice3A_817 = vector.extract_strided_slice %get3A_136 {offsets = [10], sizes = [1], strides = [1]} : vector<16xi32> to vector<1xi32>
        %squeeze3A_818 = vector.extract %slice3A_817[0] : i32 from vector<1xi32>
        %and3A_819 = arith.constant 1 : i32
        %and3A_820 = arith.andi %squeeze3A_818, %and3A_819 : i32
        %mul3A_821 = arith.constant 64 : i32
        %mul3A_822 = arith.muli %and3A_820, %mul3A_821 : i32
        %slice3A_823 = vector.extract_strided_slice %get3A_141 {offsets = [10], sizes = [1], strides = [1]} : vector<16xf32> to vector<1xf32>
        %squeeze3A_824 = vector.extract %slice3A_823[0] : f32 from vector<1xf32>
        %slice3A_825 = vector.extract_strided_slice %get3A_146 {offsets = [10], sizes = [1], strides = [1]} : vector<16xf32> to vector<1xf32>
        %squeeze3A_826 = vector.extract %slice3A_825[0] : f32 from vector<1xf32>
        %mul3A_827 = arith.mulf %squeeze3A_824, %squeeze3A_826 : f32
        %add3A_828 = arith.constant 0 : i32
        %add3A_829 = arith.addi %mul3A_822, %add3A_828 : i32
        %get3A_830 = arith.index_cast %add3A_816 : i32 to index
        %get3A_831 = arith.index_cast %add3A_829 : i32 to index
        %get3A_832 = tpu.vector_load %arg12[%get3A_830, %get3A_831] {strides = array<i32>} : memref<128x128xf32, #tpu.memory_space<vmem>>, vector<1x16xf32>,
        %get3A_833 = vector.shape_cast %get3A_832 : vector<1x16xf32> to vector<16xf32>
        %mul3A_834 = vector.broadcast %mul3A_827 : f32 to vector<16xf32>
        %mul3A_835 = arith.mulf %get3A_833, %mul3A_834 : vector<16xf32>
        %swap3A_836 = arith.index_cast %add3A_816 : i32 to index
        %swap3A_837 = arith.constant 0 : index
        %swap3A_838 = tpu.vector_load %arg14[%swap3A_836, %swap3A_837] {strides = array<i32>} : memref<128x64xf32, #tpu.memory_space<vmem>>, vector<1x16xf32>,
        %swap3A_839 = vector.shape_cast %swap3A_838 : vector<1x16xf32> to vector<16xf32>
        %swap3A_840 = vector.shape_cast %mul3A_835 : vector<16xf32> to vector<1x16xf32>
        tpu.vector_store %arg14[%swap3A_836, %swap3A_837], %swap3A_840 {strides = array<i32>} : memref<128x64xf32, #tpu.memory_space<vmem>>, vector<1x16xf32>,
        %add3A_841 = arith.constant 16 : i32
        %add3A_842 = arith.addi %mul3A_822, %add3A_841 : i32
        %get3A_843 = arith.index_cast %add3A_816 : i32 to index
        %get3A_844 = arith.index_cast %add3A_842 : i32 to index
        %get3A_845 = tpu.vector_load %arg12[%get3A_843, %get3A_844] {strides = array<i32>} : memref<128x128xf32, #tpu.memory_space<vmem>>, vector<1x16xf32>,
        %get3A_846 = vector.shape_cast %get3A_845 : vector<1x16xf32> to vector<16xf32>
        %mul3A_847 = vector.broadcast %mul3A_827 : f32 to vector<16xf32>
        %mul3A_848 = arith.mulf %get3A_846, %mul3A_847 : vector<16xf32>
        %swap3A_849 = arith.index_cast %add3A_816 : i32 to index
        %swap3A_850 = arith.constant 16 : index
        %swap3A_851 = tpu.vector_load %arg14[%swap3A_849, %swap3A_850] {strides = array<i32>} : memref<128x64xf32, #tpu.memory_space<vmem>>, vector<1x16xf32>,
        %swap3A_852 = vector.shape_cast %swap3A_851 : vector<1x16xf32> to vector<16xf32>
        %swap3A_853 = vector.shape_cast %mul3A_848 : vector<16xf32> to vector<1x16xf32>
        tpu.vector_store %arg14[%swap3A_849, %swap3A_850], %swap3A_853 {strides = array<i32>} : memref<128x64xf32, #tpu.memory_space<vmem>>, vector<1x16xf32>,
        %add3A_854 = arith.constant 32 : i32
        %add3A_855 = arith.addi %mul3A_822, %add3A_854 : i32
        %get3A_856 = arith.index_cast %add3A_816 : i32 to index
        %get3A_857 = arith.index_cast %add3A_855 : i32 to index
        %get3A_858 = tpu.vector_load %arg12[%get3A_856, %get3A_857] {strides = array<i32>} : memref<128x128xf32, #tpu.memory_space<vmem>>, vector<1x16xf32>,
        %get3A_859 = vector.shape_cast %get3A_858 : vector<1x16xf32> to vector<16xf32>
        %mul3A_860 = vector.broadcast %mul3A_827 : f32 to vector<16xf32>
        %mul3A_861 = arith.mulf %get3A_859, %mul3A_860 : vector<16xf32>
        %swap3A_862 = arith.index_cast %add3A_816 : i32 to index
        %swap3A_863 = arith.constant 32 : index
        %swap3A_864 = tpu.vector_load %arg14[%swap3A_862, %swap3A_863] {strides = array<i32>} : memref<128x64xf32, #tpu.memory_space<vmem>>, vector<1x16xf32>,
        %swap3A_865 = vector.shape_cast %swap3A_864 : vector<1x16xf32> to vector<16xf32>
        %swap3A_866 = vector.shape_cast %mul3A_861 : vector<16xf32> to vector<1x16xf32>
        tpu.vector_store %arg14[%swap3A_862, %swap3A_863], %swap3A_866 {strides = array<i32>} : memref<128x64xf32, #tpu.memory_space<vmem>>, vector<1x16xf32>,
        %add3A_867 = arith.constant 48 : i32
        %add3A_868 = arith.addi %mul3A_822, %add3A_867 : i32
        %get3A_869 = arith.index_cast %add3A_816 : i32 to index
        %get3A_870 = arith.index_cast %add3A_868 : i32 to index
        %get3A_871 = tpu.vector_load %arg12[%get3A_869, %get3A_870] {strides = array<i32>} : memref<128x128xf32, #tpu.memory_space<vmem>>, vector<1x16xf32>,
        %get3A_872 = vector.shape_cast %get3A_871 : vector<1x16xf32> to vector<16xf32>
        %mul3A_873 = vector.broadcast %mul3A_827 : f32 to vector<16xf32>
        %mul3A_874 = arith.mulf %get3A_872, %mul3A_873 : vector<16xf32>
        %swap3A_875 = arith.index_cast %add3A_816 : i32 to index
        %swap3A_876 = arith.constant 48 : index
        %swap3A_877 = tpu.vector_load %arg14[%swap3A_875, %swap3A_876] {strides = array<i32>} : memref<128x64xf32, #tpu.memory_space<vmem>>, vector<1x16xf32>,
        %swap3A_878 = vector.shape_cast %swap3A_877 : vector<1x16xf32> to vector<16xf32>
        %swap3A_879 = vector.shape_cast %mul3A_874 : vector<16xf32> to vector<1x16xf32>
        tpu.vector_store %arg14[%swap3A_875, %swap3A_876], %swap3A_879 {strides = array<i32>} : memref<128x64xf32, #tpu.memory_space<vmem>>, vector<1x16xf32>,
        %mul3A_880 = arith.constant 16 : i32
        %mul3A_881 = arith.muli %scan3A_130, %mul3A_880 : i32
        %add3A_882 = arith.constant 11 : i32
        %add3A_883 = arith.addi %mul3A_881, %add3A_882 : i32
        %slice3A_884 = vector.extract_strided_slice %get3A_136 {offsets = [11], sizes = [1], strides = [1]} : vector<16xi32> to vector<1xi32>
        %squeeze3A_885 = vector.extract %slice3A_884[0] : i32 from vector<1xi32>
        %and3A_886 = arith.constant 1 : i32
        %and3A_887 = arith.andi %squeeze3A_885, %and3A_886 : i32
        %mul3A_888 = arith.constant 64 : i32
        %mul3A_889 = arith.muli %and3A_887, %mul3A_888 : i32
        %slice3A_890 = vector.extract_strided_slice %get3A_141 {offsets = [11], sizes = [1], strides = [1]} : vector<16xf32> to vector<1xf32>
        %squeeze3A_891 = vector.extract %slice3A_890[0] : f32 from vector<1xf32>
        %slice3A_892 = vector.extract_strided_slice %get3A_146 {offsets = [11], sizes = [1], strides = [1]} : vector<16xf32> to vector<1xf32>
        %squeeze3A_893 = vector.extract %slice3A_892[0] : f32 from vector<1xf32>
        %mul3A_894 = arith.mulf %squeeze3A_891, %squeeze3A_893 : f32
        %add3A_895 = arith.constant 0 : i32
        %add3A_896 = arith.addi %mul3A_889, %add3A_895 : i32
        %get3A_897 = arith.index_cast %add3A_883 : i32 to index
        %get3A_898 = arith.index_cast %add3A_896 : i32 to index
        %get3A_899 = tpu.vector_load %arg12[%get3A_897, %get3A_898] {strides = array<i32>} : memref<128x128xf32, #tpu.memory_space<vmem>>, vector<1x16xf32>,
        %get3A_900 = vector.shape_cast %get3A_899 : vector<1x16xf32> to vector<16xf32>
        %mul3A_901 = vector.broadcast %mul3A_894 : f32 to vector<16xf32>
        %mul3A_902 = arith.mulf %get3A_900, %mul3A_901 : vector<16xf32>
        %swap3A_903 = arith.index_cast %add3A_883 : i32 to index
        %swap3A_904 = arith.constant 0 : index
        %swap3A_905 = tpu.vector_load %arg14[%swap3A_903, %swap3A_904] {strides = array<i32>} : memref<128x64xf32, #tpu.memory_space<vmem>>, vector<1x16xf32>,
        %swap3A_906 = vector.shape_cast %swap3A_905 : vector<1x16xf32> to vector<16xf32>
        %swap3A_907 = vector.shape_cast %mul3A_902 : vector<16xf32> to vector<1x16xf32>
        tpu.vector_store %arg14[%swap3A_903, %swap3A_904], %swap3A_907 {strides = array<i32>} : memref<128x64xf32, #tpu.memory_space<vmem>>, vector<1x16xf32>,
        %add3A_908 = arith.constant 16 : i32
        %add3A_909 = arith.addi %mul3A_889, %add3A_908 : i32
        %get3A_910 = arith.index_cast %add3A_883 : i32 to index
        %get3A_911 = arith.index_cast %add3A_909 : i32 to index
        %get3A_912 = tpu.vector_load %arg12[%get3A_910, %get3A_911] {strides = array<i32>} : memref<128x128xf32, #tpu.memory_space<vmem>>, vector<1x16xf32>,
        %get3A_913 = vector.shape_cast %get3A_912 : vector<1x16xf32> to vector<16xf32>
        %mul3A_914 = vector.broadcast %mul3A_894 : f32 to vector<16xf32>
        %mul3A_915 = arith.mulf %get3A_913, %mul3A_914 : vector<16xf32>
        %swap3A_916 = arith.index_cast %add3A_883 : i32 to index
        %swap3A_917 = arith.constant 16 : index
        %swap3A_918 = tpu.vector_load %arg14[%swap3A_916, %swap3A_917] {strides = array<i32>} : memref<128x64xf32, #tpu.memory_space<vmem>>, vector<1x16xf32>,
        %swap3A_919 = vector.shape_cast %swap3A_918 : vector<1x16xf32> to vector<16xf32>
        %swap3A_920 = vector.shape_cast %mul3A_915 : vector<16xf32> to vector<1x16xf32>
        tpu.vector_store %arg14[%swap3A_916, %swap3A_917], %swap3A_920 {strides = array<i32>} : memref<128x64xf32, #tpu.memory_space<vmem>>, vector<1x16xf32>,
        %add3A_921 = arith.constant 32 : i32
        %add3A_922 = arith.addi %mul3A_889, %add3A_921 : i32
        %get3A_923 = arith.index_cast %add3A_883 : i32 to index
        %get3A_924 = arith.index_cast %add3A_922 : i32 to index
        %get3A_925 = tpu.vector_load %arg12[%get3A_923, %get3A_924] {strides = array<i32>} : memref<128x128xf32, #tpu.memory_space<vmem>>, vector<1x16xf32>,
        %get3A_926 = vector.shape_cast %get3A_925 : vector<1x16xf32> to vector<16xf32>
        %mul3A_927 = vector.broadcast %mul3A_894 : f32 to vector<16xf32>
        %mul3A_928 = arith.mulf %get3A_926, %mul3A_927 : vector<16xf32>
        %swap3A_929 = arith.index_cast %add3A_883 : i32 to index
        %swap3A_930 = arith.constant 32 : index
        %swap3A_931 = tpu.vector_load %arg14[%swap3A_929, %swap3A_930] {strides = array<i32>} : memref<128x64xf32, #tpu.memory_space<vmem>>, vector<1x16xf32>,
        %swap3A_932 = vector.shape_cast %swap3A_931 : vector<1x16xf32> to vector<16xf32>
        %swap3A_933 = vector.shape_cast %mul3A_928 : vector<16xf32> to vector<1x16xf32>
        tpu.vector_store %arg14[%swap3A_929, %swap3A_930], %swap3A_933 {strides = array<i32>} : memref<128x64xf32, #tpu.memory_space<vmem>>, vector<1x16xf32>,
        %add3A_934 = arith.constant 48 : i32
        %add3A_935 = arith.addi %mul3A_889, %add3A_934 : i32
        %get3A_936 = arith.index_cast %add3A_883 : i32 to index
        %get3A_937 = arith.index_cast %add3A_935 : i32 to index
        %get3A_938 = tpu.vector_load %arg12[%get3A_936, %get3A_937] {strides = array<i32>} : memref<128x128xf32, #tpu.memory_space<vmem>>, vector<1x16xf32>,
        %get3A_939 = vector.shape_cast %get3A_938 : vector<1x16xf32> to vector<16xf32>
        %mul3A_940 = vector.broadcast %mul3A_894 : f32 to vector<16xf32>
        %mul3A_941 = arith.mulf %get3A_939, %mul3A_940 : vector<16xf32>
        %swap3A_942 = arith.index_cast %add3A_883 : i32 to index
        %swap3A_943 = arith.constant 48 : index
        %swap3A_944 = tpu.vector_load %arg14[%swap3A_942, %swap3A_943] {strides = array<i32>} : memref<128x64xf32, #tpu.memory_space<vmem>>, vector<1x16xf32>,
        %swap3A_945 = vector.shape_cast %swap3A_944 : vector<1x16xf32> to vector<16xf32>
        %swap3A_946 = vector.shape_cast %mul3A_941 : vector<16xf32> to vector<1x16xf32>
        tpu.vector_store %arg14[%swap3A_942, %swap3A_943], %swap3A_946 {strides = array<i32>} : memref<128x64xf32, #tpu.memory_space<vmem>>, vector<1x16xf32>,
        %mul3A_947 = arith.constant 16 : i32
        %mul3A_948 = arith.muli %scan3A_130, %mul3A_947 : i32
        %add3A_949 = arith.constant 12 : i32
        %add3A_950 = arith.addi %mul3A_948, %add3A_949 : i32
        %slice3A_951 = vector.extract_strided_slice %get3A_136 {offsets = [12], sizes = [1], strides = [1]} : vector<16xi32> to vector<1xi32>
        %squeeze3A_952 = vector.extract %slice3A_951[0] : i32 from vector<1xi32>
        %and3A_953 = arith.constant 1 : i32
        %and3A_954 = arith.andi %squeeze3A_952, %and3A_953 : i32
        %mul3A_955 = arith.constant 64 : i32
        %mul3A_956 = arith.muli %and3A_954, %mul3A_955 : i32
        %slice3A_957 = vector.extract_strided_slice %get3A_141 {offsets = [12], sizes = [1], strides = [1]} : vector<16xf32> to vector<1xf32>
        %squeeze3A_958 = vector.extract %slice3A_957[0] : f32 from vector<1xf32>
        %slice3A_959 = vector.extract_strided_slice %get3A_146 {offsets = [12], sizes = [1], strides = [1]} : vector<16xf32> to vector<1xf32>
        %squeeze3A_960 = vector.extract %slice3A_959[0] : f32 from vector<1xf32>
        %mul3A_961 = arith.mulf %squeeze3A_958, %squeeze3A_960 : f32
        %add3A_962 = arith.constant 0 : i32
        %add3A_963 = arith.addi %mul3A_956, %add3A_962 : i32
        %get3A_964 = arith.index_cast %add3A_950 : i32 to index
        %get3A_965 = arith.index_cast %add3A_963 : i32 to index
        %get3A_966 = tpu.vector_load %arg12[%get3A_964, %get3A_965] {strides = array<i32>} : memref<128x128xf32, #tpu.memory_space<vmem>>, vector<1x16xf32>,
        %get3A_967 = vector.shape_cast %get3A_966 : vector<1x16xf32> to vector<16xf32>
        %mul3A_968 = vector.broadcast %mul3A_961 : f32 to vector<16xf32>
        %mul3A_969 = arith.mulf %get3A_967, %mul3A_968 : vector<16xf32>
        %swap3A_970 = arith.index_cast %add3A_950 : i32 to index
        %swap3A_971 = arith.constant 0 : index
        %swap3A_972 = tpu.vector_load %arg14[%swap3A_970, %swap3A_971] {strides = array<i32>} : memref<128x64xf32, #tpu.memory_space<vmem>>, vector<1x16xf32>,
        %swap3A_973 = vector.shape_cast %swap3A_972 : vector<1x16xf32> to vector<16xf32>
        %swap3A_974 = vector.shape_cast %mul3A_969 : vector<16xf32> to vector<1x16xf32>
        tpu.vector_store %arg14[%swap3A_970, %swap3A_971], %swap3A_974 {strides = array<i32>} : memref<128x64xf32, #tpu.memory_space<vmem>>, vector<1x16xf32>,
        %add3A_975 = arith.constant 16 : i32
        %add3A_976 = arith.addi %mul3A_956, %add3A_975 : i32
        %get3A_977 = arith.index_cast %add3A_950 : i32 to index
        %get3A_978 = arith.index_cast %add3A_976 : i32 to index
        %get3A_979 = tpu.vector_load %arg12[%get3A_977, %get3A_978] {strides = array<i32>} : memref<128x128xf32, #tpu.memory_space<vmem>>, vector<1x16xf32>,
        %get3A_980 = vector.shape_cast %get3A_979 : vector<1x16xf32> to vector<16xf32>
        %mul3A_981 = vector.broadcast %mul3A_961 : f32 to vector<16xf32>
        %mul3A_982 = arith.mulf %get3A_980, %mul3A_981 : vector<16xf32>
        %swap3A_983 = arith.index_cast %add3A_950 : i32 to index
        %swap3A_984 = arith.constant 16 : index
        %swap3A_985 = tpu.vector_load %arg14[%swap3A_983, %swap3A_984] {strides = array<i32>} : memref<128x64xf32, #tpu.memory_space<vmem>>, vector<1x16xf32>,
        %swap3A_986 = vector.shape_cast %swap3A_985 : vector<1x16xf32> to vector<16xf32>
        %swap3A_987 = vector.shape_cast %mul3A_982 : vector<16xf32> to vector<1x16xf32>
        tpu.vector_store %arg14[%swap3A_983, %swap3A_984], %swap3A_987 {strides = array<i32>} : memref<128x64xf32, #tpu.memory_space<vmem>>, vector<1x16xf32>,
        %add3A_988 = arith.constant 32 : i32
        %add3A_989 = arith.addi %mul3A_956, %add3A_988 : i32
        %get3A_990 = arith.index_cast %add3A_950 : i32 to index
        %get3A_991 = arith.index_cast %add3A_989 : i32 to index
        %get3A_992 = tpu.vector_load %arg12[%get3A_990, %get3A_991] {strides = array<i32>} : memref<128x128xf32, #tpu.memory_space<vmem>>, vector<1x16xf32>,
        %get3A_993 = vector.shape_cast %get3A_992 : vector<1x16xf32> to vector<16xf32>
        %mul3A_994 = vector.broadcast %mul3A_961 : f32 to vector<16xf32>
        %mul3A_995 = arith.mulf %get3A_993, %mul3A_994 : vector<16xf32>
        %swap3A_996 = arith.index_cast %add3A_950 : i32 to index
        %swap3A_997 = arith.constant 32 : index
        %swap3A_998 = tpu.vector_load %arg14[%swap3A_996, %swap3A_997] {strides = array<i32>} : memref<128x64xf32, #tpu.memory_space<vmem>>, vector<1x16xf32>,
        %swap3A_999 = vector.shape_cast %swap3A_998 : vector<1x16xf32> to vector<16xf32>
        %swap3A_1000 = vector.shape_cast %mul3A_995 : vector<16xf32> to vector<1x16xf32>
        tpu.vector_store %arg14[%swap3A_996, %swap3A_997], %swap3A_1000 {strides = array<i32>} : memref<128x64xf32, #tpu.memory_space<vmem>>, vector<1x16xf32>,
        %add3A_1001 = arith.constant 48 : i32
        %add3A_1002 = arith.addi %mul3A_956, %add3A_1001 : i32
        %get3A_1003 = arith.index_cast %add3A_950 : i32 to index
        %get3A_1004 = arith.index_cast %add3A_1002 : i32 to index
        %get3A_1005 = tpu.vector_load %arg12[%get3A_1003, %get3A_1004] {strides = array<i32>} : memref<128x128xf32, #tpu.memory_space<vmem>>, vector<1x16xf32>,
        %get3A_1006 = vector.shape_cast %get3A_1005 : vector<1x16xf32> to vector<16xf32>
        %mul3A_1007 = vector.broadcast %mul3A_961 : f32 to vector<16xf32>
        %mul3A_1008 = arith.mulf %get3A_1006, %mul3A_1007 : vector<16xf32>
        %swap3A_1009 = arith.index_cast %add3A_950 : i32 to index
        %swap3A_1010 = arith.constant 48 : index
        %swap3A_1011 = tpu.vector_load %arg14[%swap3A_1009, %swap3A_1010] {strides = array<i32>} : memref<128x64xf32, #tpu.memory_space<vmem>>, vector<1x16xf32>,
        %swap3A_1012 = vector.shape_cast %swap3A_1011 : vector<1x16xf32> to vector<16xf32>
        %swap3A_1013 = vector.shape_cast %mul3A_1008 : vector<16xf32> to vector<1x16xf32>
        tpu.vector_store %arg14[%swap3A_1009, %swap3A_1010], %swap3A_1013 {strides = array<i32>} : memref<128x64xf32, #tpu.memory_space<vmem>>, vector<1x16xf32>,
        %mul3A_1014 = arith.constant 16 : i32
        %mul3A_1015 = arith.muli %scan3A_130, %mul3A_1014 : i32
        %add3A_1016 = arith.constant 13 : i32
        %add3A_1017 = arith.addi %mul3A_1015, %add3A_1016 : i32
        %slice3A_1018 = vector.extract_strided_slice %get3A_136 {offsets = [13], sizes = [1], strides = [1]} : vector<16xi32> to vector<1xi32>
        %squeeze3A_1019 = vector.extract %slice3A_1018[0] : i32 from vector<1xi32>
        %and3A_1020 = arith.constant 1 : i32
        %and3A_1021 = arith.andi %squeeze3A_1019, %and3A_1020 : i32
        %mul3A_1022 = arith.constant 64 : i32
        %mul3A_1023 = arith.muli %and3A_1021, %mul3A_1022 : i32
        %slice3A_1024 = vector.extract_strided_slice %get3A_141 {offsets = [13], sizes = [1], strides = [1]} : vector<16xf32> to vector<1xf32>
        %squeeze3A_1025 = vector.extract %slice3A_1024[0] : f32 from vector<1xf32>
        %slice3A_1026 = vector.extract_strided_slice %get3A_146 {offsets = [13], sizes = [1], strides = [1]} : vector<16xf32> to vector<1xf32>
        %squeeze3A_1027 = vector.extract %slice3A_1026[0] : f32 from vector<1xf32>
        %mul3A_1028 = arith.mulf %squeeze3A_1025, %squeeze3A_1027 : f32
        %add3A_1029 = arith.constant 0 : i32
        %add3A_1030 = arith.addi %mul3A_1023, %add3A_1029 : i32
        %get3A_1031 = arith.index_cast %add3A_1017 : i32 to index
        %get3A_1032 = arith.index_cast %add3A_1030 : i32 to index
        %get3A_1033 = tpu.vector_load %arg12[%get3A_1031, %get3A_1032] {strides = array<i32>} : memref<128x128xf32, #tpu.memory_space<vmem>>, vector<1x16xf32>,
        %get3A_1034 = vector.shape_cast %get3A_1033 : vector<1x16xf32> to vector<16xf32>
        %mul3A_1035 = vector.broadcast %mul3A_1028 : f32 to vector<16xf32>
        %mul3A_1036 = arith.mulf %get3A_1034, %mul3A_1035 : vector<16xf32>
        %swap3A_1037 = arith.index_cast %add3A_1017 : i32 to index
        %swap3A_1038 = arith.constant 0 : index
        %swap3A_1039 = tpu.vector_load %arg14[%swap3A_1037, %swap3A_1038] {strides = array<i32>} : memref<128x64xf32, #tpu.memory_space<vmem>>, vector<1x16xf32>,
        %swap3A_1040 = vector.shape_cast %swap3A_1039 : vector<1x16xf32> to vector<16xf32>
        %swap3A_1041 = vector.shape_cast %mul3A_1036 : vector<16xf32> to vector<1x16xf32>
        tpu.vector_store %arg14[%swap3A_1037, %swap3A_1038], %swap3A_1041 {strides = array<i32>} : memref<128x64xf32, #tpu.memory_space<vmem>>, vector<1x16xf32>,
        %add3A_1042 = arith.constant 16 : i32
        %add3A_1043 = arith.addi %mul3A_1023, %add3A_1042 : i32
        %get3A_1044 = arith.index_cast %add3A_1017 : i32 to index
        %get3A_1045 = arith.index_cast %add3A_1043 : i32 to index
        %get3A_1046 = tpu.vector_load %arg12[%get3A_1044, %get3A_1045] {strides = array<i32>} : memref<128x128xf32, #tpu.memory_space<vmem>>, vector<1x16xf32>,
        %get3A_1047 = vector.shape_cast %get3A_1046 : vector<1x16xf32> to vector<16xf32>
        %mul3A_1048 = vector.broadcast %mul3A_1028 : f32 to vector<16xf32>
        %mul3A_1049 = arith.mulf %get3A_1047, %mul3A_1048 : vector<16xf32>
        %swap3A_1050 = arith.index_cast %add3A_1017 : i32 to index
        %swap3A_1051 = arith.constant 16 : index
        %swap3A_1052 = tpu.vector_load %arg14[%swap3A_1050, %swap3A_1051] {strides = array<i32>} : memref<128x64xf32, #tpu.memory_space<vmem>>, vector<1x16xf32>,
        %swap3A_1053 = vector.shape_cast %swap3A_1052 : vector<1x16xf32> to vector<16xf32>
        %swap3A_1054 = vector.shape_cast %mul3A_1049 : vector<16xf32> to vector<1x16xf32>
        tpu.vector_store %arg14[%swap3A_1050, %swap3A_1051], %swap3A_1054 {strides = array<i32>} : memref<128x64xf32, #tpu.memory_space<vmem>>, vector<1x16xf32>,
        %add3A_1055 = arith.constant 32 : i32
        %add3A_1056 = arith.addi %mul3A_1023, %add3A_1055 : i32
        %get3A_1057 = arith.index_cast %add3A_1017 : i32 to index
        %get3A_1058 = arith.index_cast %add3A_1056 : i32 to index
        %get3A_1059 = tpu.vector_load %arg12[%get3A_1057, %get3A_1058] {strides = array<i32>} : memref<128x128xf32, #tpu.memory_space<vmem>>, vector<1x16xf32>,
        %get3A_1060 = vector.shape_cast %get3A_1059 : vector<1x16xf32> to vector<16xf32>
        %mul3A_1061 = vector.broadcast %mul3A_1028 : f32 to vector<16xf32>
        %mul3A_1062 = arith.mulf %get3A_1060, %mul3A_1061 : vector<16xf32>
        %swap3A_1063 = arith.index_cast %add3A_1017 : i32 to index
        %swap3A_1064 = arith.constant 32 : index
        %swap3A_1065 = tpu.vector_load %arg14[%swap3A_1063, %swap3A_1064] {strides = array<i32>} : memref<128x64xf32, #tpu.memory_space<vmem>>, vector<1x16xf32>,
        %swap3A_1066 = vector.shape_cast %swap3A_1065 : vector<1x16xf32> to vector<16xf32>
        %swap3A_1067 = vector.shape_cast %mul3A_1062 : vector<16xf32> to vector<1x16xf32>
        tpu.vector_store %arg14[%swap3A_1063, %swap3A_1064], %swap3A_1067 {strides = array<i32>} : memref<128x64xf32, #tpu.memory_space<vmem>>, vector<1x16xf32>,
        %add3A_1068 = arith.constant 48 : i32
        %add3A_1069 = arith.addi %mul3A_1023, %add3A_1068 : i32
        %get3A_1070 = arith.index_cast %add3A_1017 : i32 to index
        %get3A_1071 = arith.index_cast %add3A_1069 : i32 to index
        %get3A_1072 = tpu.vector_load %arg12[%get3A_1070, %get3A_1071] {strides = array<i32>} : memref<128x128xf32, #tpu.memory_space<vmem>>, vector<1x16xf32>,
        %get3A_1073 = vector.shape_cast %get3A_1072 : vector<1x16xf32> to vector<16xf32>
        %mul3A_1074 = vector.broadcast %mul3A_1028 : f32 to vector<16xf32>
        %mul3A_1075 = arith.mulf %get3A_1073, %mul3A_1074 : vector<16xf32>
        %swap3A_1076 = arith.index_cast %add3A_1017 : i32 to index
        %swap3A_1077 = arith.constant 48 : index
        %swap3A_1078 = tpu.vector_load %arg14[%swap3A_1076, %swap3A_1077] {strides = array<i32>} : memref<128x64xf32, #tpu.memory_space<vmem>>, vector<1x16xf32>,
        %swap3A_1079 = vector.shape_cast %swap3A_1078 : vector<1x16xf32> to vector<16xf32>
        %swap3A_1080 = vector.shape_cast %mul3A_1075 : vector<16xf32> to vector<1x16xf32>
        tpu.vector_store %arg14[%swap3A_1076, %swap3A_1077], %swap3A_1080 {strides = array<i32>} : memref<128x64xf32, #tpu.memory_space<vmem>>, vector<1x16xf32>,
        %mul3A_1081 = arith.constant 16 : i32
        %mul3A_1082 = arith.muli %scan3A_130, %mul3A_1081 : i32
        %add3A_1083 = arith.constant 14 : i32
        %add3A_1084 = arith.addi %mul3A_1082, %add3A_1083 : i32
        %slice3A_1085 = vector.extract_strided_slice %get3A_136 {offsets = [14], sizes = [1], strides = [1]} : vector<16xi32> to vector<1xi32>
        %squeeze3A_1086 = vector.extract %slice3A_1085[0] : i32 from vector<1xi32>
        %and3A_1087 = arith.constant 1 : i32
        %and3A_1088 = arith.andi %squeeze3A_1086, %and3A_1087 : i32
        %mul3A_1089 = arith.constant 64 : i32
        %mul3A_1090 = arith.muli %and3A_1088, %mul3A_1089 : i32
        %slice3A_1091 = vector.extract_strided_slice %get3A_141 {offsets = [14], sizes = [1], strides = [1]} : vector<16xf32> to vector<1xf32>
        %squeeze3A_1092 = vector.extract %slice3A_1091[0] : f32 from vector<1xf32>
        %slice3A_1093 = vector.extract_strided_slice %get3A_146 {offsets = [14], sizes = [1], strides = [1]} : vector<16xf32> to vector<1xf32>
        %squeeze3A_1094 = vector.extract %slice3A_1093[0] : f32 from vector<1xf32>
        %mul3A_1095 = arith.mulf %squeeze3A_1092, %squeeze3A_1094 : f32
        %add3A_1096 = arith.constant 0 : i32
        %add3A_1097 = arith.addi %mul3A_1090, %add3A_1096 : i32
        %get3A_1098 = arith.index_cast %add3A_1084 : i32 to index
        %get3A_1099 = arith.index_cast %add3A_1097 : i32 to index
        %get3A_1100 = tpu.vector_load %arg12[%get3A_1098, %get3A_1099] {strides = array<i32>} : memref<128x128xf32, #tpu.memory_space<vmem>>, vector<1x16xf32>,
        %get3A_1101 = vector.shape_cast %get3A_1100 : vector<1x16xf32> to vector<16xf32>
        %mul3A_1102 = vector.broadcast %mul3A_1095 : f32 to vector<16xf32>
        %mul3A_1103 = arith.mulf %get3A_1101, %mul3A_1102 : vector<16xf32>
        %swap3A_1104 = arith.index_cast %add3A_1084 : i32 to index
        %swap3A_1105 = arith.constant 0 : index
        %swap3A_1106 = tpu.vector_load %arg14[%swap3A_1104, %swap3A_1105] {strides = array<i32>} : memref<128x64xf32, #tpu.memory_space<vmem>>, vector<1x16xf32>,
        %swap3A_1107 = vector.shape_cast %swap3A_1106 : vector<1x16xf32> to vector<16xf32>
        %swap3A_1108 = vector.shape_cast %mul3A_1103 : vector<16xf32> to vector<1x16xf32>
        tpu.vector_store %arg14[%swap3A_1104, %swap3A_1105], %swap3A_1108 {strides = array<i32>} : memref<128x64xf32, #tpu.memory_space<vmem>>, vector<1x16xf32>,
        %add3A_1109 = arith.constant 16 : i32
        %add3A_1110 = arith.addi %mul3A_1090, %add3A_1109 : i32
        %get3A_1111 = arith.index_cast %add3A_1084 : i32 to index
        %get3A_1112 = arith.index_cast %add3A_1110 : i32 to index
        %get3A_1113 = tpu.vector_load %arg12[%get3A_1111, %get3A_1112] {strides = array<i32>} : memref<128x128xf32, #tpu.memory_space<vmem>>, vector<1x16xf32>,
        %get3A_1114 = vector.shape_cast %get3A_1113 : vector<1x16xf32> to vector<16xf32>
        %mul3A_1115 = vector.broadcast %mul3A_1095 : f32 to vector<16xf32>
        %mul3A_1116 = arith.mulf %get3A_1114, %mul3A_1115 : vector<16xf32>
        %swap3A_1117 = arith.index_cast %add3A_1084 : i32 to index
        %swap3A_1118 = arith.constant 16 : index
        %swap3A_1119 = tpu.vector_load %arg14[%swap3A_1117, %swap3A_1118] {strides = array<i32>} : memref<128x64xf32, #tpu.memory_space<vmem>>, vector<1x16xf32>,
        %swap3A_1120 = vector.shape_cast %swap3A_1119 : vector<1x16xf32> to vector<16xf32>
        %swap3A_1121 = vector.shape_cast %mul3A_1116 : vector<16xf32> to vector<1x16xf32>
        tpu.vector_store %arg14[%swap3A_1117, %swap3A_1118], %swap3A_1121 {strides = array<i32>} : memref<128x64xf32, #tpu.memory_space<vmem>>, vector<1x16xf32>,
        %add3A_1122 = arith.constant 32 : i32
        %add3A_1123 = arith.addi %mul3A_1090, %add3A_1122 : i32
        %get3A_1124 = arith.index_cast %add3A_1084 : i32 to index
        %get3A_1125 = arith.index_cast %add3A_1123 : i32 to index
        %get3A_1126 = tpu.vector_load %arg12[%get3A_1124, %get3A_1125] {strides = array<i32>} : memref<128x128xf32, #tpu.memory_space<vmem>>, vector<1x16xf32>,
        %get3A_1127 = vector.shape_cast %get3A_1126 : vector<1x16xf32> to vector<16xf32>
        %mul3A_1128 = vector.broadcast %mul3A_1095 : f32 to vector<16xf32>
        %mul3A_1129 = arith.mulf %get3A_1127, %mul3A_1128 : vector<16xf32>
        %swap3A_1130 = arith.index_cast %add3A_1084 : i32 to index
        %swap3A_1131 = arith.constant 32 : index
        %swap3A_1132 = tpu.vector_load %arg14[%swap3A_1130, %swap3A_1131] {strides = array<i32>} : memref<128x64xf32, #tpu.memory_space<vmem>>, vector<1x16xf32>,
        %swap3A_1133 = vector.shape_cast %swap3A_1132 : vector<1x16xf32> to vector<16xf32>
        %swap3A_1134 = vector.shape_cast %mul3A_1129 : vector<16xf32> to vector<1x16xf32>
        tpu.vector_store %arg14[%swap3A_1130, %swap3A_1131], %swap3A_1134 {strides = array<i32>} : memref<128x64xf32, #tpu.memory_space<vmem>>, vector<1x16xf32>,
        %add3A_1135 = arith.constant 48 : i32
        %add3A_1136 = arith.addi %mul3A_1090, %add3A_1135 : i32
        %get3A_1137 = arith.index_cast %add3A_1084 : i32 to index
        %get3A_1138 = arith.index_cast %add3A_1136 : i32 to index
        %get3A_1139 = tpu.vector_load %arg12[%get3A_1137, %get3A_1138] {strides = array<i32>} : memref<128x128xf32, #tpu.memory_space<vmem>>, vector<1x16xf32>,
        %get3A_1140 = vector.shape_cast %get3A_1139 : vector<1x16xf32> to vector<16xf32>
        %mul3A_1141 = vector.broadcast %mul3A_1095 : f32 to vector<16xf32>
        %mul3A_1142 = arith.mulf %get3A_1140, %mul3A_1141 : vector<16xf32>
        %swap3A_1143 = arith.index_cast %add3A_1084 : i32 to index
        %swap3A_1144 = arith.constant 48 : index
        %swap3A_1145 = tpu.vector_load %arg14[%swap3A_1143, %swap3A_1144] {strides = array<i32>} : memref<128x64xf32, #tpu.memory_space<vmem>>, vector<1x16xf32>,
        %swap3A_1146 = vector.shape_cast %swap3A_1145 : vector<1x16xf32> to vector<16xf32>
        %swap3A_1147 = vector.shape_cast %mul3A_1142 : vector<16xf32> to vector<1x16xf32>
        tpu.vector_store %arg14[%swap3A_1143, %swap3A_1144], %swap3A_1147 {strides = array<i32>} : memref<128x64xf32, #tpu.memory_space<vmem>>, vector<1x16xf32>,
        %mul3A_1148 = arith.constant 16 : i32
        %mul3A_1149 = arith.muli %scan3A_130, %mul3A_1148 : i32
        %add3A_1150 = arith.constant 15 : i32
        %add3A_1151 = arith.addi %mul3A_1149, %add3A_1150 : i32
        %slice3A_1152 = vector.extract_strided_slice %get3A_136 {offsets = [15], sizes = [1], strides = [1]} : vector<16xi32> to vector<1xi32>
        %squeeze3A_1153 = vector.extract %slice3A_1152[0] : i32 from vector<1xi32>
        %and3A_1154 = arith.constant 1 : i32
        %and3A_1155 = arith.andi %squeeze3A_1153, %and3A_1154 : i32
        %mul3A_1156 = arith.constant 64 : i32
        %mul3A_1157 = arith.muli %and3A_1155, %mul3A_1156 : i32
        %slice3A_1158 = vector.extract_strided_slice %get3A_141 {offsets = [15], sizes = [1], strides = [1]} : vector<16xf32> to vector<1xf32>
        %squeeze3A_1159 = vector.extract %slice3A_1158[0] : f32 from vector<1xf32>
        %slice3A_1160 = vector.extract_strided_slice %get3A_146 {offsets = [15], sizes = [1], strides = [1]} : vector<16xf32> to vector<1xf32>
        %squeeze3A_1161 = vector.extract %slice3A_1160[0] : f32 from vector<1xf32>
        %mul3A_1162 = arith.mulf %squeeze3A_1159, %squeeze3A_1161 : f32
        %add3A_1163 = arith.constant 0 : i32
        %add3A_1164 = arith.addi %mul3A_1157, %add3A_1163 : i32
        %get3A_1165 = arith.index_cast %add3A_1151 : i32 to index
        %get3A_1166 = arith.index_cast %add3A_1164 : i32 to index
        %get3A_1167 = tpu.vector_load %arg12[%get3A_1165, %get3A_1166] {strides = array<i32>} : memref<128x128xf32, #tpu.memory_space<vmem>>, vector<1x16xf32>,
        %get3A_1168 = vector.shape_cast %get3A_1167 : vector<1x16xf32> to vector<16xf32>
        %mul3A_1169 = vector.broadcast %mul3A_1162 : f32 to vector<16xf32>
        %mul3A_1170 = arith.mulf %get3A_1168, %mul3A_1169 : vector<16xf32>
        %swap3A_1171 = arith.index_cast %add3A_1151 : i32 to index
        %swap3A_1172 = arith.constant 0 : index
        %swap3A_1173 = tpu.vector_load %arg14[%swap3A_1171, %swap3A_1172] {strides = array<i32>} : memref<128x64xf32, #tpu.memory_space<vmem>>, vector<1x16xf32>,
        %swap3A_1174 = vector.shape_cast %swap3A_1173 : vector<1x16xf32> to vector<16xf32>
        %swap3A_1175 = vector.shape_cast %mul3A_1170 : vector<16xf32> to vector<1x16xf32>
        tpu.vector_store %arg14[%swap3A_1171, %swap3A_1172], %swap3A_1175 {strides = array<i32>} : memref<128x64xf32, #tpu.memory_space<vmem>>, vector<1x16xf32>,
        %add3A_1176 = arith.constant 16 : i32
        %add3A_1177 = arith.addi %mul3A_1157, %add3A_1176 : i32
        %get3A_1178 = arith.index_cast %add3A_1151 : i32 to index
        %get3A_1179 = arith.index_cast %add3A_1177 : i32 to index
        %get3A_1180 = tpu.vector_load %arg12[%get3A_1178, %get3A_1179] {strides = array<i32>} : memref<128x128xf32, #tpu.memory_space<vmem>>, vector<1x16xf32>,
        %get3A_1181 = vector.shape_cast %get3A_1180 : vector<1x16xf32> to vector<16xf32>
        %mul3A_1182 = vector.broadcast %mul3A_1162 : f32 to vector<16xf32>
        %mul3A_1183 = arith.mulf %get3A_1181, %mul3A_1182 : vector<16xf32>
        %swap3A_1184 = arith.index_cast %add3A_1151 : i32 to index
        %swap3A_1185 = arith.constant 16 : index
        %swap3A_1186 = tpu.vector_load %arg14[%swap3A_1184, %swap3A_1185] {strides = array<i32>} : memref<128x64xf32, #tpu.memory_space<vmem>>, vector<1x16xf32>,
        %swap3A_1187 = vector.shape_cast %swap3A_1186 : vector<1x16xf32> to vector<16xf32>
        %swap3A_1188 = vector.shape_cast %mul3A_1183 : vector<16xf32> to vector<1x16xf32>
        tpu.vector_store %arg14[%swap3A_1184, %swap3A_1185], %swap3A_1188 {strides = array<i32>} : memref<128x64xf32, #tpu.memory_space<vmem>>, vector<1x16xf32>,
        %add3A_1189 = arith.constant 32 : i32
        %add3A_1190 = arith.addi %mul3A_1157, %add3A_1189 : i32
        %get3A_1191 = arith.index_cast %add3A_1151 : i32 to index
        %get3A_1192 = arith.index_cast %add3A_1190 : i32 to index
        %get3A_1193 = tpu.vector_load %arg12[%get3A_1191, %get3A_1192] {strides = array<i32>} : memref<128x128xf32, #tpu.memory_space<vmem>>, vector<1x16xf32>,
        %get3A_1194 = vector.shape_cast %get3A_1193 : vector<1x16xf32> to vector<16xf32>
        %mul3A_1195 = vector.broadcast %mul3A_1162 : f32 to vector<16xf32>
        %mul3A_1196 = arith.mulf %get3A_1194, %mul3A_1195 : vector<16xf32>
        %swap3A_1197 = arith.index_cast %add3A_1151 : i32 to index
        %swap3A_1198 = arith.constant 32 : index
        %swap3A_1199 = tpu.vector_load %arg14[%swap3A_1197, %swap3A_1198] {strides = array<i32>} : memref<128x64xf32, #tpu.memory_space<vmem>>, vector<1x16xf32>,
        %swap3A_1200 = vector.shape_cast %swap3A_1199 : vector<1x16xf32> to vector<16xf32>
        %swap3A_1201 = vector.shape_cast %mul3A_1196 : vector<16xf32> to vector<1x16xf32>
        tpu.vector_store %arg14[%swap3A_1197, %swap3A_1198], %swap3A_1201 {strides = array<i32>} : memref<128x64xf32, #tpu.memory_space<vmem>>, vector<1x16xf32>,
        %add3A_1202 = arith.constant 48 : i32
        %add3A_1203 = arith.addi %mul3A_1157, %add3A_1202 : i32
        %get3A_1204 = arith.index_cast %add3A_1151 : i32 to index
        %get3A_1205 = arith.index_cast %add3A_1203 : i32 to index
        %get3A_1206 = tpu.vector_load %arg12[%get3A_1204, %get3A_1205] {strides = array<i32>} : memref<128x128xf32, #tpu.memory_space<vmem>>, vector<1x16xf32>,
        %get3A_1207 = vector.shape_cast %get3A_1206 : vector<1x16xf32> to vector<16xf32>
        %mul3A_1208 = vector.broadcast %mul3A_1162 : f32 to vector<16xf32>
        %mul3A_1209 = arith.mulf %get3A_1207, %mul3A_1208 : vector<16xf32>
        %swap3A_1210 = arith.index_cast %add3A_1151 : i32 to index
        %swap3A_1211 = arith.constant 48 : index
        %swap3A_1212 = tpu.vector_load %arg14[%swap3A_1210, %swap3A_1211] {strides = array<i32>} : memref<128x64xf32, #tpu.memory_space<vmem>>, vector<1x16xf32>,
        %swap3A_1213 = vector.shape_cast %swap3A_1212 : vector<1x16xf32> to vector<16xf32>
        %swap3A_1214 = vector.shape_cast %mul3A_1209 : vector<16xf32> to vector<1x16xf32>
        tpu.vector_store %arg14[%swap3A_1210, %swap3A_1211], %swap3A_1214 {strides = array<i32>} : memref<128x64xf32, #tpu.memory_space<vmem>>, vector<1x16xf32>,
        %scan3A_1215 = arith.constant 0 : i32
        scf.yield %scan3A_1215 : i32
      }
      %scan3A_81 = arith.constant 8 : i32
      %mul3A_82 = arith.constant 128 : i32
      %mul3A_83 = arith.muli %mul3A_40, %mul3A_82 : i32
      %add3A_84 = arith.addi %mul3A_2, %mul3A_83 : i32
      %dma_start3A_85 = arith.constant 0 : i32
      %dma_start3A_86 = tpu.memref_slice %arg6[%add3A_84, %dma_start3A_85] : memref<819200x64xf32, #tpu.memory_space<hbm>> -> memref<128x64xf32, #tpu.memory_space<hbm>>
      %dma_start3A_87 = arith.constant 0 : i32
      %dma_start3A_88 = tpu.memref_slice %arg6[%add3A_84, %dma_start3A_87] : memref<819200x64xf32, #tpu.memory_space<hbm>> -> memref<128x64xf32, #tpu.memory_space<hbm>>
      tpu.enqueue_dma source(%arg14 : memref<128x64xf32, #tpu.memory_space<vmem>>) target(%dma_start3A_88 : memref<128x64xf32, #tpu.memory_space<hbm>>) target_semaphore(%arg26 : memref<!tpu.dma_semaphore, #tpu.memory_space<semaphore_mem>>)
      %add3A_89 = arith.constant 2 : i32
      %add3A_90 = arith.addi %mul3A_40, %add3A_89 : i32
      %lt3A = arith.constant 200 : i32
      %lt3A_91 = arith.cmpi slt, %add3A_90, %lt3A : i32
      %convert_element_type3A_92 = arith.extui %lt3A_91 : i1 to i32
      %cond3A_93 = arith.constant 0 : i32
      %cond3A_94 = arith.cmpi ne, %convert_element_type3A_92, %cond3A_93 : i32
      scf.if %cond3A_94 {
        %add3A_130 = arith.constant 2 : i32
        %add3A_131 = arith.addi %mul3A_40, %add3A_130 : i32
        %scan3A_132 = arith.constant 0 : i32
        %scan3A_133 = arith.constant 0 : i32
        %scan3A_134 = arith.constant 8 : i32
        %scan3A_135 = arith.addi %scan3A_133, %scan3A_134 : i32
        %scan3A_136 = arith.constant 1 : i32
        %scan3A_137 = scf.for %scan3A_151 = %scan3A_133 to %scan3A_135 step %scan3A_136 iter_args(%scan3A_152 = %scan3A_132) -> (i32)  : i32 {
          %mul3A_153 = arith.constant 16 : i32
          %mul3A_154 = arith.muli %scan3A_151, %mul3A_153 : i32
          %get3A = arith.index_cast %add3A_131 : i32 to index
          %get3A_155 = arith.index_cast %mul3A_154 : i32 to index
          %get3A_156 = tpu.vector_load %arg7[%get3A, %get3A_155] {strides = array<i32>} : memref<200x128xi32, #tpu.memory_space<vmem>>, vector<1x16xi32>,
          %get3A_157 = vector.shape_cast %get3A_156 : vector<1x16xi32> to vector<16xi32>
          %shift_right_arithmetic3A = arith.constant 1 : i32
          %shift_right_arithmetic3A_158 = vector.broadcast %shift_right_arithmetic3A : i32 to vector<16xi32>
          %shift_right_arithmetic3A_159 = arith.shrsi %get3A_157, %shift_right_arithmetic3A_158 : vector<16xi32>
          %mul3A_160 = arith.constant 16 : i32
          %mul3A_161 = arith.muli %scan3A_151, %mul3A_160 : i32
          %swap3A = arith.index_cast %mul3A_161 : i32 to index
          %swap3A_162 = tpu.vector_load %arg8[%swap3A] {strides = array<i32>} : memref<128xi32, #tpu.memory_space<vmem>>, vector<16xi32>,
          %swap3A_163 = vector.shape_cast %swap3A_162 : vector<16xi32> to vector<16xi32>
          %swap3A_164 = vector.shape_cast %shift_right_arithmetic3A_159 : vector<16xi32> to vector<16xi32>
          tpu.vector_store %arg8[%swap3A], %swap3A_164 {strides = array<i32>} : memref<128xi32, #tpu.memory_space<vmem>>, vector<16xi32>,
          %and3A = arith.constant 1 : i32
          %and3A_165 = vector.broadcast %and3A : i32 to vector<16xi32>
          %and3A_166 = arith.andi %get3A_157, %and3A_165 : vector<16xi32>
          %mul3A_167 = arith.constant 500000 : i32
          %mul3A_168 = vector.broadcast %mul3A_167 : i32 to vector<16xi32>
          %mul3A_169 = arith.muli %and3A_166, %mul3A_168 : vector<16xi32>
          %shift_right_arithmetic3A_170 = arith.constant 1 : i32
          %shift_right_arithmetic3A_171 = vector.broadcast %shift_right_arithmetic3A_170 : i32 to vector<16xi32>
          %shift_right_arithmetic3A_172 = arith.shrsi %get3A_157, %shift_right_arithmetic3A_171 : vector<16xi32>
          %add3A_173 = arith.addi %mul3A_169, %shift_right_arithmetic3A_172 : vector<16xi32>
          %mul3A_174 = arith.constant 16 : i32
          %mul3A_175 = arith.muli %scan3A_151, %mul3A_174 : i32
          %swap3A_176 = arith.index_cast %mul3A_175 : i32 to index
          %swap3A_177 = tpu.vector_load %arg10[%swap3A_176] {strides = array<i32>} : memref<128xi32, #tpu.memory_space<vmem>>, vector<16xi32>,
          %swap3A_178 = vector.shape_cast %swap3A_177 : vector<16xi32> to vector<16xi32>
          %swap3A_179 = vector.shape_cast %add3A_173 : vector<16xi32> to vector<16xi32>
          tpu.vector_store %arg10[%swap3A_176], %swap3A_179 {strides = array<i32>} : memref<128xi32, #tpu.memory_space<vmem>>, vector<16xi32>,
          %scan3A_180 = arith.constant 0 : i32
          scf.yield %scan3A_180 : i32
        }
        %scan3A_138 = arith.constant 8 : i32
        %add3A_139 = arith.constant 2 : i32
        %add3A_140 = arith.addi %mul3A_40, %add3A_139 : i32
        %dma_start3A_141 = arith.constant 0 : i32
        %dma_start3A_142 = arith.constant 0 : i32
        %dma_start3A_143 = tpu.memref_slice %arg2[%dma_start3A_141, %dma_start3A_142] : memref<500000x128xf32, #tpu.memory_space<hbm>> -> memref<500000x128xf32, #tpu.memory_space<hbm>>
        tpu.enqueue_indirect_dma source(%dma_start3A_143 : memref<500000x128xf32, #tpu.memory_space<hbm>>) target(%arg12 : memref<128x128xf32, #tpu.memory_space<vmem>>) offsets(%arg8 : memref<128xi32, #tpu.memory_space<vmem>>) semaphore(%arg20 : memref<!tpu.dma_semaphore, #tpu.memory_space<semaphore_mem>>)
        %dma_start3A_144 = arith.constant 0 : i32
        %dma_start3A_145 = tpu.memref_slice %arg7[%add3A_140, %dma_start3A_144] : memref<200x128xi32, #tpu.memory_space<vmem>> -> memref<1x128xi32, #tpu.memory_space<vmem>>
        %dma_start3A_146 = tpu.memref_squeeze %dma_start3A_145 : memref<1x128xi32, #tpu.memory_space<vmem>> -> memref<128xi32, #tpu.memory_space<vmem>>
        %dma_start3A_147 = arith.constant 0 : i32
        %dma_start3A_148 = tpu.memref_slice %arg4[%dma_start3A_147] : memref<1048576xf32, #tpu.memory_space<hbm>> -> memref<1048576xf32, #tpu.memory_space<hbm>>
        tpu.enqueue_indirect_dma source(%dma_start3A_148 : memref<1048576xf32, #tpu.memory_space<hbm>>) target(%arg16 : memref<128xf32, #tpu.memory_space<vmem>>) offsets(%dma_start3A_146 : memref<128xi32, #tpu.memory_space<vmem>>) semaphore(%arg22 : memref<!tpu.dma_semaphore, #tpu.memory_space<semaphore_mem>>)
        %dma_start3A_149 = arith.constant 0 : i32
        %dma_start3A_150 = tpu.memref_slice %arg5[%dma_start3A_149] : memref<1000000xf32, #tpu.memory_space<hbm>> -> memref<1000000xf32, #tpu.memory_space<hbm>>
        tpu.enqueue_indirect_dma source(%dma_start3A_150 : memref<1000000xf32, #tpu.memory_space<hbm>>) target(%arg18 : memref<128xf32, #tpu.memory_space<vmem>>) offsets(%arg10 : memref<128xi32, #tpu.memory_space<vmem>>) semaphore(%arg24 : memref<!tpu.dma_semaphore, #tpu.memory_space<semaphore_mem>>)
      } else {
      }
      %ge3A_95 = arith.constant 1 : i32
      %ge3A_96 = arith.cmpi sge, %scan3A_37, %ge3A_95 : i32
      %convert_element_type3A_97 = arith.extui %ge3A_96 : i1 to i32
      %cond3A_98 = arith.constant 0 : i32
      %cond3A_99 = arith.cmpi ne, %convert_element_type3A_97, %cond3A_98 : i32
      scf.if %cond3A_99 {
        %add3A_130 = arith.constant 1 : i32
        %add3A_131 = arith.addi %mul3A_40, %add3A_130 : i32
        %mul3A_132 = arith.constant 128 : i32
        %mul3A_133 = arith.muli %add3A_131, %mul3A_132 : i32
        %add3A_134 = arith.addi %mul3A_2, %mul3A_133 : i32
        %dma_wait3A_135 = arith.constant 0 : i32
        %dma_wait3A_136 = tpu.memref_slice %arg6[%add3A_134, %dma_wait3A_135] : memref<819200x64xf32, #tpu.memory_space<hbm>> -> memref<128x64xf32, #tpu.memory_space<hbm>>
        %dma_wait3A_137 = arith.constant 0 : i32
        %dma_wait3A_138 = tpu.memref_slice %arg6[%add3A_134, %dma_wait3A_137] : memref<819200x64xf32, #tpu.memory_space<hbm>> -> memref<128x64xf32, #tpu.memory_space<hbm>>
        tpu.wait_dma2 semaphore(%arg27 : memref<!tpu.dma_semaphore, #tpu.memory_space<semaphore_mem>>) src(%arg15 : memref<128x64xf32, #tpu.memory_space<vmem>>) dst(%dma_wait3A_138 : memref<128x64xf32, #tpu.memory_space<hbm>>)
      } else {
      }
      %dma_wait3A_100 = arith.constant 0 : i32
      %dma_wait3A_101 = arith.constant 0 : i32
      %dma_wait3A_102 = tpu.memref_slice %arg2[%dma_wait3A_100, %dma_wait3A_101] : memref<500000x128xf32, #tpu.memory_space<hbm>> -> memref<500000x128xf32, #tpu.memory_space<hbm>>
      tpu.wait_indirect_dma semaphore(%arg21 : memref<!tpu.dma_semaphore, #tpu.memory_space<semaphore_mem>>) src(%dma_wait3A_102 : memref<500000x128xf32, #tpu.memory_space<hbm>>) dst(%arg13 : memref<128x128xf32, #tpu.memory_space<vmem>>)
      %dma_wait3A_103 = arith.constant 0 : i32
      %dma_wait3A_104 = arith.constant 0 : i32
      %dma_wait3A_105 = tpu.memref_slice %arg7[%dma_wait3A_103, %dma_wait3A_104] : memref<200x128xi32, #tpu.memory_space<vmem>> -> memref<1x128xi32, #tpu.memory_space<vmem>>
      %dma_wait3A_106 = tpu.memref_squeeze %dma_wait3A_105 : memref<1x128xi32, #tpu.memory_space<vmem>> -> memref<128xi32, #tpu.memory_space<vmem>>
      %dma_wait3A_107 = arith.constant 0 : i32
      %dma_wait3A_108 = tpu.memref_slice %arg4[%dma_wait3A_107] : memref<1048576xf32, #tpu.memory_space<hbm>> -> memref<1048576xf32, #tpu.memory_space<hbm>>
      tpu.wait_indirect_dma semaphore(%arg23 : memref<!tpu.dma_semaphore, #tpu.memory_space<semaphore_mem>>) src(%dma_wait3A_108 : memref<1048576xf32, #tpu.memory_space<hbm>>) dst(%arg17 : memref<128xf32, #tpu.memory_space<vmem>>)
      %dma_wait3A_109 = arith.constant 0 : i32
      %dma_wait3A_110 = tpu.memref_slice %arg5[%dma_wait3A_109] : memref<1000000xf32, #tpu.memory_space<hbm>> -> memref<1000000xf32, #tpu.memory_space<hbm>>
      tpu.wait_indirect_dma semaphore(%arg25 : memref<!tpu.dma_semaphore, #tpu.memory_space<semaphore_mem>>) src(%dma_wait3A_110 : memref<1000000xf32, #tpu.memory_space<hbm>>) dst(%arg19 : memref<128xf32, #tpu.memory_space<vmem>>)
      %add3A_111 = arith.constant 1 : i32
      %add3A_112 = arith.addi %mul3A_40, %add3A_111 : i32
      %scan3A_113 = arith.constant 0 : i32
      %scan3A_114 = arith.constant 0 : i32
      %scan3A_115 = arith.constant 8 : i32
      %scan3A_116 = arith.addi %scan3A_114, %scan3A_115 : i32
      %scan3A_117 = arith.constant 1 : i32
      %scan3A_118 = scf.for %scan3A_130 = %scan3A_114 to %scan3A_116 step %scan3A_117 iter_args(%scan3A_131 = %scan3A_113) -> (i32)  : i32 {
        %mul3A_132 = arith.constant 16 : i32
        %mul3A_133 = arith.muli %scan3A_130, %mul3A_132 : i32
        %get3A = arith.index_cast %add3A_112 : i32 to index
        %get3A_134 = arith.index_cast %mul3A_133 : i32 to index
        %get3A_135 = tpu.vector_load %arg7[%get3A, %get3A_134] {strides = array<i32>} : memref<200x128xi32, #tpu.memory_space<vmem>>, vector<1x16xi32>,
        %get3A_136 = vector.shape_cast %get3A_135 : vector<1x16xi32> to vector<16xi32>
        %mul3A_137 = arith.constant 16 : i32
        %mul3A_138 = arith.muli %scan3A_130, %mul3A_137 : i32
        %get3A_139 = arith.index_cast %mul3A_138 : i32 to index
        %get3A_140 = tpu.vector_load %arg17[%get3A_139] {strides = array<i32>} : memref<128xf32, #tpu.memory_space<vmem>>, vector<16xf32>,
        %get3A_141 = vector.shape_cast %get3A_140 : vector<16xf32> to vector<16xf32>
        %mul3A_142 = arith.constant 16 : i32
        %mul3A_143 = arith.muli %scan3A_130, %mul3A_142 : i32
        %get3A_144 = arith.index_cast %mul3A_143 : i32 to index
        %get3A_145 = tpu.vector_load %arg19[%get3A_144] {strides = array<i32>} : memref<128xf32, #tpu.memory_space<vmem>>, vector<16xf32>,
        %get3A_146 = vector.shape_cast %get3A_145 : vector<16xf32> to vector<16xf32>
        %mul3A_147 = arith.constant 16 : i32
        %mul3A_148 = arith.muli %scan3A_130, %mul3A_147 : i32
        %add3A_149 = arith.constant 0 : i32
        %add3A_150 = arith.addi %mul3A_148, %add3A_149 : i32
        %slice3A = vector.extract_strided_slice %get3A_136 {offsets = [0], sizes = [1], strides = [1]} : vector<16xi32> to vector<1xi32>
        %squeeze3A = vector.extract %slice3A[0] : i32 from vector<1xi32>
        %and3A = arith.constant 1 : i32
        %and3A_151 = arith.andi %squeeze3A, %and3A : i32
        %mul3A_152 = arith.constant 64 : i32
        %mul3A_153 = arith.muli %and3A_151, %mul3A_152 : i32
        %slice3A_154 = vector.extract_strided_slice %get3A_141 {offsets = [0], sizes = [1], strides = [1]} : vector<16xf32> to vector<1xf32>
        %squeeze3A_155 = vector.extract %slice3A_154[0] : f32 from vector<1xf32>
        %slice3A_156 = vector.extract_strided_slice %get3A_146 {offsets = [0], sizes = [1], strides = [1]} : vector<16xf32> to vector<1xf32>
        %squeeze3A_157 = vector.extract %slice3A_156[0] : f32 from vector<1xf32>
        %mul3A_158 = arith.mulf %squeeze3A_155, %squeeze3A_157 : f32
        %add3A_159 = arith.constant 0 : i32
        %add3A_160 = arith.addi %mul3A_153, %add3A_159 : i32
        %get3A_161 = arith.index_cast %add3A_150 : i32 to index
        %get3A_162 = arith.index_cast %add3A_160 : i32 to index
        %get3A_163 = tpu.vector_load %arg13[%get3A_161, %get3A_162] {strides = array<i32>} : memref<128x128xf32, #tpu.memory_space<vmem>>, vector<1x16xf32>,
        %get3A_164 = vector.shape_cast %get3A_163 : vector<1x16xf32> to vector<16xf32>
        %mul3A_165 = vector.broadcast %mul3A_158 : f32 to vector<16xf32>
        %mul3A_166 = arith.mulf %get3A_164, %mul3A_165 : vector<16xf32>
        %swap3A = arith.index_cast %add3A_150 : i32 to index
        %swap3A_167 = arith.constant 0 : index
        %swap3A_168 = tpu.vector_load %arg15[%swap3A, %swap3A_167] {strides = array<i32>} : memref<128x64xf32, #tpu.memory_space<vmem>>, vector<1x16xf32>,
        %swap3A_169 = vector.shape_cast %swap3A_168 : vector<1x16xf32> to vector<16xf32>
        %swap3A_170 = vector.shape_cast %mul3A_166 : vector<16xf32> to vector<1x16xf32>
        tpu.vector_store %arg15[%swap3A, %swap3A_167], %swap3A_170 {strides = array<i32>} : memref<128x64xf32, #tpu.memory_space<vmem>>, vector<1x16xf32>,
        %add3A_171 = arith.constant 16 : i32
        %add3A_172 = arith.addi %mul3A_153, %add3A_171 : i32
        %get3A_173 = arith.index_cast %add3A_150 : i32 to index
        %get3A_174 = arith.index_cast %add3A_172 : i32 to index
        %get3A_175 = tpu.vector_load %arg13[%get3A_173, %get3A_174] {strides = array<i32>} : memref<128x128xf32, #tpu.memory_space<vmem>>, vector<1x16xf32>,
        %get3A_176 = vector.shape_cast %get3A_175 : vector<1x16xf32> to vector<16xf32>
        %mul3A_177 = vector.broadcast %mul3A_158 : f32 to vector<16xf32>
        %mul3A_178 = arith.mulf %get3A_176, %mul3A_177 : vector<16xf32>
        %swap3A_179 = arith.index_cast %add3A_150 : i32 to index
        %swap3A_180 = arith.constant 16 : index
        %swap3A_181 = tpu.vector_load %arg15[%swap3A_179, %swap3A_180] {strides = array<i32>} : memref<128x64xf32, #tpu.memory_space<vmem>>, vector<1x16xf32>,
        %swap3A_182 = vector.shape_cast %swap3A_181 : vector<1x16xf32> to vector<16xf32>
        %swap3A_183 = vector.shape_cast %mul3A_178 : vector<16xf32> to vector<1x16xf32>
        tpu.vector_store %arg15[%swap3A_179, %swap3A_180], %swap3A_183 {strides = array<i32>} : memref<128x64xf32, #tpu.memory_space<vmem>>, vector<1x16xf32>,
        %add3A_184 = arith.constant 32 : i32
        %add3A_185 = arith.addi %mul3A_153, %add3A_184 : i32
        %get3A_186 = arith.index_cast %add3A_150 : i32 to index
        %get3A_187 = arith.index_cast %add3A_185 : i32 to index
        %get3A_188 = tpu.vector_load %arg13[%get3A_186, %get3A_187] {strides = array<i32>} : memref<128x128xf32, #tpu.memory_space<vmem>>, vector<1x16xf32>,
        %get3A_189 = vector.shape_cast %get3A_188 : vector<1x16xf32> to vector<16xf32>
        %mul3A_190 = vector.broadcast %mul3A_158 : f32 to vector<16xf32>
        %mul3A_191 = arith.mulf %get3A_189, %mul3A_190 : vector<16xf32>
        %swap3A_192 = arith.index_cast %add3A_150 : i32 to index
        %swap3A_193 = arith.constant 32 : index
        %swap3A_194 = tpu.vector_load %arg15[%swap3A_192, %swap3A_193] {strides = array<i32>} : memref<128x64xf32, #tpu.memory_space<vmem>>, vector<1x16xf32>,
        %swap3A_195 = vector.shape_cast %swap3A_194 : vector<1x16xf32> to vector<16xf32>
        %swap3A_196 = vector.shape_cast %mul3A_191 : vector<16xf32> to vector<1x16xf32>
        tpu.vector_store %arg15[%swap3A_192, %swap3A_193], %swap3A_196 {strides = array<i32>} : memref<128x64xf32, #tpu.memory_space<vmem>>, vector<1x16xf32>,
        %add3A_197 = arith.constant 48 : i32
        %add3A_198 = arith.addi %mul3A_153, %add3A_197 : i32
        %get3A_199 = arith.index_cast %add3A_150 : i32 to index
        %get3A_200 = arith.index_cast %add3A_198 : i32 to index
        %get3A_201 = tpu.vector_load %arg13[%get3A_199, %get3A_200] {strides = array<i32>} : memref<128x128xf32, #tpu.memory_space<vmem>>, vector<1x16xf32>,
        %get3A_202 = vector.shape_cast %get3A_201 : vector<1x16xf32> to vector<16xf32>
        %mul3A_203 = vector.broadcast %mul3A_158 : f32 to vector<16xf32>
        %mul3A_204 = arith.mulf %get3A_202, %mul3A_203 : vector<16xf32>
        %swap3A_205 = arith.index_cast %add3A_150 : i32 to index
        %swap3A_206 = arith.constant 48 : index
        %swap3A_207 = tpu.vector_load %arg15[%swap3A_205, %swap3A_206] {strides = array<i32>} : memref<128x64xf32, #tpu.memory_space<vmem>>, vector<1x16xf32>,
        %swap3A_208 = vector.shape_cast %swap3A_207 : vector<1x16xf32> to vector<16xf32>
        %swap3A_209 = vector.shape_cast %mul3A_204 : vector<16xf32> to vector<1x16xf32>
        tpu.vector_store %arg15[%swap3A_205, %swap3A_206], %swap3A_209 {strides = array<i32>} : memref<128x64xf32, #tpu.memory_space<vmem>>, vector<1x16xf32>,
        %mul3A_210 = arith.constant 16 : i32
        %mul3A_211 = arith.muli %scan3A_130, %mul3A_210 : i32
        %add3A_212 = arith.constant 1 : i32
        %add3A_213 = arith.addi %mul3A_211, %add3A_212 : i32
        %slice3A_214 = vector.extract_strided_slice %get3A_136 {offsets = [1], sizes = [1], strides = [1]} : vector<16xi32> to vector<1xi32>
        %squeeze3A_215 = vector.extract %slice3A_214[0] : i32 from vector<1xi32>
        %and3A_216 = arith.constant 1 : i32
        %and3A_217 = arith.andi %squeeze3A_215, %and3A_216 : i32
        %mul3A_218 = arith.constant 64 : i32
        %mul3A_219 = arith.muli %and3A_217, %mul3A_218 : i32
        %slice3A_220 = vector.extract_strided_slice %get3A_141 {offsets = [1], sizes = [1], strides = [1]} : vector<16xf32> to vector<1xf32>
        %squeeze3A_221 = vector.extract %slice3A_220[0] : f32 from vector<1xf32>
        %slice3A_222 = vector.extract_strided_slice %get3A_146 {offsets = [1], sizes = [1], strides = [1]} : vector<16xf32> to vector<1xf32>
        %squeeze3A_223 = vector.extract %slice3A_222[0] : f32 from vector<1xf32>
        %mul3A_224 = arith.mulf %squeeze3A_221, %squeeze3A_223 : f32
        %add3A_225 = arith.constant 0 : i32
        %add3A_226 = arith.addi %mul3A_219, %add3A_225 : i32
        %get3A_227 = arith.index_cast %add3A_213 : i32 to index
        %get3A_228 = arith.index_cast %add3A_226 : i32 to index
        %get3A_229 = tpu.vector_load %arg13[%get3A_227, %get3A_228] {strides = array<i32>} : memref<128x128xf32, #tpu.memory_space<vmem>>, vector<1x16xf32>,
        %get3A_230 = vector.shape_cast %get3A_229 : vector<1x16xf32> to vector<16xf32>
        %mul3A_231 = vector.broadcast %mul3A_224 : f32 to vector<16xf32>
        %mul3A_232 = arith.mulf %get3A_230, %mul3A_231 : vector<16xf32>
        %swap3A_233 = arith.index_cast %add3A_213 : i32 to index
        %swap3A_234 = arith.constant 0 : index
        %swap3A_235 = tpu.vector_load %arg15[%swap3A_233, %swap3A_234] {strides = array<i32>} : memref<128x64xf32, #tpu.memory_space<vmem>>, vector<1x16xf32>,
        %swap3A_236 = vector.shape_cast %swap3A_235 : vector<1x16xf32> to vector<16xf32>
        %swap3A_237 = vector.shape_cast %mul3A_232 : vector<16xf32> to vector<1x16xf32>
        tpu.vector_store %arg15[%swap3A_233, %swap3A_234], %swap3A_237 {strides = array<i32>} : memref<128x64xf32, #tpu.memory_space<vmem>>, vector<1x16xf32>,
        %add3A_238 = arith.constant 16 : i32
        %add3A_239 = arith.addi %mul3A_219, %add3A_238 : i32
        %get3A_240 = arith.index_cast %add3A_213 : i32 to index
        %get3A_241 = arith.index_cast %add3A_239 : i32 to index
        %get3A_242 = tpu.vector_load %arg13[%get3A_240, %get3A_241] {strides = array<i32>} : memref<128x128xf32, #tpu.memory_space<vmem>>, vector<1x16xf32>,
        %get3A_243 = vector.shape_cast %get3A_242 : vector<1x16xf32> to vector<16xf32>
        %mul3A_244 = vector.broadcast %mul3A_224 : f32 to vector<16xf32>
        %mul3A_245 = arith.mulf %get3A_243, %mul3A_244 : vector<16xf32>
        %swap3A_246 = arith.index_cast %add3A_213 : i32 to index
        %swap3A_247 = arith.constant 16 : index
        %swap3A_248 = tpu.vector_load %arg15[%swap3A_246, %swap3A_247] {strides = array<i32>} : memref<128x64xf32, #tpu.memory_space<vmem>>, vector<1x16xf32>,
        %swap3A_249 = vector.shape_cast %swap3A_248 : vector<1x16xf32> to vector<16xf32>
        %swap3A_250 = vector.shape_cast %mul3A_245 : vector<16xf32> to vector<1x16xf32>
        tpu.vector_store %arg15[%swap3A_246, %swap3A_247], %swap3A_250 {strides = array<i32>} : memref<128x64xf32, #tpu.memory_space<vmem>>, vector<1x16xf32>,
        %add3A_251 = arith.constant 32 : i32
        %add3A_252 = arith.addi %mul3A_219, %add3A_251 : i32
        %get3A_253 = arith.index_cast %add3A_213 : i32 to index
        %get3A_254 = arith.index_cast %add3A_252 : i32 to index
        %get3A_255 = tpu.vector_load %arg13[%get3A_253, %get3A_254] {strides = array<i32>} : memref<128x128xf32, #tpu.memory_space<vmem>>, vector<1x16xf32>,
        %get3A_256 = vector.shape_cast %get3A_255 : vector<1x16xf32> to vector<16xf32>
        %mul3A_257 = vector.broadcast %mul3A_224 : f32 to vector<16xf32>
        %mul3A_258 = arith.mulf %get3A_256, %mul3A_257 : vector<16xf32>
        %swap3A_259 = arith.index_cast %add3A_213 : i32 to index
        %swap3A_260 = arith.constant 32 : index
        %swap3A_261 = tpu.vector_load %arg15[%swap3A_259, %swap3A_260] {strides = array<i32>} : memref<128x64xf32, #tpu.memory_space<vmem>>, vector<1x16xf32>,
        %swap3A_262 = vector.shape_cast %swap3A_261 : vector<1x16xf32> to vector<16xf32>
        %swap3A_263 = vector.shape_cast %mul3A_258 : vector<16xf32> to vector<1x16xf32>
        tpu.vector_store %arg15[%swap3A_259, %swap3A_260], %swap3A_263 {strides = array<i32>} : memref<128x64xf32, #tpu.memory_space<vmem>>, vector<1x16xf32>,
        %add3A_264 = arith.constant 48 : i32
        %add3A_265 = arith.addi %mul3A_219, %add3A_264 : i32
        %get3A_266 = arith.index_cast %add3A_213 : i32 to index
        %get3A_267 = arith.index_cast %add3A_265 : i32 to index
        %get3A_268 = tpu.vector_load %arg13[%get3A_266, %get3A_267] {strides = array<i32>} : memref<128x128xf32, #tpu.memory_space<vmem>>, vector<1x16xf32>,
        %get3A_269 = vector.shape_cast %get3A_268 : vector<1x16xf32> to vector<16xf32>
        %mul3A_270 = vector.broadcast %mul3A_224 : f32 to vector<16xf32>
        %mul3A_271 = arith.mulf %get3A_269, %mul3A_270 : vector<16xf32>
        %swap3A_272 = arith.index_cast %add3A_213 : i32 to index
        %swap3A_273 = arith.constant 48 : index
        %swap3A_274 = tpu.vector_load %arg15[%swap3A_272, %swap3A_273] {strides = array<i32>} : memref<128x64xf32, #tpu.memory_space<vmem>>, vector<1x16xf32>,
        %swap3A_275 = vector.shape_cast %swap3A_274 : vector<1x16xf32> to vector<16xf32>
        %swap3A_276 = vector.shape_cast %mul3A_271 : vector<16xf32> to vector<1x16xf32>
        tpu.vector_store %arg15[%swap3A_272, %swap3A_273], %swap3A_276 {strides = array<i32>} : memref<128x64xf32, #tpu.memory_space<vmem>>, vector<1x16xf32>,
        %mul3A_277 = arith.constant 16 : i32
        %mul3A_278 = arith.muli %scan3A_130, %mul3A_277 : i32
        %add3A_279 = arith.constant 2 : i32
        %add3A_280 = arith.addi %mul3A_278, %add3A_279 : i32
        %slice3A_281 = vector.extract_strided_slice %get3A_136 {offsets = [2], sizes = [1], strides = [1]} : vector<16xi32> to vector<1xi32>
        %squeeze3A_282 = vector.extract %slice3A_281[0] : i32 from vector<1xi32>
        %and3A_283 = arith.constant 1 : i32
        %and3A_284 = arith.andi %squeeze3A_282, %and3A_283 : i32
        %mul3A_285 = arith.constant 64 : i32
        %mul3A_286 = arith.muli %and3A_284, %mul3A_285 : i32
        %slice3A_287 = vector.extract_strided_slice %get3A_141 {offsets = [2], sizes = [1], strides = [1]} : vector<16xf32> to vector<1xf32>
        %squeeze3A_288 = vector.extract %slice3A_287[0] : f32 from vector<1xf32>
        %slice3A_289 = vector.extract_strided_slice %get3A_146 {offsets = [2], sizes = [1], strides = [1]} : vector<16xf32> to vector<1xf32>
        %squeeze3A_290 = vector.extract %slice3A_289[0] : f32 from vector<1xf32>
        %mul3A_291 = arith.mulf %squeeze3A_288, %squeeze3A_290 : f32
        %add3A_292 = arith.constant 0 : i32
        %add3A_293 = arith.addi %mul3A_286, %add3A_292 : i32
        %get3A_294 = arith.index_cast %add3A_280 : i32 to index
        %get3A_295 = arith.index_cast %add3A_293 : i32 to index
        %get3A_296 = tpu.vector_load %arg13[%get3A_294, %get3A_295] {strides = array<i32>} : memref<128x128xf32, #tpu.memory_space<vmem>>, vector<1x16xf32>,
        %get3A_297 = vector.shape_cast %get3A_296 : vector<1x16xf32> to vector<16xf32>
        %mul3A_298 = vector.broadcast %mul3A_291 : f32 to vector<16xf32>
        %mul3A_299 = arith.mulf %get3A_297, %mul3A_298 : vector<16xf32>
        %swap3A_300 = arith.index_cast %add3A_280 : i32 to index
        %swap3A_301 = arith.constant 0 : index
        %swap3A_302 = tpu.vector_load %arg15[%swap3A_300, %swap3A_301] {strides = array<i32>} : memref<128x64xf32, #tpu.memory_space<vmem>>, vector<1x16xf32>,
        %swap3A_303 = vector.shape_cast %swap3A_302 : vector<1x16xf32> to vector<16xf32>
        %swap3A_304 = vector.shape_cast %mul3A_299 : vector<16xf32> to vector<1x16xf32>
        tpu.vector_store %arg15[%swap3A_300, %swap3A_301], %swap3A_304 {strides = array<i32>} : memref<128x64xf32, #tpu.memory_space<vmem>>, vector<1x16xf32>,
        %add3A_305 = arith.constant 16 : i32
        %add3A_306 = arith.addi %mul3A_286, %add3A_305 : i32
        %get3A_307 = arith.index_cast %add3A_280 : i32 to index
        %get3A_308 = arith.index_cast %add3A_306 : i32 to index
        %get3A_309 = tpu.vector_load %arg13[%get3A_307, %get3A_308] {strides = array<i32>} : memref<128x128xf32, #tpu.memory_space<vmem>>, vector<1x16xf32>,
        %get3A_310 = vector.shape_cast %get3A_309 : vector<1x16xf32> to vector<16xf32>
        %mul3A_311 = vector.broadcast %mul3A_291 : f32 to vector<16xf32>
        %mul3A_312 = arith.mulf %get3A_310, %mul3A_311 : vector<16xf32>
        %swap3A_313 = arith.index_cast %add3A_280 : i32 to index
        %swap3A_314 = arith.constant 16 : index
        %swap3A_315 = tpu.vector_load %arg15[%swap3A_313, %swap3A_314] {strides = array<i32>} : memref<128x64xf32, #tpu.memory_space<vmem>>, vector<1x16xf32>,
        %swap3A_316 = vector.shape_cast %swap3A_315 : vector<1x16xf32> to vector<16xf32>
        %swap3A_317 = vector.shape_cast %mul3A_312 : vector<16xf32> to vector<1x16xf32>
        tpu.vector_store %arg15[%swap3A_313, %swap3A_314], %swap3A_317 {strides = array<i32>} : memref<128x64xf32, #tpu.memory_space<vmem>>, vector<1x16xf32>,
        %add3A_318 = arith.constant 32 : i32
        %add3A_319 = arith.addi %mul3A_286, %add3A_318 : i32
        %get3A_320 = arith.index_cast %add3A_280 : i32 to index
        %get3A_321 = arith.index_cast %add3A_319 : i32 to index
        %get3A_322 = tpu.vector_load %arg13[%get3A_320, %get3A_321] {strides = array<i32>} : memref<128x128xf32, #tpu.memory_space<vmem>>, vector<1x16xf32>,
        %get3A_323 = vector.shape_cast %get3A_322 : vector<1x16xf32> to vector<16xf32>
        %mul3A_324 = vector.broadcast %mul3A_291 : f32 to vector<16xf32>
        %mul3A_325 = arith.mulf %get3A_323, %mul3A_324 : vector<16xf32>
        %swap3A_326 = arith.index_cast %add3A_280 : i32 to index
        %swap3A_327 = arith.constant 32 : index
        %swap3A_328 = tpu.vector_load %arg15[%swap3A_326, %swap3A_327] {strides = array<i32>} : memref<128x64xf32, #tpu.memory_space<vmem>>, vector<1x16xf32>,
        %swap3A_329 = vector.shape_cast %swap3A_328 : vector<1x16xf32> to vector<16xf32>
        %swap3A_330 = vector.shape_cast %mul3A_325 : vector<16xf32> to vector<1x16xf32>
        tpu.vector_store %arg15[%swap3A_326, %swap3A_327], %swap3A_330 {strides = array<i32>} : memref<128x64xf32, #tpu.memory_space<vmem>>, vector<1x16xf32>,
        %add3A_331 = arith.constant 48 : i32
        %add3A_332 = arith.addi %mul3A_286, %add3A_331 : i32
        %get3A_333 = arith.index_cast %add3A_280 : i32 to index
        %get3A_334 = arith.index_cast %add3A_332 : i32 to index
        %get3A_335 = tpu.vector_load %arg13[%get3A_333, %get3A_334] {strides = array<i32>} : memref<128x128xf32, #tpu.memory_space<vmem>>, vector<1x16xf32>,
        %get3A_336 = vector.shape_cast %get3A_335 : vector<1x16xf32> to vector<16xf32>
        %mul3A_337 = vector.broadcast %mul3A_291 : f32 to vector<16xf32>
        %mul3A_338 = arith.mulf %get3A_336, %mul3A_337 : vector<16xf32>
        %swap3A_339 = arith.index_cast %add3A_280 : i32 to index
        %swap3A_340 = arith.constant 48 : index
        %swap3A_341 = tpu.vector_load %arg15[%swap3A_339, %swap3A_340] {strides = array<i32>} : memref<128x64xf32, #tpu.memory_space<vmem>>, vector<1x16xf32>,
        %swap3A_342 = vector.shape_cast %swap3A_341 : vector<1x16xf32> to vector<16xf32>
        %swap3A_343 = vector.shape_cast %mul3A_338 : vector<16xf32> to vector<1x16xf32>
        tpu.vector_store %arg15[%swap3A_339, %swap3A_340], %swap3A_343 {strides = array<i32>} : memref<128x64xf32, #tpu.memory_space<vmem>>, vector<1x16xf32>,
        %mul3A_344 = arith.constant 16 : i32
        %mul3A_345 = arith.muli %scan3A_130, %mul3A_344 : i32
        %add3A_346 = arith.constant 3 : i32
        %add3A_347 = arith.addi %mul3A_345, %add3A_346 : i32
        %slice3A_348 = vector.extract_strided_slice %get3A_136 {offsets = [3], sizes = [1], strides = [1]} : vector<16xi32> to vector<1xi32>
        %squeeze3A_349 = vector.extract %slice3A_348[0] : i32 from vector<1xi32>
        %and3A_350 = arith.constant 1 : i32
        %and3A_351 = arith.andi %squeeze3A_349, %and3A_350 : i32
        %mul3A_352 = arith.constant 64 : i32
        %mul3A_353 = arith.muli %and3A_351, %mul3A_352 : i32
        %slice3A_354 = vector.extract_strided_slice %get3A_141 {offsets = [3], sizes = [1], strides = [1]} : vector<16xf32> to vector<1xf32>
        %squeeze3A_355 = vector.extract %slice3A_354[0] : f32 from vector<1xf32>
        %slice3A_356 = vector.extract_strided_slice %get3A_146 {offsets = [3], sizes = [1], strides = [1]} : vector<16xf32> to vector<1xf32>
        %squeeze3A_357 = vector.extract %slice3A_356[0] : f32 from vector<1xf32>
        %mul3A_358 = arith.mulf %squeeze3A_355, %squeeze3A_357 : f32
        %add3A_359 = arith.constant 0 : i32
        %add3A_360 = arith.addi %mul3A_353, %add3A_359 : i32
        %get3A_361 = arith.index_cast %add3A_347 : i32 to index
        %get3A_362 = arith.index_cast %add3A_360 : i32 to index
        %get3A_363 = tpu.vector_load %arg13[%get3A_361, %get3A_362] {strides = array<i32>} : memref<128x128xf32, #tpu.memory_space<vmem>>, vector<1x16xf32>,
        %get3A_364 = vector.shape_cast %get3A_363 : vector<1x16xf32> to vector<16xf32>
        %mul3A_365 = vector.broadcast %mul3A_358 : f32 to vector<16xf32>
        %mul3A_366 = arith.mulf %get3A_364, %mul3A_365 : vector<16xf32>
        %swap3A_367 = arith.index_cast %add3A_347 : i32 to index
        %swap3A_368 = arith.constant 0 : index
        %swap3A_369 = tpu.vector_load %arg15[%swap3A_367, %swap3A_368] {strides = array<i32>} : memref<128x64xf32, #tpu.memory_space<vmem>>, vector<1x16xf32>,
        %swap3A_370 = vector.shape_cast %swap3A_369 : vector<1x16xf32> to vector<16xf32>
        %swap3A_371 = vector.shape_cast %mul3A_366 : vector<16xf32> to vector<1x16xf32>
        tpu.vector_store %arg15[%swap3A_367, %swap3A_368], %swap3A_371 {strides = array<i32>} : memref<128x64xf32, #tpu.memory_space<vmem>>, vector<1x16xf32>,
        %add3A_372 = arith.constant 16 : i32
        %add3A_373 = arith.addi %mul3A_353, %add3A_372 : i32
        %get3A_374 = arith.index_cast %add3A_347 : i32 to index
        %get3A_375 = arith.index_cast %add3A_373 : i32 to index
        %get3A_376 = tpu.vector_load %arg13[%get3A_374, %get3A_375] {strides = array<i32>} : memref<128x128xf32, #tpu.memory_space<vmem>>, vector<1x16xf32>,
        %get3A_377 = vector.shape_cast %get3A_376 : vector<1x16xf32> to vector<16xf32>
        %mul3A_378 = vector.broadcast %mul3A_358 : f32 to vector<16xf32>
        %mul3A_379 = arith.mulf %get3A_377, %mul3A_378 : vector<16xf32>
        %swap3A_380 = arith.index_cast %add3A_347 : i32 to index
        %swap3A_381 = arith.constant 16 : index
        %swap3A_382 = tpu.vector_load %arg15[%swap3A_380, %swap3A_381] {strides = array<i32>} : memref<128x64xf32, #tpu.memory_space<vmem>>, vector<1x16xf32>,
        %swap3A_383 = vector.shape_cast %swap3A_382 : vector<1x16xf32> to vector<16xf32>
        %swap3A_384 = vector.shape_cast %mul3A_379 : vector<16xf32> to vector<1x16xf32>
        tpu.vector_store %arg15[%swap3A_380, %swap3A_381], %swap3A_384 {strides = array<i32>} : memref<128x64xf32, #tpu.memory_space<vmem>>, vector<1x16xf32>,
        %add3A_385 = arith.constant 32 : i32
        %add3A_386 = arith.addi %mul3A_353, %add3A_385 : i32
        %get3A_387 = arith.index_cast %add3A_347 : i32 to index
        %get3A_388 = arith.index_cast %add3A_386 : i32 to index
        %get3A_389 = tpu.vector_load %arg13[%get3A_387, %get3A_388] {strides = array<i32>} : memref<128x128xf32, #tpu.memory_space<vmem>>, vector<1x16xf32>,
        %get3A_390 = vector.shape_cast %get3A_389 : vector<1x16xf32> to vector<16xf32>
        %mul3A_391 = vector.broadcast %mul3A_358 : f32 to vector<16xf32>
        %mul3A_392 = arith.mulf %get3A_390, %mul3A_391 : vector<16xf32>
        %swap3A_393 = arith.index_cast %add3A_347 : i32 to index
        %swap3A_394 = arith.constant 32 : index
        %swap3A_395 = tpu.vector_load %arg15[%swap3A_393, %swap3A_394] {strides = array<i32>} : memref<128x64xf32, #tpu.memory_space<vmem>>, vector<1x16xf32>,
        %swap3A_396 = vector.shape_cast %swap3A_395 : vector<1x16xf32> to vector<16xf32>
        %swap3A_397 = vector.shape_cast %mul3A_392 : vector<16xf32> to vector<1x16xf32>
        tpu.vector_store %arg15[%swap3A_393, %swap3A_394], %swap3A_397 {strides = array<i32>} : memref<128x64xf32, #tpu.memory_space<vmem>>, vector<1x16xf32>,
        %add3A_398 = arith.constant 48 : i32
        %add3A_399 = arith.addi %mul3A_353, %add3A_398 : i32
        %get3A_400 = arith.index_cast %add3A_347 : i32 to index
        %get3A_401 = arith.index_cast %add3A_399 : i32 to index
        %get3A_402 = tpu.vector_load %arg13[%get3A_400, %get3A_401] {strides = array<i32>} : memref<128x128xf32, #tpu.memory_space<vmem>>, vector<1x16xf32>,
        %get3A_403 = vector.shape_cast %get3A_402 : vector<1x16xf32> to vector<16xf32>
        %mul3A_404 = vector.broadcast %mul3A_358 : f32 to vector<16xf32>
        %mul3A_405 = arith.mulf %get3A_403, %mul3A_404 : vector<16xf32>
        %swap3A_406 = arith.index_cast %add3A_347 : i32 to index
        %swap3A_407 = arith.constant 48 : index
        %swap3A_408 = tpu.vector_load %arg15[%swap3A_406, %swap3A_407] {strides = array<i32>} : memref<128x64xf32, #tpu.memory_space<vmem>>, vector<1x16xf32>,
        %swap3A_409 = vector.shape_cast %swap3A_408 : vector<1x16xf32> to vector<16xf32>
        %swap3A_410 = vector.shape_cast %mul3A_405 : vector<16xf32> to vector<1x16xf32>
        tpu.vector_store %arg15[%swap3A_406, %swap3A_407], %swap3A_410 {strides = array<i32>} : memref<128x64xf32, #tpu.memory_space<vmem>>, vector<1x16xf32>,
        %mul3A_411 = arith.constant 16 : i32
        %mul3A_412 = arith.muli %scan3A_130, %mul3A_411 : i32
        %add3A_413 = arith.constant 4 : i32
        %add3A_414 = arith.addi %mul3A_412, %add3A_413 : i32
        %slice3A_415 = vector.extract_strided_slice %get3A_136 {offsets = [4], sizes = [1], strides = [1]} : vector<16xi32> to vector<1xi32>
        %squeeze3A_416 = vector.extract %slice3A_415[0] : i32 from vector<1xi32>
        %and3A_417 = arith.constant 1 : i32
        %and3A_418 = arith.andi %squeeze3A_416, %and3A_417 : i32
        %mul3A_419 = arith.constant 64 : i32
        %mul3A_420 = arith.muli %and3A_418, %mul3A_419 : i32
        %slice3A_421 = vector.extract_strided_slice %get3A_141 {offsets = [4], sizes = [1], strides = [1]} : vector<16xf32> to vector<1xf32>
        %squeeze3A_422 = vector.extract %slice3A_421[0] : f32 from vector<1xf32>
        %slice3A_423 = vector.extract_strided_slice %get3A_146 {offsets = [4], sizes = [1], strides = [1]} : vector<16xf32> to vector<1xf32>
        %squeeze3A_424 = vector.extract %slice3A_423[0] : f32 from vector<1xf32>
        %mul3A_425 = arith.mulf %squeeze3A_422, %squeeze3A_424 : f32
        %add3A_426 = arith.constant 0 : i32
        %add3A_427 = arith.addi %mul3A_420, %add3A_426 : i32
        %get3A_428 = arith.index_cast %add3A_414 : i32 to index
        %get3A_429 = arith.index_cast %add3A_427 : i32 to index
        %get3A_430 = tpu.vector_load %arg13[%get3A_428, %get3A_429] {strides = array<i32>} : memref<128x128xf32, #tpu.memory_space<vmem>>, vector<1x16xf32>,
        %get3A_431 = vector.shape_cast %get3A_430 : vector<1x16xf32> to vector<16xf32>
        %mul3A_432 = vector.broadcast %mul3A_425 : f32 to vector<16xf32>
        %mul3A_433 = arith.mulf %get3A_431, %mul3A_432 : vector<16xf32>
        %swap3A_434 = arith.index_cast %add3A_414 : i32 to index
        %swap3A_435 = arith.constant 0 : index
        %swap3A_436 = tpu.vector_load %arg15[%swap3A_434, %swap3A_435] {strides = array<i32>} : memref<128x64xf32, #tpu.memory_space<vmem>>, vector<1x16xf32>,
        %swap3A_437 = vector.shape_cast %swap3A_436 : vector<1x16xf32> to vector<16xf32>
        %swap3A_438 = vector.shape_cast %mul3A_433 : vector<16xf32> to vector<1x16xf32>
        tpu.vector_store %arg15[%swap3A_434, %swap3A_435], %swap3A_438 {strides = array<i32>} : memref<128x64xf32, #tpu.memory_space<vmem>>, vector<1x16xf32>,
        %add3A_439 = arith.constant 16 : i32
        %add3A_440 = arith.addi %mul3A_420, %add3A_439 : i32
        %get3A_441 = arith.index_cast %add3A_414 : i32 to index
        %get3A_442 = arith.index_cast %add3A_440 : i32 to index
        %get3A_443 = tpu.vector_load %arg13[%get3A_441, %get3A_442] {strides = array<i32>} : memref<128x128xf32, #tpu.memory_space<vmem>>, vector<1x16xf32>,
        %get3A_444 = vector.shape_cast %get3A_443 : vector<1x16xf32> to vector<16xf32>
        %mul3A_445 = vector.broadcast %mul3A_425 : f32 to vector<16xf32>
        %mul3A_446 = arith.mulf %get3A_444, %mul3A_445 : vector<16xf32>
        %swap3A_447 = arith.index_cast %add3A_414 : i32 to index
        %swap3A_448 = arith.constant 16 : index
        %swap3A_449 = tpu.vector_load %arg15[%swap3A_447, %swap3A_448] {strides = array<i32>} : memref<128x64xf32, #tpu.memory_space<vmem>>, vector<1x16xf32>,
        %swap3A_450 = vector.shape_cast %swap3A_449 : vector<1x16xf32> to vector<16xf32>
        %swap3A_451 = vector.shape_cast %mul3A_446 : vector<16xf32> to vector<1x16xf32>
        tpu.vector_store %arg15[%swap3A_447, %swap3A_448], %swap3A_451 {strides = array<i32>} : memref<128x64xf32, #tpu.memory_space<vmem>>, vector<1x16xf32>,
        %add3A_452 = arith.constant 32 : i32
        %add3A_453 = arith.addi %mul3A_420, %add3A_452 : i32
        %get3A_454 = arith.index_cast %add3A_414 : i32 to index
        %get3A_455 = arith.index_cast %add3A_453 : i32 to index
        %get3A_456 = tpu.vector_load %arg13[%get3A_454, %get3A_455] {strides = array<i32>} : memref<128x128xf32, #tpu.memory_space<vmem>>, vector<1x16xf32>,
        %get3A_457 = vector.shape_cast %get3A_456 : vector<1x16xf32> to vector<16xf32>
        %mul3A_458 = vector.broadcast %mul3A_425 : f32 to vector<16xf32>
        %mul3A_459 = arith.mulf %get3A_457, %mul3A_458 : vector<16xf32>
        %swap3A_460 = arith.index_cast %add3A_414 : i32 to index
        %swap3A_461 = arith.constant 32 : index
        %swap3A_462 = tpu.vector_load %arg15[%swap3A_460, %swap3A_461] {strides = array<i32>} : memref<128x64xf32, #tpu.memory_space<vmem>>, vector<1x16xf32>,
        %swap3A_463 = vector.shape_cast %swap3A_462 : vector<1x16xf32> to vector<16xf32>
        %swap3A_464 = vector.shape_cast %mul3A_459 : vector<16xf32> to vector<1x16xf32>
        tpu.vector_store %arg15[%swap3A_460, %swap3A_461], %swap3A_464 {strides = array<i32>} : memref<128x64xf32, #tpu.memory_space<vmem>>, vector<1x16xf32>,
        %add3A_465 = arith.constant 48 : i32
        %add3A_466 = arith.addi %mul3A_420, %add3A_465 : i32
        %get3A_467 = arith.index_cast %add3A_414 : i32 to index
        %get3A_468 = arith.index_cast %add3A_466 : i32 to index
        %get3A_469 = tpu.vector_load %arg13[%get3A_467, %get3A_468] {strides = array<i32>} : memref<128x128xf32, #tpu.memory_space<vmem>>, vector<1x16xf32>,
        %get3A_470 = vector.shape_cast %get3A_469 : vector<1x16xf32> to vector<16xf32>
        %mul3A_471 = vector.broadcast %mul3A_425 : f32 to vector<16xf32>
        %mul3A_472 = arith.mulf %get3A_470, %mul3A_471 : vector<16xf32>
        %swap3A_473 = arith.index_cast %add3A_414 : i32 to index
        %swap3A_474 = arith.constant 48 : index
        %swap3A_475 = tpu.vector_load %arg15[%swap3A_473, %swap3A_474] {strides = array<i32>} : memref<128x64xf32, #tpu.memory_space<vmem>>, vector<1x16xf32>,
        %swap3A_476 = vector.shape_cast %swap3A_475 : vector<1x16xf32> to vector<16xf32>
        %swap3A_477 = vector.shape_cast %mul3A_472 : vector<16xf32> to vector<1x16xf32>
        tpu.vector_store %arg15[%swap3A_473, %swap3A_474], %swap3A_477 {strides = array<i32>} : memref<128x64xf32, #tpu.memory_space<vmem>>, vector<1x16xf32>,
        %mul3A_478 = arith.constant 16 : i32
        %mul3A_479 = arith.muli %scan3A_130, %mul3A_478 : i32
        %add3A_480 = arith.constant 5 : i32
        %add3A_481 = arith.addi %mul3A_479, %add3A_480 : i32
        %slice3A_482 = vector.extract_strided_slice %get3A_136 {offsets = [5], sizes = [1], strides = [1]} : vector<16xi32> to vector<1xi32>
        %squeeze3A_483 = vector.extract %slice3A_482[0] : i32 from vector<1xi32>
        %and3A_484 = arith.constant 1 : i32
        %and3A_485 = arith.andi %squeeze3A_483, %and3A_484 : i32
        %mul3A_486 = arith.constant 64 : i32
        %mul3A_487 = arith.muli %and3A_485, %mul3A_486 : i32
        %slice3A_488 = vector.extract_strided_slice %get3A_141 {offsets = [5], sizes = [1], strides = [1]} : vector<16xf32> to vector<1xf32>
        %squeeze3A_489 = vector.extract %slice3A_488[0] : f32 from vector<1xf32>
        %slice3A_490 = vector.extract_strided_slice %get3A_146 {offsets = [5], sizes = [1], strides = [1]} : vector<16xf32> to vector<1xf32>
        %squeeze3A_491 = vector.extract %slice3A_490[0] : f32 from vector<1xf32>
        %mul3A_492 = arith.mulf %squeeze3A_489, %squeeze3A_491 : f32
        %add3A_493 = arith.constant 0 : i32
        %add3A_494 = arith.addi %mul3A_487, %add3A_493 : i32
        %get3A_495 = arith.index_cast %add3A_481 : i32 to index
        %get3A_496 = arith.index_cast %add3A_494 : i32 to index
        %get3A_497 = tpu.vector_load %arg13[%get3A_495, %get3A_496] {strides = array<i32>} : memref<128x128xf32, #tpu.memory_space<vmem>>, vector<1x16xf32>,
        %get3A_498 = vector.shape_cast %get3A_497 : vector<1x16xf32> to vector<16xf32>
        %mul3A_499 = vector.broadcast %mul3A_492 : f32 to vector<16xf32>
        %mul3A_500 = arith.mulf %get3A_498, %mul3A_499 : vector<16xf32>
        %swap3A_501 = arith.index_cast %add3A_481 : i32 to index
        %swap3A_502 = arith.constant 0 : index
        %swap3A_503 = tpu.vector_load %arg15[%swap3A_501, %swap3A_502] {strides = array<i32>} : memref<128x64xf32, #tpu.memory_space<vmem>>, vector<1x16xf32>,
        %swap3A_504 = vector.shape_cast %swap3A_503 : vector<1x16xf32> to vector<16xf32>
        %swap3A_505 = vector.shape_cast %mul3A_500 : vector<16xf32> to vector<1x16xf32>
        tpu.vector_store %arg15[%swap3A_501, %swap3A_502], %swap3A_505 {strides = array<i32>} : memref<128x64xf32, #tpu.memory_space<vmem>>, vector<1x16xf32>,
        %add3A_506 = arith.constant 16 : i32
        %add3A_507 = arith.addi %mul3A_487, %add3A_506 : i32
        %get3A_508 = arith.index_cast %add3A_481 : i32 to index
        %get3A_509 = arith.index_cast %add3A_507 : i32 to index
        %get3A_510 = tpu.vector_load %arg13[%get3A_508, %get3A_509] {strides = array<i32>} : memref<128x128xf32, #tpu.memory_space<vmem>>, vector<1x16xf32>,
        %get3A_511 = vector.shape_cast %get3A_510 : vector<1x16xf32> to vector<16xf32>
        %mul3A_512 = vector.broadcast %mul3A_492 : f32 to vector<16xf32>
        %mul3A_513 = arith.mulf %get3A_511, %mul3A_512 : vector<16xf32>
        %swap3A_514 = arith.index_cast %add3A_481 : i32 to index
        %swap3A_515 = arith.constant 16 : index
        %swap3A_516 = tpu.vector_load %arg15[%swap3A_514, %swap3A_515] {strides = array<i32>} : memref<128x64xf32, #tpu.memory_space<vmem>>, vector<1x16xf32>,
        %swap3A_517 = vector.shape_cast %swap3A_516 : vector<1x16xf32> to vector<16xf32>
        %swap3A_518 = vector.shape_cast %mul3A_513 : vector<16xf32> to vector<1x16xf32>
        tpu.vector_store %arg15[%swap3A_514, %swap3A_515], %swap3A_518 {strides = array<i32>} : memref<128x64xf32, #tpu.memory_space<vmem>>, vector<1x16xf32>,
        %add3A_519 = arith.constant 32 : i32
        %add3A_520 = arith.addi %mul3A_487, %add3A_519 : i32
        %get3A_521 = arith.index_cast %add3A_481 : i32 to index
        %get3A_522 = arith.index_cast %add3A_520 : i32 to index
        %get3A_523 = tpu.vector_load %arg13[%get3A_521, %get3A_522] {strides = array<i32>} : memref<128x128xf32, #tpu.memory_space<vmem>>, vector<1x16xf32>,
        %get3A_524 = vector.shape_cast %get3A_523 : vector<1x16xf32> to vector<16xf32>
        %mul3A_525 = vector.broadcast %mul3A_492 : f32 to vector<16xf32>
        %mul3A_526 = arith.mulf %get3A_524, %mul3A_525 : vector<16xf32>
        %swap3A_527 = arith.index_cast %add3A_481 : i32 to index
        %swap3A_528 = arith.constant 32 : index
        %swap3A_529 = tpu.vector_load %arg15[%swap3A_527, %swap3A_528] {strides = array<i32>} : memref<128x64xf32, #tpu.memory_space<vmem>>, vector<1x16xf32>,
        %swap3A_530 = vector.shape_cast %swap3A_529 : vector<1x16xf32> to vector<16xf32>
        %swap3A_531 = vector.shape_cast %mul3A_526 : vector<16xf32> to vector<1x16xf32>
        tpu.vector_store %arg15[%swap3A_527, %swap3A_528], %swap3A_531 {strides = array<i32>} : memref<128x64xf32, #tpu.memory_space<vmem>>, vector<1x16xf32>,
        %add3A_532 = arith.constant 48 : i32
        %add3A_533 = arith.addi %mul3A_487, %add3A_532 : i32
        %get3A_534 = arith.index_cast %add3A_481 : i32 to index
        %get3A_535 = arith.index_cast %add3A_533 : i32 to index
        %get3A_536 = tpu.vector_load %arg13[%get3A_534, %get3A_535] {strides = array<i32>} : memref<128x128xf32, #tpu.memory_space<vmem>>, vector<1x16xf32>,
        %get3A_537 = vector.shape_cast %get3A_536 : vector<1x16xf32> to vector<16xf32>
        %mul3A_538 = vector.broadcast %mul3A_492 : f32 to vector<16xf32>
        %mul3A_539 = arith.mulf %get3A_537, %mul3A_538 : vector<16xf32>
        %swap3A_540 = arith.index_cast %add3A_481 : i32 to index
        %swap3A_541 = arith.constant 48 : index
        %swap3A_542 = tpu.vector_load %arg15[%swap3A_540, %swap3A_541] {strides = array<i32>} : memref<128x64xf32, #tpu.memory_space<vmem>>, vector<1x16xf32>,
        %swap3A_543 = vector.shape_cast %swap3A_542 : vector<1x16xf32> to vector<16xf32>
        %swap3A_544 = vector.shape_cast %mul3A_539 : vector<16xf32> to vector<1x16xf32>
        tpu.vector_store %arg15[%swap3A_540, %swap3A_541], %swap3A_544 {strides = array<i32>} : memref<128x64xf32, #tpu.memory_space<vmem>>, vector<1x16xf32>,
        %mul3A_545 = arith.constant 16 : i32
        %mul3A_546 = arith.muli %scan3A_130, %mul3A_545 : i32
        %add3A_547 = arith.constant 6 : i32
        %add3A_548 = arith.addi %mul3A_546, %add3A_547 : i32
        %slice3A_549 = vector.extract_strided_slice %get3A_136 {offsets = [6], sizes = [1], strides = [1]} : vector<16xi32> to vector<1xi32>
        %squeeze3A_550 = vector.extract %slice3A_549[0] : i32 from vector<1xi32>
        %and3A_551 = arith.constant 1 : i32
        %and3A_552 = arith.andi %squeeze3A_550, %and3A_551 : i32
        %mul3A_553 = arith.constant 64 : i32
        %mul3A_554 = arith.muli %and3A_552, %mul3A_553 : i32
        %slice3A_555 = vector.extract_strided_slice %get3A_141 {offsets = [6], sizes = [1], strides = [1]} : vector<16xf32> to vector<1xf32>
        %squeeze3A_556 = vector.extract %slice3A_555[0] : f32 from vector<1xf32>
        %slice3A_557 = vector.extract_strided_slice %get3A_146 {offsets = [6], sizes = [1], strides = [1]} : vector<16xf32> to vector<1xf32>
        %squeeze3A_558 = vector.extract %slice3A_557[0] : f32 from vector<1xf32>
        %mul3A_559 = arith.mulf %squeeze3A_556, %squeeze3A_558 : f32
        %add3A_560 = arith.constant 0 : i32
        %add3A_561 = arith.addi %mul3A_554, %add3A_560 : i32
        %get3A_562 = arith.index_cast %add3A_548 : i32 to index
        %get3A_563 = arith.index_cast %add3A_561 : i32 to index
        %get3A_564 = tpu.vector_load %arg13[%get3A_562, %get3A_563] {strides = array<i32>} : memref<128x128xf32, #tpu.memory_space<vmem>>, vector<1x16xf32>,
        %get3A_565 = vector.shape_cast %get3A_564 : vector<1x16xf32> to vector<16xf32>
        %mul3A_566 = vector.broadcast %mul3A_559 : f32 to vector<16xf32>
        %mul3A_567 = arith.mulf %get3A_565, %mul3A_566 : vector<16xf32>
        %swap3A_568 = arith.index_cast %add3A_548 : i32 to index
        %swap3A_569 = arith.constant 0 : index
        %swap3A_570 = tpu.vector_load %arg15[%swap3A_568, %swap3A_569] {strides = array<i32>} : memref<128x64xf32, #tpu.memory_space<vmem>>, vector<1x16xf32>,
        %swap3A_571 = vector.shape_cast %swap3A_570 : vector<1x16xf32> to vector<16xf32>
        %swap3A_572 = vector.shape_cast %mul3A_567 : vector<16xf32> to vector<1x16xf32>
        tpu.vector_store %arg15[%swap3A_568, %swap3A_569], %swap3A_572 {strides = array<i32>} : memref<128x64xf32, #tpu.memory_space<vmem>>, vector<1x16xf32>,
        %add3A_573 = arith.constant 16 : i32
        %add3A_574 = arith.addi %mul3A_554, %add3A_573 : i32
        %get3A_575 = arith.index_cast %add3A_548 : i32 to index
        %get3A_576 = arith.index_cast %add3A_574 : i32 to index
        %get3A_577 = tpu.vector_load %arg13[%get3A_575, %get3A_576] {strides = array<i32>} : memref<128x128xf32, #tpu.memory_space<vmem>>, vector<1x16xf32>,
        %get3A_578 = vector.shape_cast %get3A_577 : vector<1x16xf32> to vector<16xf32>
        %mul3A_579 = vector.broadcast %mul3A_559 : f32 to vector<16xf32>
        %mul3A_580 = arith.mulf %get3A_578, %mul3A_579 : vector<16xf32>
        %swap3A_581 = arith.index_cast %add3A_548 : i32 to index
        %swap3A_582 = arith.constant 16 : index
        %swap3A_583 = tpu.vector_load %arg15[%swap3A_581, %swap3A_582] {strides = array<i32>} : memref<128x64xf32, #tpu.memory_space<vmem>>, vector<1x16xf32>,
        %swap3A_584 = vector.shape_cast %swap3A_583 : vector<1x16xf32> to vector<16xf32>
        %swap3A_585 = vector.shape_cast %mul3A_580 : vector<16xf32> to vector<1x16xf32>
        tpu.vector_store %arg15[%swap3A_581, %swap3A_582], %swap3A_585 {strides = array<i32>} : memref<128x64xf32, #tpu.memory_space<vmem>>, vector<1x16xf32>,
        %add3A_586 = arith.constant 32 : i32
        %add3A_587 = arith.addi %mul3A_554, %add3A_586 : i32
        %get3A_588 = arith.index_cast %add3A_548 : i32 to index
        %get3A_589 = arith.index_cast %add3A_587 : i32 to index
        %get3A_590 = tpu.vector_load %arg13[%get3A_588, %get3A_589] {strides = array<i32>} : memref<128x128xf32, #tpu.memory_space<vmem>>, vector<1x16xf32>,
        %get3A_591 = vector.shape_cast %get3A_590 : vector<1x16xf32> to vector<16xf32>
        %mul3A_592 = vector.broadcast %mul3A_559 : f32 to vector<16xf32>
        %mul3A_593 = arith.mulf %get3A_591, %mul3A_592 : vector<16xf32>
        %swap3A_594 = arith.index_cast %add3A_548 : i32 to index
        %swap3A_595 = arith.constant 32 : index
        %swap3A_596 = tpu.vector_load %arg15[%swap3A_594, %swap3A_595] {strides = array<i32>} : memref<128x64xf32, #tpu.memory_space<vmem>>, vector<1x16xf32>,
        %swap3A_597 = vector.shape_cast %swap3A_596 : vector<1x16xf32> to vector<16xf32>
        %swap3A_598 = vector.shape_cast %mul3A_593 : vector<16xf32> to vector<1x16xf32>
        tpu.vector_store %arg15[%swap3A_594, %swap3A_595], %swap3A_598 {strides = array<i32>} : memref<128x64xf32, #tpu.memory_space<vmem>>, vector<1x16xf32>,
        %add3A_599 = arith.constant 48 : i32
        %add3A_600 = arith.addi %mul3A_554, %add3A_599 : i32
        %get3A_601 = arith.index_cast %add3A_548 : i32 to index
        %get3A_602 = arith.index_cast %add3A_600 : i32 to index
        %get3A_603 = tpu.vector_load %arg13[%get3A_601, %get3A_602] {strides = array<i32>} : memref<128x128xf32, #tpu.memory_space<vmem>>, vector<1x16xf32>,
        %get3A_604 = vector.shape_cast %get3A_603 : vector<1x16xf32> to vector<16xf32>
        %mul3A_605 = vector.broadcast %mul3A_559 : f32 to vector<16xf32>
        %mul3A_606 = arith.mulf %get3A_604, %mul3A_605 : vector<16xf32>
        %swap3A_607 = arith.index_cast %add3A_548 : i32 to index
        %swap3A_608 = arith.constant 48 : index
        %swap3A_609 = tpu.vector_load %arg15[%swap3A_607, %swap3A_608] {strides = array<i32>} : memref<128x64xf32, #tpu.memory_space<vmem>>, vector<1x16xf32>,
        %swap3A_610 = vector.shape_cast %swap3A_609 : vector<1x16xf32> to vector<16xf32>
        %swap3A_611 = vector.shape_cast %mul3A_606 : vector<16xf32> to vector<1x16xf32>
        tpu.vector_store %arg15[%swap3A_607, %swap3A_608], %swap3A_611 {strides = array<i32>} : memref<128x64xf32, #tpu.memory_space<vmem>>, vector<1x16xf32>,
        %mul3A_612 = arith.constant 16 : i32
        %mul3A_613 = arith.muli %scan3A_130, %mul3A_612 : i32
        %add3A_614 = arith.constant 7 : i32
        %add3A_615 = arith.addi %mul3A_613, %add3A_614 : i32
        %slice3A_616 = vector.extract_strided_slice %get3A_136 {offsets = [7], sizes = [1], strides = [1]} : vector<16xi32> to vector<1xi32>
        %squeeze3A_617 = vector.extract %slice3A_616[0] : i32 from vector<1xi32>
        %and3A_618 = arith.constant 1 : i32
        %and3A_619 = arith.andi %squeeze3A_617, %and3A_618 : i32
        %mul3A_620 = arith.constant 64 : i32
        %mul3A_621 = arith.muli %and3A_619, %mul3A_620 : i32
        %slice3A_622 = vector.extract_strided_slice %get3A_141 {offsets = [7], sizes = [1], strides = [1]} : vector<16xf32> to vector<1xf32>
        %squeeze3A_623 = vector.extract %slice3A_622[0] : f32 from vector<1xf32>
        %slice3A_624 = vector.extract_strided_slice %get3A_146 {offsets = [7], sizes = [1], strides = [1]} : vector<16xf32> to vector<1xf32>
        %squeeze3A_625 = vector.extract %slice3A_624[0] : f32 from vector<1xf32>
        %mul3A_626 = arith.mulf %squeeze3A_623, %squeeze3A_625 : f32
        %add3A_627 = arith.constant 0 : i32
        %add3A_628 = arith.addi %mul3A_621, %add3A_627 : i32
        %get3A_629 = arith.index_cast %add3A_615 : i32 to index
        %get3A_630 = arith.index_cast %add3A_628 : i32 to index
        %get3A_631 = tpu.vector_load %arg13[%get3A_629, %get3A_630] {strides = array<i32>} : memref<128x128xf32, #tpu.memory_space<vmem>>, vector<1x16xf32>,
        %get3A_632 = vector.shape_cast %get3A_631 : vector<1x16xf32> to vector<16xf32>
        %mul3A_633 = vector.broadcast %mul3A_626 : f32 to vector<16xf32>
        %mul3A_634 = arith.mulf %get3A_632, %mul3A_633 : vector<16xf32>
        %swap3A_635 = arith.index_cast %add3A_615 : i32 to index
        %swap3A_636 = arith.constant 0 : index
        %swap3A_637 = tpu.vector_load %arg15[%swap3A_635, %swap3A_636] {strides = array<i32>} : memref<128x64xf32, #tpu.memory_space<vmem>>, vector<1x16xf32>,
        %swap3A_638 = vector.shape_cast %swap3A_637 : vector<1x16xf32> to vector<16xf32>
        %swap3A_639 = vector.shape_cast %mul3A_634 : vector<16xf32> to vector<1x16xf32>
        tpu.vector_store %arg15[%swap3A_635, %swap3A_636], %swap3A_639 {strides = array<i32>} : memref<128x64xf32, #tpu.memory_space<vmem>>, vector<1x16xf32>,
        %add3A_640 = arith.constant 16 : i32
        %add3A_641 = arith.addi %mul3A_621, %add3A_640 : i32
        %get3A_642 = arith.index_cast %add3A_615 : i32 to index
        %get3A_643 = arith.index_cast %add3A_641 : i32 to index
        %get3A_644 = tpu.vector_load %arg13[%get3A_642, %get3A_643] {strides = array<i32>} : memref<128x128xf32, #tpu.memory_space<vmem>>, vector<1x16xf32>,
        %get3A_645 = vector.shape_cast %get3A_644 : vector<1x16xf32> to vector<16xf32>
        %mul3A_646 = vector.broadcast %mul3A_626 : f32 to vector<16xf32>
        %mul3A_647 = arith.mulf %get3A_645, %mul3A_646 : vector<16xf32>
        %swap3A_648 = arith.index_cast %add3A_615 : i32 to index
        %swap3A_649 = arith.constant 16 : index
        %swap3A_650 = tpu.vector_load %arg15[%swap3A_648, %swap3A_649] {strides = array<i32>} : memref<128x64xf32, #tpu.memory_space<vmem>>, vector<1x16xf32>,
        %swap3A_651 = vector.shape_cast %swap3A_650 : vector<1x16xf32> to vector<16xf32>
        %swap3A_652 = vector.shape_cast %mul3A_647 : vector<16xf32> to vector<1x16xf32>
        tpu.vector_store %arg15[%swap3A_648, %swap3A_649], %swap3A_652 {strides = array<i32>} : memref<128x64xf32, #tpu.memory_space<vmem>>, vector<1x16xf32>,
        %add3A_653 = arith.constant 32 : i32
        %add3A_654 = arith.addi %mul3A_621, %add3A_653 : i32
        %get3A_655 = arith.index_cast %add3A_615 : i32 to index
        %get3A_656 = arith.index_cast %add3A_654 : i32 to index
        %get3A_657 = tpu.vector_load %arg13[%get3A_655, %get3A_656] {strides = array<i32>} : memref<128x128xf32, #tpu.memory_space<vmem>>, vector<1x16xf32>,
        %get3A_658 = vector.shape_cast %get3A_657 : vector<1x16xf32> to vector<16xf32>
        %mul3A_659 = vector.broadcast %mul3A_626 : f32 to vector<16xf32>
        %mul3A_660 = arith.mulf %get3A_658, %mul3A_659 : vector<16xf32>
        %swap3A_661 = arith.index_cast %add3A_615 : i32 to index
        %swap3A_662 = arith.constant 32 : index
        %swap3A_663 = tpu.vector_load %arg15[%swap3A_661, %swap3A_662] {strides = array<i32>} : memref<128x64xf32, #tpu.memory_space<vmem>>, vector<1x16xf32>,
        %swap3A_664 = vector.shape_cast %swap3A_663 : vector<1x16xf32> to vector<16xf32>
        %swap3A_665 = vector.shape_cast %mul3A_660 : vector<16xf32> to vector<1x16xf32>
        tpu.vector_store %arg15[%swap3A_661, %swap3A_662], %swap3A_665 {strides = array<i32>} : memref<128x64xf32, #tpu.memory_space<vmem>>, vector<1x16xf32>,
        %add3A_666 = arith.constant 48 : i32
        %add3A_667 = arith.addi %mul3A_621, %add3A_666 : i32
        %get3A_668 = arith.index_cast %add3A_615 : i32 to index
        %get3A_669 = arith.index_cast %add3A_667 : i32 to index
        %get3A_670 = tpu.vector_load %arg13[%get3A_668, %get3A_669] {strides = array<i32>} : memref<128x128xf32, #tpu.memory_space<vmem>>, vector<1x16xf32>,
        %get3A_671 = vector.shape_cast %get3A_670 : vector<1x16xf32> to vector<16xf32>
        %mul3A_672 = vector.broadcast %mul3A_626 : f32 to vector<16xf32>
        %mul3A_673 = arith.mulf %get3A_671, %mul3A_672 : vector<16xf32>
        %swap3A_674 = arith.index_cast %add3A_615 : i32 to index
        %swap3A_675 = arith.constant 48 : index
        %swap3A_676 = tpu.vector_load %arg15[%swap3A_674, %swap3A_675] {strides = array<i32>} : memref<128x64xf32, #tpu.memory_space<vmem>>, vector<1x16xf32>,
        %swap3A_677 = vector.shape_cast %swap3A_676 : vector<1x16xf32> to vector<16xf32>
        %swap3A_678 = vector.shape_cast %mul3A_673 : vector<16xf32> to vector<1x16xf32>
        tpu.vector_store %arg15[%swap3A_674, %swap3A_675], %swap3A_678 {strides = array<i32>} : memref<128x64xf32, #tpu.memory_space<vmem>>, vector<1x16xf32>,
        %mul3A_679 = arith.constant 16 : i32
        %mul3A_680 = arith.muli %scan3A_130, %mul3A_679 : i32
        %add3A_681 = arith.constant 8 : i32
        %add3A_682 = arith.addi %mul3A_680, %add3A_681 : i32
        %slice3A_683 = vector.extract_strided_slice %get3A_136 {offsets = [8], sizes = [1], strides = [1]} : vector<16xi32> to vector<1xi32>
        %squeeze3A_684 = vector.extract %slice3A_683[0] : i32 from vector<1xi32>
        %and3A_685 = arith.constant 1 : i32
        %and3A_686 = arith.andi %squeeze3A_684, %and3A_685 : i32
        %mul3A_687 = arith.constant 64 : i32
        %mul3A_688 = arith.muli %and3A_686, %mul3A_687 : i32
        %slice3A_689 = vector.extract_strided_slice %get3A_141 {offsets = [8], sizes = [1], strides = [1]} : vector<16xf32> to vector<1xf32>
        %squeeze3A_690 = vector.extract %slice3A_689[0] : f32 from vector<1xf32>
        %slice3A_691 = vector.extract_strided_slice %get3A_146 {offsets = [8], sizes = [1], strides = [1]} : vector<16xf32> to vector<1xf32>
        %squeeze3A_692 = vector.extract %slice3A_691[0] : f32 from vector<1xf32>
        %mul3A_693 = arith.mulf %squeeze3A_690, %squeeze3A_692 : f32
        %add3A_694 = arith.constant 0 : i32
        %add3A_695 = arith.addi %mul3A_688, %add3A_694 : i32
        %get3A_696 = arith.index_cast %add3A_682 : i32 to index
        %get3A_697 = arith.index_cast %add3A_695 : i32 to index
        %get3A_698 = tpu.vector_load %arg13[%get3A_696, %get3A_697] {strides = array<i32>} : memref<128x128xf32, #tpu.memory_space<vmem>>, vector<1x16xf32>,
        %get3A_699 = vector.shape_cast %get3A_698 : vector<1x16xf32> to vector<16xf32>
        %mul3A_700 = vector.broadcast %mul3A_693 : f32 to vector<16xf32>
        %mul3A_701 = arith.mulf %get3A_699, %mul3A_700 : vector<16xf32>
        %swap3A_702 = arith.index_cast %add3A_682 : i32 to index
        %swap3A_703 = arith.constant 0 : index
        %swap3A_704 = tpu.vector_load %arg15[%swap3A_702, %swap3A_703] {strides = array<i32>} : memref<128x64xf32, #tpu.memory_space<vmem>>, vector<1x16xf32>,
        %swap3A_705 = vector.shape_cast %swap3A_704 : vector<1x16xf32> to vector<16xf32>
        %swap3A_706 = vector.shape_cast %mul3A_701 : vector<16xf32> to vector<1x16xf32>
        tpu.vector_store %arg15[%swap3A_702, %swap3A_703], %swap3A_706 {strides = array<i32>} : memref<128x64xf32, #tpu.memory_space<vmem>>, vector<1x16xf32>,
        %add3A_707 = arith.constant 16 : i32
        %add3A_708 = arith.addi %mul3A_688, %add3A_707 : i32
        %get3A_709 = arith.index_cast %add3A_682 : i32 to index
        %get3A_710 = arith.index_cast %add3A_708 : i32 to index
        %get3A_711 = tpu.vector_load %arg13[%get3A_709, %get3A_710] {strides = array<i32>} : memref<128x128xf32, #tpu.memory_space<vmem>>, vector<1x16xf32>,
        %get3A_712 = vector.shape_cast %get3A_711 : vector<1x16xf32> to vector<16xf32>
        %mul3A_713 = vector.broadcast %mul3A_693 : f32 to vector<16xf32>
        %mul3A_714 = arith.mulf %get3A_712, %mul3A_713 : vector<16xf32>
        %swap3A_715 = arith.index_cast %add3A_682 : i32 to index
        %swap3A_716 = arith.constant 16 : index
        %swap3A_717 = tpu.vector_load %arg15[%swap3A_715, %swap3A_716] {strides = array<i32>} : memref<128x64xf32, #tpu.memory_space<vmem>>, vector<1x16xf32>,
        %swap3A_718 = vector.shape_cast %swap3A_717 : vector<1x16xf32> to vector<16xf32>
        %swap3A_719 = vector.shape_cast %mul3A_714 : vector<16xf32> to vector<1x16xf32>
        tpu.vector_store %arg15[%swap3A_715, %swap3A_716], %swap3A_719 {strides = array<i32>} : memref<128x64xf32, #tpu.memory_space<vmem>>, vector<1x16xf32>,
        %add3A_720 = arith.constant 32 : i32
        %add3A_721 = arith.addi %mul3A_688, %add3A_720 : i32
        %get3A_722 = arith.index_cast %add3A_682 : i32 to index
        %get3A_723 = arith.index_cast %add3A_721 : i32 to index
        %get3A_724 = tpu.vector_load %arg13[%get3A_722, %get3A_723] {strides = array<i32>} : memref<128x128xf32, #tpu.memory_space<vmem>>, vector<1x16xf32>,
        %get3A_725 = vector.shape_cast %get3A_724 : vector<1x16xf32> to vector<16xf32>
        %mul3A_726 = vector.broadcast %mul3A_693 : f32 to vector<16xf32>
        %mul3A_727 = arith.mulf %get3A_725, %mul3A_726 : vector<16xf32>
        %swap3A_728 = arith.index_cast %add3A_682 : i32 to index
        %swap3A_729 = arith.constant 32 : index
        %swap3A_730 = tpu.vector_load %arg15[%swap3A_728, %swap3A_729] {strides = array<i32>} : memref<128x64xf32, #tpu.memory_space<vmem>>, vector<1x16xf32>,
        %swap3A_731 = vector.shape_cast %swap3A_730 : vector<1x16xf32> to vector<16xf32>
        %swap3A_732 = vector.shape_cast %mul3A_727 : vector<16xf32> to vector<1x16xf32>
        tpu.vector_store %arg15[%swap3A_728, %swap3A_729], %swap3A_732 {strides = array<i32>} : memref<128x64xf32, #tpu.memory_space<vmem>>, vector<1x16xf32>,
        %add3A_733 = arith.constant 48 : i32
        %add3A_734 = arith.addi %mul3A_688, %add3A_733 : i32
        %get3A_735 = arith.index_cast %add3A_682 : i32 to index
        %get3A_736 = arith.index_cast %add3A_734 : i32 to index
        %get3A_737 = tpu.vector_load %arg13[%get3A_735, %get3A_736] {strides = array<i32>} : memref<128x128xf32, #tpu.memory_space<vmem>>, vector<1x16xf32>,
        %get3A_738 = vector.shape_cast %get3A_737 : vector<1x16xf32> to vector<16xf32>
        %mul3A_739 = vector.broadcast %mul3A_693 : f32 to vector<16xf32>
        %mul3A_740 = arith.mulf %get3A_738, %mul3A_739 : vector<16xf32>
        %swap3A_741 = arith.index_cast %add3A_682 : i32 to index
        %swap3A_742 = arith.constant 48 : index
        %swap3A_743 = tpu.vector_load %arg15[%swap3A_741, %swap3A_742] {strides = array<i32>} : memref<128x64xf32, #tpu.memory_space<vmem>>, vector<1x16xf32>,
        %swap3A_744 = vector.shape_cast %swap3A_743 : vector<1x16xf32> to vector<16xf32>
        %swap3A_745 = vector.shape_cast %mul3A_740 : vector<16xf32> to vector<1x16xf32>
        tpu.vector_store %arg15[%swap3A_741, %swap3A_742], %swap3A_745 {strides = array<i32>} : memref<128x64xf32, #tpu.memory_space<vmem>>, vector<1x16xf32>,
        %mul3A_746 = arith.constant 16 : i32
        %mul3A_747 = arith.muli %scan3A_130, %mul3A_746 : i32
        %add3A_748 = arith.constant 9 : i32
        %add3A_749 = arith.addi %mul3A_747, %add3A_748 : i32
        %slice3A_750 = vector.extract_strided_slice %get3A_136 {offsets = [9], sizes = [1], strides = [1]} : vector<16xi32> to vector<1xi32>
        %squeeze3A_751 = vector.extract %slice3A_750[0] : i32 from vector<1xi32>
        %and3A_752 = arith.constant 1 : i32
        %and3A_753 = arith.andi %squeeze3A_751, %and3A_752 : i32
        %mul3A_754 = arith.constant 64 : i32
        %mul3A_755 = arith.muli %and3A_753, %mul3A_754 : i32
        %slice3A_756 = vector.extract_strided_slice %get3A_141 {offsets = [9], sizes = [1], strides = [1]} : vector<16xf32> to vector<1xf32>
        %squeeze3A_757 = vector.extract %slice3A_756[0] : f32 from vector<1xf32>
        %slice3A_758 = vector.extract_strided_slice %get3A_146 {offsets = [9], sizes = [1], strides = [1]} : vector<16xf32> to vector<1xf32>
        %squeeze3A_759 = vector.extract %slice3A_758[0] : f32 from vector<1xf32>
        %mul3A_760 = arith.mulf %squeeze3A_757, %squeeze3A_759 : f32
        %add3A_761 = arith.constant 0 : i32
        %add3A_762 = arith.addi %mul3A_755, %add3A_761 : i32
        %get3A_763 = arith.index_cast %add3A_749 : i32 to index
        %get3A_764 = arith.index_cast %add3A_762 : i32 to index
        %get3A_765 = tpu.vector_load %arg13[%get3A_763, %get3A_764] {strides = array<i32>} : memref<128x128xf32, #tpu.memory_space<vmem>>, vector<1x16xf32>,
        %get3A_766 = vector.shape_cast %get3A_765 : vector<1x16xf32> to vector<16xf32>
        %mul3A_767 = vector.broadcast %mul3A_760 : f32 to vector<16xf32>
        %mul3A_768 = arith.mulf %get3A_766, %mul3A_767 : vector<16xf32>
        %swap3A_769 = arith.index_cast %add3A_749 : i32 to index
        %swap3A_770 = arith.constant 0 : index
        %swap3A_771 = tpu.vector_load %arg15[%swap3A_769, %swap3A_770] {strides = array<i32>} : memref<128x64xf32, #tpu.memory_space<vmem>>, vector<1x16xf32>,
        %swap3A_772 = vector.shape_cast %swap3A_771 : vector<1x16xf32> to vector<16xf32>
        %swap3A_773 = vector.shape_cast %mul3A_768 : vector<16xf32> to vector<1x16xf32>
        tpu.vector_store %arg15[%swap3A_769, %swap3A_770], %swap3A_773 {strides = array<i32>} : memref<128x64xf32, #tpu.memory_space<vmem>>, vector<1x16xf32>,
        %add3A_774 = arith.constant 16 : i32
        %add3A_775 = arith.addi %mul3A_755, %add3A_774 : i32
        %get3A_776 = arith.index_cast %add3A_749 : i32 to index
        %get3A_777 = arith.index_cast %add3A_775 : i32 to index
        %get3A_778 = tpu.vector_load %arg13[%get3A_776, %get3A_777] {strides = array<i32>} : memref<128x128xf32, #tpu.memory_space<vmem>>, vector<1x16xf32>,
        %get3A_779 = vector.shape_cast %get3A_778 : vector<1x16xf32> to vector<16xf32>
        %mul3A_780 = vector.broadcast %mul3A_760 : f32 to vector<16xf32>
        %mul3A_781 = arith.mulf %get3A_779, %mul3A_780 : vector<16xf32>
        %swap3A_782 = arith.index_cast %add3A_749 : i32 to index
        %swap3A_783 = arith.constant 16 : index
        %swap3A_784 = tpu.vector_load %arg15[%swap3A_782, %swap3A_783] {strides = array<i32>} : memref<128x64xf32, #tpu.memory_space<vmem>>, vector<1x16xf32>,
        %swap3A_785 = vector.shape_cast %swap3A_784 : vector<1x16xf32> to vector<16xf32>
        %swap3A_786 = vector.shape_cast %mul3A_781 : vector<16xf32> to vector<1x16xf32>
        tpu.vector_store %arg15[%swap3A_782, %swap3A_783], %swap3A_786 {strides = array<i32>} : memref<128x64xf32, #tpu.memory_space<vmem>>, vector<1x16xf32>,
        %add3A_787 = arith.constant 32 : i32
        %add3A_788 = arith.addi %mul3A_755, %add3A_787 : i32
        %get3A_789 = arith.index_cast %add3A_749 : i32 to index
        %get3A_790 = arith.index_cast %add3A_788 : i32 to index
        %get3A_791 = tpu.vector_load %arg13[%get3A_789, %get3A_790] {strides = array<i32>} : memref<128x128xf32, #tpu.memory_space<vmem>>, vector<1x16xf32>,
        %get3A_792 = vector.shape_cast %get3A_791 : vector<1x16xf32> to vector<16xf32>
        %mul3A_793 = vector.broadcast %mul3A_760 : f32 to vector<16xf32>
        %mul3A_794 = arith.mulf %get3A_792, %mul3A_793 : vector<16xf32>
        %swap3A_795 = arith.index_cast %add3A_749 : i32 to index
        %swap3A_796 = arith.constant 32 : index
        %swap3A_797 = tpu.vector_load %arg15[%swap3A_795, %swap3A_796] {strides = array<i32>} : memref<128x64xf32, #tpu.memory_space<vmem>>, vector<1x16xf32>,
        %swap3A_798 = vector.shape_cast %swap3A_797 : vector<1x16xf32> to vector<16xf32>
        %swap3A_799 = vector.shape_cast %mul3A_794 : vector<16xf32> to vector<1x16xf32>
        tpu.vector_store %arg15[%swap3A_795, %swap3A_796], %swap3A_799 {strides = array<i32>} : memref<128x64xf32, #tpu.memory_space<vmem>>, vector<1x16xf32>,
        %add3A_800 = arith.constant 48 : i32
        %add3A_801 = arith.addi %mul3A_755, %add3A_800 : i32
        %get3A_802 = arith.index_cast %add3A_749 : i32 to index
        %get3A_803 = arith.index_cast %add3A_801 : i32 to index
        %get3A_804 = tpu.vector_load %arg13[%get3A_802, %get3A_803] {strides = array<i32>} : memref<128x128xf32, #tpu.memory_space<vmem>>, vector<1x16xf32>,
        %get3A_805 = vector.shape_cast %get3A_804 : vector<1x16xf32> to vector<16xf32>
        %mul3A_806 = vector.broadcast %mul3A_760 : f32 to vector<16xf32>
        %mul3A_807 = arith.mulf %get3A_805, %mul3A_806 : vector<16xf32>
        %swap3A_808 = arith.index_cast %add3A_749 : i32 to index
        %swap3A_809 = arith.constant 48 : index
        %swap3A_810 = tpu.vector_load %arg15[%swap3A_808, %swap3A_809] {strides = array<i32>} : memref<128x64xf32, #tpu.memory_space<vmem>>, vector<1x16xf32>,
        %swap3A_811 = vector.shape_cast %swap3A_810 : vector<1x16xf32> to vector<16xf32>
        %swap3A_812 = vector.shape_cast %mul3A_807 : vector<16xf32> to vector<1x16xf32>
        tpu.vector_store %arg15[%swap3A_808, %swap3A_809], %swap3A_812 {strides = array<i32>} : memref<128x64xf32, #tpu.memory_space<vmem>>, vector<1x16xf32>,
        %mul3A_813 = arith.constant 16 : i32
        %mul3A_814 = arith.muli %scan3A_130, %mul3A_813 : i32
        %add3A_815 = arith.constant 10 : i32
        %add3A_816 = arith.addi %mul3A_814, %add3A_815 : i32
        %slice3A_817 = vector.extract_strided_slice %get3A_136 {offsets = [10], sizes = [1], strides = [1]} : vector<16xi32> to vector<1xi32>
        %squeeze3A_818 = vector.extract %slice3A_817[0] : i32 from vector<1xi32>
        %and3A_819 = arith.constant 1 : i32
        %and3A_820 = arith.andi %squeeze3A_818, %and3A_819 : i32
        %mul3A_821 = arith.constant 64 : i32
        %mul3A_822 = arith.muli %and3A_820, %mul3A_821 : i32
        %slice3A_823 = vector.extract_strided_slice %get3A_141 {offsets = [10], sizes = [1], strides = [1]} : vector<16xf32> to vector<1xf32>
        %squeeze3A_824 = vector.extract %slice3A_823[0] : f32 from vector<1xf32>
        %slice3A_825 = vector.extract_strided_slice %get3A_146 {offsets = [10], sizes = [1], strides = [1]} : vector<16xf32> to vector<1xf32>
        %squeeze3A_826 = vector.extract %slice3A_825[0] : f32 from vector<1xf32>
        %mul3A_827 = arith.mulf %squeeze3A_824, %squeeze3A_826 : f32
        %add3A_828 = arith.constant 0 : i32
        %add3A_829 = arith.addi %mul3A_822, %add3A_828 : i32
        %get3A_830 = arith.index_cast %add3A_816 : i32 to index
        %get3A_831 = arith.index_cast %add3A_829 : i32 to index
        %get3A_832 = tpu.vector_load %arg13[%get3A_830, %get3A_831] {strides = array<i32>} : memref<128x128xf32, #tpu.memory_space<vmem>>, vector<1x16xf32>,
        %get3A_833 = vector.shape_cast %get3A_832 : vector<1x16xf32> to vector<16xf32>
        %mul3A_834 = vector.broadcast %mul3A_827 : f32 to vector<16xf32>
        %mul3A_835 = arith.mulf %get3A_833, %mul3A_834 : vector<16xf32>
        %swap3A_836 = arith.index_cast %add3A_816 : i32 to index
        %swap3A_837 = arith.constant 0 : index
        %swap3A_838 = tpu.vector_load %arg15[%swap3A_836, %swap3A_837] {strides = array<i32>} : memref<128x64xf32, #tpu.memory_space<vmem>>, vector<1x16xf32>,
        %swap3A_839 = vector.shape_cast %swap3A_838 : vector<1x16xf32> to vector<16xf32>
        %swap3A_840 = vector.shape_cast %mul3A_835 : vector<16xf32> to vector<1x16xf32>
        tpu.vector_store %arg15[%swap3A_836, %swap3A_837], %swap3A_840 {strides = array<i32>} : memref<128x64xf32, #tpu.memory_space<vmem>>, vector<1x16xf32>,
        %add3A_841 = arith.constant 16 : i32
        %add3A_842 = arith.addi %mul3A_822, %add3A_841 : i32
        %get3A_843 = arith.index_cast %add3A_816 : i32 to index
        %get3A_844 = arith.index_cast %add3A_842 : i32 to index
        %get3A_845 = tpu.vector_load %arg13[%get3A_843, %get3A_844] {strides = array<i32>} : memref<128x128xf32, #tpu.memory_space<vmem>>, vector<1x16xf32>,
        %get3A_846 = vector.shape_cast %get3A_845 : vector<1x16xf32> to vector<16xf32>
        %mul3A_847 = vector.broadcast %mul3A_827 : f32 to vector<16xf32>
        %mul3A_848 = arith.mulf %get3A_846, %mul3A_847 : vector<16xf32>
        %swap3A_849 = arith.index_cast %add3A_816 : i32 to index
        %swap3A_850 = arith.constant 16 : index
        %swap3A_851 = tpu.vector_load %arg15[%swap3A_849, %swap3A_850] {strides = array<i32>} : memref<128x64xf32, #tpu.memory_space<vmem>>, vector<1x16xf32>,
        %swap3A_852 = vector.shape_cast %swap3A_851 : vector<1x16xf32> to vector<16xf32>
        %swap3A_853 = vector.shape_cast %mul3A_848 : vector<16xf32> to vector<1x16xf32>
        tpu.vector_store %arg15[%swap3A_849, %swap3A_850], %swap3A_853 {strides = array<i32>} : memref<128x64xf32, #tpu.memory_space<vmem>>, vector<1x16xf32>,
        %add3A_854 = arith.constant 32 : i32
        %add3A_855 = arith.addi %mul3A_822, %add3A_854 : i32
        %get3A_856 = arith.index_cast %add3A_816 : i32 to index
        %get3A_857 = arith.index_cast %add3A_855 : i32 to index
        %get3A_858 = tpu.vector_load %arg13[%get3A_856, %get3A_857] {strides = array<i32>} : memref<128x128xf32, #tpu.memory_space<vmem>>, vector<1x16xf32>,
        %get3A_859 = vector.shape_cast %get3A_858 : vector<1x16xf32> to vector<16xf32>
        %mul3A_860 = vector.broadcast %mul3A_827 : f32 to vector<16xf32>
        %mul3A_861 = arith.mulf %get3A_859, %mul3A_860 : vector<16xf32>
        %swap3A_862 = arith.index_cast %add3A_816 : i32 to index
        %swap3A_863 = arith.constant 32 : index
        %swap3A_864 = tpu.vector_load %arg15[%swap3A_862, %swap3A_863] {strides = array<i32>} : memref<128x64xf32, #tpu.memory_space<vmem>>, vector<1x16xf32>,
        %swap3A_865 = vector.shape_cast %swap3A_864 : vector<1x16xf32> to vector<16xf32>
        %swap3A_866 = vector.shape_cast %mul3A_861 : vector<16xf32> to vector<1x16xf32>
        tpu.vector_store %arg15[%swap3A_862, %swap3A_863], %swap3A_866 {strides = array<i32>} : memref<128x64xf32, #tpu.memory_space<vmem>>, vector<1x16xf32>,
        %add3A_867 = arith.constant 48 : i32
        %add3A_868 = arith.addi %mul3A_822, %add3A_867 : i32
        %get3A_869 = arith.index_cast %add3A_816 : i32 to index
        %get3A_870 = arith.index_cast %add3A_868 : i32 to index
        %get3A_871 = tpu.vector_load %arg13[%get3A_869, %get3A_870] {strides = array<i32>} : memref<128x128xf32, #tpu.memory_space<vmem>>, vector<1x16xf32>,
        %get3A_872 = vector.shape_cast %get3A_871 : vector<1x16xf32> to vector<16xf32>
        %mul3A_873 = vector.broadcast %mul3A_827 : f32 to vector<16xf32>
        %mul3A_874 = arith.mulf %get3A_872, %mul3A_873 : vector<16xf32>
        %swap3A_875 = arith.index_cast %add3A_816 : i32 to index
        %swap3A_876 = arith.constant 48 : index
        %swap3A_877 = tpu.vector_load %arg15[%swap3A_875, %swap3A_876] {strides = array<i32>} : memref<128x64xf32, #tpu.memory_space<vmem>>, vector<1x16xf32>,
        %swap3A_878 = vector.shape_cast %swap3A_877 : vector<1x16xf32> to vector<16xf32>
        %swap3A_879 = vector.shape_cast %mul3A_874 : vector<16xf32> to vector<1x16xf32>
        tpu.vector_store %arg15[%swap3A_875, %swap3A_876], %swap3A_879 {strides = array<i32>} : memref<128x64xf32, #tpu.memory_space<vmem>>, vector<1x16xf32>,
        %mul3A_880 = arith.constant 16 : i32
        %mul3A_881 = arith.muli %scan3A_130, %mul3A_880 : i32
        %add3A_882 = arith.constant 11 : i32
        %add3A_883 = arith.addi %mul3A_881, %add3A_882 : i32
        %slice3A_884 = vector.extract_strided_slice %get3A_136 {offsets = [11], sizes = [1], strides = [1]} : vector<16xi32> to vector<1xi32>
        %squeeze3A_885 = vector.extract %slice3A_884[0] : i32 from vector<1xi32>
        %and3A_886 = arith.constant 1 : i32
        %and3A_887 = arith.andi %squeeze3A_885, %and3A_886 : i32
        %mul3A_888 = arith.constant 64 : i32
        %mul3A_889 = arith.muli %and3A_887, %mul3A_888 : i32
        %slice3A_890 = vector.extract_strided_slice %get3A_141 {offsets = [11], sizes = [1], strides = [1]} : vector<16xf32> to vector<1xf32>
        %squeeze3A_891 = vector.extract %slice3A_890[0] : f32 from vector<1xf32>
        %slice3A_892 = vector.extract_strided_slice %get3A_146 {offsets = [11], sizes = [1], strides = [1]} : vector<16xf32> to vector<1xf32>
        %squeeze3A_893 = vector.extract %slice3A_892[0] : f32 from vector<1xf32>
        %mul3A_894 = arith.mulf %squeeze3A_891, %squeeze3A_893 : f32
        %add3A_895 = arith.constant 0 : i32
        %add3A_896 = arith.addi %mul3A_889, %add3A_895 : i32
        %get3A_897 = arith.index_cast %add3A_883 : i32 to index
        %get3A_898 = arith.index_cast %add3A_896 : i32 to index
        %get3A_899 = tpu.vector_load %arg13[%get3A_897, %get3A_898] {strides = array<i32>} : memref<128x128xf32, #tpu.memory_space<vmem>>, vector<1x16xf32>,
        %get3A_900 = vector.shape_cast %get3A_899 : vector<1x16xf32> to vector<16xf32>
        %mul3A_901 = vector.broadcast %mul3A_894 : f32 to vector<16xf32>
        %mul3A_902 = arith.mulf %get3A_900, %mul3A_901 : vector<16xf32>
        %swap3A_903 = arith.index_cast %add3A_883 : i32 to index
        %swap3A_904 = arith.constant 0 : index
        %swap3A_905 = tpu.vector_load %arg15[%swap3A_903, %swap3A_904] {strides = array<i32>} : memref<128x64xf32, #tpu.memory_space<vmem>>, vector<1x16xf32>,
        %swap3A_906 = vector.shape_cast %swap3A_905 : vector<1x16xf32> to vector<16xf32>
        %swap3A_907 = vector.shape_cast %mul3A_902 : vector<16xf32> to vector<1x16xf32>
        tpu.vector_store %arg15[%swap3A_903, %swap3A_904], %swap3A_907 {strides = array<i32>} : memref<128x64xf32, #tpu.memory_space<vmem>>, vector<1x16xf32>,
        %add3A_908 = arith.constant 16 : i32
        %add3A_909 = arith.addi %mul3A_889, %add3A_908 : i32
        %get3A_910 = arith.index_cast %add3A_883 : i32 to index
        %get3A_911 = arith.index_cast %add3A_909 : i32 to index
        %get3A_912 = tpu.vector_load %arg13[%get3A_910, %get3A_911] {strides = array<i32>} : memref<128x128xf32, #tpu.memory_space<vmem>>, vector<1x16xf32>,
        %get3A_913 = vector.shape_cast %get3A_912 : vector<1x16xf32> to vector<16xf32>
        %mul3A_914 = vector.broadcast %mul3A_894 : f32 to vector<16xf32>
        %mul3A_915 = arith.mulf %get3A_913, %mul3A_914 : vector<16xf32>
        %swap3A_916 = arith.index_cast %add3A_883 : i32 to index
        %swap3A_917 = arith.constant 16 : index
        %swap3A_918 = tpu.vector_load %arg15[%swap3A_916, %swap3A_917] {strides = array<i32>} : memref<128x64xf32, #tpu.memory_space<vmem>>, vector<1x16xf32>,
        %swap3A_919 = vector.shape_cast %swap3A_918 : vector<1x16xf32> to vector<16xf32>
        %swap3A_920 = vector.shape_cast %mul3A_915 : vector<16xf32> to vector<1x16xf32>
        tpu.vector_store %arg15[%swap3A_916, %swap3A_917], %swap3A_920 {strides = array<i32>} : memref<128x64xf32, #tpu.memory_space<vmem>>, vector<1x16xf32>,
        %add3A_921 = arith.constant 32 : i32
        %add3A_922 = arith.addi %mul3A_889, %add3A_921 : i32
        %get3A_923 = arith.index_cast %add3A_883 : i32 to index
        %get3A_924 = arith.index_cast %add3A_922 : i32 to index
        %get3A_925 = tpu.vector_load %arg13[%get3A_923, %get3A_924] {strides = array<i32>} : memref<128x128xf32, #tpu.memory_space<vmem>>, vector<1x16xf32>,
        %get3A_926 = vector.shape_cast %get3A_925 : vector<1x16xf32> to vector<16xf32>
        %mul3A_927 = vector.broadcast %mul3A_894 : f32 to vector<16xf32>
        %mul3A_928 = arith.mulf %get3A_926, %mul3A_927 : vector<16xf32>
        %swap3A_929 = arith.index_cast %add3A_883 : i32 to index
        %swap3A_930 = arith.constant 32 : index
        %swap3A_931 = tpu.vector_load %arg15[%swap3A_929, %swap3A_930] {strides = array<i32>} : memref<128x64xf32, #tpu.memory_space<vmem>>, vector<1x16xf32>,
        %swap3A_932 = vector.shape_cast %swap3A_931 : vector<1x16xf32> to vector<16xf32>
        %swap3A_933 = vector.shape_cast %mul3A_928 : vector<16xf32> to vector<1x16xf32>
        tpu.vector_store %arg15[%swap3A_929, %swap3A_930], %swap3A_933 {strides = array<i32>} : memref<128x64xf32, #tpu.memory_space<vmem>>, vector<1x16xf32>,
        %add3A_934 = arith.constant 48 : i32
        %add3A_935 = arith.addi %mul3A_889, %add3A_934 : i32
        %get3A_936 = arith.index_cast %add3A_883 : i32 to index
        %get3A_937 = arith.index_cast %add3A_935 : i32 to index
        %get3A_938 = tpu.vector_load %arg13[%get3A_936, %get3A_937] {strides = array<i32>} : memref<128x128xf32, #tpu.memory_space<vmem>>, vector<1x16xf32>,
        %get3A_939 = vector.shape_cast %get3A_938 : vector<1x16xf32> to vector<16xf32>
        %mul3A_940 = vector.broadcast %mul3A_894 : f32 to vector<16xf32>
        %mul3A_941 = arith.mulf %get3A_939, %mul3A_940 : vector<16xf32>
        %swap3A_942 = arith.index_cast %add3A_883 : i32 to index
        %swap3A_943 = arith.constant 48 : index
        %swap3A_944 = tpu.vector_load %arg15[%swap3A_942, %swap3A_943] {strides = array<i32>} : memref<128x64xf32, #tpu.memory_space<vmem>>, vector<1x16xf32>,
        %swap3A_945 = vector.shape_cast %swap3A_944 : vector<1x16xf32> to vector<16xf32>
        %swap3A_946 = vector.shape_cast %mul3A_941 : vector<16xf32> to vector<1x16xf32>
        tpu.vector_store %arg15[%swap3A_942, %swap3A_943], %swap3A_946 {strides = array<i32>} : memref<128x64xf32, #tpu.memory_space<vmem>>, vector<1x16xf32>,
        %mul3A_947 = arith.constant 16 : i32
        %mul3A_948 = arith.muli %scan3A_130, %mul3A_947 : i32
        %add3A_949 = arith.constant 12 : i32
        %add3A_950 = arith.addi %mul3A_948, %add3A_949 : i32
        %slice3A_951 = vector.extract_strided_slice %get3A_136 {offsets = [12], sizes = [1], strides = [1]} : vector<16xi32> to vector<1xi32>
        %squeeze3A_952 = vector.extract %slice3A_951[0] : i32 from vector<1xi32>
        %and3A_953 = arith.constant 1 : i32
        %and3A_954 = arith.andi %squeeze3A_952, %and3A_953 : i32
        %mul3A_955 = arith.constant 64 : i32
        %mul3A_956 = arith.muli %and3A_954, %mul3A_955 : i32
        %slice3A_957 = vector.extract_strided_slice %get3A_141 {offsets = [12], sizes = [1], strides = [1]} : vector<16xf32> to vector<1xf32>
        %squeeze3A_958 = vector.extract %slice3A_957[0] : f32 from vector<1xf32>
        %slice3A_959 = vector.extract_strided_slice %get3A_146 {offsets = [12], sizes = [1], strides = [1]} : vector<16xf32> to vector<1xf32>
        %squeeze3A_960 = vector.extract %slice3A_959[0] : f32 from vector<1xf32>
        %mul3A_961 = arith.mulf %squeeze3A_958, %squeeze3A_960 : f32
        %add3A_962 = arith.constant 0 : i32
        %add3A_963 = arith.addi %mul3A_956, %add3A_962 : i32
        %get3A_964 = arith.index_cast %add3A_950 : i32 to index
        %get3A_965 = arith.index_cast %add3A_963 : i32 to index
        %get3A_966 = tpu.vector_load %arg13[%get3A_964, %get3A_965] {strides = array<i32>} : memref<128x128xf32, #tpu.memory_space<vmem>>, vector<1x16xf32>,
        %get3A_967 = vector.shape_cast %get3A_966 : vector<1x16xf32> to vector<16xf32>
        %mul3A_968 = vector.broadcast %mul3A_961 : f32 to vector<16xf32>
        %mul3A_969 = arith.mulf %get3A_967, %mul3A_968 : vector<16xf32>
        %swap3A_970 = arith.index_cast %add3A_950 : i32 to index
        %swap3A_971 = arith.constant 0 : index
        %swap3A_972 = tpu.vector_load %arg15[%swap3A_970, %swap3A_971] {strides = array<i32>} : memref<128x64xf32, #tpu.memory_space<vmem>>, vector<1x16xf32>,
        %swap3A_973 = vector.shape_cast %swap3A_972 : vector<1x16xf32> to vector<16xf32>
        %swap3A_974 = vector.shape_cast %mul3A_969 : vector<16xf32> to vector<1x16xf32>
        tpu.vector_store %arg15[%swap3A_970, %swap3A_971], %swap3A_974 {strides = array<i32>} : memref<128x64xf32, #tpu.memory_space<vmem>>, vector<1x16xf32>,
        %add3A_975 = arith.constant 16 : i32
        %add3A_976 = arith.addi %mul3A_956, %add3A_975 : i32
        %get3A_977 = arith.index_cast %add3A_950 : i32 to index
        %get3A_978 = arith.index_cast %add3A_976 : i32 to index
        %get3A_979 = tpu.vector_load %arg13[%get3A_977, %get3A_978] {strides = array<i32>} : memref<128x128xf32, #tpu.memory_space<vmem>>, vector<1x16xf32>,
        %get3A_980 = vector.shape_cast %get3A_979 : vector<1x16xf32> to vector<16xf32>
        %mul3A_981 = vector.broadcast %mul3A_961 : f32 to vector<16xf32>
        %mul3A_982 = arith.mulf %get3A_980, %mul3A_981 : vector<16xf32>
        %swap3A_983 = arith.index_cast %add3A_950 : i32 to index
        %swap3A_984 = arith.constant 16 : index
        %swap3A_985 = tpu.vector_load %arg15[%swap3A_983, %swap3A_984] {strides = array<i32>} : memref<128x64xf32, #tpu.memory_space<vmem>>, vector<1x16xf32>,
        %swap3A_986 = vector.shape_cast %swap3A_985 : vector<1x16xf32> to vector<16xf32>
        %swap3A_987 = vector.shape_cast %mul3A_982 : vector<16xf32> to vector<1x16xf32>
        tpu.vector_store %arg15[%swap3A_983, %swap3A_984], %swap3A_987 {strides = array<i32>} : memref<128x64xf32, #tpu.memory_space<vmem>>, vector<1x16xf32>,
        %add3A_988 = arith.constant 32 : i32
        %add3A_989 = arith.addi %mul3A_956, %add3A_988 : i32
        %get3A_990 = arith.index_cast %add3A_950 : i32 to index
        %get3A_991 = arith.index_cast %add3A_989 : i32 to index
        %get3A_992 = tpu.vector_load %arg13[%get3A_990, %get3A_991] {strides = array<i32>} : memref<128x128xf32, #tpu.memory_space<vmem>>, vector<1x16xf32>,
        %get3A_993 = vector.shape_cast %get3A_992 : vector<1x16xf32> to vector<16xf32>
        %mul3A_994 = vector.broadcast %mul3A_961 : f32 to vector<16xf32>
        %mul3A_995 = arith.mulf %get3A_993, %mul3A_994 : vector<16xf32>
        %swap3A_996 = arith.index_cast %add3A_950 : i32 to index
        %swap3A_997 = arith.constant 32 : index
        %swap3A_998 = tpu.vector_load %arg15[%swap3A_996, %swap3A_997] {strides = array<i32>} : memref<128x64xf32, #tpu.memory_space<vmem>>, vector<1x16xf32>,
        %swap3A_999 = vector.shape_cast %swap3A_998 : vector<1x16xf32> to vector<16xf32>
        %swap3A_1000 = vector.shape_cast %mul3A_995 : vector<16xf32> to vector<1x16xf32>
        tpu.vector_store %arg15[%swap3A_996, %swap3A_997], %swap3A_1000 {strides = array<i32>} : memref<128x64xf32, #tpu.memory_space<vmem>>, vector<1x16xf32>,
        %add3A_1001 = arith.constant 48 : i32
        %add3A_1002 = arith.addi %mul3A_956, %add3A_1001 : i32
        %get3A_1003 = arith.index_cast %add3A_950 : i32 to index
        %get3A_1004 = arith.index_cast %add3A_1002 : i32 to index
        %get3A_1005 = tpu.vector_load %arg13[%get3A_1003, %get3A_1004] {strides = array<i32>} : memref<128x128xf32, #tpu.memory_space<vmem>>, vector<1x16xf32>,
        %get3A_1006 = vector.shape_cast %get3A_1005 : vector<1x16xf32> to vector<16xf32>
        %mul3A_1007 = vector.broadcast %mul3A_961 : f32 to vector<16xf32>
        %mul3A_1008 = arith.mulf %get3A_1006, %mul3A_1007 : vector<16xf32>
        %swap3A_1009 = arith.index_cast %add3A_950 : i32 to index
        %swap3A_1010 = arith.constant 48 : index
        %swap3A_1011 = tpu.vector_load %arg15[%swap3A_1009, %swap3A_1010] {strides = array<i32>} : memref<128x64xf32, #tpu.memory_space<vmem>>, vector<1x16xf32>,
        %swap3A_1012 = vector.shape_cast %swap3A_1011 : vector<1x16xf32> to vector<16xf32>
        %swap3A_1013 = vector.shape_cast %mul3A_1008 : vector<16xf32> to vector<1x16xf32>
        tpu.vector_store %arg15[%swap3A_1009, %swap3A_1010], %swap3A_1013 {strides = array<i32>} : memref<128x64xf32, #tpu.memory_space<vmem>>, vector<1x16xf32>,
        %mul3A_1014 = arith.constant 16 : i32
        %mul3A_1015 = arith.muli %scan3A_130, %mul3A_1014 : i32
        %add3A_1016 = arith.constant 13 : i32
        %add3A_1017 = arith.addi %mul3A_1015, %add3A_1016 : i32
        %slice3A_1018 = vector.extract_strided_slice %get3A_136 {offsets = [13], sizes = [1], strides = [1]} : vector<16xi32> to vector<1xi32>
        %squeeze3A_1019 = vector.extract %slice3A_1018[0] : i32 from vector<1xi32>
        %and3A_1020 = arith.constant 1 : i32
        %and3A_1021 = arith.andi %squeeze3A_1019, %and3A_1020 : i32
        %mul3A_1022 = arith.constant 64 : i32
        %mul3A_1023 = arith.muli %and3A_1021, %mul3A_1022 : i32
        %slice3A_1024 = vector.extract_strided_slice %get3A_141 {offsets = [13], sizes = [1], strides = [1]} : vector<16xf32> to vector<1xf32>
        %squeeze3A_1025 = vector.extract %slice3A_1024[0] : f32 from vector<1xf32>
        %slice3A_1026 = vector.extract_strided_slice %get3A_146 {offsets = [13], sizes = [1], strides = [1]} : vector<16xf32> to vector<1xf32>
        %squeeze3A_1027 = vector.extract %slice3A_1026[0] : f32 from vector<1xf32>
        %mul3A_1028 = arith.mulf %squeeze3A_1025, %squeeze3A_1027 : f32
        %add3A_1029 = arith.constant 0 : i32
        %add3A_1030 = arith.addi %mul3A_1023, %add3A_1029 : i32
        %get3A_1031 = arith.index_cast %add3A_1017 : i32 to index
        %get3A_1032 = arith.index_cast %add3A_1030 : i32 to index
        %get3A_1033 = tpu.vector_load %arg13[%get3A_1031, %get3A_1032] {strides = array<i32>} : memref<128x128xf32, #tpu.memory_space<vmem>>, vector<1x16xf32>,
        %get3A_1034 = vector.shape_cast %get3A_1033 : vector<1x16xf32> to vector<16xf32>
        %mul3A_1035 = vector.broadcast %mul3A_1028 : f32 to vector<16xf32>
        %mul3A_1036 = arith.mulf %get3A_1034, %mul3A_1035 : vector<16xf32>
        %swap3A_1037 = arith.index_cast %add3A_1017 : i32 to index
        %swap3A_1038 = arith.constant 0 : index
        %swap3A_1039 = tpu.vector_load %arg15[%swap3A_1037, %swap3A_1038] {strides = array<i32>} : memref<128x64xf32, #tpu.memory_space<vmem>>, vector<1x16xf32>,
        %swap3A_1040 = vector.shape_cast %swap3A_1039 : vector<1x16xf32> to vector<16xf32>
        %swap3A_1041 = vector.shape_cast %mul3A_1036 : vector<16xf32> to vector<1x16xf32>
        tpu.vector_store %arg15[%swap3A_1037, %swap3A_1038], %swap3A_1041 {strides = array<i32>} : memref<128x64xf32, #tpu.memory_space<vmem>>, vector<1x16xf32>,
        %add3A_1042 = arith.constant 16 : i32
        %add3A_1043 = arith.addi %mul3A_1023, %add3A_1042 : i32
        %get3A_1044 = arith.index_cast %add3A_1017 : i32 to index
        %get3A_1045 = arith.index_cast %add3A_1043 : i32 to index
        %get3A_1046 = tpu.vector_load %arg13[%get3A_1044, %get3A_1045] {strides = array<i32>} : memref<128x128xf32, #tpu.memory_space<vmem>>, vector<1x16xf32>,
        %get3A_1047 = vector.shape_cast %get3A_1046 : vector<1x16xf32> to vector<16xf32>
        %mul3A_1048 = vector.broadcast %mul3A_1028 : f32 to vector<16xf32>
        %mul3A_1049 = arith.mulf %get3A_1047, %mul3A_1048 : vector<16xf32>
        %swap3A_1050 = arith.index_cast %add3A_1017 : i32 to index
        %swap3A_1051 = arith.constant 16 : index
        %swap3A_1052 = tpu.vector_load %arg15[%swap3A_1050, %swap3A_1051] {strides = array<i32>} : memref<128x64xf32, #tpu.memory_space<vmem>>, vector<1x16xf32>,
        %swap3A_1053 = vector.shape_cast %swap3A_1052 : vector<1x16xf32> to vector<16xf32>
        %swap3A_1054 = vector.shape_cast %mul3A_1049 : vector<16xf32> to vector<1x16xf32>
        tpu.vector_store %arg15[%swap3A_1050, %swap3A_1051], %swap3A_1054 {strides = array<i32>} : memref<128x64xf32, #tpu.memory_space<vmem>>, vector<1x16xf32>,
        %add3A_1055 = arith.constant 32 : i32
        %add3A_1056 = arith.addi %mul3A_1023, %add3A_1055 : i32
        %get3A_1057 = arith.index_cast %add3A_1017 : i32 to index
        %get3A_1058 = arith.index_cast %add3A_1056 : i32 to index
        %get3A_1059 = tpu.vector_load %arg13[%get3A_1057, %get3A_1058] {strides = array<i32>} : memref<128x128xf32, #tpu.memory_space<vmem>>, vector<1x16xf32>,
        %get3A_1060 = vector.shape_cast %get3A_1059 : vector<1x16xf32> to vector<16xf32>
        %mul3A_1061 = vector.broadcast %mul3A_1028 : f32 to vector<16xf32>
        %mul3A_1062 = arith.mulf %get3A_1060, %mul3A_1061 : vector<16xf32>
        %swap3A_1063 = arith.index_cast %add3A_1017 : i32 to index
        %swap3A_1064 = arith.constant 32 : index
        %swap3A_1065 = tpu.vector_load %arg15[%swap3A_1063, %swap3A_1064] {strides = array<i32>} : memref<128x64xf32, #tpu.memory_space<vmem>>, vector<1x16xf32>,
        %swap3A_1066 = vector.shape_cast %swap3A_1065 : vector<1x16xf32> to vector<16xf32>
        %swap3A_1067 = vector.shape_cast %mul3A_1062 : vector<16xf32> to vector<1x16xf32>
        tpu.vector_store %arg15[%swap3A_1063, %swap3A_1064], %swap3A_1067 {strides = array<i32>} : memref<128x64xf32, #tpu.memory_space<vmem>>, vector<1x16xf32>,
        %add3A_1068 = arith.constant 48 : i32
        %add3A_1069 = arith.addi %mul3A_1023, %add3A_1068 : i32
        %get3A_1070 = arith.index_cast %add3A_1017 : i32 to index
        %get3A_1071 = arith.index_cast %add3A_1069 : i32 to index
        %get3A_1072 = tpu.vector_load %arg13[%get3A_1070, %get3A_1071] {strides = array<i32>} : memref<128x128xf32, #tpu.memory_space<vmem>>, vector<1x16xf32>,
        %get3A_1073 = vector.shape_cast %get3A_1072 : vector<1x16xf32> to vector<16xf32>
        %mul3A_1074 = vector.broadcast %mul3A_1028 : f32 to vector<16xf32>
        %mul3A_1075 = arith.mulf %get3A_1073, %mul3A_1074 : vector<16xf32>
        %swap3A_1076 = arith.index_cast %add3A_1017 : i32 to index
        %swap3A_1077 = arith.constant 48 : index
        %swap3A_1078 = tpu.vector_load %arg15[%swap3A_1076, %swap3A_1077] {strides = array<i32>} : memref<128x64xf32, #tpu.memory_space<vmem>>, vector<1x16xf32>,
        %swap3A_1079 = vector.shape_cast %swap3A_1078 : vector<1x16xf32> to vector<16xf32>
        %swap3A_1080 = vector.shape_cast %mul3A_1075 : vector<16xf32> to vector<1x16xf32>
        tpu.vector_store %arg15[%swap3A_1076, %swap3A_1077], %swap3A_1080 {strides = array<i32>} : memref<128x64xf32, #tpu.memory_space<vmem>>, vector<1x16xf32>,
        %mul3A_1081 = arith.constant 16 : i32
        %mul3A_1082 = arith.muli %scan3A_130, %mul3A_1081 : i32
        %add3A_1083 = arith.constant 14 : i32
        %add3A_1084 = arith.addi %mul3A_1082, %add3A_1083 : i32
        %slice3A_1085 = vector.extract_strided_slice %get3A_136 {offsets = [14], sizes = [1], strides = [1]} : vector<16xi32> to vector<1xi32>
        %squeeze3A_1086 = vector.extract %slice3A_1085[0] : i32 from vector<1xi32>
        %and3A_1087 = arith.constant 1 : i32
        %and3A_1088 = arith.andi %squeeze3A_1086, %and3A_1087 : i32
        %mul3A_1089 = arith.constant 64 : i32
        %mul3A_1090 = arith.muli %and3A_1088, %mul3A_1089 : i32
        %slice3A_1091 = vector.extract_strided_slice %get3A_141 {offsets = [14], sizes = [1], strides = [1]} : vector<16xf32> to vector<1xf32>
        %squeeze3A_1092 = vector.extract %slice3A_1091[0] : f32 from vector<1xf32>
        %slice3A_1093 = vector.extract_strided_slice %get3A_146 {offsets = [14], sizes = [1], strides = [1]} : vector<16xf32> to vector<1xf32>
        %squeeze3A_1094 = vector.extract %slice3A_1093[0] : f32 from vector<1xf32>
        %mul3A_1095 = arith.mulf %squeeze3A_1092, %squeeze3A_1094 : f32
        %add3A_1096 = arith.constant 0 : i32
        %add3A_1097 = arith.addi %mul3A_1090, %add3A_1096 : i32
        %get3A_1098 = arith.index_cast %add3A_1084 : i32 to index
        %get3A_1099 = arith.index_cast %add3A_1097 : i32 to index
        %get3A_1100 = tpu.vector_load %arg13[%get3A_1098, %get3A_1099] {strides = array<i32>} : memref<128x128xf32, #tpu.memory_space<vmem>>, vector<1x16xf32>,
        %get3A_1101 = vector.shape_cast %get3A_1100 : vector<1x16xf32> to vector<16xf32>
        %mul3A_1102 = vector.broadcast %mul3A_1095 : f32 to vector<16xf32>
        %mul3A_1103 = arith.mulf %get3A_1101, %mul3A_1102 : vector<16xf32>
        %swap3A_1104 = arith.index_cast %add3A_1084 : i32 to index
        %swap3A_1105 = arith.constant 0 : index
        %swap3A_1106 = tpu.vector_load %arg15[%swap3A_1104, %swap3A_1105] {strides = array<i32>} : memref<128x64xf32, #tpu.memory_space<vmem>>, vector<1x16xf32>,
        %swap3A_1107 = vector.shape_cast %swap3A_1106 : vector<1x16xf32> to vector<16xf32>
        %swap3A_1108 = vector.shape_cast %mul3A_1103 : vector<16xf32> to vector<1x16xf32>
        tpu.vector_store %arg15[%swap3A_1104, %swap3A_1105], %swap3A_1108 {strides = array<i32>} : memref<128x64xf32, #tpu.memory_space<vmem>>, vector<1x16xf32>,
        %add3A_1109 = arith.constant 16 : i32
        %add3A_1110 = arith.addi %mul3A_1090, %add3A_1109 : i32
        %get3A_1111 = arith.index_cast %add3A_1084 : i32 to index
        %get3A_1112 = arith.index_cast %add3A_1110 : i32 to index
        %get3A_1113 = tpu.vector_load %arg13[%get3A_1111, %get3A_1112] {strides = array<i32>} : memref<128x128xf32, #tpu.memory_space<vmem>>, vector<1x16xf32>,
        %get3A_1114 = vector.shape_cast %get3A_1113 : vector<1x16xf32> to vector<16xf32>
        %mul3A_1115 = vector.broadcast %mul3A_1095 : f32 to vector<16xf32>
        %mul3A_1116 = arith.mulf %get3A_1114, %mul3A_1115 : vector<16xf32>
        %swap3A_1117 = arith.index_cast %add3A_1084 : i32 to index
        %swap3A_1118 = arith.constant 16 : index
        %swap3A_1119 = tpu.vector_load %arg15[%swap3A_1117, %swap3A_1118] {strides = array<i32>} : memref<128x64xf32, #tpu.memory_space<vmem>>, vector<1x16xf32>,
        %swap3A_1120 = vector.shape_cast %swap3A_1119 : vector<1x16xf32> to vector<16xf32>
        %swap3A_1121 = vector.shape_cast %mul3A_1116 : vector<16xf32> to vector<1x16xf32>
        tpu.vector_store %arg15[%swap3A_1117, %swap3A_1118], %swap3A_1121 {strides = array<i32>} : memref<128x64xf32, #tpu.memory_space<vmem>>, vector<1x16xf32>,
        %add3A_1122 = arith.constant 32 : i32
        %add3A_1123 = arith.addi %mul3A_1090, %add3A_1122 : i32
        %get3A_1124 = arith.index_cast %add3A_1084 : i32 to index
        %get3A_1125 = arith.index_cast %add3A_1123 : i32 to index
        %get3A_1126 = tpu.vector_load %arg13[%get3A_1124, %get3A_1125] {strides = array<i32>} : memref<128x128xf32, #tpu.memory_space<vmem>>, vector<1x16xf32>,
        %get3A_1127 = vector.shape_cast %get3A_1126 : vector<1x16xf32> to vector<16xf32>
        %mul3A_1128 = vector.broadcast %mul3A_1095 : f32 to vector<16xf32>
        %mul3A_1129 = arith.mulf %get3A_1127, %mul3A_1128 : vector<16xf32>
        %swap3A_1130 = arith.index_cast %add3A_1084 : i32 to index
        %swap3A_1131 = arith.constant 32 : index
        %swap3A_1132 = tpu.vector_load %arg15[%swap3A_1130, %swap3A_1131] {strides = array<i32>} : memref<128x64xf32, #tpu.memory_space<vmem>>, vector<1x16xf32>,
        %swap3A_1133 = vector.shape_cast %swap3A_1132 : vector<1x16xf32> to vector<16xf32>
        %swap3A_1134 = vector.shape_cast %mul3A_1129 : vector<16xf32> to vector<1x16xf32>
        tpu.vector_store %arg15[%swap3A_1130, %swap3A_1131], %swap3A_1134 {strides = array<i32>} : memref<128x64xf32, #tpu.memory_space<vmem>>, vector<1x16xf32>,
        %add3A_1135 = arith.constant 48 : i32
        %add3A_1136 = arith.addi %mul3A_1090, %add3A_1135 : i32
        %get3A_1137 = arith.index_cast %add3A_1084 : i32 to index
        %get3A_1138 = arith.index_cast %add3A_1136 : i32 to index
        %get3A_1139 = tpu.vector_load %arg13[%get3A_1137, %get3A_1138] {strides = array<i32>} : memref<128x128xf32, #tpu.memory_space<vmem>>, vector<1x16xf32>,
        %get3A_1140 = vector.shape_cast %get3A_1139 : vector<1x16xf32> to vector<16xf32>
        %mul3A_1141 = vector.broadcast %mul3A_1095 : f32 to vector<16xf32>
        %mul3A_1142 = arith.mulf %get3A_1140, %mul3A_1141 : vector<16xf32>
        %swap3A_1143 = arith.index_cast %add3A_1084 : i32 to index
        %swap3A_1144 = arith.constant 48 : index
        %swap3A_1145 = tpu.vector_load %arg15[%swap3A_1143, %swap3A_1144] {strides = array<i32>} : memref<128x64xf32, #tpu.memory_space<vmem>>, vector<1x16xf32>,
        %swap3A_1146 = vector.shape_cast %swap3A_1145 : vector<1x16xf32> to vector<16xf32>
        %swap3A_1147 = vector.shape_cast %mul3A_1142 : vector<16xf32> to vector<1x16xf32>
        tpu.vector_store %arg15[%swap3A_1143, %swap3A_1144], %swap3A_1147 {strides = array<i32>} : memref<128x64xf32, #tpu.memory_space<vmem>>, vector<1x16xf32>,
        %mul3A_1148 = arith.constant 16 : i32
        %mul3A_1149 = arith.muli %scan3A_130, %mul3A_1148 : i32
        %add3A_1150 = arith.constant 15 : i32
        %add3A_1151 = arith.addi %mul3A_1149, %add3A_1150 : i32
        %slice3A_1152 = vector.extract_strided_slice %get3A_136 {offsets = [15], sizes = [1], strides = [1]} : vector<16xi32> to vector<1xi32>
        %squeeze3A_1153 = vector.extract %slice3A_1152[0] : i32 from vector<1xi32>
        %and3A_1154 = arith.constant 1 : i32
        %and3A_1155 = arith.andi %squeeze3A_1153, %and3A_1154 : i32
        %mul3A_1156 = arith.constant 64 : i32
        %mul3A_1157 = arith.muli %and3A_1155, %mul3A_1156 : i32
        %slice3A_1158 = vector.extract_strided_slice %get3A_141 {offsets = [15], sizes = [1], strides = [1]} : vector<16xf32> to vector<1xf32>
        %squeeze3A_1159 = vector.extract %slice3A_1158[0] : f32 from vector<1xf32>
        %slice3A_1160 = vector.extract_strided_slice %get3A_146 {offsets = [15], sizes = [1], strides = [1]} : vector<16xf32> to vector<1xf32>
        %squeeze3A_1161 = vector.extract %slice3A_1160[0] : f32 from vector<1xf32>
        %mul3A_1162 = arith.mulf %squeeze3A_1159, %squeeze3A_1161 : f32
        %add3A_1163 = arith.constant 0 : i32
        %add3A_1164 = arith.addi %mul3A_1157, %add3A_1163 : i32
        %get3A_1165 = arith.index_cast %add3A_1151 : i32 to index
        %get3A_1166 = arith.index_cast %add3A_1164 : i32 to index
        %get3A_1167 = tpu.vector_load %arg13[%get3A_1165, %get3A_1166] {strides = array<i32>} : memref<128x128xf32, #tpu.memory_space<vmem>>, vector<1x16xf32>,
        %get3A_1168 = vector.shape_cast %get3A_1167 : vector<1x16xf32> to vector<16xf32>
        %mul3A_1169 = vector.broadcast %mul3A_1162 : f32 to vector<16xf32>
        %mul3A_1170 = arith.mulf %get3A_1168, %mul3A_1169 : vector<16xf32>
        %swap3A_1171 = arith.index_cast %add3A_1151 : i32 to index
        %swap3A_1172 = arith.constant 0 : index
        %swap3A_1173 = tpu.vector_load %arg15[%swap3A_1171, %swap3A_1172] {strides = array<i32>} : memref<128x64xf32, #tpu.memory_space<vmem>>, vector<1x16xf32>,
        %swap3A_1174 = vector.shape_cast %swap3A_1173 : vector<1x16xf32> to vector<16xf32>
        %swap3A_1175 = vector.shape_cast %mul3A_1170 : vector<16xf32> to vector<1x16xf32>
        tpu.vector_store %arg15[%swap3A_1171, %swap3A_1172], %swap3A_1175 {strides = array<i32>} : memref<128x64xf32, #tpu.memory_space<vmem>>, vector<1x16xf32>,
        %add3A_1176 = arith.constant 16 : i32
        %add3A_1177 = arith.addi %mul3A_1157, %add3A_1176 : i32
        %get3A_1178 = arith.index_cast %add3A_1151 : i32 to index
        %get3A_1179 = arith.index_cast %add3A_1177 : i32 to index
        %get3A_1180 = tpu.vector_load %arg13[%get3A_1178, %get3A_1179] {strides = array<i32>} : memref<128x128xf32, #tpu.memory_space<vmem>>, vector<1x16xf32>,
        %get3A_1181 = vector.shape_cast %get3A_1180 : vector<1x16xf32> to vector<16xf32>
        %mul3A_1182 = vector.broadcast %mul3A_1162 : f32 to vector<16xf32>
        %mul3A_1183 = arith.mulf %get3A_1181, %mul3A_1182 : vector<16xf32>
        %swap3A_1184 = arith.index_cast %add3A_1151 : i32 to index
        %swap3A_1185 = arith.constant 16 : index
        %swap3A_1186 = tpu.vector_load %arg15[%swap3A_1184, %swap3A_1185] {strides = array<i32>} : memref<128x64xf32, #tpu.memory_space<vmem>>, vector<1x16xf32>,
        %swap3A_1187 = vector.shape_cast %swap3A_1186 : vector<1x16xf32> to vector<16xf32>
        %swap3A_1188 = vector.shape_cast %mul3A_1183 : vector<16xf32> to vector<1x16xf32>
        tpu.vector_store %arg15[%swap3A_1184, %swap3A_1185], %swap3A_1188 {strides = array<i32>} : memref<128x64xf32, #tpu.memory_space<vmem>>, vector<1x16xf32>,
        %add3A_1189 = arith.constant 32 : i32
        %add3A_1190 = arith.addi %mul3A_1157, %add3A_1189 : i32
        %get3A_1191 = arith.index_cast %add3A_1151 : i32 to index
        %get3A_1192 = arith.index_cast %add3A_1190 : i32 to index
        %get3A_1193 = tpu.vector_load %arg13[%get3A_1191, %get3A_1192] {strides = array<i32>} : memref<128x128xf32, #tpu.memory_space<vmem>>, vector<1x16xf32>,
        %get3A_1194 = vector.shape_cast %get3A_1193 : vector<1x16xf32> to vector<16xf32>
        %mul3A_1195 = vector.broadcast %mul3A_1162 : f32 to vector<16xf32>
        %mul3A_1196 = arith.mulf %get3A_1194, %mul3A_1195 : vector<16xf32>
        %swap3A_1197 = arith.index_cast %add3A_1151 : i32 to index
        %swap3A_1198 = arith.constant 32 : index
        %swap3A_1199 = tpu.vector_load %arg15[%swap3A_1197, %swap3A_1198] {strides = array<i32>} : memref<128x64xf32, #tpu.memory_space<vmem>>, vector<1x16xf32>,
        %swap3A_1200 = vector.shape_cast %swap3A_1199 : vector<1x16xf32> to vector<16xf32>
        %swap3A_1201 = vector.shape_cast %mul3A_1196 : vector<16xf32> to vector<1x16xf32>
        tpu.vector_store %arg15[%swap3A_1197, %swap3A_1198], %swap3A_1201 {strides = array<i32>} : memref<128x64xf32, #tpu.memory_space<vmem>>, vector<1x16xf32>,
        %add3A_1202 = arith.constant 48 : i32
        %add3A_1203 = arith.addi %mul3A_1157, %add3A_1202 : i32
        %get3A_1204 = arith.index_cast %add3A_1151 : i32 to index
        %get3A_1205 = arith.index_cast %add3A_1203 : i32 to index
        %get3A_1206 = tpu.vector_load %arg13[%get3A_1204, %get3A_1205] {strides = array<i32>} : memref<128x128xf32, #tpu.memory_space<vmem>>, vector<1x16xf32>,
        %get3A_1207 = vector.shape_cast %get3A_1206 : vector<1x16xf32> to vector<16xf32>
        %mul3A_1208 = vector.broadcast %mul3A_1162 : f32 to vector<16xf32>
        %mul3A_1209 = arith.mulf %get3A_1207, %mul3A_1208 : vector<16xf32>
        %swap3A_1210 = arith.index_cast %add3A_1151 : i32 to index
        %swap3A_1211 = arith.constant 48 : index
        %swap3A_1212 = tpu.vector_load %arg15[%swap3A_1210, %swap3A_1211] {strides = array<i32>} : memref<128x64xf32, #tpu.memory_space<vmem>>, vector<1x16xf32>,
        %swap3A_1213 = vector.shape_cast %swap3A_1212 : vector<1x16xf32> to vector<16xf32>
        %swap3A_1214 = vector.shape_cast %mul3A_1209 : vector<16xf32> to vector<1x16xf32>
        tpu.vector_store %arg15[%swap3A_1210, %swap3A_1211], %swap3A_1214 {strides = array<i32>} : memref<128x64xf32, #tpu.memory_space<vmem>>, vector<1x16xf32>,
        %scan3A_1215 = arith.constant 0 : i32
        scf.yield %scan3A_1215 : i32
      }
      %scan3A_119 = arith.constant 8 : i32
      %add3A_120 = arith.constant 1 : i32
      %add3A_121 = arith.addi %mul3A_40, %add3A_120 : i32
      %mul3A_122 = arith.constant 128 : i32
      %mul3A_123 = arith.muli %add3A_121, %mul3A_122 : i32
      %add3A_124 = arith.addi %mul3A_2, %mul3A_123 : i32
      %dma_start3A_125 = arith.constant 0 : i32
      %dma_start3A_126 = tpu.memref_slice %arg6[%add3A_124, %dma_start3A_125] : memref<819200x64xf32, #tpu.memory_space<hbm>> -> memref<128x64xf32, #tpu.memory_space<hbm>>
      %dma_start3A_127 = arith.constant 0 : i32
      %dma_start3A_128 = tpu.memref_slice %arg6[%add3A_124, %dma_start3A_127] : memref<819200x64xf32, #tpu.memory_space<hbm>> -> memref<128x64xf32, #tpu.memory_space<hbm>>
      tpu.enqueue_dma source(%arg15 : memref<128x64xf32, #tpu.memory_space<vmem>>) target(%dma_start3A_128 : memref<128x64xf32, #tpu.memory_space<hbm>>) target_semaphore(%arg27 : memref<!tpu.dma_semaphore, #tpu.memory_space<semaphore_mem>>)
      %scan3A_129 = arith.constant 0 : i32
      scf.yield %scan3A_129 : i32
    }
    %scan3A_25 = arith.constant 100 : i32
    %add3A_26 = arith.constant 25344 : i32
    %add3A_27 = arith.addi %mul3A_2, %add3A_26 : i32
    %dma_wait3A = arith.constant 0 : i32
    %dma_wait3A_28 = tpu.memref_slice %arg6[%add3A_27, %dma_wait3A] : memref<819200x64xf32, #tpu.memory_space<hbm>> -> memref<128x64xf32, #tpu.memory_space<hbm>>
    %dma_wait3A_29 = arith.constant 0 : i32
    %dma_wait3A_30 = tpu.memref_slice %arg6[%add3A_27, %dma_wait3A_29] : memref<819200x64xf32, #tpu.memory_space<hbm>> -> memref<128x64xf32, #tpu.memory_space<hbm>>
    tpu.wait_dma2 semaphore(%arg26 : memref<!tpu.dma_semaphore, #tpu.memory_space<semaphore_mem>>) src(%arg14 : memref<128x64xf32, #tpu.memory_space<vmem>>) dst(%dma_wait3A_30 : memref<128x64xf32, #tpu.memory_space<hbm>>)
    %add3A_31 = arith.constant 25472 : i32
    %add3A_32 = arith.addi %mul3A_2, %add3A_31 : i32
    %dma_wait3A_33 = arith.constant 0 : i32
    %dma_wait3A_34 = tpu.memref_slice %arg6[%add3A_32, %dma_wait3A_33] : memref<819200x64xf32, #tpu.memory_space<hbm>> -> memref<128x64xf32, #tpu.memory_space<hbm>>
    %dma_wait3A_35 = arith.constant 0 : i32
    %dma_wait3A_36 = tpu.memref_slice %arg6[%add3A_32, %dma_wait3A_35] : memref<819200x64xf32, #tpu.memory_space<hbm>> -> memref<128x64xf32, #tpu.memory_space<hbm>>
    tpu.wait_dma2 semaphore(%arg27 : memref<!tpu.dma_semaphore, #tpu.memory_space<semaphore_mem>>) src(%arg15 : memref<128x64xf32, #tpu.memory_space<vmem>>) dst(%dma_wait3A_36 : memref<128x64xf32, #tpu.memory_space<hbm>>)
    return
  }
}

module attributes {stable_mosaic.version = 14 : i64} {
  func.func @body(%arg0: i32, %arg1: memref<2x128xf32, #tpu.memory_space<vmem>>, %arg2: memref<4096x128xf32, #tpu.memory_space<vmem>>, %arg3: memref<2x4096xf32, #tpu.memory_space<vmem>>) attributes {dimension_semantics = [#tpu.dimension_semantics<arbitrary>], iteration_bounds = array<i64: 123>, scalar_prefetch = 0 : i64, scratch_operands = 0 : i64, tpu.core_type = #tpu.core_type<tc>, window_params = [{pipeline_mode = #tpu.pipeline_mode<synchronous>, transform_indices = @transform_0, window_bounds = array<i64: 2, 128>}, {transform_indices = @transform_1, window_bounds = array<i64: 4096, 128>}, {transform_indices = @transform_2, window_bounds = array<i64: 2, 4096>}]} {
    %get3A = arith.constant 0 : index
    %get3A_0 = arith.constant 0 : index
    %get3A_1 = vector.load %arg2[%get3A, %get3A_0] : memref<4096x128xf32, #tpu.memory_space<vmem>>, vector<4096x128xf32>
    %ne3A = arith.constant 0.000000e+00 : f32
    %ne3A_2 = vector.broadcast %ne3A : f32 to vector<4096x128xf32>
    %ne3A_3 = arith.cmpf one, %get3A_1, %ne3A_2 : vector<4096x128xf32>
    %convert_element_type3A = arith.extui %ne3A_3 : vector<4096x128xi1> to vector<4096x128xi32>
    %convert_element_type3A_4 = arith.sitofp %convert_element_type3A : vector<4096x128xi32> to vector<4096x128xf32>
    %get3A_5 = arith.constant 0 : index
    %get3A_6 = arith.constant 0 : index
    %get3A_7 = vector.load %arg1[%get3A_5, %get3A_6] : memref<2x128xf32, #tpu.memory_space<vmem>>, vector<2x128xf32>
    %dot_general3A = arith.constant dense<0.000000e+00> : vector<2x4096xf32>
    %dot_general3A_8 = tpu.matmul %get3A_7, %convert_element_type3A_4, %dot_general3A {dimension_numbers = #tpu.dot_dimension_numbers<[1], [1], [0], [0], [0, 0, 1, 0], [], []>, transpose_lhs_hint = false} : vector<2x128xf32>, vector<4096x128xf32>, vector<2x4096xf32> -> vector<2x4096xf32>
    %gt3A = arith.constant 2.000000e+00 : f32
    %gt3A_9 = vector.broadcast %gt3A : f32 to vector<2x4096xf32>
    %gt3A_10 = arith.cmpf ogt, %dot_general3A_8, %gt3A_9 : vector<2x4096xf32>
    %add3A = arith.constant 1.000000e-07 : f32
    %add3A_11 = vector.broadcast %add3A : f32 to vector<2x4096xf32>
    %add3A_12 = arith.addf %dot_general3A_8, %add3A_11 : vector<2x4096xf32>
    %div3A = arith.constant 2.000000e+00 : f32
    %div3A_13 = vector.broadcast %div3A : f32 to vector<2x4096xf32>
    %div3A_14 = arith.divf %div3A_13, %add3A_12 : vector<2x4096xf32>
    %jit3A = arith.constant 1.000000e+00 : f32
    %broadcast_in_dim3A = vector.broadcast %jit3A : f32 to vector<2x4096xf32>
    %select_n3A = arith.select %gt3A_10, %div3A_14, %broadcast_in_dim3A : vector<2x4096xi1>, vector<2x4096xf32>
    %swap3A = arith.constant 0 : index
    %swap3A_15 = arith.constant 0 : index
    %swap3A_16 = vector.load %arg3[%swap3A, %swap3A_15] : memref<2x4096xf32, #tpu.memory_space<vmem>>, vector<2x4096xf32>
    tpu.vector_store %arg3[%swap3A, %swap3A_15], %select_n3A {strides = array<i32>} : memref<2x4096xf32, #tpu.memory_space<vmem>>, vector<2x4096xf32>,
    return
  }
  func.func @transform_0(%arg0: i32) -> (i32, i32) {
    %c0_i32 = arith.constant 0 : i32
    %c0_i32_0 = arith.constant 0 : i32
    %c0_i32_1 = arith.constant 0 : i32
    return %c0_i32, %c0_i32_0 : i32, i32
  }
  func.func @transform_1(%arg0: i32) -> (i32, i32) {
    %c0_i32 = arith.constant 0 : i32
    %c0_i32_0 = arith.constant 0 : i32
    return %arg0, %c0_i32 : i32, i32
  }
  func.func @transform_2(%arg0: i32) -> (i32, i32) {
    %c0_i32 = arith.constant 0 : i32
    %c0_i32_0 = arith.constant 0 : i32
    return %c0_i32, %arg0 : i32, i32
  }
}

module attributes {stable_mosaic.version = 14 : i64} {
  func.func @body(%arg0: memref<2x8192x128xi32, #tpu.memory_space<vmem>>, %arg1: memref<8192x128xf32, #tpu.memory_space<vmem>>) attributes {dimension_semantics = [], scalar_prefetch = 0 : i64, scratch_operands = 0 : i64, tpu.core_type = #tpu.core_type<tc>} {
    %get3A = arith.constant 0 : index
    %get3A_0 = arith.constant 0 : index
    %get3A_1 = arith.constant 0 : index
    %get3A_2 = vector.load %arg0[%get3A, %get3A_0, %get3A_1] : memref<2x8192x128xi32, #tpu.memory_space<vmem>>, vector<1x8192x128xi32>
    %get3A_3 = vector.shape_cast %get3A_2 : vector<1x8192x128xi32> to vector<8192x128xi32>
    %get3A_4 = arith.constant 1 : index
    %get3A_5 = arith.constant 0 : index
    %get3A_6 = arith.constant 0 : index
    %get3A_7 = vector.load %arg0[%get3A_4, %get3A_5, %get3A_6] : memref<2x8192x128xi32, #tpu.memory_space<vmem>>, vector<1x8192x128xi32>
    %get3A_8 = vector.shape_cast %get3A_7 : vector<1x8192x128xi32> to vector<8192x128xi32>
    %add3A = arith.addi %get3A_3, %get3A_8 : vector<8192x128xi32>
    %gt3A = arith.constant 0 : i32
    %gt3A_9 = vector.broadcast %gt3A : i32 to vector<8192x128xi32>
    %gt3A_10 = arith.cmpi sgt, %add3A, %gt3A_9 : vector<8192x128xi32>
    %convert_element_type3A = arith.extui %gt3A_10 : vector<8192x128xi1> to vector<8192x128xi32>
    %broadcast_in_dim3A = arith.constant 0 : i32
    %broadcast_in_dim3A_11 = vector.broadcast %broadcast_in_dim3A : i32 to vector<8192x1xi32>
    %slice3A = vector.extract_strided_slice %convert_element_type3A {offsets = [0, 0], sizes = [8192, 127], strides = [1, 1]} : vector<8192x128xi32> to vector<8192x127xi32>
    %concatenate3A = tpu.concatenate %broadcast_in_dim3A_11, %slice3A in 1 : vector<8192x1xi32>, vector<8192x127xi32> -> vector<8192x128xi32>
    %add3A_12 = arith.addi %convert_element_type3A, %concatenate3A : vector<8192x128xi32>
    %broadcast_in_dim3A_13 = arith.constant 0 : i32
    %broadcast_in_dim3A_14 = vector.broadcast %broadcast_in_dim3A_13 : i32 to vector<8192x2xi32>
    %slice3A_15 = vector.extract_strided_slice %add3A_12 {offsets = [0, 0], sizes = [8192, 126], strides = [1, 1]} : vector<8192x128xi32> to vector<8192x126xi32>
    %concatenate3A_16 = tpu.concatenate %broadcast_in_dim3A_14, %slice3A_15 in 1 : vector<8192x2xi32>, vector<8192x126xi32> -> vector<8192x128xi32>
    %add3A_17 = arith.addi %add3A_12, %concatenate3A_16 : vector<8192x128xi32>
    %broadcast_in_dim3A_18 = arith.constant 0 : i32
    %broadcast_in_dim3A_19 = vector.broadcast %broadcast_in_dim3A_18 : i32 to vector<8192x4xi32>
    %slice3A_20 = vector.extract_strided_slice %add3A_17 {offsets = [0, 0], sizes = [8192, 124], strides = [1, 1]} : vector<8192x128xi32> to vector<8192x124xi32>
    %concatenate3A_21 = tpu.concatenate %broadcast_in_dim3A_19, %slice3A_20 in 1 : vector<8192x4xi32>, vector<8192x124xi32> -> vector<8192x128xi32>
    %add3A_22 = arith.addi %add3A_17, %concatenate3A_21 : vector<8192x128xi32>
    %broadcast_in_dim3A_23 = arith.constant 0 : i32
    %broadcast_in_dim3A_24 = vector.broadcast %broadcast_in_dim3A_23 : i32 to vector<8192x8xi32>
    %slice3A_25 = vector.extract_strided_slice %add3A_22 {offsets = [0, 0], sizes = [8192, 120], strides = [1, 1]} : vector<8192x128xi32> to vector<8192x120xi32>
    %concatenate3A_26 = tpu.concatenate %broadcast_in_dim3A_24, %slice3A_25 in 1 : vector<8192x8xi32>, vector<8192x120xi32> -> vector<8192x128xi32>
    %add3A_27 = arith.addi %add3A_22, %concatenate3A_26 : vector<8192x128xi32>
    %broadcast_in_dim3A_28 = arith.constant 0 : i32
    %broadcast_in_dim3A_29 = vector.broadcast %broadcast_in_dim3A_28 : i32 to vector<8192x16xi32>
    %slice3A_30 = vector.extract_strided_slice %add3A_27 {offsets = [0, 0], sizes = [8192, 112], strides = [1, 1]} : vector<8192x128xi32> to vector<8192x112xi32>
    %concatenate3A_31 = tpu.concatenate %broadcast_in_dim3A_29, %slice3A_30 in 1 : vector<8192x16xi32>, vector<8192x112xi32> -> vector<8192x128xi32>
    %add3A_32 = arith.addi %add3A_27, %concatenate3A_31 : vector<8192x128xi32>
    %broadcast_in_dim3A_33 = arith.constant 0 : i32
    %broadcast_in_dim3A_34 = vector.broadcast %broadcast_in_dim3A_33 : i32 to vector<8192x32xi32>
    %slice3A_35 = vector.extract_strided_slice %add3A_32 {offsets = [0, 0], sizes = [8192, 96], strides = [1, 1]} : vector<8192x128xi32> to vector<8192x96xi32>
    %concatenate3A_36 = tpu.concatenate %broadcast_in_dim3A_34, %slice3A_35 in 1 : vector<8192x32xi32>, vector<8192x96xi32> -> vector<8192x128xi32>
    %add3A_37 = arith.addi %add3A_32, %concatenate3A_36 : vector<8192x128xi32>
    %broadcast_in_dim3A_38 = arith.constant 0 : i32
    %broadcast_in_dim3A_39 = vector.broadcast %broadcast_in_dim3A_38 : i32 to vector<8192x64xi32>
    %slice3A_40 = vector.extract_strided_slice %add3A_37 {offsets = [0, 0], sizes = [8192, 64], strides = [1, 1]} : vector<8192x128xi32> to vector<8192x64xi32>
    %concatenate3A_41 = tpu.concatenate %broadcast_in_dim3A_39, %slice3A_40 in 1 : vector<8192x64xi32>, vector<8192x64xi32> -> vector<8192x128xi32>
    %add3A_42 = arith.addi %add3A_37, %concatenate3A_41 : vector<8192x128xi32>
    %slice3A_43 = vector.extract_strided_slice %add3A_42 {offsets = [0, 127], sizes = [8192, 1], strides = [1, 1]} : vector<8192x128xi32> to vector<8192x1xi32>
    %broadcast_in_dim3A_44 = arith.constant 0 : i32
    %broadcast_in_dim3A_45 = vector.broadcast %broadcast_in_dim3A_44 : i32 to vector<1x1xi32>
    %slice3A_46 = vector.extract_strided_slice %slice3A_43 {offsets = [0, 0], sizes = [8191, 1], strides = [1, 1]} : vector<8192x1xi32> to vector<8191x1xi32>
    %concatenate3A_47 = tpu.concatenate %broadcast_in_dim3A_45, %slice3A_46 in 0 : vector<1x1xi32>, vector<8191x1xi32> -> vector<8192x1xi32>
    %add3A_48 = arith.addi %slice3A_43, %concatenate3A_47 : vector<8192x1xi32>
    %broadcast_in_dim3A_49 = arith.constant 0 : i32
    %broadcast_in_dim3A_50 = vector.broadcast %broadcast_in_dim3A_49 : i32 to vector<2x1xi32>
    %slice3A_51 = vector.extract_strided_slice %add3A_48 {offsets = [0, 0], sizes = [8190, 1], strides = [1, 1]} : vector<8192x1xi32> to vector<8190x1xi32>
    %concatenate3A_52 = tpu.concatenate %broadcast_in_dim3A_50, %slice3A_51 in 0 : vector<2x1xi32>, vector<8190x1xi32> -> vector<8192x1xi32>
    %add3A_53 = arith.addi %add3A_48, %concatenate3A_52 : vector<8192x1xi32>
    %broadcast_in_dim3A_54 = arith.constant 0 : i32
    %broadcast_in_dim3A_55 = vector.broadcast %broadcast_in_dim3A_54 : i32 to vector<4x1xi32>
    %slice3A_56 = vector.extract_strided_slice %add3A_53 {offsets = [0, 0], sizes = [8188, 1], strides = [1, 1]} : vector<8192x1xi32> to vector<8188x1xi32>
    %concatenate3A_57 = tpu.concatenate %broadcast_in_dim3A_55, %slice3A_56 in 0 : vector<4x1xi32>, vector<8188x1xi32> -> vector<8192x1xi32>
    %add3A_58 = arith.addi %add3A_53, %concatenate3A_57 : vector<8192x1xi32>
    %broadcast_in_dim3A_59 = arith.constant 0 : i32
    %broadcast_in_dim3A_60 = vector.broadcast %broadcast_in_dim3A_59 : i32 to vector<8x1xi32>
    %slice3A_61 = vector.extract_strided_slice %add3A_58 {offsets = [0, 0], sizes = [8184, 1], strides = [1, 1]} : vector<8192x1xi32> to vector<8184x1xi32>
    %concatenate3A_62 = tpu.concatenate %broadcast_in_dim3A_60, %slice3A_61 in 0 : vector<8x1xi32>, vector<8184x1xi32> -> vector<8192x1xi32>
    %add3A_63 = arith.addi %add3A_58, %concatenate3A_62 : vector<8192x1xi32>
    %broadcast_in_dim3A_64 = arith.constant 0 : i32
    %broadcast_in_dim3A_65 = vector.broadcast %broadcast_in_dim3A_64 : i32 to vector<16x1xi32>
    %slice3A_66 = vector.extract_strided_slice %add3A_63 {offsets = [0, 0], sizes = [8176, 1], strides = [1, 1]} : vector<8192x1xi32> to vector<8176x1xi32>
    %concatenate3A_67 = tpu.concatenate %broadcast_in_dim3A_65, %slice3A_66 in 0 : vector<16x1xi32>, vector<8176x1xi32> -> vector<8192x1xi32>
    %add3A_68 = arith.addi %add3A_63, %concatenate3A_67 : vector<8192x1xi32>
    %broadcast_in_dim3A_69 = arith.constant 0 : i32
    %broadcast_in_dim3A_70 = vector.broadcast %broadcast_in_dim3A_69 : i32 to vector<32x1xi32>
    %slice3A_71 = vector.extract_strided_slice %add3A_68 {offsets = [0, 0], sizes = [8160, 1], strides = [1, 1]} : vector<8192x1xi32> to vector<8160x1xi32>
    %concatenate3A_72 = tpu.concatenate %broadcast_in_dim3A_70, %slice3A_71 in 0 : vector<32x1xi32>, vector<8160x1xi32> -> vector<8192x1xi32>
    %add3A_73 = arith.addi %add3A_68, %concatenate3A_72 : vector<8192x1xi32>
    %broadcast_in_dim3A_74 = arith.constant 0 : i32
    %broadcast_in_dim3A_75 = vector.broadcast %broadcast_in_dim3A_74 : i32 to vector<64x1xi32>
    %slice3A_76 = vector.extract_strided_slice %add3A_73 {offsets = [0, 0], sizes = [8128, 1], strides = [1, 1]} : vector<8192x1xi32> to vector<8128x1xi32>
    %concatenate3A_77 = tpu.concatenate %broadcast_in_dim3A_75, %slice3A_76 in 0 : vector<64x1xi32>, vector<8128x1xi32> -> vector<8192x1xi32>
    %add3A_78 = arith.addi %add3A_73, %concatenate3A_77 : vector<8192x1xi32>
    %broadcast_in_dim3A_79 = arith.constant 0 : i32
    %broadcast_in_dim3A_80 = vector.broadcast %broadcast_in_dim3A_79 : i32 to vector<128x1xi32>
    %slice3A_81 = vector.extract_strided_slice %add3A_78 {offsets = [0, 0], sizes = [8064, 1], strides = [1, 1]} : vector<8192x1xi32> to vector<8064x1xi32>
    %concatenate3A_82 = tpu.concatenate %broadcast_in_dim3A_80, %slice3A_81 in 0 : vector<128x1xi32>, vector<8064x1xi32> -> vector<8192x1xi32>
    %add3A_83 = arith.addi %add3A_78, %concatenate3A_82 : vector<8192x1xi32>
    %broadcast_in_dim3A_84 = arith.constant 0 : i32
    %broadcast_in_dim3A_85 = vector.broadcast %broadcast_in_dim3A_84 : i32 to vector<256x1xi32>
    %slice3A_86 = vector.extract_strided_slice %add3A_83 {offsets = [0, 0], sizes = [7936, 1], strides = [1, 1]} : vector<8192x1xi32> to vector<7936x1xi32>
    %concatenate3A_87 = tpu.concatenate %broadcast_in_dim3A_85, %slice3A_86 in 0 : vector<256x1xi32>, vector<7936x1xi32> -> vector<8192x1xi32>
    %add3A_88 = arith.addi %add3A_83, %concatenate3A_87 : vector<8192x1xi32>
    %broadcast_in_dim3A_89 = arith.constant 0 : i32
    %broadcast_in_dim3A_90 = vector.broadcast %broadcast_in_dim3A_89 : i32 to vector<512x1xi32>
    %slice3A_91 = vector.extract_strided_slice %add3A_88 {offsets = [0, 0], sizes = [7680, 1], strides = [1, 1]} : vector<8192x1xi32> to vector<7680x1xi32>
    %concatenate3A_92 = tpu.concatenate %broadcast_in_dim3A_90, %slice3A_91 in 0 : vector<512x1xi32>, vector<7680x1xi32> -> vector<8192x1xi32>
    %add3A_93 = arith.addi %add3A_88, %concatenate3A_92 : vector<8192x1xi32>
    %broadcast_in_dim3A_94 = arith.constant 0 : i32
    %broadcast_in_dim3A_95 = vector.broadcast %broadcast_in_dim3A_94 : i32 to vector<1024x1xi32>
    %slice3A_96 = vector.extract_strided_slice %add3A_93 {offsets = [0, 0], sizes = [7168, 1], strides = [1, 1]} : vector<8192x1xi32> to vector<7168x1xi32>
    %concatenate3A_97 = tpu.concatenate %broadcast_in_dim3A_95, %slice3A_96 in 0 : vector<1024x1xi32>, vector<7168x1xi32> -> vector<8192x1xi32>
    %add3A_98 = arith.addi %add3A_93, %concatenate3A_97 : vector<8192x1xi32>
    %broadcast_in_dim3A_99 = arith.constant 0 : i32
    %broadcast_in_dim3A_100 = vector.broadcast %broadcast_in_dim3A_99 : i32 to vector<2048x1xi32>
    %slice3A_101 = vector.extract_strided_slice %add3A_98 {offsets = [0, 0], sizes = [6144, 1], strides = [1, 1]} : vector<8192x1xi32> to vector<6144x1xi32>
    %concatenate3A_102 = tpu.concatenate %broadcast_in_dim3A_100, %slice3A_101 in 0 : vector<2048x1xi32>, vector<6144x1xi32> -> vector<8192x1xi32>
    %add3A_103 = arith.addi %add3A_98, %concatenate3A_102 : vector<8192x1xi32>
    %broadcast_in_dim3A_104 = arith.constant 0 : i32
    %broadcast_in_dim3A_105 = vector.broadcast %broadcast_in_dim3A_104 : i32 to vector<4096x1xi32>
    %slice3A_106 = vector.extract_strided_slice %add3A_103 {offsets = [0, 0], sizes = [4096, 1], strides = [1, 1]} : vector<8192x1xi32> to vector<4096x1xi32>
    %concatenate3A_107 = tpu.concatenate %broadcast_in_dim3A_105, %slice3A_106 in 0 : vector<4096x1xi32>, vector<4096x1xi32> -> vector<8192x1xi32>
    %add3A_108 = arith.addi %add3A_103, %concatenate3A_107 : vector<8192x1xi32>
    %sub3A = arith.subi %add3A_108, %slice3A_43 : vector<8192x1xi32>
    %add3A_109 = vector.broadcast %sub3A : vector<8192x1xi32> to vector<8192x128xi32>
    %add3A_110 = arith.addi %add3A_42, %add3A_109 : vector<8192x128xi32>
    %sub3A_111 = arith.constant 1 : i32
    %sub3A_112 = vector.broadcast %sub3A_111 : i32 to vector<8192x128xi32>
    %sub3A_113 = arith.subi %add3A_110, %sub3A_112 : vector<8192x128xi32>
    %broadcast_in_dim3A_114 = arith.constant 64467757 : i32
    %broadcast_in_dim3A_115 = vector.broadcast %broadcast_in_dim3A_114 : i32 to vector<8192x128xi32>
    %add3A_116 = arith.constant -1378843660 : i32
    %add3A_117 = vector.broadcast %add3A_116 : i32 to vector<8192x128xi32>
    %add3A_118 = arith.addi %sub3A_113, %add3A_117 : vector<8192x128xi32>
    %add3A_119 = arith.addi %broadcast_in_dim3A_115, %add3A_118 : vector<8192x128xi32>
    %shift_left3A = arith.constant 13 : i32
    %shift_left3A_120 = vector.broadcast %shift_left3A : i32 to vector<8192x128xi32>
    %shift_left3A_121 = arith.shli %add3A_118, %shift_left3A_120 : vector<8192x128xi32>
    %shift_right_logical3A = arith.constant 19 : i32
    %shift_right_logical3A_122 = vector.broadcast %shift_right_logical3A : i32 to vector<8192x128xi32>
    %shift_right_logical3A_123 = arith.shrui %add3A_118, %shift_right_logical3A_122 : vector<8192x128xi32>
    %or3A = arith.ori %shift_left3A_121, %shift_right_logical3A_123 : vector<8192x128xi32>
    %xor3A = arith.xori %add3A_119, %or3A : vector<8192x128xi32>
    %add3A_124 = arith.addi %add3A_119, %xor3A : vector<8192x128xi32>
    %shift_left3A_125 = arith.constant 15 : i32
    %shift_left3A_126 = vector.broadcast %shift_left3A_125 : i32 to vector<8192x128xi32>
    %shift_left3A_127 = arith.shli %xor3A, %shift_left3A_126 : vector<8192x128xi32>
    %shift_right_logical3A_128 = arith.constant 17 : i32
    %shift_right_logical3A_129 = vector.broadcast %shift_right_logical3A_128 : i32 to vector<8192x128xi32>
    %shift_right_logical3A_130 = arith.shrui %xor3A, %shift_right_logical3A_129 : vector<8192x128xi32>
    %or3A_131 = arith.ori %shift_left3A_127, %shift_right_logical3A_130 : vector<8192x128xi32>
    %xor3A_132 = arith.xori %add3A_124, %or3A_131 : vector<8192x128xi32>
    %add3A_133 = arith.addi %add3A_124, %xor3A_132 : vector<8192x128xi32>
    %shift_left3A_134 = arith.constant 26 : i32
    %shift_left3A_135 = vector.broadcast %shift_left3A_134 : i32 to vector<8192x128xi32>
    %shift_left3A_136 = arith.shli %xor3A_132, %shift_left3A_135 : vector<8192x128xi32>
    %shift_right_logical3A_137 = arith.constant 6 : i32
    %shift_right_logical3A_138 = vector.broadcast %shift_right_logical3A_137 : i32 to vector<8192x128xi32>
    %shift_right_logical3A_139 = arith.shrui %xor3A_132, %shift_right_logical3A_138 : vector<8192x128xi32>
    %or3A_140 = arith.ori %shift_left3A_136, %shift_right_logical3A_139 : vector<8192x128xi32>
    %xor3A_141 = arith.xori %add3A_133, %or3A_140 : vector<8192x128xi32>
    %add3A_142 = arith.addi %add3A_133, %xor3A_141 : vector<8192x128xi32>
    %shift_left3A_143 = arith.constant 6 : i32
    %shift_left3A_144 = vector.broadcast %shift_left3A_143 : i32 to vector<8192x128xi32>
    %shift_left3A_145 = arith.shli %xor3A_141, %shift_left3A_144 : vector<8192x128xi32>
    %shift_right_logical3A_146 = arith.constant 26 : i32
    %shift_right_logical3A_147 = vector.broadcast %shift_right_logical3A_146 : i32 to vector<8192x128xi32>
    %shift_right_logical3A_148 = arith.shrui %xor3A_141, %shift_right_logical3A_147 : vector<8192x128xi32>
    %or3A_149 = arith.ori %shift_left3A_145, %shift_right_logical3A_148 : vector<8192x128xi32>
    %xor3A_150 = arith.xori %add3A_142, %or3A_149 : vector<8192x128xi32>
    %add3A_151 = arith.constant -1378843660 : i32
    %add3A_152 = vector.broadcast %add3A_151 : i32 to vector<8192x128xi32>
    %add3A_153 = arith.addi %add3A_142, %add3A_152 : vector<8192x128xi32>
    %add3A_154 = arith.constant -1244255485 : i32
    %add3A_155 = vector.broadcast %add3A_154 : i32 to vector<8192x128xi32>
    %add3A_156 = arith.addi %xor3A_150, %add3A_155 : vector<8192x128xi32>
    %add3A_157 = arith.constant 1 : i32
    %add3A_158 = vector.broadcast %add3A_157 : i32 to vector<8192x128xi32>
    %add3A_159 = arith.addi %add3A_156, %add3A_158 : vector<8192x128xi32>
    %add3A_160 = arith.addi %add3A_153, %add3A_159 : vector<8192x128xi32>
    %shift_left3A_161 = arith.constant 17 : i32
    %shift_left3A_162 = vector.broadcast %shift_left3A_161 : i32 to vector<8192x128xi32>
    %shift_left3A_163 = arith.shli %add3A_159, %shift_left3A_162 : vector<8192x128xi32>
    %shift_right_logical3A_164 = arith.constant 15 : i32
    %shift_right_logical3A_165 = vector.broadcast %shift_right_logical3A_164 : i32 to vector<8192x128xi32>
    %shift_right_logical3A_166 = arith.shrui %add3A_159, %shift_right_logical3A_165 : vector<8192x128xi32>
    %or3A_167 = arith.ori %shift_left3A_163, %shift_right_logical3A_166 : vector<8192x128xi32>
    %xor3A_168 = arith.xori %add3A_160, %or3A_167 : vector<8192x128xi32>
    %add3A_169 = arith.addi %add3A_160, %xor3A_168 : vector<8192x128xi32>
    %shift_left3A_170 = arith.constant 29 : i32
    %shift_left3A_171 = vector.broadcast %shift_left3A_170 : i32 to vector<8192x128xi32>
    %shift_left3A_172 = arith.shli %xor3A_168, %shift_left3A_171 : vector<8192x128xi32>
    %shift_right_logical3A_173 = arith.constant 3 : i32
    %shift_right_logical3A_174 = vector.broadcast %shift_right_logical3A_173 : i32 to vector<8192x128xi32>
    %shift_right_logical3A_175 = arith.shrui %xor3A_168, %shift_right_logical3A_174 : vector<8192x128xi32>
    %or3A_176 = arith.ori %shift_left3A_172, %shift_right_logical3A_175 : vector<8192x128xi32>
    %xor3A_177 = arith.xori %add3A_169, %or3A_176 : vector<8192x128xi32>
    %add3A_178 = arith.addi %add3A_169, %xor3A_177 : vector<8192x128xi32>
    %shift_left3A_179 = arith.constant 16 : i32
    %shift_left3A_180 = vector.broadcast %shift_left3A_179 : i32 to vector<8192x128xi32>
    %shift_left3A_181 = arith.shli %xor3A_177, %shift_left3A_180 : vector<8192x128xi32>
    %shift_right_logical3A_182 = arith.constant 16 : i32
    %shift_right_logical3A_183 = vector.broadcast %shift_right_logical3A_182 : i32 to vector<8192x128xi32>
    %shift_right_logical3A_184 = arith.shrui %xor3A_177, %shift_right_logical3A_183 : vector<8192x128xi32>
    %or3A_185 = arith.ori %shift_left3A_181, %shift_right_logical3A_184 : vector<8192x128xi32>
    %xor3A_186 = arith.xori %add3A_178, %or3A_185 : vector<8192x128xi32>
    %add3A_187 = arith.addi %add3A_178, %xor3A_186 : vector<8192x128xi32>
    %shift_left3A_188 = arith.constant 24 : i32
    %shift_left3A_189 = vector.broadcast %shift_left3A_188 : i32 to vector<8192x128xi32>
    %shift_left3A_190 = arith.shli %xor3A_186, %shift_left3A_189 : vector<8192x128xi32>
    %shift_right_logical3A_191 = arith.constant 8 : i32
    %shift_right_logical3A_192 = vector.broadcast %shift_right_logical3A_191 : i32 to vector<8192x128xi32>
    %shift_right_logical3A_193 = arith.shrui %xor3A_186, %shift_right_logical3A_192 : vector<8192x128xi32>
    %or3A_194 = arith.ori %shift_left3A_190, %shift_right_logical3A_193 : vector<8192x128xi32>
    %xor3A_195 = arith.xori %add3A_187, %or3A_194 : vector<8192x128xi32>
    %add3A_196 = arith.constant -1244255485 : i32
    %add3A_197 = vector.broadcast %add3A_196 : i32 to vector<8192x128xi32>
    %add3A_198 = arith.addi %add3A_187, %add3A_197 : vector<8192x128xi32>
    %add3A_199 = arith.constant 64467757 : i32
    %add3A_200 = vector.broadcast %add3A_199 : i32 to vector<8192x128xi32>
    %add3A_201 = arith.addi %xor3A_195, %add3A_200 : vector<8192x128xi32>
    %add3A_202 = arith.constant 2 : i32
    %add3A_203 = vector.broadcast %add3A_202 : i32 to vector<8192x128xi32>
    %add3A_204 = arith.addi %add3A_201, %add3A_203 : vector<8192x128xi32>
    %add3A_205 = arith.addi %add3A_198, %add3A_204 : vector<8192x128xi32>
    %shift_left3A_206 = arith.constant 13 : i32
    %shift_left3A_207 = vector.broadcast %shift_left3A_206 : i32 to vector<8192x128xi32>
    %shift_left3A_208 = arith.shli %add3A_204, %shift_left3A_207 : vector<8192x128xi32>
    %shift_right_logical3A_209 = arith.constant 19 : i32
    %shift_right_logical3A_210 = vector.broadcast %shift_right_logical3A_209 : i32 to vector<8192x128xi32>
    %shift_right_logical3A_211 = arith.shrui %add3A_204, %shift_right_logical3A_210 : vector<8192x128xi32>
    %or3A_212 = arith.ori %shift_left3A_208, %shift_right_logical3A_211 : vector<8192x128xi32>
    %xor3A_213 = arith.xori %add3A_205, %or3A_212 : vector<8192x128xi32>
    %add3A_214 = arith.addi %add3A_205, %xor3A_213 : vector<8192x128xi32>
    %shift_left3A_215 = arith.constant 15 : i32
    %shift_left3A_216 = vector.broadcast %shift_left3A_215 : i32 to vector<8192x128xi32>
    %shift_left3A_217 = arith.shli %xor3A_213, %shift_left3A_216 : vector<8192x128xi32>
    %shift_right_logical3A_218 = arith.constant 17 : i32
    %shift_right_logical3A_219 = vector.broadcast %shift_right_logical3A_218 : i32 to vector<8192x128xi32>
    %shift_right_logical3A_220 = arith.shrui %xor3A_213, %shift_right_logical3A_219 : vector<8192x128xi32>
    %or3A_221 = arith.ori %shift_left3A_217, %shift_right_logical3A_220 : vector<8192x128xi32>
    %xor3A_222 = arith.xori %add3A_214, %or3A_221 : vector<8192x128xi32>
    %add3A_223 = arith.addi %add3A_214, %xor3A_222 : vector<8192x128xi32>
    %shift_left3A_224 = arith.constant 26 : i32
    %shift_left3A_225 = vector.broadcast %shift_left3A_224 : i32 to vector<8192x128xi32>
    %shift_left3A_226 = arith.shli %xor3A_222, %shift_left3A_225 : vector<8192x128xi32>
    %shift_right_logical3A_227 = arith.constant 6 : i32
    %shift_right_logical3A_228 = vector.broadcast %shift_right_logical3A_227 : i32 to vector<8192x128xi32>
    %shift_right_logical3A_229 = arith.shrui %xor3A_222, %shift_right_logical3A_228 : vector<8192x128xi32>
    %or3A_230 = arith.ori %shift_left3A_226, %shift_right_logical3A_229 : vector<8192x128xi32>
    %xor3A_231 = arith.xori %add3A_223, %or3A_230 : vector<8192x128xi32>
    %add3A_232 = arith.addi %add3A_223, %xor3A_231 : vector<8192x128xi32>
    %shift_left3A_233 = arith.constant 6 : i32
    %shift_left3A_234 = vector.broadcast %shift_left3A_233 : i32 to vector<8192x128xi32>
    %shift_left3A_235 = arith.shli %xor3A_231, %shift_left3A_234 : vector<8192x128xi32>
    %shift_right_logical3A_236 = arith.constant 26 : i32
    %shift_right_logical3A_237 = vector.broadcast %shift_right_logical3A_236 : i32 to vector<8192x128xi32>
    %shift_right_logical3A_238 = arith.shrui %xor3A_231, %shift_right_logical3A_237 : vector<8192x128xi32>
    %or3A_239 = arith.ori %shift_left3A_235, %shift_right_logical3A_238 : vector<8192x128xi32>
    %xor3A_240 = arith.xori %add3A_232, %or3A_239 : vector<8192x128xi32>
    %add3A_241 = arith.constant 64467757 : i32
    %add3A_242 = vector.broadcast %add3A_241 : i32 to vector<8192x128xi32>
    %add3A_243 = arith.addi %add3A_232, %add3A_242 : vector<8192x128xi32>
    %add3A_244 = arith.constant -1378843660 : i32
    %add3A_245 = vector.broadcast %add3A_244 : i32 to vector<8192x128xi32>
    %add3A_246 = arith.addi %xor3A_240, %add3A_245 : vector<8192x128xi32>
    %add3A_247 = arith.constant 3 : i32
    %add3A_248 = vector.broadcast %add3A_247 : i32 to vector<8192x128xi32>
    %add3A_249 = arith.addi %add3A_246, %add3A_248 : vector<8192x128xi32>
    %add3A_250 = arith.addi %add3A_243, %add3A_249 : vector<8192x128xi32>
    %shift_left3A_251 = arith.constant 17 : i32
    %shift_left3A_252 = vector.broadcast %shift_left3A_251 : i32 to vector<8192x128xi32>
    %shift_left3A_253 = arith.shli %add3A_249, %shift_left3A_252 : vector<8192x128xi32>
    %shift_right_logical3A_254 = arith.constant 15 : i32
    %shift_right_logical3A_255 = vector.broadcast %shift_right_logical3A_254 : i32 to vector<8192x128xi32>
    %shift_right_logical3A_256 = arith.shrui %add3A_249, %shift_right_logical3A_255 : vector<8192x128xi32>
    %or3A_257 = arith.ori %shift_left3A_253, %shift_right_logical3A_256 : vector<8192x128xi32>
    %xor3A_258 = arith.xori %add3A_250, %or3A_257 : vector<8192x128xi32>
    %add3A_259 = arith.addi %add3A_250, %xor3A_258 : vector<8192x128xi32>
    %shift_left3A_260 = arith.constant 29 : i32
    %shift_left3A_261 = vector.broadcast %shift_left3A_260 : i32 to vector<8192x128xi32>
    %shift_left3A_262 = arith.shli %xor3A_258, %shift_left3A_261 : vector<8192x128xi32>
    %shift_right_logical3A_263 = arith.constant 3 : i32
    %shift_right_logical3A_264 = vector.broadcast %shift_right_logical3A_263 : i32 to vector<8192x128xi32>
    %shift_right_logical3A_265 = arith.shrui %xor3A_258, %shift_right_logical3A_264 : vector<8192x128xi32>
    %or3A_266 = arith.ori %shift_left3A_262, %shift_right_logical3A_265 : vector<8192x128xi32>
    %xor3A_267 = arith.xori %add3A_259, %or3A_266 : vector<8192x128xi32>
    %add3A_268 = arith.addi %add3A_259, %xor3A_267 : vector<8192x128xi32>
    %shift_left3A_269 = arith.constant 16 : i32
    %shift_left3A_270 = vector.broadcast %shift_left3A_269 : i32 to vector<8192x128xi32>
    %shift_left3A_271 = arith.shli %xor3A_267, %shift_left3A_270 : vector<8192x128xi32>
    %shift_right_logical3A_272 = arith.constant 16 : i32
    %shift_right_logical3A_273 = vector.broadcast %shift_right_logical3A_272 : i32 to vector<8192x128xi32>
    %shift_right_logical3A_274 = arith.shrui %xor3A_267, %shift_right_logical3A_273 : vector<8192x128xi32>
    %or3A_275 = arith.ori %shift_left3A_271, %shift_right_logical3A_274 : vector<8192x128xi32>
    %xor3A_276 = arith.xori %add3A_268, %or3A_275 : vector<8192x128xi32>
    %add3A_277 = arith.addi %add3A_268, %xor3A_276 : vector<8192x128xi32>
    %shift_left3A_278 = arith.constant 24 : i32
    %shift_left3A_279 = vector.broadcast %shift_left3A_278 : i32 to vector<8192x128xi32>
    %shift_left3A_280 = arith.shli %xor3A_276, %shift_left3A_279 : vector<8192x128xi32>
    %shift_right_logical3A_281 = arith.constant 8 : i32
    %shift_right_logical3A_282 = vector.broadcast %shift_right_logical3A_281 : i32 to vector<8192x128xi32>
    %shift_right_logical3A_283 = arith.shrui %xor3A_276, %shift_right_logical3A_282 : vector<8192x128xi32>
    %or3A_284 = arith.ori %shift_left3A_280, %shift_right_logical3A_283 : vector<8192x128xi32>
    %xor3A_285 = arith.xori %add3A_277, %or3A_284 : vector<8192x128xi32>
    %add3A_286 = arith.constant -1378843660 : i32
    %add3A_287 = vector.broadcast %add3A_286 : i32 to vector<8192x128xi32>
    %add3A_288 = arith.addi %add3A_277, %add3A_287 : vector<8192x128xi32>
    %add3A_289 = arith.constant -1244255485 : i32
    %add3A_290 = vector.broadcast %add3A_289 : i32 to vector<8192x128xi32>
    %add3A_291 = arith.addi %xor3A_285, %add3A_290 : vector<8192x128xi32>
    %add3A_292 = arith.constant 4 : i32
    %add3A_293 = vector.broadcast %add3A_292 : i32 to vector<8192x128xi32>
    %add3A_294 = arith.addi %add3A_291, %add3A_293 : vector<8192x128xi32>
    %add3A_295 = arith.addi %add3A_288, %add3A_294 : vector<8192x128xi32>
    %shift_left3A_296 = arith.constant 13 : i32
    %shift_left3A_297 = vector.broadcast %shift_left3A_296 : i32 to vector<8192x128xi32>
    %shift_left3A_298 = arith.shli %add3A_294, %shift_left3A_297 : vector<8192x128xi32>
    %shift_right_logical3A_299 = arith.constant 19 : i32
    %shift_right_logical3A_300 = vector.broadcast %shift_right_logical3A_299 : i32 to vector<8192x128xi32>
    %shift_right_logical3A_301 = arith.shrui %add3A_294, %shift_right_logical3A_300 : vector<8192x128xi32>
    %or3A_302 = arith.ori %shift_left3A_298, %shift_right_logical3A_301 : vector<8192x128xi32>
    %xor3A_303 = arith.xori %add3A_295, %or3A_302 : vector<8192x128xi32>
    %add3A_304 = arith.addi %add3A_295, %xor3A_303 : vector<8192x128xi32>
    %shift_left3A_305 = arith.constant 15 : i32
    %shift_left3A_306 = vector.broadcast %shift_left3A_305 : i32 to vector<8192x128xi32>
    %shift_left3A_307 = arith.shli %xor3A_303, %shift_left3A_306 : vector<8192x128xi32>
    %shift_right_logical3A_308 = arith.constant 17 : i32
    %shift_right_logical3A_309 = vector.broadcast %shift_right_logical3A_308 : i32 to vector<8192x128xi32>
    %shift_right_logical3A_310 = arith.shrui %xor3A_303, %shift_right_logical3A_309 : vector<8192x128xi32>
    %or3A_311 = arith.ori %shift_left3A_307, %shift_right_logical3A_310 : vector<8192x128xi32>
    %xor3A_312 = arith.xori %add3A_304, %or3A_311 : vector<8192x128xi32>
    %add3A_313 = arith.addi %add3A_304, %xor3A_312 : vector<8192x128xi32>
    %shift_left3A_314 = arith.constant 26 : i32
    %shift_left3A_315 = vector.broadcast %shift_left3A_314 : i32 to vector<8192x128xi32>
    %shift_left3A_316 = arith.shli %xor3A_312, %shift_left3A_315 : vector<8192x128xi32>
    %shift_right_logical3A_317 = arith.constant 6 : i32
    %shift_right_logical3A_318 = vector.broadcast %shift_right_logical3A_317 : i32 to vector<8192x128xi32>
    %shift_right_logical3A_319 = arith.shrui %xor3A_312, %shift_right_logical3A_318 : vector<8192x128xi32>
    %or3A_320 = arith.ori %shift_left3A_316, %shift_right_logical3A_319 : vector<8192x128xi32>
    %xor3A_321 = arith.xori %add3A_313, %or3A_320 : vector<8192x128xi32>
    %add3A_322 = arith.addi %add3A_313, %xor3A_321 : vector<8192x128xi32>
    %shift_left3A_323 = arith.constant 6 : i32
    %shift_left3A_324 = vector.broadcast %shift_left3A_323 : i32 to vector<8192x128xi32>
    %shift_left3A_325 = arith.shli %xor3A_321, %shift_left3A_324 : vector<8192x128xi32>
    %shift_right_logical3A_326 = arith.constant 26 : i32
    %shift_right_logical3A_327 = vector.broadcast %shift_right_logical3A_326 : i32 to vector<8192x128xi32>
    %shift_right_logical3A_328 = arith.shrui %xor3A_321, %shift_right_logical3A_327 : vector<8192x128xi32>
    %or3A_329 = arith.ori %shift_left3A_325, %shift_right_logical3A_328 : vector<8192x128xi32>
    %xor3A_330 = arith.xori %add3A_322, %or3A_329 : vector<8192x128xi32>
    %add3A_331 = arith.constant -1244255485 : i32
    %add3A_332 = vector.broadcast %add3A_331 : i32 to vector<8192x128xi32>
    %add3A_333 = arith.addi %add3A_322, %add3A_332 : vector<8192x128xi32>
    %add3A_334 = arith.constant 64467757 : i32
    %add3A_335 = vector.broadcast %add3A_334 : i32 to vector<8192x128xi32>
    %add3A_336 = arith.addi %xor3A_330, %add3A_335 : vector<8192x128xi32>
    %add3A_337 = arith.constant 5 : i32
    %add3A_338 = vector.broadcast %add3A_337 : i32 to vector<8192x128xi32>
    %add3A_339 = arith.addi %add3A_336, %add3A_338 : vector<8192x128xi32>
    %xor3A_340 = arith.xori %add3A_333, %add3A_339 : vector<8192x128xi32>
    %shift_right_logical3A_341 = arith.constant 31 : i32
    %shift_right_logical3A_342 = vector.broadcast %shift_right_logical3A_341 : i32 to vector<8192x128xi32>
    %shift_right_logical3A_343 = arith.shrui %xor3A_340, %shift_right_logical3A_342 : vector<8192x128xi32>
    %eq3A = arith.constant 0 : i32
    %eq3A_344 = vector.broadcast %eq3A : i32 to vector<8192x128xi32>
    %eq3A_345 = arith.cmpi eq, %shift_right_logical3A_343, %eq3A_344 : vector<8192x128xi32>
    %gt3A_346 = arith.constant 0 : i32
    %gt3A_347 = vector.broadcast %gt3A_346 : i32 to vector<8192x128xi32>
    %gt3A_348 = arith.cmpi sgt, %convert_element_type3A, %gt3A_347 : vector<8192x128xi32>
    %and3A = arith.andi %gt3A_348, %eq3A_345 : vector<8192x128xi1>
    %jit3A = arith.constant 2.000000e+00 : f32
    %jit3A_349 = arith.constant 0.000000e+00 : f32
    %broadcast_in_dim3A_350 = vector.broadcast %jit3A : f32 to vector<8192x128xf32>
    %broadcast_in_dim3A_351 = vector.broadcast %jit3A_349 : f32 to vector<8192x128xf32>
    %select_n3A = arith.select %and3A, %broadcast_in_dim3A_350, %broadcast_in_dim3A_351 : vector<8192x128xi1>, vector<8192x128xf32>
    %swap3A = arith.constant 0 : index
    %swap3A_352 = arith.constant 0 : index
    %swap3A_353 = vector.load %arg1[%swap3A, %swap3A_352] : memref<8192x128xf32, #tpu.memory_space<vmem>>, vector<8192x128xf32>
    tpu.vector_store %arg1[%swap3A, %swap3A_352], %select_n3A {strides = array<i32>} : memref<8192x128xf32, #tpu.memory_space<vmem>>, vector<8192x128xf32>,
    return
  }
}

</mosaic_0001>

<sc_bundles>
// kernel: kernel.6.cloned.1.call-start
scs
__scs_entry_jumppad:
0x0: {  	(pc) =	sbr.rel $0x88, $3  }
0x1: {  	(tag) =	ssettag $0x0;
	lr =	simm.s32 $0x1  }
0x2: {  	[smem:$0x3F9F] =	sst lr;
	_ =	strace $0xD0000000  }
0x3: {  	_ = 	snop  }
0x4: {  	_ = 	snop  }
0x5: {  	_ = 	snop  }
0x6: {  	_ = 	snop  }
0x7: {  	_ = 	snop  }
__scs_overlays_trampoline_lowered:
0x8: {  	[smem:$0x3FAE] =	sst s0  }
0x9: {  	[smem:$0x3FAF] =	sst s1  }
0xa: {  	[smem:$0x3FB0] =	sst s2  }
0xb: {  	[smem:$0x3FB1] =	sst s3  }
0xc: {  	[smem:$0x3FB2] =	sst s4  }
0xd: {  	[smem:$0x3FB3] =	sst s5  }
0xe: {  	[smem:$0x3FB4] =	sst s6  }
0xf: {  	[smem:$0x3FB5] =	sst s7  }
0x10: {  	[smem:$0x3FB6] =	sst s8  }
0x11: {  	[smem:$0x3FB7] =	sst s9;
	s0 =	simm.s32 @!p0 $0x0  }
0x12: {  	s1 =	sld [smem:$0x3F9D];
	s0 =	simm.s32 @p0 $0x1  }
0x13: {  	[smem:$0x3FB8] =	sst s0;
	s0 =	simm.s32 @!p1 $0x0  }
0x14: {  	s2 =	sld [smem:$0x3F9C];
	s0 =	simm.s32 @p1 $0x1  }
0x15: {  	[smem:$0x3FB9] =	sst s0;
	s0 =	simm.s32 @!p2 $0x0  }
0x16: {  	s3 =	sld [smem:$0x3FDB];
	s0 =	simm.s32 @p2 $0x1  }
0x17: {  	s4 =	simm.s32 $0x1BF5;
	[smem:$0x3FBB] =	sst s0  }
0x18: {  	s0 =	sld [smem:$0x3F9E];
	_ =	swait.ge [sflag:s4], $0x0  }
0x19: {  	s7 =	sld [smem:$0x3F9F]  }
0x1a: {  	s8 =	sadd.s32 $0xFFFFE003, lr  }
0x1b: {  	s9 =	sadd.s32 $0xFFFFFEF7, lr;
	s5 =	simm.s32 $0xFFFFFFFF;
	p2 =	slt.u32 s8, $0xFFFFF086  }
0x1c: {  	p1 =	slt.u32 s9, $0xF7A;
	s5 =	simm.s32 @!p2 $0x0  }
0x1d: {  	s5 =	simm.s32 @p1 $0x1;
	p0 =	seq.s32 s7, s2  }
0x1e: {  	s7 =	smul.u32 @!p0 $0xF7A, s2;
	p2 =	seq.s32 @!p0 s5, $0x0  }
0x1f: {  	s9 =	smul.u32 $0xF7A, s1;
	s8 =	simm.s32 @!p0 $0x1BF5;
	p2 =	por !p2, p0  }
0x20: {  	[sflag:s8] =	ssyncset.s32 @!p0 $0xFFFFF086;
	s6 =	sadd.s32 @!p0 s3, s7;
	s7 =	simm.s32 @!p0 $0x108  }
0x21: {  	s3 =	sadd.s32 s3, s9;
	s6 =	sadd.s32 @!p0 $0x88, s6;
	s7 =	simm.s32 @p2 $0x1082  }
0x22: {  	[simem:s7], [sflag:s8] =	dma.local @!p0 [hbm:s6], $0xF7A  }
0x23: {  	s9 =	sor.u32 $0xD0000000, s2;
	s6 =	simm.s32 $0x108;
	_ =	swait.ge @!p0 [sflag:s8], $0x0  }
0x24: {  	s3 =	sadd.s32 $0x88, s3;
	s6 =	simm.s32 @!p1 $0x1082;
	[sflag:s4] =	ssyncset.s32 $0xFFFFF086  }
0x25: {  	[simem:s6], [sflag:s4] =	dma.local [hbm:s3], $0xF7A  }
0x26: {  	[smem:$0x3F9F] =	sst s1;
	(tag) =	ssettag s2;
	_ =	strace s9  }
0x27: {  	s1 =	sld [smem:$0x3FAF]  }
0x28: {  	s2 =	sld [smem:$0x3FB0]  }
0x29: {  	s4 =	sld [smem:$0x3FB2]  }
0x2a: {  	p0 =	seq.s32 s5, $0x0;
	s5 =	sld [smem:$0x3FB3]  }
0x2b: {  	s6 =	sld [smem:$0x3FB4]  }
0x2c: {  	s7 =	sld [smem:$0x3FB5]  }
0x2d: {  	s3 =	simm.s32 $0x108;
	s8 =	sld [smem:$0x3FB6]  }
0x2e: {  	s3 =	simm.s32 @!p0 $0x1082;
	s9 =	sld [smem:$0x3FB7]  }
0x2f: {  	lr =	sadd.s32 s0, s3;
	s0 =	sld [smem:$0x3FAE]  }
0x30: {  	s3 =	sld [smem:$0x3FB1]  }
0x31: {  	[smem:$0x3FBA] =	sst s10  }
0x32: {  	s10 =	sld [smem:$0x3FB8];
	_ =	sdelay $0x3  }
0x33: {  	p0 =	seq.s32 s10, $0x1;
	s10 =	sld [smem:$0x3FBA];
	_ =	sdelay $0x3  }
0x34: {  	[smem:$0x3FBA] =	sst s10  }
0x35: {  	s10 =	sld [smem:$0x3FB9];
	_ =	sdelay $0x3  }
0x36: {  	p1 =	seq.s32 s10, $0x1;
	s10 =	sld [smem:$0x3FBA];
	_ =	sdelay $0x3  }
0x37: {  	[smem:$0x3FBA] =	sst s10  }
0x38: {  	s10 =	sld [smem:$0x3FBB]  }
0x39: {  	_ = 	snop;
	(pc) =	sbr.ind lr, $3  }
0x3a: {  	_ = 	snop  }
0x3b: {  	_ = 	snop  }
0x3c: {  	p2 =	seq.s32 s10, $0x1;
	s10 =	sld [smem:$0x3FBA]  }
0x3d: {  	_ =	shalt  }
0x3e: {  	_ =	shalt  }
0x3f: {  	_ =	shalt  }
0x40: {  	_ =	shalt  }
0x41: {  	_ =	shalt  }
0x42: {  	_ =	shalt  }
0x43: {  	_ =	shalt  }
0x44: {  	_ =	shalt  }
0x45: {  	_ =	shalt  }
0x46: {  	_ =	shalt  }
0x47: {  	_ =	shalt  }
0x48: {  	_ =	shalt  }
0x49: {  	_ =	shalt  }
0x4a: {  	_ =	shalt  }
0x4b: {  	_ =	shalt  }
0x4c: {  	_ =	shalt  }
0x4d: {  	_ =	shalt  }
0x4e: {  	_ =	shalt  }
0x4f: {  	_ =	shalt  }
0x50: {  	_ =	shalt  }
0x51: {  	_ =	shalt  }
0x52: {  	_ =	shalt  }
0x53: {  	_ =	shalt  }
0x54: {  	_ =	shalt  }
0x55: {  	_ =	shalt  }
0x56: {  	_ =	shalt  }
0x57: {  	_ =	shalt  }
0x58: {  	_ =	shalt  }
0x59: {  	_ =	shalt  }
0x5a: {  	_ =	shalt  }
0x5b: {  	_ =	shalt  }
0x5c: {  	_ =	shalt  }
0x5d: {  	_ =	shalt  }
0x5e: {  	_ =	shalt  }
0x5f: {  	_ =	shalt  }
0x60: {  	_ =	shalt  }
0x61: {  	_ =	shalt  }
0x62: {  	_ =	shalt  }
0x63: {  	_ =	shalt  }
0x64: {  	_ =	shalt  }
0x65: {  	_ =	shalt  }
0x66: {  	_ =	shalt  }
0x67: {  	_ =	shalt  }
0x68: {  	_ =	shalt  }
0x69: {  	_ =	shalt  }
0x6a: {  	_ =	shalt  }
0x6b: {  	_ =	shalt  }
0x6c: {  	_ =	shalt  }
0x6d: {  	_ =	shalt  }
0x6e: {  	_ =	shalt  }
0x6f: {  	_ =	shalt  }
0x70: {  	_ =	shalt  }
0x71: {  	_ =	shalt  }
0x72: {  	_ =	shalt  }
0x73: {  	_ =	shalt  }
0x74: {  	_ =	shalt  }
0x75: {  	_ =	shalt  }
0x76: {  	_ =	shalt  }
0x77: {  	_ =	shalt  }
0x78: {  	_ =	shalt  }
0x79: {  	_ =	shalt  }
0x7a: {  	_ =	shalt  }
0x7b: {  	_ =	shalt  }
0x7c: {  	_ =	shalt  }
0x7d: {  	_ =	shalt  }
0x7e: {  	_ =	shalt  }
0x7f: {  	_ =	shalt  }
0x80: {  	_ =	shalt  }
0x81: {  	_ =	shalt  }
0x82: {  	_ =	shalt  }
0x83: {  	_ =	shalt  }
0x84: {  	_ =	shalt  }
0x85: {  	_ =	shalt  }
0x86: {  	_ =	shalt  }
0x87: {  	_ =	shalt  }
.Lfunc_end0:
.L_simem_size_0:
called_computation.1_lowered:
.L_overlay_start_0:
0x88: {  	s2 =	sld [smem:$0x3FD9]  }
0x89: {  	s3 =	sld [smem:$0x3FFE];
	_ =	sdelay $0x1  }
0x8a: {  	s1 =	srdreg.scid  }
0x8b: {  	s0 =	sand.u32 $0x1, s1  }
0x8c: {  	s17 =	sshll.u32 s0, $0xA;
	s2 =	sadd.s32 s3, s2  }
0x8d: {  	s2 =	sadd.s32 s2, s17  }
0x8e: {  	[smem:$0x3FC6] =	sst s2  }
0x8f: {  	_ = 	snop  }
0x90: {  	s2 =	sld [smem:$0x3FD0];
	(tm) =	ssettm $0x1  }
0x91: {  	s18 =	sld [smem:$0x3FFB];
	_ =	sdelay $0x3  }
0x92: {  	_ =	strace s18  }
0x93: {  	s3 =	sld [smem:$0x3FFC];
	_ =	sdelay $0x3  }
0x94: {  	_ =	strace s3  }
0x95: {  	s3 =	sld [smem:$0x3FFD];
	_ =	sdelay $0x3  }
0x96: {  	_ =	strace s3  }
0x97: {  	_ =	strace $0x8FFFFFFF  }
0x98: {  	s19 =	sld [smem:$0x3FDB];
	_ =	sdelay $0x1  }
0x99: {  	s4 =	simm.s32 $_scs_section_size  }
0x9a: {  	s5 =	simm.s32 $_size__tile_overlayer_lowered;
	s6 =	simm.s32 $_tile_overlayer_lowered  }
0x9b: {  	s22 =	simm.s32 $0x1BFF;
	s21 =	sshll.u32 s6, $0x1;
	s3 =	sadd.s32 s4, s19  }
0x9c: {  	s7 =	simm.s32 $0x0;
	s20 =	sshll.u32 s5, $0x1;
	s5 =	sadd.s32 s21, s3  }
0x9d: {  	[timem:s7], [sflag:s22] =	dma.local [hbm:s5], s20  }
0x9e: {  	_ =	swait.ge [sflag:s22], s20  }
0x9f: {  	s4 =	ssub.s32 $0x0, s20;
	[sflag:s22] =	ssyncset.done $0x0  }
0xa0: {  	[sflag:s22] =	ssyncadd.s32 s4;
	_ =	sdelay $0x1  }
0xa1: {  	s23 =	simm.s32 $0x1B8B  }
0xa2: {  	_ =	swait.ge [sflag:s23], $0x1  }
0xa3: {  	[sflag:s23] =	ssyncset.done $0x0  }
0xa4: {  	s25 =	simm.s32 $0x1B8E;
	s24 =	sld [smem:$0x3FFE];
	[sflag:s23] =	ssyncadd.s32 $0xFFFFFFFF  }
0xa5: {  	s26 =	simm.s32 $execute0_lowered;
	[smem:$0x3FD2] =	sst s25  }
0xa6: {  	s5 =	sshll.u32 s26, $0x1;
	_ =	strace $0x80000046;
	[dreg:$0x1] =	wrdreg $0xFFFFFFFF  }
0xa7: {  	s28 =	simm.s32 $_size_execute0_lowered;
	s3 =	sadd.s32 s3, s5;
	[dreg:$0x0] =	wrdreg $0x0  }
0xa8: {  	s5 =	sshll.u32 s28, $0x1;
	[dreg:$0x2] =	wrdreg s3  }
0xa9: {  	[dreg:$0x3] =	wrdreg s5  }
0xaa: {  	[dreg:$0x4] =	wrdreg $0xC0  }
0xab: {  	_ =	task [dreg:s7], $0x5FFFF  }
0xac: {  	[dreg:$0x1] =	wrdreg $0xFFFFFFFF  }
0xad: {  	[dreg:$0x0] =	wrdreg $0x60  }
0xae: {  	[dreg:$0x2] =	wrdreg s24  }
0xaf: {  	[dreg:$0x3] =	wrdreg s2  }
0xb0: {  	[dreg:$0x4] =	wrdreg $0xA4800  }
0xb1: {  	[dreg:$0x5] =	wrdreg $0x9  }
0xb2: {  	_ =	task.clear_ibuf [dreg:s7], $0x6FFFF;
	_ =	strace $0x90000046  }
0xb3: {  	s29 =	simm.s32 $0x9;
	_ =	strace $0x80000048  }
0xb4: {  	_ =	swait.ge [sflag:s29], $0x1  }
0xb5: {  	[sflag:s29] =	ssyncadd.s32 $0xFFFFFFFF  }
0xb6: {  	_ =	strace $0x90000048  }
0xb7: {  	_ =	sfence  }
0xb8: {  	s30 =	sld [smem:$0x0];
	_ =	sdelay $0x2  }
0xb9: {  	s31 =	sshll.u32 s1, $0xD;
	s1 =	sshrl.u32 s1, $0x2  }
0xba: {  	s3 =	sand.u32 $0x4000, s31;
	s1 =	sadd.s32 s1, s30  }
0xbb: {  	s0 =	sor.u32 s3, s0;
	s1 =	sshll.u32 s1, $0x11  }
0xbc: {  	s0 =	sor.u32 s1, s0  }
0xbd: {  	s0 =	sadd.s32 $0x8F2B, s0  }
0xbe: {  	[sflag:s0] =	ssyncadd.remote.s32 $0x1  }
0xbf: {  	_ =	sfence.sel $0xFFFF  }
0xc0: {  	[dreg:$0x0] =	wrdreg $0xFFFFFFFF;
	(pc) =	sbr.abs _section_cstart, $3  }
0xc1: {  	[dreg:$0x1] =	wrdreg $0xFFFFFFFF  }
0xc2: {  	_ =	task.clear_ibuf [dreg:s7], $0x2FFFF;
	_ =	strace $0x9FFFFFFF  }
0xc3: {  	(tm) =	ssettm $0x7FFFFFFF  }
tec
execute0_lowered:
.L_overlay_start_1:
0x0: {  	(tag) =	ssettag $0x1  }
0x1: {  	s4 =	rddreg [dreg:$0x0]  }
0x2: {  	s6 =	rddreg [dreg:$0x1]  }
0x3: {  	s1 =	rddreg [dreg:$0x2]  }
0x4: {  	s2 =	srdreg.scid;
	s0 =	rddreg [dreg:$0x3]  }
0x5: {  	s3 =	simm.s32 $0x0;
	s11 =	simm.s32 $0x4080;
	s12 =	simm.s32 $0x1  }
0x6: {  	s13 =	simm.s32 $0x80;
	s14 =	simm.s32 $0x4000;
	s5 =	sand.u32 $0x1, s2  }
0x7: {  	s2 =	stileid.u32;
	[smem:$0x7FF] =	sst s3;
	s7 =	sshll.u32 s5, $0x4  }
0x8: {  	_ =	strace $0x80000047;
	s8 =	ssub.s32 $0x2, s5;
	s10 =	sshll.u32 s2, $0x10  }
0x9: {  	s5 =	sshll.u32 s5, $0x14;
	s15 =	sshll.u32 s2, $0x6;
	s7 =	sor.u32 s2, s7  }
0xa: {  	s9 =	sshrl.u32 s8, $0x1;
	s31 =	sor.u32 s10, s5;
	s5 =	sadd.s32 s10, s1  }
0xb: {  	s15 =	sor.u32 $0x1C01, s15;
	s7 =	smul.u32 $0xC80, s7;
	s30 =	ssub.s32 s8, s9  }
0xc: {  	s8 =	sshrl.u32 s31, $0x3;
	s9 =	sadd.s32 $0x8000, s5;
	s10 =	sadd.s32 $0xC000, s5  }
0xd: {  	s16 =	sshrl.u32 s5, $0x3;
	s6 =	sadd.s32 s6, s8;
	s4 =	sadd.s32 s7, s4  }
0xe: {  	v0 =	vimm.s32 $0x0;
	v1 =	vimm.s32 $0x1;
	s8 =	sadd.s32 $0x4000, s5;
	s7 =	smax.u32 s30, $0x1;
	s4 =	sadd.s32 $0x1200, s4  }
.LBB2_1:
0xf: {  	s17 =	simm.s32 $0x40;
	s18 =	simm.s32 $0x0  }
.LBB2_2:
0x10: {  	p0 =	sne.s32 s17, $0xFFC0;
	[tilespmem:s18+$0x0] =	vst v0;
	s18 =	smov.u32 s17;
	s17 =	sadd.s32 $0x40, s17  }
.Ltmp0:
0x11: {  	(pc) =	sbr.rel @p0 .LBB2_2-.Ltmp0, $2  }
0x12: {  	_ =	sdelay $0x2  }
0x13: {  	s18 =	sshra.s32 s18, $0x2  }
0x14: {  	[tilespmem:s18+$0x0] =	vst v0  }
0x15: {  	[tilespmem:$0x4000] =	vst v1  }
0x16: {  	[tilespmem:$0x4010] =	vst v1  }
0x17: {  	[tilespmem:$0x4020] =	vst v1  }
0x18: {  	[tilespmem:$0x4030] =	vst v1  }
0x19: {  	[tilespmem:$0x4040] =	vst v1  }
0x1a: {  	[tilespmem:$0x4050] =	vst v1  }
0x1b: {  	[tilespmem:$0x4060] =	vst v1  }
0x1c: {  	s17 =	simm.s32 $0x0;
	[tilespmem:$0x4070] =	vst v1  }
0x1d: {  	[tilespmem:s11], [sflag:$0x1] =	stream.linear.gather [hbm4b:s4+s17], $0x6400, $0x38;
	[tilespmem:$0x1A480] =	vst v63  }
0x1e: {  	_ =	swait.ge [sflag:s12], $0x6400  }
0x1f: {  	[sflag:s12] =	ssyncset.done $0x0  }
0x20: {  	[sflag:s12] =	ssyncadd.s32 $0xFFFF9C00  }
0x21: {  	[spmem:s5] =	stream.linear.scatter [tilespmem:s17], [sflag:$0x1], $0x4000, $0x38;
	[tilespmem:$0x1A480] =	vst v63  }
0x22: {  	_ =	swait.ge [sflag:s12], $0x4000  }
0x23: {  	[sflag:s12] =	ssyncset.done $0x0  }
0x24: {  	[sflag:s12] =	ssyncadd.s32 $0xFFFFC000  }
0x25: {  	[spmem:s8] =	stream.linear.scatter [tilespmem:s17], [sflag:$0x1], $0x4000, $0x38;
	[tilespmem:$0x1A480] =	vst v63  }
0x26: {  	_ =	swait.ge [sflag:s12], $0x4000  }
0x27: {  	[sflag:s12] =	ssyncset.done $0x0  }
0x28: {  	[sflag:s12] =	ssyncadd.s32 $0xFFFFC000  }
0x29: {  	[spmem:s9] =	stream.linear.scatter [tilespmem:s17], [sflag:$0x1], $0x4000, $0x38;
	[tilespmem:$0x1A480] =	vst v63  }
0x2a: {  	_ =	swait.ge [sflag:s12], $0x4000  }
0x2b: {  	[sflag:s12] =	ssyncset.done $0x0  }
0x2c: {  	[sflag:s12] =	ssyncadd.s32 $0xFFFFC000  }
0x2d: {  	[spmem:s10] =	stream.linear.scatter [tilespmem:s17], [sflag:$0x1], $0x4000, $0x38;
	[tilespmem:$0x1A480] =	vst v63  }
0x2e: {  	_ =	swait.ge [sflag:s12], $0x4000  }
0x2f: {  	[sflag:s12] =	ssyncset.done $0x0  }
0x30: {  	[sflag:s12] =	ssyncadd.s32 $0xFFFFC000  }
0x31: {  	s31 =	simm.s32 $0x4080;
	[bflag:$0x0] =	sbarrier.arrive $0xFFFF  }
0x32: {  	[spmem:s1] =	stream.indirect.scatter.add.s32 [tilespmem:s14], [sflag:$0x1], $0x1, s31, s13, $0xb8;
	[tilespmem:$0x1A480] =	vst v63  }
0x33: {  	s17 =	simm.s32 $0x200;
	_ =	swait.ge [sflag:s12], $0x80  }
.LBB2_4:
0x34: {  	s18 =	sshra.s32 s17, $0x2;
	[sflag:s12] =	ssyncset.done $0x0;
	p0 =	sne.s32 s17, $0x18E00  }
.Ltmp1:
0x35: {  	s18 =	sadd.s32 $0x4080, s18;
	[sflag:s12] =	ssyncadd.s32 $0xFFFFFF80;
	(pc) =	sbr.rel @p0 .LBB2_4-.Ltmp1, $3  }
0x36: {  	[spmem:s1] =	stream.indirect.scatter.add.s32 [tilespmem:s14], [sflag:$0x1], $0x1, s18, s13, $0xb8;
	[tilespmem:$0x1A480] =	vst v63  }
0x37: {  	s17 =	sadd.s32 $0x200, s17;
	_ =	sdelay $0x1  }
0x38: {  	_ =	swait.ge [sflag:s12], $0x80  }
0x39: {  	[sflag:s12] =	ssyncset.done $0x0;
	s3 =	sadd.s32 $0x1, s3  }
0x3a: {  	[sflag:s12] =	ssyncadd.s32 $0xFFFFFF80;
	p0 =	sne.s32 s3, s7  }
.Ltmp2:
0x3b: {  	[bflag:$0x0] =	sbarrier.arrive $0xFFFF;
	(pc) =	sbr.rel @p0 .LBB2_1-.Ltmp2, $4  }
0x3c: {  	[hbm:s6], [sflag:s15] =	dma.local [spmem:s16], $0x2000  }
0x3d: {  	_ =	swait.ge [sflag:s12], $0x2000  }
0x3e: {  	[sflag:s12] =	ssyncset.done $0x0  }
0x3f: {  	[sflag:s12] =	ssyncadd.s32 $0xFFFFE000  }
0x40: {  	_ =	sfence.sel $0x180000  }
0x41: {  	[bflag:$0x0] =	sbarrier.arrive $0xFFFF  }
0x42: {  	p0 =	sne.s32 s2, $0x0;
	_ =	strace $0x90000047  }
0x43: {  	s0 =	sadd.s32 @!p0 $0x100000, s0;
	[bflag:$0x2] =	sbarrier.arrive $0xFFFF  }
0x44: {  	[sflag:s0] =	ssyncadd.tile.s32 @!p0 $0x1;
	_ =	shalt  }
.Lfunc_end2:
_tile_overlayer_lowered:
.L_overlay_start_2:
0x45: {  	(tag) =	ssettag $0x2  }
0x46: {  	s0 =	rddreg [dreg:$0x0];
	s2 =	stileid.u32  }
0x47: {  	s1 =	rddreg [dreg:$0x1];
	p0 =	sne.s32 s2, $0x0  }
0x48: {  	s3 =	rddreg [dreg:$0x2];
	[bflag:$0x3] =	sbarrier.arrive $0xFFFF;
	s2 =	simm.s32 @!p0 $0x1C01  }
0x49: {  	[timem:s3], [sflag:s2] =	dma.local @!p0 [hbm:s0], s1  }
0x4a: {  	s0 =	simm.s32 @!p0 $0x1  }
0x4b: {  	_ =	swait.ge @!p0 [sflag:s0], s1  }
0x4c: {  	s1 =	ssub.s32 @!p0 $0x0, s1;
	[sflag:s0] =	ssyncset.done @!p0 $0x0  }
0x4d: {  	[sflag:s0] =	ssyncadd.s32 @!p0 s1  }
0x4e: {  	[bflag:$0x3] =	sbarrier.arrive $0xFFFF  }
0x4f: {  	_ =	shalt  }

// kernel: kernel.9.cloned.1.call-start
scs
__scs_entry_jumppad:
0x0: {  	(pc) =	sbr.rel $0x88, $3  }
0x1: {  	(tag) =	ssettag $0x0;
	lr =	simm.s32 $0x1  }
0x2: {  	[smem:$0x3F9F] =	sst lr;
	_ =	strace $0xD0000000  }
0x3: {  	_ = 	snop  }
0x4: {  	_ = 	snop  }
0x5: {  	_ = 	snop  }
0x6: {  	_ = 	snop  }
0x7: {  	_ = 	snop  }
__scs_overlays_trampoline_lowered:
0x8: {  	[smem:$0x3FAE] =	sst s0  }
0x9: {  	[smem:$0x3FAF] =	sst s1  }
0xa: {  	[smem:$0x3FB0] =	sst s2  }
0xb: {  	[smem:$0x3FB1] =	sst s3  }
0xc: {  	[smem:$0x3FB2] =	sst s4  }
0xd: {  	[smem:$0x3FB3] =	sst s5  }
0xe: {  	[smem:$0x3FB4] =	sst s6  }
0xf: {  	[smem:$0x3FB5] =	sst s7  }
0x10: {  	[smem:$0x3FB6] =	sst s8  }
0x11: {  	[smem:$0x3FB7] =	sst s9;
	s0 =	simm.s32 @!p0 $0x0  }
0x12: {  	s1 =	sld [smem:$0x3F9D];
	s0 =	simm.s32 @p0 $0x1  }
0x13: {  	[smem:$0x3FB8] =	sst s0;
	s0 =	simm.s32 @!p1 $0x0  }
0x14: {  	s2 =	sld [smem:$0x3F9C];
	s0 =	simm.s32 @p1 $0x1  }
0x15: {  	[smem:$0x3FB9] =	sst s0;
	s0 =	simm.s32 @!p2 $0x0  }
0x16: {  	s3 =	sld [smem:$0x3FDB];
	s0 =	simm.s32 @p2 $0x1  }
0x17: {  	s4 =	simm.s32 $0x1BF5;
	[smem:$0x3FBB] =	sst s0  }
0x18: {  	s0 =	sld [smem:$0x3F9E];
	_ =	swait.ge [sflag:s4], $0x0  }
0x19: {  	s7 =	sld [smem:$0x3F9F]  }
0x1a: {  	s8 =	sadd.s32 $0xFFFFE003, lr  }
0x1b: {  	s9 =	sadd.s32 $0xFFFFFEF7, lr;
	s5 =	simm.s32 $0xFFFFFFFF;
	p2 =	slt.u32 s8, $0xFFFFF086  }
0x1c: {  	p1 =	slt.u32 s9, $0xF7A;
	s5 =	simm.s32 @!p2 $0x0  }
0x1d: {  	s5 =	simm.s32 @p1 $0x1;
	p0 =	seq.s32 s7, s2  }
0x1e: {  	s7 =	smul.u32 @!p0 $0xF7A, s2;
	p2 =	seq.s32 @!p0 s5, $0x0  }
0x1f: {  	s9 =	smul.u32 $0xF7A, s1;
	s8 =	simm.s32 @!p0 $0x1BF5;
	p2 =	por !p2, p0  }
0x20: {  	[sflag:s8] =	ssyncset.s32 @!p0 $0xFFFFF086;
	s6 =	sadd.s32 @!p0 s3, s7;
	s7 =	simm.s32 @!p0 $0x108  }
0x21: {  	s3 =	sadd.s32 s3, s9;
	s6 =	sadd.s32 @!p0 $0x88, s6;
	s7 =	simm.s32 @p2 $0x1082  }
0x22: {  	[simem:s7], [sflag:s8] =	dma.local @!p0 [hbm:s6], $0xF7A  }
0x23: {  	s9 =	sor.u32 $0xD0000000, s2;
	s6 =	simm.s32 $0x108;
	_ =	swait.ge @!p0 [sflag:s8], $0x0  }
0x24: {  	s3 =	sadd.s32 $0x88, s3;
	s6 =	simm.s32 @!p1 $0x1082;
	[sflag:s4] =	ssyncset.s32 $0xFFFFF086  }
0x25: {  	[simem:s6], [sflag:s4] =	dma.local [hbm:s3], $0xF7A  }
0x26: {  	[smem:$0x3F9F] =	sst s1;
	(tag) =	ssettag s2;
	_ =	strace s9  }
0x27: {  	s1 =	sld [smem:$0x3FAF]  }
0x28: {  	s2 =	sld [smem:$0x3FB0]  }
0x29: {  	s4 =	sld [smem:$0x3FB2]  }
0x2a: {  	p0 =	seq.s32 s5, $0x0;
	s5 =	sld [smem:$0x3FB3]  }
0x2b: {  	s6 =	sld [smem:$0x3FB4]  }
0x2c: {  	s7 =	sld [smem:$0x3FB5]  }
0x2d: {  	s3 =	simm.s32 $0x108;
	s8 =	sld [smem:$0x3FB6]  }
0x2e: {  	s3 =	simm.s32 @!p0 $0x1082;
	s9 =	sld [smem:$0x3FB7]  }
0x2f: {  	lr =	sadd.s32 s0, s3;
	s0 =	sld [smem:$0x3FAE]  }
0x30: {  	s3 =	sld [smem:$0x3FB1]  }
0x31: {  	[smem:$0x3FBA] =	sst s10  }
0x32: {  	s10 =	sld [smem:$0x3FB8];
	_ =	sdelay $0x3  }
0x33: {  	p0 =	seq.s32 s10, $0x1;
	s10 =	sld [smem:$0x3FBA];
	_ =	sdelay $0x3  }
0x34: {  	[smem:$0x3FBA] =	sst s10  }
0x35: {  	s10 =	sld [smem:$0x3FB9];
	_ =	sdelay $0x3  }
0x36: {  	p1 =	seq.s32 s10, $0x1;
	s10 =	sld [smem:$0x3FBA];
	_ =	sdelay $0x3  }
0x37: {  	[smem:$0x3FBA] =	sst s10  }
0x38: {  	s10 =	sld [smem:$0x3FBB]  }
0x39: {  	_ = 	snop;
	(pc) =	sbr.ind lr, $3  }
0x3a: {  	_ = 	snop  }
0x3b: {  	_ = 	snop  }
0x3c: {  	p2 =	seq.s32 s10, $0x1;
	s10 =	sld [smem:$0x3FBA]  }
0x3d: {  	_ =	shalt  }
0x3e: {  	_ =	shalt  }
0x3f: {  	_ =	shalt  }
0x40: {  	_ =	shalt  }
0x41: {  	_ =	shalt  }
0x42: {  	_ =	shalt  }
0x43: {  	_ =	shalt  }
0x44: {  	_ =	shalt  }
0x45: {  	_ =	shalt  }
0x46: {  	_ =	shalt  }
0x47: {  	_ =	shalt  }
0x48: {  	_ =	shalt  }
0x49: {  	_ =	shalt  }
0x4a: {  	_ =	shalt  }
0x4b: {  	_ =	shalt  }
0x4c: {  	_ =	shalt  }
0x4d: {  	_ =	shalt  }
0x4e: {  	_ =	shalt  }
0x4f: {  	_ =	shalt  }
0x50: {  	_ =	shalt  }
0x51: {  	_ =	shalt  }
0x52: {  	_ =	shalt  }
0x53: {  	_ =	shalt  }
0x54: {  	_ =	shalt  }
0x55: {  	_ =	shalt  }
0x56: {  	_ =	shalt  }
0x57: {  	_ =	shalt  }
0x58: {  	_ =	shalt  }
0x59: {  	_ =	shalt  }
0x5a: {  	_ =	shalt  }
0x5b: {  	_ =	shalt  }
0x5c: {  	_ =	shalt  }
0x5d: {  	_ =	shalt  }
0x5e: {  	_ =	shalt  }
0x5f: {  	_ =	shalt  }
0x60: {  	_ =	shalt  }
0x61: {  	_ =	shalt  }
0x62: {  	_ =	shalt  }
0x63: {  	_ =	shalt  }
0x64: {  	_ =	shalt  }
0x65: {  	_ =	shalt  }
0x66: {  	_ =	shalt  }
0x67: {  	_ =	shalt  }
0x68: {  	_ =	shalt  }
0x69: {  	_ =	shalt  }
0x6a: {  	_ =	shalt  }
0x6b: {  	_ =	shalt  }
0x6c: {  	_ =	shalt  }
0x6d: {  	_ =	shalt  }
0x6e: {  	_ =	shalt  }
0x6f: {  	_ =	shalt  }
0x70: {  	_ =	shalt  }
0x71: {  	_ =	shalt  }
0x72: {  	_ =	shalt  }
0x73: {  	_ =	shalt  }
0x74: {  	_ =	shalt  }
0x75: {  	_ =	shalt  }
0x76: {  	_ =	shalt  }
0x77: {  	_ =	shalt  }
0x78: {  	_ =	shalt  }
0x79: {  	_ =	shalt  }
0x7a: {  	_ =	shalt  }
0x7b: {  	_ =	shalt  }
0x7c: {  	_ =	shalt  }
0x7d: {  	_ =	shalt  }
0x7e: {  	_ =	shalt  }
0x7f: {  	_ =	shalt  }
0x80: {  	_ =	shalt  }
0x81: {  	_ =	shalt  }
0x82: {  	_ =	shalt  }
0x83: {  	_ =	shalt  }
0x84: {  	_ =	shalt  }
0x85: {  	_ =	shalt  }
0x86: {  	_ =	shalt  }
0x87: {  	_ =	shalt  }
.Lfunc_end0:
.L_simem_size_0:
called_computation.2_lowered:
.L_overlay_start_0:
0x88: {  	s2 =	sld [smem:$0x3FD9]  }
0x89: {  	s3 =	sld [smem:$0x3FFE];
	_ =	sdelay $0x1  }
0x8a: {  	s1 =	srdreg.scid  }
0x8b: {  	s0 =	sand.u32 $0x1, s1  }
0x8c: {  	s17 =	sshll.u32 s0, $0xA;
	s2 =	sadd.s32 s3, s2  }
0x8d: {  	s2 =	sadd.s32 s2, s17  }
0x8e: {  	[smem:$0x3FC6] =	sst s2  }
0x8f: {  	_ = 	snop  }
0x90: {  	s2 =	sld [smem:$0x3FD0];
	(tm) =	ssettm $0x1  }
0x91: {  	s18 =	sld [smem:$0x3FFB];
	_ =	sdelay $0x3  }
0x92: {  	_ =	strace s18  }
0x93: {  	s3 =	sld [smem:$0x3FFC];
	_ =	sdelay $0x3  }
0x94: {  	_ =	strace s3  }
0x95: {  	s3 =	sld [smem:$0x3FFD];
	_ =	sdelay $0x3  }
0x96: {  	_ =	strace s3  }
0x97: {  	_ =	strace $0x8FFFFFFF  }
0x98: {  	s19 =	sld [smem:$0x3FDB];
	_ =	sdelay $0x1  }
0x99: {  	s4 =	simm.s32 $_scs_section_size  }
0x9a: {  	s5 =	simm.s32 $_size__tile_overlayer_lowered;
	s6 =	simm.s32 $_tile_overlayer_lowered  }
0x9b: {  	s22 =	simm.s32 $0x1BFF;
	s21 =	sshll.u32 s6, $0x1;
	s3 =	sadd.s32 s4, s19  }
0x9c: {  	s7 =	simm.s32 $0x0;
	s20 =	sshll.u32 s5, $0x1;
	s5 =	sadd.s32 s21, s3  }
0x9d: {  	[timem:s7], [sflag:s22] =	dma.local [hbm:s5], s20  }
0x9e: {  	_ =	swait.ge [sflag:s22], s20  }
0x9f: {  	s4 =	ssub.s32 $0x0, s20;
	[sflag:s22] =	ssyncset.done $0x0  }
0xa0: {  	[sflag:s22] =	ssyncadd.s32 s4;
	_ =	sdelay $0x1  }
0xa1: {  	s23 =	simm.s32 $0x1B8B  }
0xa2: {  	_ =	swait.ge [sflag:s23], $0x1  }
0xa3: {  	[sflag:s23] =	ssyncset.done $0x0  }
0xa4: {  	s25 =	simm.s32 $0x1B8E;
	s24 =	sld [smem:$0x3FFE];
	[sflag:s23] =	ssyncadd.s32 $0xFFFFFFFF  }
0xa5: {  	s26 =	simm.s32 $execute0_lowered;
	[smem:$0x3FD2] =	sst s25  }
0xa6: {  	s5 =	sshll.u32 s26, $0x1;
	_ =	strace $0x80000049;
	[dreg:$0x1] =	wrdreg $0xFFFFFFFF  }
0xa7: {  	s28 =	simm.s32 $_size_execute0_lowered;
	s3 =	sadd.s32 s3, s5;
	[dreg:$0x0] =	wrdreg $0x0  }
0xa8: {  	s5 =	sshll.u32 s28, $0x1;
	[dreg:$0x2] =	wrdreg s3  }
0xa9: {  	[dreg:$0x3] =	wrdreg s5  }
0xaa: {  	[dreg:$0x4] =	wrdreg $0xC0  }
0xab: {  	_ =	task [dreg:s7], $0x5FFFF  }
0xac: {  	[dreg:$0x1] =	wrdreg $0xFFFFFFFF  }
0xad: {  	[dreg:$0x0] =	wrdreg $0x60  }
0xae: {  	[dreg:$0x2] =	wrdreg s24  }
0xaf: {  	[dreg:$0x3] =	wrdreg s2  }
0xb0: {  	[dreg:$0x4] =	wrdreg $0x9  }
0xb1: {  	_ =	task.clear_ibuf [dreg:s7], $0x5FFFF;
	_ =	strace $0x90000049  }
0xb2: {  	s29 =	simm.s32 $0x9;
	_ =	strace $0x8000004B  }
0xb3: {  	_ =	swait.ge [sflag:s29], $0x1  }
0xb4: {  	[sflag:s29] =	ssyncadd.s32 $0xFFFFFFFF  }
0xb5: {  	_ =	strace $0x9000004B  }
0xb6: {  	_ =	sfence  }
0xb7: {  	s30 =	sld [smem:$0x0];
	_ =	sdelay $0x2  }
0xb8: {  	s31 =	sshll.u32 s1, $0xD;
	s1 =	sshrl.u32 s1, $0x2  }
0xb9: {  	s3 =	sand.u32 $0x4000, s31;
	s1 =	sadd.s32 s1, s30  }
0xba: {  	s0 =	sor.u32 s3, s0;
	s1 =	sshll.u32 s1, $0x11  }
0xbb: {  	s0 =	sor.u32 s1, s0  }
0xbc: {  	s0 =	sadd.s32 $0x8F2B, s0  }
0xbd: {  	[sflag:s0] =	ssyncadd.remote.s32 $0x1  }
0xbe: {  	_ =	sfence.sel $0xFFFF  }
0xbf: {  	[dreg:$0x0] =	wrdreg $0xFFFFFFFF;
	(pc) =	sbr.abs _section_cstart, $3  }
0xc0: {  	[dreg:$0x1] =	wrdreg $0xFFFFFFFF  }
0xc1: {  	_ =	task.clear_ibuf [dreg:s7], $0x2FFFF;
	_ =	strace $0x9FFFFFFF  }
0xc2: {  	(tm) =	ssettm $0x7FFFFFFF  }
0xc3: {  	_ =	shalt  }
tec
execute0_lowered:
.L_overlay_start_1:
0x0: {  	(tag) =	ssettag $0x1  }
0x1: {  	s0 =	srdreg.scid  }
0x2: {  	s1 =	rddreg [dreg:$0x0];
	s4 =	stileid.u32  }
0x3: {  	s2 =	rddreg [dreg:$0x1];
	s17 =	simm.s32 $0x80;
	s22 =	simm.s32 $0x16780  }
0x4: {  	s23 =	simm.s32 $0x1;
	s24 =	simm.s32 $0x3;
	s28 =	simm.s32 $0x2  }
0x5: {  	s29 =	simm.s32 $0x4;
	s30 =	simm.s32 $0x6;
	s0 =	sand.u32 $0x1, s0  }
0x6: {  	s31 =	simm.s32 $0x12600;
	s5 =	sadd.s32 $0xF5C600, s1;
	s3 =	sshll.u32 s0, $0x4  }
0x7: {  	s7 =	sadd.s32 $0x38C00, s1;
	s0 =	ssub.s32 $0x2, s0;
	s8 =	sor.u32 s4, s3  }
0x8: {  	s3 =	simm.s32 $0x0;
	s25 =	sshrl.u32 s0, $0x1;
	s4 =	smul.u32 $0x6400, s8  }
0x9: {  	[smem:$0x7FF] =	sst s3;
	s0 =	ssub.s32 s0, s25;
	s25 =	simm.s32 $0x5  }
0xa: {  	_ =	strace $0x8000004A;
	s0 =	smax.u32 s0, $0x1;
	s6 =	sshrl.u32 s4, $0x3  }
0xb: {  	[dreg:$0x4] =	wrdreg s0;
	s0 =	simm.s32 $0x8;
	s9 =	sadd.s32 s6, s1  }
0xc: {  	s6 =	sadd.s32 $0x1A200, s1;
	s26 =	sadd.s32 $0x1200, s9;
	s9 =	smul.u32 $0x320000, s8  }
0xd: {  	v0 =	vimm.s32 $0x0;
	s8 =	simm.s32 $0x0;
	[dreg:$0x3] =	wrdreg s26;
	s26 =	simm.s32 $0xE600  }
.LBB2_1:
0xe: {  	[dreg:$0x5] =	wrdreg s8  }
0xf: {  	s1 =	rddreg [dreg:$0x3];
	s15 =	simm.s32 $0x9  }
0x10: {  	[tilespmem:s3], [sflag:$0x9] =	stream.linear.gather [hbm4b:s1+s3], $0x6400, $0x38;
	[tilespmem:$0x16800] =	vst v63  }
0x11: {  	_ =	swait.ge [sflag:s15], $0x6400  }
0x12: {  	[sflag:s15] =	ssyncset.done $0x0  }
0x13: {  	[sflag:s15] =	ssyncadd.s32 $0xFFFF9C00  }
0x14: {  	v1 =	vld [tilespmem:$0x0];
	_ =	sdelay $0x1  }
0x15: {  	v2 =	vld [tilespmem:$0x10];
	_ =	sdelay $0x1  }
0x16: {  	v3 =	vld [tilespmem:$0x20]  }
0x17: {  	v4 =	vand.u32 $0x1, v1  }
0x18: {  	v54 =	vld [tilespmem:$0x30];
	vm0 =	veq.s32 v4, $0x1  }
0x19: {  	v1 =	vshra.s32 v1, $0x1;
	v6 =	vand.u32 $0x1, v2;
	v5 =	vsel vm0, $0x7A120, v0  }
0x1a: {  	v55 =	vld [tilespmem:$0x40];
	[tilespmem:$0x6400] =	vst v1;
	vm9 =	veq.s32 v6, $0x1;
	v1 =	vadd.s32 v1, v5  }
0x1b: {  	v56 =	vand.u32 $0x1, v3;
	[tilespmem:$0x6500] =	vst v1;
	v1 =	vshra.s32 v2, $0x1;
	v2 =	vsel vm9, $0x7A120, v0  }
0x1c: {  	vm10 =	veq.s32 v56, $0x1;
	[tilespmem:$0x6410] =	vst v1;
	v1 =	vadd.s32 v1, v2;
	v2 =	vld [tilespmem:$0x50]  }
0x1d: {  	v57 =	vand.u32 $0x1, v54;
	[tilespmem:$0x6510] =	vst v1;
	v1 =	vshra.s32 v3, $0x1;
	v3 =	vsel vm10, $0x7A120, v0  }
0x1e: {  	vm11 =	veq.s32 v57, $0x1;
	[tilespmem:$0x6420] =	vst v1;
	v1 =	vadd.s32 v1, v3;
	v3 =	vld [tilespmem:$0x60]  }
0x1f: {  	v59 =	vand.u32 $0x1, v55;
	v58 =	vsel vm11, $0x7A120, v0;
	[tilespmem:$0x6520] =	vst v1;
	v1 =	vshra.s32 v54, $0x1  }
0x20: {  	v60 =	vld [tilespmem:$0x70];
	vm12 =	veq.s32 v59, $0x1;
	[tilespmem:$0x6430] =	vst v1;
	v1 =	vadd.s32 v1, v58  }
0x21: {  	v61 =	vsel vm12, $0x7A120, v0;
	[tilespmem:$0x6530] =	vst v1;
	v1 =	vshra.s32 v55, $0x1;
	v62 =	vand.u32 $0x1, v2  }
0x22: {  	[tilespmem:$0x6440] =	vst v1;
	v1 =	vadd.s32 v1, v61;
	vm13 =	veq.s32 v62, $0x1  }
0x23: {  	[tilespmem:$0x6540] =	vst v1;
	v1 =	vshra.s32 v2, $0x1;
	v2 =	vsel vm13, $0x7A120, v0;
	v63 =	vand.u32 $0x1, v3  }
0x24: {  	[tilespmem:$0x6450] =	vst v1;
	v1 =	vadd.s32 v1, v2;
	vm14 =	veq.s32 v63, $0x1  }
0x25: {  	[tilespmem:$0x6550] =	vst v1;
	v1 =	vshra.s32 v3, $0x1;
	v2 =	vsel vm14, $0x7A120, v0;
	v3 =	vand.u32 $0x1, v60  }
0x26: {  	[tilespmem:$0x6460] =	vst v1;
	v1 =	vadd.s32 v1, v2;
	vm15 =	veq.s32 v3, $0x1  }
0x27: {  	[tilespmem:$0x6560] =	vst v1;
	v1 =	vshra.s32 v60, $0x1;
	v2 =	vsel vm15, $0x7A120, v0  }
0x28: {  	[tilespmem:$0x6470] =	vst v1;
	v1 =	vadd.s32 v1, v2  }
0x29: {  	s16 =	simm.s32 $0x6400;
	s18 =	simm.s32 $0x6600;
	[tilespmem:$0x6570] =	vst v1  }
0x2a: {  	[tilespmem:s18], [sflag:$0x1] =	stream.indirect.gather [hbm4b:s5+s17], $0x80, s16, s17, $0xb8;
	[tilespmem:$0x16800] =	vst v63  }
0x2b: {  	s19 =	simm.s32 $0x16600;
	s20 =	simm.s32 $0x6500;
	s21 =	simm.s32 $0x16700  }
0x2c: {  	[tilespmem:s19], [sflag:$0x3] =	stream.indirect.gather [hbm4b:s2+s17], $0x1, s3, s17, $0xb8;
	[tilespmem:$0x16800] =	vst v63  }
0x2d: {  	s13 =	simm.s32 $0x80;
	s12 =	simm.s32 $0x0;
	s15 =	simm.s32 $0x0  }
0x2e: {  	[tilespmem:s21], [sflag:$0x5] =	stream.indirect.gather [hbm4b:s6+s17], $0x1, s20, s17, $0xb8;
	[tilespmem:$0x16800] =	vst v63  }
.LBB2_2:
0x2f: {  	s1 =	sshll.u32 s15, $0x8  }
0x30: {  	s16 =	sor.u32 $0x80, s1  }
0x31: {  	s8 =	sand.u32 $0x3FFFFF80, s16  }
0x32: {  	v1 =	vld [tilespmem:s8+$0x0];
	_ =	sdelay $0x4  }
0x33: {  	v2 =	vand.u32 $0x1, v1  }
0x34: {  	vm0 =	veq.s32 v2, $0x1  }
0x35: {  	v1 =	vshra.s32 v1, $0x1;
	v2 =	vsel vm0, $0x7A120, v0  }
0x36: {  	[tilespmem:$0x6480] =	vst v1;
	v1 =	vadd.s32 v1, v2  }
0x37: {  	[tilespmem:$0x6580] =	vst v1  }
0x38: {  	v1 =	vld [tilespmem:s8+$0x10];
	_ =	sdelay $0x4  }
0x39: {  	v2 =	vand.u32 $0x1, v1  }
0x3a: {  	vm9 =	veq.s32 v2, $0x1  }
0x3b: {  	v1 =	vshra.s32 v1, $0x1;
	v2 =	vsel vm9, $0x7A120, v0  }
0x3c: {  	[tilespmem:$0x6490] =	vst v1;
	v1 =	vadd.s32 v1, v2  }
0x3d: {  	[tilespmem:$0x6590] =	vst v1  }
0x3e: {  	v1 =	vld [tilespmem:s8+$0x20];
	_ =	sdelay $0x4  }
0x3f: {  	v2 =	vand.u32 $0x1, v1  }
0x40: {  	vm10 =	veq.s32 v2, $0x1  }
0x41: {  	v1 =	vshra.s32 v1, $0x1;
	v2 =	vsel vm10, $0x7A120, v0  }
0x42: {  	[tilespmem:$0x64A0] =	vst v1;
	v1 =	vadd.s32 v1, v2  }
0x43: {  	[tilespmem:$0x65A0] =	vst v1  }
0x44: {  	v1 =	vld [tilespmem:s8+$0x30];
	_ =	sdelay $0x4  }
0x45: {  	v2 =	vand.u32 $0x1, v1  }
0x46: {  	vm11 =	veq.s32 v2, $0x1  }
0x47: {  	v1 =	vshra.s32 v1, $0x1;
	v2 =	vsel vm11, $0x7A120, v0  }
0x48: {  	[tilespmem:$0x64B0] =	vst v1;
	v1 =	vadd.s32 v1, v2  }
0x49: {  	[tilespmem:$0x65B0] =	vst v1  }
0x4a: {  	v1 =	vld [tilespmem:s8+$0x40];
	_ =	sdelay $0x4  }
0x4b: {  	v2 =	vand.u32 $0x1, v1  }
0x4c: {  	vm12 =	veq.s32 v2, $0x1  }
0x4d: {  	v1 =	vshra.s32 v1, $0x1;
	v2 =	vsel vm12, $0x7A120, v0  }
0x4e: {  	[tilespmem:$0x64C0] =	vst v1;
	v1 =	vadd.s32 v1, v2  }
0x4f: {  	[tilespmem:$0x65C0] =	vst v1  }
0x50: {  	v1 =	vld [tilespmem:s8+$0x50];
	_ =	sdelay $0x4  }
0x51: {  	v2 =	vand.u32 $0x1, v1  }
0x52: {  	vm13 =	veq.s32 v2, $0x1  }
0x53: {  	v1 =	vshra.s32 v1, $0x1;
	v2 =	vsel vm13, $0x7A120, v0  }
0x54: {  	[tilespmem:$0x64D0] =	vst v1;
	v1 =	vadd.s32 v1, v2  }
0x55: {  	[tilespmem:$0x65D0] =	vst v1  }
0x56: {  	v1 =	vld [tilespmem:s8+$0x60];
	_ =	sdelay $0x4  }
0x57: {  	v2 =	vand.u32 $0x1, v1  }
0x58: {  	vm14 =	veq.s32 v2, $0x1  }
0x59: {  	v1 =	vshra.s32 v1, $0x1;
	v2 =	vsel vm14, $0x7A120, v0  }
0x5a: {  	[tilespmem:$0x64E0] =	vst v1;
	v1 =	vadd.s32 v1, v2  }
0x5b: {  	[tilespmem:$0x65E0] =	vst v1  }
0x5c: {  	v1 =	vld [tilespmem:s8+$0x70];
	_ =	sdelay $0x4  }
0x5d: {  	v2 =	vand.u32 $0x1, v1  }
0x5e: {  	vm15 =	veq.s32 v2, $0x1  }
0x5f: {  	v1 =	vshra.s32 v1, $0x1;
	v2 =	vsel vm15, $0x7A120, v0  }
0x60: {  	[tilespmem:$0x64F0] =	vst v1;
	v1 =	vadd.s32 v1, v2  }
0x61: {  	s19 =	simm.s32 $0x6480;
	s10 =	simm.s32 $0xA600;
	[tilespmem:$0x65F0] =	vst v1  }
0x62: {  	[tilespmem:s10], [sflag:$0x2] =	stream.indirect.gather [hbm4b:s5+s17], $0x80, s19, s17, $0xb8;
	[tilespmem:$0x16800] =	vst v63  }
0x63: {  	s20 =	simm.s32 $0x16680;
	p0 =	seq.s32 s15, $0x0  }
0x64: {  	[tilespmem:s20], [sflag:$0x4] =	stream.indirect.gather [hbm4b:s2+s17], $0x1, s16, s17, $0xb8;
	[tilespmem:$0x16800] =	vst v63  }
0x65: {  	s21 =	simm.s32 $0x6580;
	s8 =	simm.s32 @!p0 $0x7  }
0x66: {  	[tilespmem:s22], [sflag:$0x6] =	stream.indirect.gather [hbm4b:s6+s17], $0x1, s21, s17, $0xb8;
	[tilespmem:$0x16800] =	vst v63  }
0x67: {  	_ =	swait.ge @!p0 [sflag:s8], $0x4000  }
0x68: {  	[sflag:s8] =	ssyncset.done @!p0 $0x0  }
0x69: {  	[sflag:s8] =	ssyncadd.s32 @!p0 $0xFFFFC000  }
0x6a: {  	_ =	swait.ge [sflag:s23], $0x4000  }
0x6b: {  	[sflag:s23] =	ssyncset.done $0x0  }
0x6c: {  	[sflag:s23] =	ssyncadd.s32 $0xFFFFC000  }
0x6d: {  	_ =	swait.ge [sflag:s24], $0x80  }
0x6e: {  	[sflag:s24] =	ssyncset.done $0x0  }
0x6f: {  	[sflag:s24] =	ssyncadd.s32 $0xFFFFFF80  }
0x70: {  	s11 =	simm.s32 $0x16700;
	_ =	swait.ge [sflag:s25], $0x80  }
0x71: {  	s14 =	smov.u32 s12;
	s10 =	simm.s32 $0x0;
	[sflag:s25] =	ssyncset.done $0x0  }
0x72: {  	s8 =	sand.u32 $0x3FFFFF00, s1;
	s1 =	simm.s32 $0x16600;
	[sflag:s25] =	ssyncadd.s32 $0xFFFFFF80  }
.LBB2_3:
0x73: {  	v3 =	vld [tilespmem:s14+$0x0];
	_ =	sdelay $0x4  }
0x74: {  	v1 =	vld [tilespmem:s1+$0x0];
	(v2sf) =	vpush v3, $0x0  }
0x75: {  	v2 =	vld [tilespmem:s11+$0x0];
	_ =	sdelay $0x3  }
0x76: {  	(v2sf) =	vpush v1, $0x0  }
0x77: {  	(v2sf) =	vpush v2, $0x0;
	_ =	sdelay $0x8  }
0x78: {  	s18 =	spop (v2sf)  }
0x79: {  	s18 =	sand.u32 $0x1, s18  }
0x7a: {  	s19 =	sshll.u32 s18, $0x6;
	s18 =	sshra.s32 s10, $0x2  }
0x7b: {  	s19 =	sadd.s32 s18, s19  }
0x7c: {  	v4 =	vld [tilespmem:s19+$0x6600]  }
0x7d: {  	s20 =	spop (v2sf)  }
0x7e: {  	s21 =	spop (v2sf)  }
0x7f: {  	s20 =	smul.f32 s21, s20;
	_ =	sdelay $0x1  }
0x80: {  	v4 =	vmul.f32 s20, v4;
	_ =	sdelay $0x1  }
0x81: {  	[tilespmem:s18+$0xE600] =	vst v4  }
0x82: {  	v4 =	vld [tilespmem:s19+$0x6610];
	_ =	sdelay $0x4  }
0x83: {  	(v2sf) =	vpush v3, $0x1;
	v4 =	vmul.f32 s20, v4;
	_ =	sdelay $0x1  }
0x84: {  	[tilespmem:s18+$0xE610] =	vst v4  }
0x85: {  	v4 =	vld [tilespmem:s19+$0x6620];
	_ =	sdelay $0x1  }
0x86: {  	(v2sf) =	vpush v1, $0x1  }
0x87: {  	(v2sf) =	vpush v2, $0x1;
	_ =	sdelay $0x1  }
0x88: {  	v4 =	vmul.f32 s20, v4;
	_ =	sdelay $0x1  }
0x89: {  	[tilespmem:s18+$0xE620] =	vst v4  }
0x8a: {  	v4 =	vld [tilespmem:s19+$0x6630];
	_ =	sdelay $0x3  }
0x8b: {  	s21 =	spop (v2sf)  }
0x8c: {  	s19 =	sand.u32 $0x1, s21;
	v4 =	vmul.f32 s20, v4  }
0x8d: {  	s19 =	sshll.u32 s19, $0x6  }
0x8e: {  	s19 =	sadd.s32 s18, s19;
	[tilespmem:s18+$0xE630] =	vst v4  }
0x8f: {  	v4 =	vld [tilespmem:s19+$0x6680]  }
0x90: {  	s20 =	spop (v2sf)  }
0x91: {  	s21 =	spop (v2sf)  }
0x92: {  	s20 =	smul.f32 s21, s20;
	_ =	sdelay $0x1  }
0x93: {  	v4 =	vmul.f32 s20, v4;
	_ =	sdelay $0x1  }
0x94: {  	[tilespmem:s18+$0xE680] =	vst v4  }
0x95: {  	v4 =	vld [tilespmem:s19+$0x6690];
	_ =	sdelay $0x4  }
0x96: {  	(v2sf) =	vpush v3, $0x2;
	v4 =	vmul.f32 s20, v4;
	_ =	sdelay $0x1  }
0x97: {  	[tilespmem:s18+$0xE690] =	vst v4  }
0x98: {  	v4 =	vld [tilespmem:s19+$0x66A0];
	_ =	sdelay $0x1  }
0x99: {  	(v2sf) =	vpush v1, $0x2  }
0x9a: {  	(v2sf) =	vpush v2, $0x2;
	_ =	sdelay $0x1  }
0x9b: {  	v4 =	vmul.f32 s20, v4;
	_ =	sdelay $0x1  }
0x9c: {  	[tilespmem:s18+$0xE6A0] =	vst v4  }
0x9d: {  	v4 =	vld [tilespmem:s19+$0x66B0];
	_ =	sdelay $0x3  }
0x9e: {  	s21 =	spop (v2sf)  }
0x9f: {  	s19 =	sand.u32 $0x1, s21;
	v4 =	vmul.f32 s20, v4  }
0xa0: {  	s19 =	sshll.u32 s19, $0x6  }
0xa1: {  	s19 =	sadd.s32 s18, s19;
	[tilespmem:s18+$0xE6B0] =	vst v4  }
0xa2: {  	v4 =	vld [tilespmem:s19+$0x6700]  }
0xa3: {  	s20 =	spop (v2sf)  }
0xa4: {  	s21 =	spop (v2sf)  }
0xa5: {  	s20 =	smul.f32 s21, s20;
	_ =	sdelay $0x1  }
0xa6: {  	v4 =	vmul.f32 s20, v4;
	_ =	sdelay $0x1  }
0xa7: {  	[tilespmem:s18+$0xE700] =	vst v4  }
0xa8: {  	v4 =	vld [tilespmem:s19+$0x6710];
	_ =	sdelay $0x4  }
0xa9: {  	(v2sf) =	vpush v3, $0x3;
	v4 =	vmul.f32 s20, v4;
	_ =	sdelay $0x1  }
0xaa: {  	[tilespmem:s18+$0xE710] =	vst v4  }
0xab: {  	v4 =	vld [tilespmem:s19+$0x6720];
	_ =	sdelay $0x1  }
0xac: {  	(v2sf) =	vpush v1, $0x3  }
0xad: {  	(v2sf) =	vpush v2, $0x3;
	_ =	sdelay $0x1  }
0xae: {  	v4 =	vmul.f32 s20, v4;
	_ =	sdelay $0x1  }
0xaf: {  	[tilespmem:s18+$0xE720] =	vst v4  }
0xb0: {  	v4 =	vld [tilespmem:s19+$0x6730];
	_ =	sdelay $0x3  }
0xb1: {  	s21 =	spop (v2sf)  }
0xb2: {  	s19 =	sand.u32 $0x1, s21;
	v4 =	vmul.f32 s20, v4  }
0xb3: {  	s19 =	sshll.u32 s19, $0x6  }
0xb4: {  	s19 =	sadd.s32 s18, s19;
	[tilespmem:s18+$0xE730] =	vst v4  }
0xb5: {  	v4 =	vld [tilespmem:s19+$0x6780]  }
0xb6: {  	s20 =	spop (v2sf)  }
0xb7: {  	s21 =	spop (v2sf)  }
0xb8: {  	s20 =	smul.f32 s21, s20;
	_ =	sdelay $0x1  }
0xb9: {  	v4 =	vmul.f32 s20, v4;
	_ =	sdelay $0x1  }
0xba: {  	[tilespmem:s18+$0xE780] =	vst v4  }
0xbb: {  	v4 =	vld [tilespmem:s19+$0x6790];
	_ =	sdelay $0x4  }
0xbc: {  	(v2sf) =	vpush v3, $0x4;
	v4 =	vmul.f32 s20, v4;
	_ =	sdelay $0x1  }
0xbd: {  	[tilespmem:s18+$0xE790] =	vst v4  }
0xbe: {  	v4 =	vld [tilespmem:s19+$0x67A0];
	_ =	sdelay $0x1  }
0xbf: {  	(v2sf) =	vpush v1, $0x4  }
0xc0: {  	(v2sf) =	vpush v2, $0x4;
	_ =	sdelay $0x1  }
0xc1: {  	v4 =	vmul.f32 s20, v4;
	_ =	sdelay $0x1  }
0xc2: {  	[tilespmem:s18+$0xE7A0] =	vst v4  }
0xc3: {  	v4 =	vld [tilespmem:s19+$0x67B0];
	_ =	sdelay $0x3  }
0xc4: {  	s21 =	spop (v2sf)  }
0xc5: {  	s19 =	sand.u32 $0x1, s21;
	v4 =	vmul.f32 s20, v4  }
0xc6: {  	s19 =	sshll.u32 s19, $0x6  }
0xc7: {  	s19 =	sadd.s32 s18, s19;
	[tilespmem:s18+$0xE7B0] =	vst v4  }
0xc8: {  	v4 =	vld [tilespmem:s19+$0x6800]  }
0xc9: {  	s20 =	spop (v2sf)  }
0xca: {  	s21 =	spop (v2sf)  }
0xcb: {  	s20 =	smul.f32 s21, s20;
	_ =	sdelay $0x1  }
0xcc: {  	v4 =	vmul.f32 s20, v4;
	_ =	sdelay $0x1  }
0xcd: {  	[tilespmem:s18+$0xE800] =	vst v4  }
0xce: {  	v4 =	vld [tilespmem:s19+$0x6810];
	_ =	sdelay $0x4  }
0xcf: {  	(v2sf) =	vpush v3, $0x5;
	v4 =	vmul.f32 s20, v4;
	_ =	sdelay $0x1  }
0xd0: {  	[tilespmem:s18+$0xE810] =	vst v4  }
0xd1: {  	v4 =	vld [tilespmem:s19+$0x6820];
	_ =	sdelay $0x1  }
0xd2: {  	(v2sf) =	vpush v1, $0x5  }
0xd3: {  	(v2sf) =	vpush v2, $0x5;
	_ =	sdelay $0x1  }
0xd4: {  	v4 =	vmul.f32 s20, v4;
	_ =	sdelay $0x1  }
0xd5: {  	[tilespmem:s18+$0xE820] =	vst v4  }
0xd6: {  	v4 =	vld [tilespmem:s19+$0x6830];
	_ =	sdelay $0x3  }
0xd7: {  	s21 =	spop (v2sf)  }
0xd8: {  	s19 =	sand.u32 $0x1, s21;
	v4 =	vmul.f32 s20, v4  }
0xd9: {  	s19 =	sshll.u32 s19, $0x6  }
0xda: {  	s19 =	sadd.s32 s18, s19;
	[tilespmem:s18+$0xE830] =	vst v4  }
0xdb: {  	v4 =	vld [tilespmem:s19+$0x6880]  }
0xdc: {  	s20 =	spop (v2sf)  }
0xdd: {  	s21 =	spop (v2sf)  }
0xde: {  	s20 =	smul.f32 s21, s20;
	_ =	sdelay $0x1  }
0xdf: {  	v4 =	vmul.f32 s20, v4;
	_ =	sdelay $0x1  }
0xe0: {  	[tilespmem:s18+$0xE880] =	vst v4  }
0xe1: {  	v4 =	vld [tilespmem:s19+$0x6890];
	_ =	sdelay $0x4  }
0xe2: {  	(v2sf) =	vpush v3, $0x6;
	v4 =	vmul.f32 s20, v4;
	_ =	sdelay $0x1  }
0xe3: {  	[tilespmem:s18+$0xE890] =	vst v4  }
0xe4: {  	v4 =	vld [tilespmem:s19+$0x68A0];
	_ =	sdelay $0x1  }
0xe5: {  	(v2sf) =	vpush v1, $0x6  }
0xe6: {  	(v2sf) =	vpush v2, $0x6;
	_ =	sdelay $0x1  }
0xe7: {  	v4 =	vmul.f32 s20, v4;
	_ =	sdelay $0x1  }
0xe8: {  	[tilespmem:s18+$0xE8A0] =	vst v4  }
0xe9: {  	v4 =	vld [tilespmem:s19+$0x68B0];
	_ =	sdelay $0x3  }
0xea: {  	s21 =	spop (v2sf)  }
0xeb: {  	s19 =	sand.u32 $0x1, s21;
	v4 =	vmul.f32 s20, v4  }
0xec: {  	s19 =	sshll.u32 s19, $0x6  }
0xed: {  	s19 =	sadd.s32 s18, s19;
	[tilespmem:s18+$0xE8B0] =	vst v4  }
0xee: {  	v4 =	vld [tilespmem:s19+$0x6900]  }
0xef: {  	s20 =	spop (v2sf)  }
0xf0: {  	s21 =	spop (v2sf)  }
0xf1: {  	s20 =	smul.f32 s21, s20;
	_ =	sdelay $0x1  }
0xf2: {  	v4 =	vmul.f32 s20, v4;
	_ =	sdelay $0x1  }
0xf3: {  	[tilespmem:s18+$0xE900] =	vst v4  }
0xf4: {  	v4 =	vld [tilespmem:s19+$0x6910];
	_ =	sdelay $0x4  }
0xf5: {  	(v2sf) =	vpush v3, $0x7;
	v4 =	vmul.f32 s20, v4;
	_ =	sdelay $0x1  }
0xf6: {  	[tilespmem:s18+$0xE910] =	vst v4  }
0xf7: {  	v4 =	vld [tilespmem:s19+$0x6920];
	_ =	sdelay $0x1  }
0xf8: {  	(v2sf) =	vpush v1, $0x7  }
0xf9: {  	(v2sf) =	vpush v2, $0x7;
	_ =	sdelay $0x1  }
0xfa: {  	v4 =	vmul.f32 s20, v4;
	_ =	sdelay $0x1  }
0xfb: {  	[tilespmem:s18+$0xE920] =	vst v4  }
0xfc: {  	v4 =	vld [tilespmem:s19+$0x6930];
	_ =	sdelay $0x3  }
0xfd: {  	s21 =	spop (v2sf)  }
0xfe: {  	s19 =	sand.u32 $0x1, s21;
	v4 =	vmul.f32 s20, v4  }
0xff: {  	s19 =	sshll.u32 s19, $0x6  }
0x100: {  	s19 =	sadd.s32 s18, s19;
	[tilespmem:s18+$0xE930] =	vst v4  }
0x101: {  	v4 =	vld [tilespmem:s19+$0x6980]  }
0x102: {  	s20 =	spop (v2sf)  }
0x103: {  	s21 =	spop (v2sf)  }
0x104: {  	s20 =	smul.f32 s21, s20;
	_ =	sdelay $0x1  }
0x105: {  	v4 =	vmul.f32 s20, v4;
	_ =	sdelay $0x1  }
0x106: {  	[tilespmem:s18+$0xE980] =	vst v4  }
0x107: {  	v4 =	vld [tilespmem:s19+$0x6990];
	_ =	sdelay $0x4  }
0x108: {  	(v2sf) =	vpush v3, $0x8;
	v4 =	vmul.f32 s20, v4;
	_ =	sdelay $0x1  }
0x109: {  	[tilespmem:s18+$0xE990] =	vst v4  }
0x10a: {  	v4 =	vld [tilespmem:s19+$0x69A0];
	_ =	sdelay $0x1  }
0x10b: {  	(v2sf) =	vpush v1, $0x8  }
0x10c: {  	(v2sf) =	vpush v2, $0x8;
	_ =	sdelay $0x1  }
0x10d: {  	v4 =	vmul.f32 s20, v4;
	_ =	sdelay $0x1  }
0x10e: {  	[tilespmem:s18+$0xE9A0] =	vst v4  }
0x10f: {  	v4 =	vld [tilespmem:s19+$0x69B0];
	_ =	sdelay $0x3  }
0x110: {  	s21 =	spop (v2sf)  }
0x111: {  	s19 =	sand.u32 $0x1, s21;
	v4 =	vmul.f32 s20, v4  }
0x112: {  	s19 =	sshll.u32 s19, $0x6  }
0x113: {  	s19 =	sadd.s32 s18, s19;
	[tilespmem:s18+$0xE9B0] =	vst v4  }
0x114: {  	v4 =	vld [tilespmem:s19+$0x6A00]  }
0x115: {  	s20 =	spop (v2sf)  }
0x116: {  	s21 =	spop (v2sf)  }
0x117: {  	s20 =	smul.f32 s21, s20;
	_ =	sdelay $0x1  }
0x118: {  	v4 =	vmul.f32 s20, v4;
	_ =	sdelay $0x1  }
0x119: {  	[tilespmem:s18+$0xEA00] =	vst v4  }
0x11a: {  	v4 =	vld [tilespmem:s19+$0x6A10];
	_ =	sdelay $0x4  }
0x11b: {  	(v2sf) =	vpush v3, $0x9;
	v4 =	vmul.f32 s20, v4;
	_ =	sdelay $0x1  }
0x11c: {  	[tilespmem:s18+$0xEA10] =	vst v4  }
0x11d: {  	v4 =	vld [tilespmem:s19+$0x6A20];
	_ =	sdelay $0x1  }
0x11e: {  	(v2sf) =	vpush v1, $0x9  }
0x11f: {  	(v2sf) =	vpush v2, $0x9;
	_ =	sdelay $0x1  }
0x120: {  	v4 =	vmul.f32 s20, v4;
	_ =	sdelay $0x1  }
0x121: {  	[tilespmem:s18+$0xEA20] =	vst v4  }
0x122: {  	v4 =	vld [tilespmem:s19+$0x6A30];
	_ =	sdelay $0x3  }
0x123: {  	s21 =	spop (v2sf)  }
0x124: {  	s19 =	sand.u32 $0x1, s21;
	v4 =	vmul.f32 s20, v4  }
0x125: {  	s19 =	sshll.u32 s19, $0x6  }
0x126: {  	s19 =	sadd.s32 s18, s19;
	[tilespmem:s18+$0xEA30] =	vst v4  }
0x127: {  	v4 =	vld [tilespmem:s19+$0x6A80]  }
0x128: {  	s20 =	spop (v2sf)  }
0x129: {  	s21 =	spop (v2sf)  }
0x12a: {  	s20 =	smul.f32 s21, s20;
	_ =	sdelay $0x1  }
0x12b: {  	v4 =	vmul.f32 s20, v4;
	_ =	sdelay $0x1  }
0x12c: {  	[tilespmem:s18+$0xEA80] =	vst v4  }
0x12d: {  	v4 =	vld [tilespmem:s19+$0x6A90];
	_ =	sdelay $0x4  }
0x12e: {  	(v2sf) =	vpush v3, $0xA;
	v4 =	vmul.f32 s20, v4;
	_ =	sdelay $0x1  }
0x12f: {  	[tilespmem:s18+$0xEA90] =	vst v4  }
0x130: {  	v4 =	vld [tilespmem:s19+$0x6AA0];
	_ =	sdelay $0x1  }
0x131: {  	(v2sf) =	vpush v1, $0xA  }
0x132: {  	(v2sf) =	vpush v2, $0xA;
	_ =	sdelay $0x1  }
0x133: {  	v4 =	vmul.f32 s20, v4;
	_ =	sdelay $0x1  }
0x134: {  	[tilespmem:s18+$0xEAA0] =	vst v4  }
0x135: {  	v4 =	vld [tilespmem:s19+$0x6AB0];
	_ =	sdelay $0x3  }
0x136: {  	s21 =	spop (v2sf)  }
0x137: {  	s19 =	sand.u32 $0x1, s21;
	v4 =	vmul.f32 s20, v4  }
0x138: {  	s19 =	sshll.u32 s19, $0x6  }
0x139: {  	s19 =	sadd.s32 s18, s19;
	[tilespmem:s18+$0xEAB0] =	vst v4  }
0x13a: {  	v4 =	vld [tilespmem:s19+$0x6B00]  }
0x13b: {  	s20 =	spop (v2sf)  }
0x13c: {  	s21 =	spop (v2sf)  }
0x13d: {  	s20 =	smul.f32 s21, s20;
	_ =	sdelay $0x1  }
0x13e: {  	v4 =	vmul.f32 s20, v4;
	_ =	sdelay $0x1  }
0x13f: {  	[tilespmem:s18+$0xEB00] =	vst v4  }
0x140: {  	v4 =	vld [tilespmem:s19+$0x6B10];
	_ =	sdelay $0x4  }
0x141: {  	(v2sf) =	vpush v3, $0xB;
	v4 =	vmul.f32 s20, v4;
	_ =	sdelay $0x1  }
0x142: {  	[tilespmem:s18+$0xEB10] =	vst v4  }
0x143: {  	v4 =	vld [tilespmem:s19+$0x6B20];
	_ =	sdelay $0x1  }
0x144: {  	(v2sf) =	vpush v1, $0xB  }
0x145: {  	(v2sf) =	vpush v2, $0xB;
	_ =	sdelay $0x1  }
0x146: {  	v4 =	vmul.f32 s20, v4;
	_ =	sdelay $0x1  }
0x147: {  	[tilespmem:s18+$0xEB20] =	vst v4  }
0x148: {  	v4 =	vld [tilespmem:s19+$0x6B30];
	_ =	sdelay $0x3  }
0x149: {  	s21 =	spop (v2sf)  }
0x14a: {  	s19 =	sand.u32 $0x1, s21;
	v4 =	vmul.f32 s20, v4  }
0x14b: {  	s19 =	sshll.u32 s19, $0x6  }
0x14c: {  	s19 =	sadd.s32 s18, s19;
	[tilespmem:s18+$0xEB30] =	vst v4  }
0x14d: {  	v4 =	vld [tilespmem:s19+$0x6B80]  }
0x14e: {  	s20 =	spop (v2sf)  }
0x14f: {  	s21 =	spop (v2sf)  }
0x150: {  	s20 =	smul.f32 s21, s20;
	_ =	sdelay $0x1  }
0x151: {  	v4 =	vmul.f32 s20, v4;
	_ =	sdelay $0x1  }
0x152: {  	[tilespmem:s18+$0xEB80] =	vst v4  }
0x153: {  	v4 =	vld [tilespmem:s19+$0x6B90];
	_ =	sdelay $0x4  }
0x154: {  	(v2sf) =	vpush v3, $0xC;
	v4 =	vmul.f32 s20, v4;
	_ =	sdelay $0x1  }
0x155: {  	[tilespmem:s18+$0xEB90] =	vst v4  }
0x156: {  	v4 =	vld [tilespmem:s19+$0x6BA0];
	_ =	sdelay $0x1  }
0x157: {  	(v2sf) =	vpush v1, $0xC  }
0x158: {  	(v2sf) =	vpush v2, $0xC;
	_ =	sdelay $0x1  }
0x159: {  	v4 =	vmul.f32 s20, v4;
	_ =	sdelay $0x1  }
0x15a: {  	[tilespmem:s18+$0xEBA0] =	vst v4  }
0x15b: {  	v4 =	vld [tilespmem:s19+$0x6BB0];
	_ =	sdelay $0x3  }
0x15c: {  	s21 =	spop (v2sf)  }
0x15d: {  	s19 =	sand.u32 $0x1, s21;
	v4 =	vmul.f32 s20, v4  }
0x15e: {  	s19 =	sshll.u32 s19, $0x6  }
0x15f: {  	s19 =	sadd.s32 s18, s19;
	[tilespmem:s18+$0xEBB0] =	vst v4  }
0x160: {  	v4 =	vld [tilespmem:s19+$0x6C00]  }
0x161: {  	s20 =	spop (v2sf)  }
0x162: {  	s21 =	spop (v2sf)  }
0x163: {  	s20 =	smul.f32 s21, s20;
	_ =	sdelay $0x1  }
0x164: {  	v4 =	vmul.f32 s20, v4;
	_ =	sdelay $0x1  }
0x165: {  	[tilespmem:s18+$0xEC00] =	vst v4  }
0x166: {  	v4 =	vld [tilespmem:s19+$0x6C10];
	_ =	sdelay $0x4  }
0x167: {  	(v2sf) =	vpush v3, $0xD;
	v4 =	vmul.f32 s20, v4;
	_ =	sdelay $0x1  }
0x168: {  	[tilespmem:s18+$0xEC10] =	vst v4  }
0x169: {  	v4 =	vld [tilespmem:s19+$0x6C20];
	_ =	sdelay $0x1  }
0x16a: {  	(v2sf) =	vpush v1, $0xD  }
0x16b: {  	(v2sf) =	vpush v2, $0xD;
	_ =	sdelay $0x1  }
0x16c: {  	v4 =	vmul.f32 s20, v4;
	_ =	sdelay $0x1  }
0x16d: {  	[tilespmem:s18+$0xEC20] =	vst v4  }
0x16e: {  	v4 =	vld [tilespmem:s19+$0x6C30];
	_ =	sdelay $0x3  }
0x16f: {  	s21 =	spop (v2sf)  }
0x170: {  	s19 =	sand.u32 $0x1, s21;
	v4 =	vmul.f32 s20, v4  }
0x171: {  	s19 =	sshll.u32 s19, $0x6  }
0x172: {  	s19 =	sadd.s32 s18, s19;
	[tilespmem:s18+$0xEC30] =	vst v4  }
0x173: {  	v4 =	vld [tilespmem:s19+$0x6C80]  }
0x174: {  	s20 =	spop (v2sf)  }
0x175: {  	s21 =	spop (v2sf)  }
0x176: {  	s20 =	smul.f32 s21, s20;
	_ =	sdelay $0x1  }
0x177: {  	v4 =	vmul.f32 s20, v4;
	_ =	sdelay $0x1  }
0x178: {  	[tilespmem:s18+$0xEC80] =	vst v4  }
0x179: {  	v4 =	vld [tilespmem:s19+$0x6C90];
	_ =	sdelay $0x4  }
0x17a: {  	(v2sf) =	vpush v3, $0xE;
	v4 =	vmul.f32 s20, v4;
	_ =	sdelay $0x1  }
0x17b: {  	[tilespmem:s18+$0xEC90] =	vst v4  }
0x17c: {  	v4 =	vld [tilespmem:s19+$0x6CA0];
	_ =	sdelay $0x1  }
0x17d: {  	(v2sf) =	vpush v1, $0xE  }
0x17e: {  	(v2sf) =	vpush v2, $0xE;
	_ =	sdelay $0x1  }
0x17f: {  	v4 =	vmul.f32 s20, v4;
	_ =	sdelay $0x1  }
0x180: {  	[tilespmem:s18+$0xECA0] =	vst v4  }
0x181: {  	v4 =	vld [tilespmem:s19+$0x6CB0];
	_ =	sdelay $0x3  }
0x182: {  	s21 =	spop (v2sf)  }
0x183: {  	s19 =	sand.u32 $0x1, s21;
	v4 =	vmul.f32 s20, v4  }
0x184: {  	s19 =	sshll.u32 s19, $0x6  }
0x185: {  	s19 =	sadd.s32 s18, s19;
	[tilespmem:s18+$0xECB0] =	vst v4  }
0x186: {  	v4 =	vld [tilespmem:s19+$0x6D00]  }
0x187: {  	s20 =	spop (v2sf)  }
0x188: {  	s21 =	spop (v2sf)  }
0x189: {  	s20 =	smul.f32 s21, s20;
	_ =	sdelay $0x1  }
0x18a: {  	v4 =	vmul.f32 s20, v4;
	_ =	sdelay $0x1  }
0x18b: {  	[tilespmem:s18+$0xED00] =	vst v4  }
0x18c: {  	v4 =	vld [tilespmem:s19+$0x6D10];
	_ =	sdelay $0x4  }
0x18d: {  	(v2sf) =	vpush v3, $0xF;
	v4 =	vmul.f32 s20, v4;
	_ =	sdelay $0x1  }
0x18e: {  	[tilespmem:s18+$0xED10] =	vst v4  }
0x18f: {  	v3 =	vld [tilespmem:s19+$0x6D20];
	_ =	sdelay $0x1  }
0x190: {  	(v2sf) =	vpush v1, $0xF  }
0x191: {  	(v2sf) =	vpush v2, $0xF;
	_ =	sdelay $0x1  }
0x192: {  	v1 =	vmul.f32 s20, v3;
	_ =	sdelay $0x1  }
0x193: {  	[tilespmem:s18+$0xED20] =	vst v1  }
0x194: {  	v1 =	vld [tilespmem:s19+$0x6D30];
	_ =	sdelay $0x3  }
0x195: {  	s21 =	spop (v2sf)  }
0x196: {  	s19 =	sand.u32 $0x1, s21;
	v1 =	vmul.f32 s20, v1  }
0x197: {  	s19 =	sshll.u32 s19, $0x6  }
0x198: {  	s19 =	sadd.s32 s18, s19;
	[tilespmem:s18+$0xED30] =	vst v1  }
0x199: {  	v1 =	vld [tilespmem:s19+$0x6D80]  }
0x19a: {  	s20 =	spop (v2sf)  }
0x19b: {  	s21 =	spop (v2sf)  }
0x19c: {  	s20 =	smul.f32 s21, s20;
	_ =	sdelay $0x1  }
0x19d: {  	v1 =	vmul.f32 s20, v1;
	_ =	sdelay $0x1  }
0x19e: {  	[tilespmem:s18+$0xED80] =	vst v1  }
0x19f: {  	v1 =	vld [tilespmem:s19+$0x6D90];
	_ =	sdelay $0x4  }
0x1a0: {  	v1 =	vmul.f32 s20, v1;
	_ =	sdelay $0x1  }
0x1a1: {  	[tilespmem:s18+$0xED90] =	vst v1  }
0x1a2: {  	v1 =	vld [tilespmem:s19+$0x6DA0];
	_ =	sdelay $0x4  }
0x1a3: {  	v1 =	vmul.f32 s20, v1;
	_ =	sdelay $0x1  }
0x1a4: {  	[tilespmem:s18+$0xEDA0] =	vst v1  }
0x1a5: {  	v1 =	vld [tilespmem:s19+$0x6DB0];
	_ =	sdelay $0x1  }
0x1a6: {  	p0 =	sne.s32 s10, $0xE000  }
.Ltmp0:
0x1a7: {  	_ = 	snop;
	(pc) =	sbr.rel @p0 .LBB2_3-.Ltmp0, $4  }
0x1a8: {  	_ = 	snop  }
0x1a9: {  	v1 =	vmul.f32 s20, v1  }
0x1aa: {  	s11 =	sadd.s32 $0x10, s11  }
0x1ab: {  	s1 =	sadd.s32 $0x10, s1;
	s14 =	sadd.s32 $0x10, s14;
	s10 =	sadd.s32 $0x2000, s10;
	[tilespmem:s18+$0xEDB0] =	vst v1  }
0x1ac: {  	s1 =	sshll.u32 s15, $0xF  }
0x1ad: {  	s1 =	sadd.s32 s9, s1  }
0x1ae: {  	s1 =	sshrl.u32 s1, $0x3  }
0x1af: {  	p0 =	seq.s32 s15, $0x63;
	s1 =	sadd.s32 s7, s1  }
0x1b0: {  	[hbm4b:s1+s3] =	stream.linear.scatter [tilespmem:s26], [sflag:$0x7], $0x4000, $0x38;
	[tilespmem:$0x16800] =	vst v63  }
0x1b1: {  	v1 =	vld @!p0 [tilespmem:s8+$0x100];
	_ =	sdelay $0x4  }
0x1b2: {  	v2 =	vand.u32 @!p0 $0x1, v1  }
0x1b3: {  	vm0 =	veq.s32 @!p0 v2, $0x1;
	v2 =	vimm.s32 @!p0 $0x0  }
0x1b4: {  	v1 =	vshra.s32 @!p0 v1, $0x1;
	v3 =	vsel @!p0 vm0, $0x7A120, v2  }
0x1b5: {  	[tilespmem:$0x6400] =	vst @!p0 v1;
	v1 =	vadd.s32 @!p0 v1, v3  }
0x1b6: {  	[tilespmem:$0x6500] =	vst @!p0 v1  }
0x1b7: {  	v1 =	vld @!p0 [tilespmem:s8+$0x110];
	_ =	sdelay $0x4  }
0x1b8: {  	v3 =	vand.u32 @!p0 $0x1, v1  }
0x1b9: {  	vm0 =	veq.s32 @!p0 v3, $0x1  }
0x1ba: {  	v1 =	vshra.s32 @!p0 v1, $0x1;
	v3 =	vsel @!p0 vm0, $0x7A120, v2  }
0x1bb: {  	[tilespmem:$0x6410] =	vst @!p0 v1;
	v1 =	vadd.s32 @!p0 v1, v3  }
0x1bc: {  	[tilespmem:$0x6510] =	vst @!p0 v1  }
0x1bd: {  	v1 =	vld @!p0 [tilespmem:s8+$0x120];
	_ =	sdelay $0x4  }
0x1be: {  	v3 =	vand.u32 @!p0 $0x1, v1  }
0x1bf: {  	vm0 =	veq.s32 @!p0 v3, $0x1  }
0x1c0: {  	v1 =	vshra.s32 @!p0 v1, $0x1;
	v3 =	vsel @!p0 vm0, $0x7A120, v2  }
0x1c1: {  	[tilespmem:$0x6420] =	vst @!p0 v1;
	v1 =	vadd.s32 @!p0 v1, v3  }
0x1c2: {  	[tilespmem:$0x6520] =	vst @!p0 v1  }
0x1c3: {  	v1 =	vld @!p0 [tilespmem:s8+$0x130];
	_ =	sdelay $0x4  }
0x1c4: {  	v3 =	vand.u32 @!p0 $0x1, v1  }
0x1c5: {  	vm0 =	veq.s32 @!p0 v3, $0x1  }
0x1c6: {  	v1 =	vshra.s32 @!p0 v1, $0x1;
	v3 =	vsel @!p0 vm0, $0x7A120, v2  }
0x1c7: {  	[tilespmem:$0x6430] =	vst @!p0 v1;
	v1 =	vadd.s32 @!p0 v1, v3  }
0x1c8: {  	[tilespmem:$0x6530] =	vst @!p0 v1  }
0x1c9: {  	v1 =	vld @!p0 [tilespmem:s8+$0x140];
	_ =	sdelay $0x4  }
0x1ca: {  	v3 =	vand.u32 @!p0 $0x1, v1  }
0x1cb: {  	vm0 =	veq.s32 @!p0 v3, $0x1  }
0x1cc: {  	v1 =	vshra.s32 @!p0 v1, $0x1;
	v3 =	vsel @!p0 vm0, $0x7A120, v2  }
0x1cd: {  	[tilespmem:$0x6440] =	vst @!p0 v1;
	v1 =	vadd.s32 @!p0 v1, v3  }
0x1ce: {  	[tilespmem:$0x6540] =	vst @!p0 v1  }
0x1cf: {  	v1 =	vld @!p0 [tilespmem:s8+$0x150];
	_ =	sdelay $0x4  }
0x1d0: {  	v3 =	vand.u32 @!p0 $0x1, v1  }
0x1d1: {  	vm0 =	veq.s32 @!p0 v3, $0x1  }
0x1d2: {  	v1 =	vshra.s32 @!p0 v1, $0x1;
	v3 =	vsel @!p0 vm0, $0x7A120, v2  }
0x1d3: {  	[tilespmem:$0x6450] =	vst @!p0 v1;
	v1 =	vadd.s32 @!p0 v1, v3  }
0x1d4: {  	[tilespmem:$0x6550] =	vst @!p0 v1  }
0x1d5: {  	v1 =	vld @!p0 [tilespmem:s8+$0x160];
	_ =	sdelay $0x4  }
0x1d6: {  	v3 =	vand.u32 @!p0 $0x1, v1  }
0x1d7: {  	vm0 =	veq.s32 @!p0 v3, $0x1  }
0x1d8: {  	v1 =	vshra.s32 @!p0 v1, $0x1;
	v3 =	vsel @!p0 vm0, $0x7A120, v2  }
0x1d9: {  	[tilespmem:$0x6460] =	vst @!p0 v1;
	v1 =	vadd.s32 @!p0 v1, v3  }
0x1da: {  	[tilespmem:$0x6560] =	vst @!p0 v1  }
0x1db: {  	v1 =	vld @!p0 [tilespmem:s8+$0x170];
	_ =	sdelay $0x4  }
0x1dc: {  	v3 =	vand.u32 @!p0 $0x1, v1  }
0x1dd: {  	vm0 =	veq.s32 @!p0 v3, $0x1  }
0x1de: {  	v1 =	vshra.s32 @!p0 v1, $0x1;
	v2 =	vsel @!p0 vm0, $0x7A120, v2  }
0x1df: {  	[tilespmem:$0x6470] =	vst @!p0 v1;
	v1 =	vadd.s32 @!p0 v1, v2  }
0x1e0: {  	s10 =	simm.s32 @!p0 $0x6400;
	s11 =	simm.s32 @!p0 $0x6600;
	s1 =	simm.s32 @!p0 $0x80;
	[tilespmem:$0x6570] =	vst @!p0 v1  }
0x1e1: {  	[tilespmem:s11], [sflag:$0x1] =	stream.indirect.gather @!p0 [hbm4b:s5+s1], $0x80, s10, s1, $0xb8;
	[tilespmem:$0x16800] =	vst v63  }
0x1e2: {  	s8 =	sadd.s32 @!p0 $0x100, s8;
	s10 =	simm.s32 @!p0 $0x16600  }
0x1e3: {  	[tilespmem:s10], [sflag:$0x3] =	stream.indirect.gather @!p0 [hbm4b:s2+s1], $0x1, s8, s1, $0xb8;
	[tilespmem:$0x16800] =	vst v63  }
0x1e4: {  	p1 =	seq.s32 @!p0 s15, $0x0;
	s8 =	simm.s32 @!p0 $0x6500;
	s10 =	simm.s32 @!p0 $0x16700  }
0x1e5: {  	[tilespmem:s10], [sflag:$0x5] =	stream.indirect.gather @!p0 [hbm4b:s6+s1], $0x1, s8, s1, $0xb8;
	[tilespmem:$0x16800] =	vst v63  }
0x1e6: {  	p0 =	por p0, !p1  }
0x1e7: {  	_ =	swait.ge @p0 [sflag:s0], $0x4000  }
0x1e8: {  	[sflag:s0] =	ssyncset.done @p0 $0x0  }
0x1e9: {  	[sflag:s0] =	ssyncadd.s32 @p0 $0xFFFFC000  }
0x1ea: {  	_ =	swait.ge [sflag:s28], $0x4000  }
0x1eb: {  	[sflag:s28] =	ssyncset.done $0x0  }
0x1ec: {  	[sflag:s28] =	ssyncadd.s32 $0xFFFFC000  }
0x1ed: {  	_ =	swait.ge [sflag:s29], $0x80  }
0x1ee: {  	[sflag:s29] =	ssyncset.done $0x0  }
0x1ef: {  	[sflag:s29] =	ssyncadd.s32 $0xFFFFFF80  }
0x1f0: {  	_ =	swait.ge [sflag:s30], $0x80  }
0x1f1: {  	s11 =	smov.u32 s13;
	s8 =	simm.s32 $0x0;
	[sflag:s30] =	ssyncset.done $0x0  }
0x1f2: {  	s10 =	simm.s32 $0x16780;
	s1 =	simm.s32 $0x16680;
	[sflag:s30] =	ssyncadd.s32 $0xFFFFFF80  }
.LBB2_5:
0x1f3: {  	v3 =	vld [tilespmem:s11+$0x0];
	_ =	sdelay $0x4  }
0x1f4: {  	v1 =	vld [tilespmem:s1+$0x0];
	(v2sf) =	vpush v3, $0x0  }
0x1f5: {  	v2 =	vld [tilespmem:s10+$0x0];
	_ =	sdelay $0x3  }
0x1f6: {  	(v2sf) =	vpush v1, $0x0  }
0x1f7: {  	(v2sf) =	vpush v2, $0x0;
	_ =	sdelay $0x8  }
0x1f8: {  	s14 =	spop (v2sf)  }
0x1f9: {  	s14 =	sand.u32 $0x1, s14  }
0x1fa: {  	s18 =	sshll.u32 s14, $0x6;
	s14 =	sshra.s32 s8, $0x2  }
0x1fb: {  	s18 =	sadd.s32 s14, s18  }
0x1fc: {  	v4 =	vld [tilespmem:s18+$0xA600]  }
0x1fd: {  	s19 =	spop (v2sf)  }
0x1fe: {  	s20 =	spop (v2sf)  }
0x1ff: {  	s19 =	smul.f32 s20, s19;
	_ =	sdelay $0x1  }
0x200: {  	v4 =	vmul.f32 s19, v4;
	_ =	sdelay $0x1  }
0x201: {  	[tilespmem:s14+$0x12600] =	vst v4  }
0x202: {  	v4 =	vld [tilespmem:s18+$0xA610];
	_ =	sdelay $0x4  }
0x203: {  	(v2sf) =	vpush v3, $0x1;
	v4 =	vmul.f32 s19, v4;
	_ =	sdelay $0x1  }
0x204: {  	[tilespmem:s14+$0x12610] =	vst v4  }
0x205: {  	v4 =	vld [tilespmem:s18+$0xA620];
	_ =	sdelay $0x1  }
0x206: {  	(v2sf) =	vpush v1, $0x1  }
0x207: {  	(v2sf) =	vpush v2, $0x1;
	_ =	sdelay $0x1  }
0x208: {  	v4 =	vmul.f32 s19, v4;
	_ =	sdelay $0x1  }
0x209: {  	[tilespmem:s14+$0x12620] =	vst v4  }
0x20a: {  	v4 =	vld [tilespmem:s18+$0xA630];
	_ =	sdelay $0x3  }
0x20b: {  	s21 =	spop (v2sf)  }
0x20c: {  	s18 =	sand.u32 $0x1, s21;
	v4 =	vmul.f32 s19, v4  }
0x20d: {  	s18 =	sshll.u32 s18, $0x6  }
0x20e: {  	s18 =	sadd.s32 s14, s18;
	[tilespmem:s14+$0x12630] =	vst v4  }
0x20f: {  	v4 =	vld [tilespmem:s18+$0xA680]  }
0x210: {  	s20 =	spop (v2sf)  }
0x211: {  	s21 =	spop (v2sf)  }
0x212: {  	s19 =	smul.f32 s21, s20;
	_ =	sdelay $0x1  }
0x213: {  	v4 =	vmul.f32 s19, v4;
	_ =	sdelay $0x1  }
0x214: {  	[tilespmem:s14+$0x12680] =	vst v4  }
0x215: {  	v4 =	vld [tilespmem:s18+$0xA690];
	_ =	sdelay $0x4  }
0x216: {  	(v2sf) =	vpush v3, $0x2;
	v4 =	vmul.f32 s19, v4;
	_ =	sdelay $0x1  }
0x217: {  	[tilespmem:s14+$0x12690] =	vst v4  }
0x218: {  	v4 =	vld [tilespmem:s18+$0xA6A0];
	_ =	sdelay $0x1  }
0x219: {  	(v2sf) =	vpush v1, $0x2  }
0x21a: {  	(v2sf) =	vpush v2, $0x2;
	_ =	sdelay $0x1  }
0x21b: {  	v4 =	vmul.f32 s19, v4;
	_ =	sdelay $0x1  }
0x21c: {  	[tilespmem:s14+$0x126A0] =	vst v4  }
0x21d: {  	v4 =	vld [tilespmem:s18+$0xA6B0];
	_ =	sdelay $0x3  }
0x21e: {  	s21 =	spop (v2sf)  }
0x21f: {  	s18 =	sand.u32 $0x1, s21;
	v4 =	vmul.f32 s19, v4  }
0x220: {  	s18 =	sshll.u32 s18, $0x6  }
0x221: {  	s18 =	sadd.s32 s14, s18;
	[tilespmem:s14+$0x126B0] =	vst v4  }
0x222: {  	v4 =	vld [tilespmem:s18+$0xA700]  }
0x223: {  	s20 =	spop (v2sf)  }
0x224: {  	s21 =	spop (v2sf)  }
0x225: {  	s19 =	smul.f32 s21, s20;
	_ =	sdelay $0x1  }
0x226: {  	v4 =	vmul.f32 s19, v4;
	_ =	sdelay $0x1  }
0x227: {  	[tilespmem:s14+$0x12700] =	vst v4  }
0x228: {  	v4 =	vld [tilespmem:s18+$0xA710];
	_ =	sdelay $0x4  }
0x229: {  	(v2sf) =	vpush v3, $0x3;
	v4 =	vmul.f32 s19, v4;
	_ =	sdelay $0x1  }
0x22a: {  	[tilespmem:s14+$0x12710] =	vst v4  }
0x22b: {  	v4 =	vld [tilespmem:s18+$0xA720];
	_ =	sdelay $0x1  }
0x22c: {  	(v2sf) =	vpush v1, $0x3  }
0x22d: {  	(v2sf) =	vpush v2, $0x3;
	_ =	sdelay $0x1  }
0x22e: {  	v4 =	vmul.f32 s19, v4;
	_ =	sdelay $0x1  }
0x22f: {  	[tilespmem:s14+$0x12720] =	vst v4  }
0x230: {  	v4 =	vld [tilespmem:s18+$0xA730];
	_ =	sdelay $0x3  }
0x231: {  	s21 =	spop (v2sf)  }
0x232: {  	s18 =	sand.u32 $0x1, s21;
	v4 =	vmul.f32 s19, v4  }
0x233: {  	s18 =	sshll.u32 s18, $0x6  }
0x234: {  	s18 =	sadd.s32 s14, s18;
	[tilespmem:s14+$0x12730] =	vst v4  }
0x235: {  	v4 =	vld [tilespmem:s18+$0xA780]  }
0x236: {  	s20 =	spop (v2sf)  }
0x237: {  	s21 =	spop (v2sf)  }
0x238: {  	s19 =	smul.f32 s21, s20;
	_ =	sdelay $0x1  }
0x239: {  	v4 =	vmul.f32 s19, v4;
	_ =	sdelay $0x1  }
0x23a: {  	[tilespmem:s14+$0x12780] =	vst v4  }
0x23b: {  	v4 =	vld [tilespmem:s18+$0xA790];
	_ =	sdelay $0x4  }
0x23c: {  	(v2sf) =	vpush v3, $0x4;
	v4 =	vmul.f32 s19, v4;
	_ =	sdelay $0x1  }
0x23d: {  	[tilespmem:s14+$0x12790] =	vst v4  }
0x23e: {  	v4 =	vld [tilespmem:s18+$0xA7A0];
	_ =	sdelay $0x1  }
0x23f: {  	(v2sf) =	vpush v1, $0x4  }
0x240: {  	(v2sf) =	vpush v2, $0x4;
	_ =	sdelay $0x1  }
0x241: {  	v4 =	vmul.f32 s19, v4;
	_ =	sdelay $0x1  }
0x242: {  	[tilespmem:s14+$0x127A0] =	vst v4  }
0x243: {  	v4 =	vld [tilespmem:s18+$0xA7B0];
	_ =	sdelay $0x3  }
0x244: {  	s21 =	spop (v2sf)  }
0x245: {  	s18 =	sand.u32 $0x1, s21;
	v4 =	vmul.f32 s19, v4  }
0x246: {  	s18 =	sshll.u32 s18, $0x6  }
0x247: {  	s18 =	sadd.s32 s14, s18;
	[tilespmem:s14+$0x127B0] =	vst v4  }
0x248: {  	v4 =	vld [tilespmem:s18+$0xA800]  }
0x249: {  	s20 =	spop (v2sf)  }
0x24a: {  	s21 =	spop (v2sf)  }
0x24b: {  	s19 =	smul.f32 s21, s20;
	_ =	sdelay $0x1  }
0x24c: {  	v4 =	vmul.f32 s19, v4;
	_ =	sdelay $0x1  }
0x24d: {  	[tilespmem:s14+$0x12800] =	vst v4  }
0x24e: {  	v4 =	vld [tilespmem:s18+$0xA810];
	_ =	sdelay $0x4  }
0x24f: {  	(v2sf) =	vpush v3, $0x5;
	v4 =	vmul.f32 s19, v4;
	_ =	sdelay $0x1  }
0x250: {  	[tilespmem:s14+$0x12810] =	vst v4  }
0x251: {  	v4 =	vld [tilespmem:s18+$0xA820];
	_ =	sdelay $0x1  }
0x252: {  	(v2sf) =	vpush v1, $0x5  }
0x253: {  	(v2sf) =	vpush v2, $0x5;
	_ =	sdelay $0x1  }
0x254: {  	v4 =	vmul.f32 s19, v4;
	_ =	sdelay $0x1  }
0x255: {  	[tilespmem:s14+$0x12820] =	vst v4  }
0x256: {  	v4 =	vld [tilespmem:s18+$0xA830];
	_ =	sdelay $0x3  }
0x257: {  	s21 =	spop (v2sf)  }
0x258: {  	s18 =	sand.u32 $0x1, s21;
	v4 =	vmul.f32 s19, v4  }
0x259: {  	s18 =	sshll.u32 s18, $0x6  }
0x25a: {  	s18 =	sadd.s32 s14, s18;
	[tilespmem:s14+$0x12830] =	vst v4  }
0x25b: {  	v4 =	vld [tilespmem:s18+$0xA880]  }
0x25c: {  	s20 =	spop (v2sf)  }
0x25d: {  	s21 =	spop (v2sf)  }
0x25e: {  	s19 =	smul.f32 s21, s20;
	_ =	sdelay $0x1  }
0x25f: {  	v4 =	vmul.f32 s19, v4;
	_ =	sdelay $0x1  }
0x260: {  	[tilespmem:s14+$0x12880] =	vst v4  }
0x261: {  	v4 =	vld [tilespmem:s18+$0xA890];
	_ =	sdelay $0x4  }
0x262: {  	(v2sf) =	vpush v3, $0x6;
	v4 =	vmul.f32 s19, v4;
	_ =	sdelay $0x1  }
0x263: {  	[tilespmem:s14+$0x12890] =	vst v4  }
0x264: {  	v4 =	vld [tilespmem:s18+$0xA8A0];
	_ =	sdelay $0x1  }
0x265: {  	(v2sf) =	vpush v1, $0x6  }
0x266: {  	(v2sf) =	vpush v2, $0x6;
	_ =	sdelay $0x1  }
0x267: {  	v4 =	vmul.f32 s19, v4;
	_ =	sdelay $0x1  }
0x268: {  	[tilespmem:s14+$0x128A0] =	vst v4  }
0x269: {  	v4 =	vld [tilespmem:s18+$0xA8B0];
	_ =	sdelay $0x3  }
0x26a: {  	s21 =	spop (v2sf)  }
0x26b: {  	s18 =	sand.u32 $0x1, s21;
	v4 =	vmul.f32 s19, v4  }
0x26c: {  	s18 =	sshll.u32 s18, $0x6  }
0x26d: {  	s18 =	sadd.s32 s14, s18;
	[tilespmem:s14+$0x128B0] =	vst v4  }
0x26e: {  	v4 =	vld [tilespmem:s18+$0xA900]  }
0x26f: {  	s20 =	spop (v2sf)  }
0x270: {  	s21 =	spop (v2sf)  }
0x271: {  	s19 =	smul.f32 s21, s20;
	_ =	sdelay $0x1  }
0x272: {  	v4 =	vmul.f32 s19, v4;
	_ =	sdelay $0x1  }
0x273: {  	[tilespmem:s14+$0x12900] =	vst v4  }
0x274: {  	v4 =	vld [tilespmem:s18+$0xA910];
	_ =	sdelay $0x4  }
0x275: {  	(v2sf) =	vpush v3, $0x7;
	v4 =	vmul.f32 s19, v4;
	_ =	sdelay $0x1  }
0x276: {  	[tilespmem:s14+$0x12910] =	vst v4  }
0x277: {  	v4 =	vld [tilespmem:s18+$0xA920];
	_ =	sdelay $0x1  }
0x278: {  	(v2sf) =	vpush v1, $0x7  }
0x279: {  	(v2sf) =	vpush v2, $0x7;
	_ =	sdelay $0x1  }
0x27a: {  	v4 =	vmul.f32 s19, v4;
	_ =	sdelay $0x1  }
0x27b: {  	[tilespmem:s14+$0x12920] =	vst v4  }
0x27c: {  	v4 =	vld [tilespmem:s18+$0xA930];
	_ =	sdelay $0x3  }
0x27d: {  	s21 =	spop (v2sf)  }
0x27e: {  	s18 =	sand.u32 $0x1, s21;
	v4 =	vmul.f32 s19, v4  }
0x27f: {  	s18 =	sshll.u32 s18, $0x6  }
0x280: {  	s18 =	sadd.s32 s14, s18;
	[tilespmem:s14+$0x12930] =	vst v4  }
0x281: {  	v4 =	vld [tilespmem:s18+$0xA980]  }
0x282: {  	s20 =	spop (v2sf)  }
0x283: {  	s21 =	spop (v2sf)  }
0x284: {  	s19 =	smul.f32 s21, s20;
	_ =	sdelay $0x1  }
0x285: {  	v4 =	vmul.f32 s19, v4;
	_ =	sdelay $0x1  }
0x286: {  	[tilespmem:s14+$0x12980] =	vst v4  }
0x287: {  	v4 =	vld [tilespmem:s18+$0xA990];
	_ =	sdelay $0x4  }
0x288: {  	(v2sf) =	vpush v3, $0x8;
	v4 =	vmul.f32 s19, v4;
	_ =	sdelay $0x1  }
0x289: {  	[tilespmem:s14+$0x12990] =	vst v4  }
0x28a: {  	v4 =	vld [tilespmem:s18+$0xA9A0];
	_ =	sdelay $0x1  }
0x28b: {  	(v2sf) =	vpush v1, $0x8  }
0x28c: {  	(v2sf) =	vpush v2, $0x8;
	_ =	sdelay $0x1  }
0x28d: {  	v4 =	vmul.f32 s19, v4;
	_ =	sdelay $0x1  }
0x28e: {  	[tilespmem:s14+$0x129A0] =	vst v4  }
0x28f: {  	v4 =	vld [tilespmem:s18+$0xA9B0];
	_ =	sdelay $0x3  }
0x290: {  	s21 =	spop (v2sf)  }
0x291: {  	s18 =	sand.u32 $0x1, s21;
	v4 =	vmul.f32 s19, v4  }
0x292: {  	s18 =	sshll.u32 s18, $0x6  }
0x293: {  	s18 =	sadd.s32 s14, s18;
	[tilespmem:s14+$0x129B0] =	vst v4  }
0x294: {  	v4 =	vld [tilespmem:s18+$0xAA00]  }
0x295: {  	s20 =	spop (v2sf)  }
0x296: {  	s21 =	spop (v2sf)  }
0x297: {  	s19 =	smul.f32 s21, s20;
	_ =	sdelay $0x1  }
0x298: {  	v4 =	vmul.f32 s19, v4;
	_ =	sdelay $0x1  }
0x299: {  	[tilespmem:s14+$0x12A00] =	vst v4  }
0x29a: {  	v4 =	vld [tilespmem:s18+$0xAA10];
	_ =	sdelay $0x4  }
0x29b: {  	(v2sf) =	vpush v3, $0x9;
	v4 =	vmul.f32 s19, v4;
	_ =	sdelay $0x1  }
0x29c: {  	[tilespmem:s14+$0x12A10] =	vst v4  }
0x29d: {  	v4 =	vld [tilespmem:s18+$0xAA20];
	_ =	sdelay $0x1  }
0x29e: {  	(v2sf) =	vpush v1, $0x9  }
0x29f: {  	(v2sf) =	vpush v2, $0x9;
	_ =	sdelay $0x1  }
0x2a0: {  	v4 =	vmul.f32 s19, v4;
	_ =	sdelay $0x1  }
0x2a1: {  	[tilespmem:s14+$0x12A20] =	vst v4  }
0x2a2: {  	v4 =	vld [tilespmem:s18+$0xAA30];
	_ =	sdelay $0x3  }
0x2a3: {  	s21 =	spop (v2sf)  }
0x2a4: {  	s18 =	sand.u32 $0x1, s21;
	v4 =	vmul.f32 s19, v4  }
0x2a5: {  	s18 =	sshll.u32 s18, $0x6  }
0x2a6: {  	s18 =	sadd.s32 s14, s18;
	[tilespmem:s14+$0x12A30] =	vst v4  }
0x2a7: {  	v4 =	vld [tilespmem:s18+$0xAA80]  }
0x2a8: {  	s20 =	spop (v2sf)  }
0x2a9: {  	s21 =	spop (v2sf)  }
0x2aa: {  	s19 =	smul.f32 s21, s20;
	_ =	sdelay $0x1  }
0x2ab: {  	v4 =	vmul.f32 s19, v4;
	_ =	sdelay $0x1  }
0x2ac: {  	[tilespmem:s14+$0x12A80] =	vst v4  }
0x2ad: {  	v4 =	vld [tilespmem:s18+$0xAA90];
	_ =	sdelay $0x4  }
0x2ae: {  	(v2sf) =	vpush v3, $0xA;
	v4 =	vmul.f32 s19, v4;
	_ =	sdelay $0x1  }
0x2af: {  	[tilespmem:s14+$0x12A90] =	vst v4  }
0x2b0: {  	v4 =	vld [tilespmem:s18+$0xAAA0];
	_ =	sdelay $0x1  }
0x2b1: {  	(v2sf) =	vpush v1, $0xA  }
0x2b2: {  	(v2sf) =	vpush v2, $0xA;
	_ =	sdelay $0x1  }
0x2b3: {  	v4 =	vmul.f32 s19, v4;
	_ =	sdelay $0x1  }
0x2b4: {  	[tilespmem:s14+$0x12AA0] =	vst v4  }
0x2b5: {  	v4 =	vld [tilespmem:s18+$0xAAB0];
	_ =	sdelay $0x3  }
0x2b6: {  	s21 =	spop (v2sf)  }
0x2b7: {  	s18 =	sand.u32 $0x1, s21;
	v4 =	vmul.f32 s19, v4  }
0x2b8: {  	s18 =	sshll.u32 s18, $0x6  }
0x2b9: {  	s18 =	sadd.s32 s14, s18;
	[tilespmem:s14+$0x12AB0] =	vst v4  }
0x2ba: {  	v4 =	vld [tilespmem:s18+$0xAB00]  }
0x2bb: {  	s20 =	spop (v2sf)  }
0x2bc: {  	s21 =	spop (v2sf)  }
0x2bd: {  	s19 =	smul.f32 s21, s20;
	_ =	sdelay $0x1  }
0x2be: {  	v4 =	vmul.f32 s19, v4;
	_ =	sdelay $0x1  }
0x2bf: {  	[tilespmem:s14+$0x12B00] =	vst v4  }
0x2c0: {  	v4 =	vld [tilespmem:s18+$0xAB10];
	_ =	sdelay $0x4  }
0x2c1: {  	(v2sf) =	vpush v3, $0xB;
	v4 =	vmul.f32 s19, v4;
	_ =	sdelay $0x1  }
0x2c2: {  	[tilespmem:s14+$0x12B10] =	vst v4  }
0x2c3: {  	v4 =	vld [tilespmem:s18+$0xAB20];
	_ =	sdelay $0x1  }
0x2c4: {  	(v2sf) =	vpush v1, $0xB  }
0x2c5: {  	(v2sf) =	vpush v2, $0xB;
	_ =	sdelay $0x1  }
0x2c6: {  	v4 =	vmul.f32 s19, v4;
	_ =	sdelay $0x1  }
0x2c7: {  	[tilespmem:s14+$0x12B20] =	vst v4  }
0x2c8: {  	v4 =	vld [tilespmem:s18+$0xAB30];
	_ =	sdelay $0x3  }
0x2c9: {  	s21 =	spop (v2sf)  }
0x2ca: {  	s18 =	sand.u32 $0x1, s21;
	v4 =	vmul.f32 s19, v4  }
0x2cb: {  	s18 =	sshll.u32 s18, $0x6  }
0x2cc: {  	s18 =	sadd.s32 s14, s18;
	[tilespmem:s14+$0x12B30] =	vst v4  }
0x2cd: {  	v4 =	vld [tilespmem:s18+$0xAB80]  }
0x2ce: {  	s20 =	spop (v2sf)  }
0x2cf: {  	s21 =	spop (v2sf)  }
0x2d0: {  	s19 =	smul.f32 s21, s20;
	_ =	sdelay $0x1  }
0x2d1: {  	v4 =	vmul.f32 s19, v4;
	_ =	sdelay $0x1  }
0x2d2: {  	[tilespmem:s14+$0x12B80] =	vst v4  }
0x2d3: {  	v4 =	vld [tilespmem:s18+$0xAB90];
	_ =	sdelay $0x4  }
0x2d4: {  	(v2sf) =	vpush v3, $0xC;
	v4 =	vmul.f32 s19, v4;
	_ =	sdelay $0x1  }
0x2d5: {  	[tilespmem:s14+$0x12B90] =	vst v4  }
0x2d6: {  	v4 =	vld [tilespmem:s18+$0xABA0];
	_ =	sdelay $0x1  }
0x2d7: {  	(v2sf) =	vpush v1, $0xC  }
0x2d8: {  	(v2sf) =	vpush v2, $0xC;
	_ =	sdelay $0x1  }
0x2d9: {  	v4 =	vmul.f32 s19, v4;
	_ =	sdelay $0x1  }
0x2da: {  	[tilespmem:s14+$0x12BA0] =	vst v4  }
0x2db: {  	v4 =	vld [tilespmem:s18+$0xABB0];
	_ =	sdelay $0x3  }
0x2dc: {  	s21 =	spop (v2sf)  }
0x2dd: {  	s18 =	sand.u32 $0x1, s21;
	v4 =	vmul.f32 s19, v4  }
0x2de: {  	s18 =	sshll.u32 s18, $0x6  }
0x2df: {  	s18 =	sadd.s32 s14, s18;
	[tilespmem:s14+$0x12BB0] =	vst v4  }
0x2e0: {  	v4 =	vld [tilespmem:s18+$0xAC00]  }
0x2e1: {  	s20 =	spop (v2sf)  }
0x2e2: {  	s21 =	spop (v2sf)  }
0x2e3: {  	s19 =	smul.f32 s21, s20;
	_ =	sdelay $0x1  }
0x2e4: {  	v4 =	vmul.f32 s19, v4;
	_ =	sdelay $0x1  }
0x2e5: {  	[tilespmem:s14+$0x12C00] =	vst v4  }
0x2e6: {  	v4 =	vld [tilespmem:s18+$0xAC10];
	_ =	sdelay $0x4  }
0x2e7: {  	(v2sf) =	vpush v3, $0xD;
	v4 =	vmul.f32 s19, v4;
	_ =	sdelay $0x1  }
0x2e8: {  	[tilespmem:s14+$0x12C10] =	vst v4  }
0x2e9: {  	v4 =	vld [tilespmem:s18+$0xAC20];
	_ =	sdelay $0x1  }
0x2ea: {  	(v2sf) =	vpush v1, $0xD  }
0x2eb: {  	(v2sf) =	vpush v2, $0xD;
	_ =	sdelay $0x1  }
0x2ec: {  	v4 =	vmul.f32 s19, v4;
	_ =	sdelay $0x1  }
0x2ed: {  	[tilespmem:s14+$0x12C20] =	vst v4  }
0x2ee: {  	v4 =	vld [tilespmem:s18+$0xAC30];
	_ =	sdelay $0x3  }
0x2ef: {  	s21 =	spop (v2sf)  }
0x2f0: {  	s18 =	sand.u32 $0x1, s21;
	v4 =	vmul.f32 s19, v4  }
0x2f1: {  	s18 =	sshll.u32 s18, $0x6  }
0x2f2: {  	s18 =	sadd.s32 s14, s18;
	[tilespmem:s14+$0x12C30] =	vst v4  }
0x2f3: {  	v4 =	vld [tilespmem:s18+$0xAC80]  }
0x2f4: {  	s20 =	spop (v2sf)  }
0x2f5: {  	s21 =	spop (v2sf)  }
0x2f6: {  	s19 =	smul.f32 s21, s20;
	_ =	sdelay $0x1  }
0x2f7: {  	v4 =	vmul.f32 s19, v4;
	_ =	sdelay $0x1  }
0x2f8: {  	[tilespmem:s14+$0x12C80] =	vst v4  }
0x2f9: {  	v4 =	vld [tilespmem:s18+$0xAC90];
	_ =	sdelay $0x4  }
0x2fa: {  	(v2sf) =	vpush v3, $0xE;
	v4 =	vmul.f32 s19, v4;
	_ =	sdelay $0x1  }
0x2fb: {  	[tilespmem:s14+$0x12C90] =	vst v4  }
0x2fc: {  	v4 =	vld [tilespmem:s18+$0xACA0];
	_ =	sdelay $0x1  }
0x2fd: {  	(v2sf) =	vpush v1, $0xE  }
0x2fe: {  	(v2sf) =	vpush v2, $0xE;
	_ =	sdelay $0x1  }
0x2ff: {  	v4 =	vmul.f32 s19, v4;
	_ =	sdelay $0x1  }
0x300: {  	[tilespmem:s14+$0x12CA0] =	vst v4  }
0x301: {  	v4 =	vld [tilespmem:s18+$0xACB0];
	_ =	sdelay $0x3  }
0x302: {  	s21 =	spop (v2sf)  }
0x303: {  	s18 =	sand.u32 $0x1, s21;
	v4 =	vmul.f32 s19, v4  }
0x304: {  	s18 =	sshll.u32 s18, $0x6  }
0x305: {  	s18 =	sadd.s32 s14, s18;
	[tilespmem:s14+$0x12CB0] =	vst v4  }
0x306: {  	v4 =	vld [tilespmem:s18+$0xAD00]  }
0x307: {  	s20 =	spop (v2sf)  }
0x308: {  	s21 =	spop (v2sf)  }
0x309: {  	s19 =	smul.f32 s21, s20;
	_ =	sdelay $0x1  }
0x30a: {  	v4 =	vmul.f32 s19, v4;
	_ =	sdelay $0x1  }
0x30b: {  	[tilespmem:s14+$0x12D00] =	vst v4  }
0x30c: {  	v4 =	vld [tilespmem:s18+$0xAD10];
	_ =	sdelay $0x4  }
0x30d: {  	(v2sf) =	vpush v3, $0xF;
	v4 =	vmul.f32 s19, v4;
	_ =	sdelay $0x1  }
0x30e: {  	[tilespmem:s14+$0x12D10] =	vst v4  }
0x30f: {  	v3 =	vld [tilespmem:s18+$0xAD20];
	_ =	sdelay $0x1  }
0x310: {  	(v2sf) =	vpush v1, $0xF  }
0x311: {  	(v2sf) =	vpush v2, $0xF;
	_ =	sdelay $0x1  }
0x312: {  	v1 =	vmul.f32 s19, v3;
	_ =	sdelay $0x1  }
0x313: {  	[tilespmem:s14+$0x12D20] =	vst v1  }
0x314: {  	v1 =	vld [tilespmem:s18+$0xAD30];
	_ =	sdelay $0x3  }
0x315: {  	s21 =	spop (v2sf)  }
0x316: {  	s18 =	sand.u32 $0x1, s21;
	v1 =	vmul.f32 s19, v1  }
0x317: {  	s18 =	sshll.u32 s18, $0x6  }
0x318: {  	s18 =	sadd.s32 s14, s18;
	[tilespmem:s14+$0x12D30] =	vst v1  }
0x319: {  	v1 =	vld [tilespmem:s18+$0xAD80]  }
0x31a: {  	s20 =	spop (v2sf)  }
0x31b: {  	s21 =	spop (v2sf)  }
0x31c: {  	s19 =	smul.f32 s21, s20;
	_ =	sdelay $0x1  }
0x31d: {  	v1 =	vmul.f32 s19, v1;
	_ =	sdelay $0x1  }
0x31e: {  	[tilespmem:s14+$0x12D80] =	vst v1  }
0x31f: {  	v1 =	vld [tilespmem:s18+$0xAD90];
	_ =	sdelay $0x4  }
0x320: {  	v1 =	vmul.f32 s19, v1;
	_ =	sdelay $0x1  }
0x321: {  	[tilespmem:s14+$0x12D90] =	vst v1  }
0x322: {  	v1 =	vld [tilespmem:s18+$0xADA0];
	_ =	sdelay $0x4  }
0x323: {  	v1 =	vmul.f32 s19, v1;
	_ =	sdelay $0x1  }
0x324: {  	[tilespmem:s14+$0x12DA0] =	vst v1  }
0x325: {  	v1 =	vld [tilespmem:s18+$0xADB0];
	_ =	sdelay $0x1  }
0x326: {  	p0 =	sne.s32 s8, $0xE000  }
.Ltmp1:
0x327: {  	_ = 	snop;
	(pc) =	sbr.rel @p0 .LBB2_5-.Ltmp1, $4  }
0x328: {  	_ = 	snop  }
0x329: {  	v1 =	vmul.f32 s19, v1  }
0x32a: {  	s10 =	sadd.s32 $0x10, s10  }
0x32b: {  	s1 =	sadd.s32 $0x10, s1;
	s11 =	sadd.s32 $0x10, s11;
	s8 =	sadd.s32 $0x2000, s8;
	[tilespmem:s14+$0x12DB0] =	vst v1  }
0x32c: {  	s15 =	sadd.s32 $0x1, s15  }
0x32d: {  	p0 =	sne.s32 s15, $0x64  }
.Ltmp2:
0x32e: {  	_ = 	snop;
	(pc) =	sbr.rel @p0 .LBB2_2-.Ltmp2, $4  }
0x32f: {  	s1 =	sadd.s32 s4, s16  }
0x330: {  	s1 =	sshll.u32 s1, $0x4  }
0x331: {  	s12 =	sadd.s32 $0x100, s12;
	s13 =	sadd.s32 $0x100, s13;
	s1 =	sadd.s32 s7, s1  }
0x332: {  	[hbm4b:s1+s3] =	stream.linear.scatter [tilespmem:s31], [sflag:$0x8], $0x4000, $0x38;
	[tilespmem:$0x16800] =	vst v63  }
0x333: {  	s1 =	simm.s32 $0x7  }
0x334: {  	_ =	swait.ge [sflag:s1], $0x4000  }
0x335: {  	[sflag:s1] =	ssyncset.done $0x0  }
0x336: {  	[sflag:s1] =	ssyncadd.s32 $0xFFFFC000  }
0x337: {  	_ =	swait.ge [sflag:s0], $0x4000  }
0x338: {  	s8 =	rddreg [dreg:$0x5]  }
0x339: {  	s21 =	rddreg [dreg:$0x4];
	s8 =	sadd.s32 $0x1, s8  }
0x33a: {  	p0 =	sne.s32 s8, s21  }
.Ltmp3:
0x33b: {  	_ = 	snop;
	(pc) =	sbr.rel @p0 .LBB2_1-.Ltmp3, $3  }
0x33c: {  	_ =	sdelay $0x1  }
0x33d: {  	[sflag:s0] =	ssyncset.done $0x0  }
0x33e: {  	[sflag:s0] =	ssyncadd.s32 $0xFFFFC000  }
0x33f: {  	_ =	sfence.sel $0x180000  }
0x340: {  	[bflag:$0x0] =	sbarrier.arrive $0xFFFF  }
0x341: {  	_ =	strace $0x9000004A  }
0x342: {  	s0 =	stileid.u32;
	[bflag:$0x2] =	sbarrier.arrive $0xFFFF  }
0x343: {  	p0 =	sne.s32 s0, $0x0;
	s0 =	rddreg [dreg:$0x2]  }
0x344: {  	s0 =	sadd.s32 @!p0 $0x100000, s0  }
0x345: {  	[sflag:s0] =	ssyncadd.tile.s32 @!p0 $0x1;
	_ =	shalt  }
.Lfunc_end2:
_tile_overlayer_lowered:
.L_overlay_start_2:
0x346: {  	(tag) =	ssettag $0x2  }
0x347: {  	s0 =	rddreg [dreg:$0x0];
	s2 =	stileid.u32  }
0x348: {  	s1 =	rddreg [dreg:$0x1];
	p0 =	sne.s32 s2, $0x0  }
0x349: {  	s3 =	rddreg [dreg:$0x2];
	[bflag:$0x3] =	sbarrier.arrive $0xFFFF;
	s2 =	simm.s32 @!p0 $0x1C09  }
0x34a: {  	[timem:s3], [sflag:s2] =	dma.local @!p0 [hbm:s0], s1  }
0x34b: {  	s0 =	simm.s32 @!p0 $0x9  }
0x34c: {  	_ =	swait.ge @!p0 [sflag:s0], s1  }
0x34d: {  	s1 =	ssub.s32 @!p0 $0x0, s1;
	[sflag:s0] =	ssyncset.done @!p0 $0x0  }
0x34e: {  	[sflag:s0] =	ssyncadd.s32 @!p0 s1  }
0x34f: {  	[bflag:$0x3] =	sbarrier.arrive $0xFFFF  }
0x350: {  	_ =	shalt  }

// kernel: sparse-core-data-format-call.cloned.1.call-start
scs
called_computation_lowered:
.L_overlay_start_0:
0x0: {  	s2 =	sld [smem:$0x3FD9]  }
0x1: {  	s3 =	sld [smem:$0x3FFE];
	_ =	sdelay $0x1  }
0x2: {  	s1 =	srdreg.scid  }
0x3: {  	s0 =	sand.u32 $0x1, s1  }
0x4: {  	s18 =	sshll.u32 s0, $0xA;
	s2 =	sadd.s32 s3, s2  }
0x5: {  	s2 =	sadd.s32 s2, s18  }
0x6: {  	[smem:$0x3FC6] =	sst s2  }
0x7: {  	_ = 	snop  }
0x8: {  	s2 =	sld [smem:$0x3FD0];
	(tm) =	ssettm $0x1  }
0x9: {  	s19 =	sld [smem:$0x3FFB];
	_ =	sdelay $0x3  }
0xa: {  	_ =	strace s19  }
0xb: {  	s3 =	sld [smem:$0x3FFC];
	_ =	sdelay $0x3  }
0xc: {  	_ =	strace s3  }
0xd: {  	s3 =	sld [smem:$0x3FFD];
	_ =	sdelay $0x3  }
0xe: {  	_ =	strace s3  }
0xf: {  	_ =	strace $0x8FFFFFFF  }
0x10: {  	s20 =	sld [smem:$0x3FDB];
	_ =	sdelay $0x1  }
0x11: {  	s4 =	simm.s32 $_scs_section_size  }
0x12: {  	s5 =	simm.s32 $_size__tile_overlayer_lowered;
	s6 =	simm.s32 $_tile_overlayer_lowered  }
0x13: {  	s23 =	simm.s32 $0x1BFF;
	s22 =	sshll.u32 s6, $0x1;
	s3 =	sadd.s32 s4, s20  }
0x14: {  	s7 =	simm.s32 $0x0;
	s21 =	sshll.u32 s5, $0x1;
	s5 =	sadd.s32 s22, s3  }
0x15: {  	[timem:s7], [sflag:s23] =	dma.local [hbm:s5], s21  }
0x16: {  	_ =	swait.ge [sflag:s23], s21  }
0x17: {  	s4 =	ssub.s32 $0x0, s21;
	[sflag:s23] =	ssyncset.done $0x0  }
0x18: {  	[sflag:s23] =	ssyncadd.s32 s4;
	_ =	sdelay $0x1  }
0x19: {  	s24 =	simm.s32 $0x1B8B  }
0x1a: {  	_ =	swait.ge [sflag:s24], $0x1  }
0x1b: {  	[sflag:s24] =	ssyncset.done $0x0  }
0x1c: {  	s26 =	simm.s32 $0x1B8E;
	s25 =	sld [smem:$0x3FFE];
	[sflag:s24] =	ssyncadd.s32 $0xFFFFFFFF  }
0x1d: {  	s27 =	simm.s32 $execute0_lowered;
	[smem:$0x3FD2] =	sst s26  }
0x1e: {  	s5 =	sshll.u32 s27, $0x1;
	_ =	strace $0x8000004C;
	[dreg:$0x1] =	wrdreg $0xFFFFFFFF  }
0x1f: {  	s28 =	simm.s32 $_size_execute0_lowered;
	s3 =	sadd.s32 s3, s5;
	[dreg:$0x0] =	wrdreg $0x0  }
0x20: {  	s5 =	sshll.u32 s28, $0x1;
	[dreg:$0x2] =	wrdreg s3  }
0x21: {  	[dreg:$0x3] =	wrdreg s5  }
0x22: {  	[dreg:$0x4] =	wrdreg $0xC0  }
0x23: {  	_ =	task [dreg:s7], $0x5FFFF  }
0x24: {  	[dreg:$0x1] =	wrdreg $0xFFFFFFFF  }
0x25: {  	[dreg:$0x0] =	wrdreg $0x60  }
0x26: {  	[dreg:$0x2] =	wrdreg s25  }
0x27: {  	[dreg:$0x3] =	wrdreg s2  }
0x28: {  	[dreg:$0x4] =	wrdreg $0x9  }
0x29: {  	_ =	task.clear_ibuf [dreg:s7], $0x5FFFF;
	_ =	strace $0x9000004C  }
0x2a: {  	s29 =	simm.s32 $0x9;
	_ =	strace $0x8000004E  }
0x2b: {  	_ =	swait.ge [sflag:s29], $0x1  }
0x2c: {  	[sflag:s29] =	ssyncadd.s32 $0xFFFFFFFF  }
0x2d: {  	_ =	strace $0x9000004E  }
0x2e: {  	_ =	sfence  }
0x2f: {  	s30 =	sld [smem:$0x0];
	_ =	sdelay $0x2  }
0x30: {  	s31 =	sshll.u32 s1, $0xD;
	s1 =	sshrl.u32 s1, $0x2  }
0x31: {  	s3 =	sand.u32 $0x4000, s31;
	s1 =	sadd.s32 s1, s30  }
0x32: {  	s0 =	sor.u32 s3, s0;
	s1 =	sshll.u32 s1, $0x11  }
0x33: {  	s0 =	sor.u32 s1, s0  }
0x34: {  	s0 =	sadd.s32 $0x8F2B, s0  }
0x35: {  	[sflag:s0] =	ssyncadd.remote.s32 $0x1  }
0x36: {  	_ =	sfence.sel $0xFFFF  }
0x37: {  	[dreg:$0x0] =	wrdreg $0xFFFFFFFF;
	(pc) =	sbr.abs _section_cstart, $3  }
0x38: {  	[dreg:$0x1] =	wrdreg $0xFFFFFFFF  }
0x39: {  	_ =	task.clear_ibuf [dreg:s7], $0x2FFFF;
	_ =	strace $0x9FFFFFFF  }
0x3a: {  	(tm) =	ssettm $0x7FFFFFFF  }
0x3b: {  	_ =	shalt  }
tec
execute0_lowered:
.L_overlay_start_1:
0x0: {  	(tag) =	ssettag $0x1  }
0x1: {  	s0 =	srdreg.scid  }
0x2: {  	s1 =	sshll.u32 s0, $0x4  }
0x3: {  	s0 =	stileid.u32;
	s1 =	sand.u32 $0x10, s1  }
0x4: {  	s1 =	sor.u32 s0, s1  }
0x5: {  	s6 =	rddreg [dreg:$0x0];
	s4 =	simm.s32 $0x1;
	s2 =	sshll.u32 s1, $0x7  }
0x6: {  	s7 =	simm.s32 $0x2;
	s12 =	simm.s32 $0x0;
	s1 =	ssub.s32 $0x1000, s2  }
0x7: {  	s8 =	simm.s32 $0x8000;
	s13 =	simm.s32 $0x0;
	s3 =	sand.u32 $0xF80, s1  }
0x8: {  	s9 =	simm.s32 $0x0;
	s5 =	sshrl.u32 s1, $0xC;
	p0 =	sne.s32 s3, $0x0  }
.Ltmp0:
0x9: {  	s1 =	rddreg [dreg:$0x2];
	s4 =	simm.s32 @!p0 $0x0;
	(pc) =	sbr.rel .LBB1_1-.Ltmp0, $4  }
0xa: {  	s11 =	simm.s32 $0x0;
	s3 =	rddreg [dreg:$0x1];
	s5 =	sadd.s32 s4, s5  }
0xb: {  	_ =	strace $0x8000004D;
	s4 =	simm.s32 $0x1;
	s5 =	smul.u32 $0xC8, s5  }
0xc: {  	s6 =	sadd.s32 $0x38C00, s6;
	s10 =	smov.u32 s2;
	[sflag:s4] =	ssyncpa.u1 $0x0  }
0xd: {  	p0 =	por $0x0, $0x0;
	[sflag:s7] =	ssyncpa.u1 $0x0;
	s7 =	sor.u32 $0x1, s5  }
.LBB1_4:
0xe: {  	s16 =	sshll.u32 s13, $0x3;
	s17 =	sand.u32 $0x78, s13  }
0xf: {  	s30 =	sand.u32 $0x7E00, s13;
	s12 =	sshll.u32 s12, $0xF;
	s16 =	sand.u32 $0xC00, s16  }
0x10: {  	[tilespmem:s15+$0x810 ss:$0x81] =	vst.msk $0xffff, v2;
	s31 =	sand.u32 $0x7, s13;
	s16 =	sor.u32 s17, s16;
	s17 =	sadd.s32 s3, s30  }
0x11: {  	[tilespmem:s15+$0x1020 ss:$0x81] =	vst.msk $0xffff, v0;
	s13 =	sshll.u32 s31, $0x12;
	s12 =	sadd.s32 s12, s17;
	s16 =	sshrl.u32 s16, $0x3  }
0x12: {  	[tilespmem:s15+$0x0 ss:$0x81] =	vst.msk $0xffff, v1;
	s13 =	sor.u32 $0x400, s13;
	s12 =	sadd.s32 s16, s12  }
0x13: {  	[hbm4b:s12+s13] =	stream.strided.scatter [tilespmem:s14], [sflag:$0x2], $0x2000, s8, s13, $0x20;
	[tilespmem:$0x8080] =	vst v63  }
.LBB1_5:
0x14: {  	s14 =	sadd.s32 $0x1, s9  }
0x15: {  	s12 =	sadd.s32 $0x1000, s10;
	s16 =	smov.u32 s10;
	p2 =	sgt.s32 s14, $0xC7  }
0x16: {  	s16 =	smov.u32 @p2 s12  }
0x17: {  	s14 =	simm.s32 @p2 $0x0;
	p2 =	sgt.s32 s16, $0xFFF  }
0x18: {  	s16 =	smov.u32 @p2 s2;
	p2 =	sne.s32 s11, s7  }
.Ltmp1:
0x19: {  	p1 =	slt.u32 s11, $0x2;
	(pc) =	sbr.rel @!p2 .LBB1_6-.Ltmp1, $4  }
0x1a: {  	s15 =	simm.s32 @!p1 $0x2  }
0x1b: {  	s13 =	smov.u32 s10;
	p0 =	por !p0, !p0;
	_ =	swait.ge @!p1 [sflag:s15], $0x2000  }
0x1c: {  	s12 =	smov.u32 s9;
	[sflag:s15] =	ssyncset.done @!p1 $0x0;
	s9 =	smov.u32 s14  }
0x1d: {  	s11 =	sadd.s32 $0x1, s11;
	[sflag:s15] =	ssyncadd.s32 @!p1 $0xFFFFE000;
	s10 =	smov.u32 s16  }
.LBB1_1:
0x1e: {  	p1 =	sge.u32 s11, s5  }
0x1f: {  	s14 =	sand.u32 @!p1 $0x1FFFFFF, s9  }
0x20: {  	s15 =	smulhi.u32 @!p1 $0x147AE15, s14;
	_ =	sdelay $0x1  }
0x21: {  	s15 =	smul.u32 @!p1 $0xC8, s15  }
0x22: {  	s16 =	sxor.u32 @!p1 $0xFFFFFFFF, s11;
	s17 =	smul.u32 @!p1 $0xC80, s10  }
0x23: {  	s31 =	sadd.s32 $0xFFFFFFFF, s11;
	s16 =	sshll.u32 @!p1 s16, $0xD;
	s14 =	ssub.s32 @!p1 s14, s15  }
0x24: {  	s15 =	sand.u32 @!p1 $0x2000, s16;
	s16 =	sadd.s32 @!p1 s6, s17;
	s14 =	sshll.u32 @!p1 s14, $0x4  }
0x25: {  	s17 =	simm.s32 @!p1 $0x6400;
	s14 =	sadd.s32 @!p1 s14, s16;
	s16 =	simm.s32 @!p1 $0x40  }
0x26: {  	[tilespmem:s15], [sflag:$0x1] =	stream.strided.gather @!p1 [hbm4b:s14+s16], $0x2000, s17, s16, $0x38;
	[tilespmem:$0x8080] =	vst v63  }
0x27: {  	p1 =	sge.u32 s31, s5  }
.Ltmp2:
0x28: {  	_ = 	snop;
	(pc) =	sbr.rel @p1 .LBB1_5-.Ltmp2, $1  }
0x29: {  	_ =	sdelay $0x3  }
0x2a: {  	s14 =	simm.s32 $0x1  }
0x2b: {  	_ =	swait.ge [sflag:s4], $0x2000;
	s14 =	simm.s32 @!p0 $0x0  }
0x2c: {  	[sflag:s4] =	ssyncset.done $0x0;
	s15 =	sshll.u32 s14, $0xD  }
0x2d: {  	[sflag:s4] =	ssyncadd.s32 $0xFFFFE000;
	s18 =	sor.u32 $0x20, s15  }
0x2e: {  	s14 =	smul.u32 $0x8100, s14;
	v3 =	vld [tilespmem:s18+$0x10]  }
0x2f: {  	s30 =	sand.u32 $0x1, s11;
	v2 =	vld [tilespmem:s18+$0xFFFFFFF0]  }
0x30: {  	s15 =	smul.u32 $0x8100, s30;
	s14 =	sshrl.u32 s14, $0x2;
	v0 =	vld [tilespmem:s18+$0x0]  }
0x31: {  	v1 =	vld [tilespmem:s18+$0xFFFFFFE0];
	s16 =	sor.u32 $0x4000, s14  }
0x32: {  	s31 =	sshrl.u32 s15, $0x2;
	s15 =	sadd.s32 $0x0, s16  }
0x33: {  	s17 =	simm.s32 $0x4;
	s18 =	sadd.s32 $0x40, s18;
	s14 =	sor.u32 $0x4000, s31;
	[tilespmem:s15+$0x1830 ss:$0x81] =	vst.msk $0xffff, v3  }
.LBB1_3:
0x34: {  	v3 =	vld [tilespmem:s18+$0x10];
	p1 =	sne.s32 s17, $0x1FC;
	[tilespmem:s15+$0x810 ss:$0x81] =	vst.msk $0xffff, v2;
	s19 =	smov.u32 s17;
	s17 =	sadd.s32 $0x4, s17  }
.Ltmp3:
0x35: {  	v2 =	vld [tilespmem:s18+$0xFFFFFFF0];
	[tilespmem:s15+$0x1020 ss:$0x81] =	vst.msk $0xffff, v0;
	(pc) =	sbr.rel @p1 .LBB1_3-.Ltmp3, $4  }
0x36: {  	v0 =	vld [tilespmem:s18+$0x0];
	[tilespmem:s15+$0x0 ss:$0x81] =	vst.msk $0xffff, v1  }
0x37: {  	s15 =	sshra.s32 s19, $0x2;
	v1 =	vld [tilespmem:s18+$0xFFFFFFE0]  }
0x38: {  	s15 =	sadd.s32 s15, s16  }
0x39: {  	s18 =	sadd.s32 $0x40, s18;
	[tilespmem:s15+$0x1830 ss:$0x81] =	vst.msk $0xffff, v3  }
.Ltmp4:
0x3a: {  	_ = 	snop;
	(pc) =	sbr.rel .LBB1_4-.Ltmp4, $1  }
0x3b: {  	_ =	sdelay $0x3  }
.LBB1_6:
0x3c: {  	_ =	sfence.sel $0x180000  }
0x3d: {  	s2 =	simm.s32 $0x1;
	[bflag:$0x0] =	sbarrier.arrive $0xFFFF  }
0x3e: {  	s31 =	simm.s32 $0x2;
	[sflag:s2] =	ssyncpa.u1 $0x1  }
0x3f: {  	[sflag:s31] =	ssyncpa.u1 $0x1  }
0x40: {  	p0 =	sne.s32 s0, $0x0;
	_ =	strace $0x9000004D  }
0x41: {  	s0 =	sadd.s32 @!p0 $0x100000, s1;
	[bflag:$0x2] =	sbarrier.arrive $0xFFFF  }
0x42: {  	[sflag:s0] =	ssyncadd.tile.s32 @!p0 $0x1;
	_ =	shalt  }
.Lfunc_end1:
_tile_overlayer_lowered:
.L_overlay_start_2:
0x43: {  	(tag) =	ssettag $0x2  }
0x44: {  	s0 =	rddreg [dreg:$0x0];
	s2 =	stileid.u32  }
0x45: {  	s1 =	rddreg [dreg:$0x1];
	p0 =	sne.s32 s2, $0x0  }
0x46: {  	s3 =	rddreg [dreg:$0x2];
	[bflag:$0x3] =	sbarrier.arrive $0xFFFF;
	s2 =	simm.s32 @!p0 $0x1C01  }
0x47: {  	[timem:s3], [sflag:s2] =	dma.local @!p0 [hbm:s0], s1  }
0x48: {  	s0 =	simm.s32 @!p0 $0x1  }
0x49: {  	_ =	swait.ge @!p0 [sflag:s0], s1  }
0x4a: {  	s1 =	ssub.s32 @!p0 $0x0, s1;
	[sflag:s0] =	ssyncset.done @!p0 $0x0  }
0x4b: {  	[sflag:s0] =	ssyncadd.s32 @!p0 s1  }
0x4c: {  	[bflag:$0x3] =	sbarrier.arrive $0xFFFF  }
0x4d: {  	_ =	shalt  }

</sc_bundles>
